<compile_context>
chip_gen: v7x
topology: tpu7x:2x2x1
jax: 0.10.2.dev20260603
libtpu: 0.0.44.dev20260713+nightly
codegen_flags: <defaults>
</compile_context>

<pallas_src>
import functools
import jax
import jax.numpy as jnp
from jax import lax
from jax.experimental import pallas as pl
from jax.experimental.pallas import tpu as pltpu
from jax.experimental.pallas import tpu_sc as plsc

N = 100000
E = 3200000
NPAD = 100096
CB = 250
TS = E // CB
NC = 2
NS = 16
NB = 4
RPT = NPAD // NS

_MESH = plsc.VectorSubcoreMesh(core_axis_name="c", subcore_axis_name="s")
_SC_PARAMS = pltpu.CompilerParams(use_tc_tiling_on_sc=False)
_f32 = jnp.float32




def _make_edge_kernel(edge_split, gather, width):
    ntiles = NC * NS if edge_split else NS
    T = TS // ntiles
    G = T // NB

    scratch = [
        pltpu.VMEM((NB, 2, CB), jnp.int32),
        pltpu.VMEM((NB, CB, width), _f32),
        pltpu.VMEM_SHARED((NPAD, width), _f32),
        pltpu.SemaphoreType.DMA,
        pltpu.SemaphoreType.DMA,
        pltpu.SemaphoreType.DMA,
    ]

    @functools.partial(
        pl.kernel,
        out_type=jax.ShapeDtypeStruct((NC, NPAD, width), _f32),
        mesh=_MESH,
        compiler_params=_SC_PARAMS,
        scratch_types=scratch,
    )
    def edge_kernel(src_hbm, dst_hbm, gtab_hbm, zeros_hbm, out_hbm,
                    sdi, gbuf, acc, isem, gsem, ssem):
        c = lax.axis_index("c")
        s = lax.axis_index("s")
        pltpu.sync_copy(zeros_hbm.at[pl.ds(s * RPT, RPT)],
                        acc.at[pl.ds(s * RPT, RPT)])
        if not gather:
            pltpu.sync_copy(gtab_hbm.at[0], gbuf.at[0])
        plsc.subcore_barrier()
        if edge_split:
            base = (c * NS + s) * T
            tab = gtab_hbm.at[0]
        else:
            base = s * T
            tab = gtab_hbm.at[c]

        def idx_start(t, slot):
            pltpu.make_async_copy(src_hbm.at[base + t], sdi.at[slot, 0],
                                  isem).start()
            pltpu.make_async_copy(dst_hbm.at[base + t], sdi.at[slot, 1],
                                  isem).start()

        def idx_wait(slot):
            pltpu.make_async_copy(src_hbm.at[base], sdi.at[slot, 0],
                                  isem).wait()
            pltpu.make_async_copy(dst_hbm.at[base], sdi.at[slot, 1],
                                  isem).wait()

        def gat_start(slot):
            pltpu.make_async_copy(tab.at[sdi.at[slot, 0]], gbuf.at[slot],
                                  gsem).start()

        def scat_pair(slot):
            sbuf = gbuf.at[slot] if gather else gbuf.at[0]
            return sbuf, acc.at[sdi.at[slot, 1]]

        def scat_start(slot):
            a, b2 = scat_pair(slot)
            pltpu.make_async_copy(a, b2, ssem).start(add=True)

        def scat_drain(slot):
            a, b2 = scat_pair(slot)
            pltpu.make_async_copy(a, b2, ssem).wait()

        idx_start(0, 0)
        idx_start(1, 1)
        idx_wait(0)
        if gather:
            gat_start(0)

        def step(g, carry):
            for b in range(NB):
                p = b
                q1 = (p + 1) % NB
                q2 = (p + 2) % NB
                t = g * NB + b

                if b >= NB - 2:
                    scat_drain(q2)
                else:
                    @pl.when(g >= 1)
                    def _():
                        scat_drain(q2)

                def head_bd():
                    idx_wait(q1)
                    if gather:
                        gat_start(q1)

                def issue_c():
                    idx_start(t + 2, q2)

                if b == NB - 1:
                    @pl.when(g < G - 1)
                    def _():
                        head_bd()
                        issue_c()
                else:
                    head_bd()
                    if b >= NB - 2:
                        @pl.when(g < G - 1)
                        def _():
                            issue_c()
                    else:
                        issue_c()

                if gather:
                    pltpu.make_async_copy(tab.at[sdi.at[p, 0]], gbuf.at[p],
                                          gsem).wait()
                scat_start(p)
            return carry

        lax.fori_loop(0, G, step, 0)
        for k in range(2):
            scat_drain((T - 2 + k) % NB)
        plsc.subcore_barrier()
        pltpu.sync_copy(acc.at[pl.ds(s * RPT, RPT)],
                        out_hbm.at[c].at[pl.ds(s * RPT, RPT)])

    return edge_kernel


_deg_call = _make_edge_kernel(edge_split=True, gather=False, width=8)
_l1_call = _make_edge_kernel(edge_split=False, gather=True, width=16)
_l2_call = _make_edge_kernel(edge_split=True, gather=True, width=16)


def _tc1_body(x_ref, w1_ref, dp_ref, gab_ref, dis_ref):
    deg = dp_ref[0, :, :1] + dp_ref[1, :, :1] + 1.0
    dis = lax.rsqrt(jnp.maximum(deg, 1e-12))
    h = jnp.dot(x_ref[...], w1_ref[...], preferred_element_type=_f32)
    g = h * dis
    gab_ref[0] = g[:, :16]
    gab_ref[1] = g[:, 16:]
    dis_ref[...] = dis


def _tc2_body(s1_ref, gab_ref, dis_ref, b1a_ref, b1b_ref, w2a_ref, w2b_ref,
              g2_ref):
    dis = dis_ref[...]
    h1a = jnp.maximum(dis * (s1_ref[0] + gab_ref[0]) + b1a_ref[...], 0.0)
    h1b = jnp.maximum(dis * (s1_ref[1] + gab_ref[1]) + b1b_ref[...], 0.0)
    h2 = (jnp.dot(h1a, w2a_ref[...], preferred_element_type=_f32)
          + jnp.dot(h1b, w2b_ref[...], preferred_element_type=_f32))
    g2_ref[...] = h2 * dis


def _tc3_body(s2_ref, g2_ref, dis_ref, b2_ref, z_ref):
    z_ref[...] = (dis_ref[...] * (s2_ref[0] + s2_ref[1] + g2_ref[...])
                  + b2_ref[...])


_B = 3128
_GRID = NPAD // _B


def _rows3(i):
    return (0, i, 0)


def _rows2(i):
    return (i, 0)


def _full2(i):
    return (0, 0)


_blk3 = pl.BlockSpec((NC, _B, 16), _rows3)
_blk2 = pl.BlockSpec((_B, 16), _rows2)
_blk1 = pl.BlockSpec((_B, 1), _rows2)

_tc1 = pl.pallas_call(
    _tc1_body,
    grid=(_GRID,),
    in_specs=[pl.BlockSpec((_B, 6), _rows2),
              pl.BlockSpec((6, 32), _full2),
              pl.BlockSpec((NC, _B, 8), _rows3)],
    out_specs=(_blk3, _blk1),
    out_shape=(jax.ShapeDtypeStruct((NC, NPAD, 16), _f32),
               jax.ShapeDtypeStruct((NPAD, 1), _f32)),
)
_tc2 = pl.pallas_call(
    _tc2_body,
    grid=(_GRID,),
    in_specs=[_blk3, _blk3, _blk1,
              pl.BlockSpec((1, 16), _full2), pl.BlockSpec((1, 16), _full2),
              pl.BlockSpec((16, 16), _full2), pl.BlockSpec((16, 16), _full2)],
    out_specs=_blk2,
    out_shape=jax.ShapeDtypeStruct((NPAD, 16), _f32),
)
_B3 = 4000
_tc3 = pl.pallas_call(
    _tc3_body,
    grid=(N // _B3,),
    in_specs=[pl.BlockSpec((NC, _B3, 16), _rows3),
              pl.BlockSpec((_B3, 16), _rows2),
              pl.BlockSpec((_B3, 1), _rows2),
              pl.BlockSpec((1, 16), _full2)],
    out_specs=pl.BlockSpec((_B3, 16), _rows2),
    out_shape=jax.ShapeDtypeStruct((N, 16), _f32),
)


@jax.jit
def kernel(x, edge_index, W1, b1, W2, b2):
    src = edge_index[0].reshape(TS, CB).astype(jnp.int32)
    dst = edge_index[1].reshape(TS, CB).astype(jnp.int32)
    xp = jnp.pad(x, ((0, NPAD - N), (0, 0)))
    zeros16 = jnp.zeros((NPAD, 16), _f32)
    zeros8 = jnp.zeros((NPAD, 8), _f32)
    ones = jnp.ones((1, CB, 8), _f32)

    degp = _deg_call(src, dst, ones, zeros8)
    gab, dis = _tc1(xp, W1, degp)
    s1 = _l1_call(src, dst, gab, zeros16)
    g2 = _tc2(s1, gab, dis, b1[:16][None, :], b1[16:][None, :],
              W2[:16], W2[16:])
    s2 = _l2_call(src, dst, g2[None], zeros16)
    return _tc3(s2, g2, dis, b2[None, :])

# --- scband reference (transcript-rebuilt; emitter-appended) ---
"""Pipeline reference for scband-graph-encoder-43671227466074 (READ-ONLY COPY).

The authoritative reference and input builder live on the scoring server;
editing this copy changes nothing except your own understanding.
"""

import jax, jax.numpy as jnp
import numpy as np

N_NODES = 100000
N_EDGES = 3200000
IN_DIM = 6
HID_DIM = 32
LAT_DIM = 16


def gcn_conv(x, edge_index, W, b):
    # Faithful GCNConv (PyG semantics): add self-loops, symmetric degree
    # normalization, linear transform, scatter-add aggregation, bias.
    N = x.shape[0]
    loop = jnp.arange(N, dtype=edge_index.dtype)
    src = jnp.concatenate([edge_index[0], loop])
    dst = jnp.concatenate([edge_index[1], loop])
    deg = jax.ops.segment_sum(jnp.ones_like(dst, dtype=x.dtype), dst, num_segments=N)
    deg_inv_sqrt = jnp.where(deg > 0, jax.lax.rsqrt(jnp.maximum(deg, 1e-12)), 0.0)
    norm = deg_inv_sqrt[src] * deg_inv_sqrt[dst]
    h = x @ W
    msg = h[src] * norm[:, None]
    out = jax.ops.segment_sum(msg, dst, num_segments=N)
    return out + b


def setup_inputs(seed: int = 0) -> dict:
    key = jax.random.key(seed)
    k1, k2, k3, k4, k5, k6 = jax.random.split(key, 6)
    x = jax.random.normal(k1, (N_NODES, IN_DIM), dtype=jnp.float32)
    edge_index = jax.random.randint(k2, (2, N_EDGES), 0, N_NODES, dtype=jnp.int32)
    W1 = jax.random.normal(k3, (IN_DIM, HID_DIM), dtype=jnp.float32) * (1.0 / np.sqrt(IN_DIM))
    b1 = jnp.zeros((HID_DIM,), dtype=jnp.float32)
    W2 = jax.random.normal(k4, (HID_DIM, LAT_DIM), dtype=jnp.float32) * (1.0 / np.sqrt(HID_DIM))
    b2 = jnp.zeros((LAT_DIM,), dtype=jnp.float32)
    return {"x": x, "edge_index": edge_index, "W1": W1, "b1": b1, "W2": W2, "b2": b2}


def reference(x, edge_index, W1, b1, W2, b2):
    h = gcn_conv(x, edge_index, W1, b1)
    h = jax.nn.relu(h)
    # dropout is identity at inference
    z = gcn_conv(h, edge_index, W2, b2)
    return z

if __name__ == "__main__":
    import jax
    _d = setup_inputs()
    print(jax.jit(kernel)(*tuple(_d.values())))

</pallas_src>

<mosaic_0001>
#map = affine_map<(d0, d1) -> (0, 0)>
#map1 = affine_map<(d0, d1) -> (0, 0, 0)>
module attributes {stable_mosaic.version = 14 : i64} {
  func.func @edge_kernel(%arg0: i32, %arg1: i32, %arg2: memref<12800x250xi32, #tpu.memory_space<hbm>>, %arg3: memref<12800x250xi32, #tpu.memory_space<hbm>>, %arg4: memref<1x100096x16xf32, #tpu.memory_space<hbm>>, %arg5: memref<100096x16xf32, #tpu.memory_space<hbm>>, %arg6: memref<2x100096x16xf32, #tpu.memory_space<hbm>>, %arg7: memref<4x2x250xi32, #tpu.memory_space<vmem>>, %arg8: memref<4x250x16xf32, #tpu.memory_space<vmem>>, %arg9: memref<100096x16xf32, #tpu.memory_space<vmem_shared>>, %arg10: memref<!tpu.dma_semaphore, #tpu.memory_space<semaphore_mem>>, %arg11: memref<!tpu.dma_semaphore, #tpu.memory_space<semaphore_mem>>, %arg12: memref<!tpu.dma_semaphore, #tpu.memory_space<semaphore_mem>>) attributes {dimension_semantics = [#tpu.dimension_semantics<core_parallel>, #tpu.dimension_semantics<subcore_parallel>], iteration_bounds = array<i64: 2, 16>, scalar_prefetch = 0 : i64, scratch_operands = 6 : i64, tpu.core_type = #tpu.core_type<sc_vector_subcore>, window_params = [{transform_indices = #map}, {transform_indices = #map}, {transform_indices = #map1}, {transform_indices = #map}, {transform_indices = #map1}]} {
    %mul3A = arith.constant 6256 : i32
    %mul3A_0 = arith.muli %arg1, %mul3A : i32
    %mul3A_1 = arith.constant 6256 : i32
    %mul3A_2 = arith.muli %arg1, %mul3A_1 : i32
    "tpu.region"() ({
      %run_scoped3A = tpu.sem_alloc : memref<!tpu.dma_semaphore, #tpu.memory_space<semaphore_mem>>
      %dma_start3A_152 = arith.constant 0 : i32
      %dma_start3A_153 = tpu.memref_slice %arg9[%mul3A_2, %dma_start3A_152] : memref<100096x16xf32, #tpu.memory_space<vmem_shared>> -> memref<6256x16xf32, #tpu.memory_space<vmem_shared>>
      %dma_start3A_154 = arith.constant 0 : i32
      %dma_start3A_155 = tpu.memref_slice %arg5[%mul3A_0, %dma_start3A_154] : memref<100096x16xf32, #tpu.memory_space<hbm>> -> memref<6256x16xf32, #tpu.memory_space<hbm>>
      tpu.enqueue_dma source(%dma_start3A_155 : memref<6256x16xf32, #tpu.memory_space<hbm>>) target(%dma_start3A_153 : memref<6256x16xf32, #tpu.memory_space<vmem_shared>>) target_semaphore(%run_scoped3A : memref<!tpu.dma_semaphore, #tpu.memory_space<semaphore_mem>>)
      %dma_wait3A_156 = arith.constant 0 : i32
      %dma_wait3A_157 = tpu.memref_slice %arg9[%mul3A_2, %dma_wait3A_156] : memref<100096x16xf32, #tpu.memory_space<vmem_shared>> -> memref<6256x16xf32, #tpu.memory_space<vmem_shared>>
      %dma_wait3A_158 = arith.constant 0 : i32
      %dma_wait3A_159 = tpu.memref_slice %arg5[%mul3A_0, %dma_wait3A_158] : memref<100096x16xf32, #tpu.memory_space<hbm>> -> memref<6256x16xf32, #tpu.memory_space<hbm>>
      tpu.wait_dma2 semaphore(%run_scoped3A : memref<!tpu.dma_semaphore, #tpu.memory_space<semaphore_mem>>) src(%dma_wait3A_159 : memref<6256x16xf32, #tpu.memory_space<hbm>>) dst(%dma_wait3A_157 : memref<6256x16xf32, #tpu.memory_space<vmem_shared>>)
      tpu.yield
    }) : () -> ()
    %barrier3A = arith.constant 0 : index
    tpu.barrier barrier_id(%barrier3A)
    %mul3A_3 = arith.constant 16 : i32
    %mul3A_4 = arith.muli %arg0, %mul3A_3 : i32
    %add3A = arith.addi %mul3A_4, %arg1 : i32
    %mul3A_5 = arith.constant 400 : i32
    %mul3A_6 = arith.muli %add3A, %mul3A_5 : i32
    %add3A_7 = arith.constant 0 : i32
    %add3A_8 = arith.addi %mul3A_6, %add3A_7 : i32
    %dma_start3A = arith.constant 0 : i32
    %dma_start3A_9 = arith.constant 0 : i32
    %dma_start3A_10 = arith.constant 0 : i32
    %dma_start3A_11 = tpu.memref_slice %arg7[%dma_start3A, %dma_start3A_9, %dma_start3A_10] : memref<4x2x250xi32, #tpu.memory_space<vmem>> -> memref<1x1x250xi32, #tpu.memory_space<vmem>>
    %dma_start3A_12 = tpu.memref_squeeze %dma_start3A_11 : memref<1x1x250xi32, #tpu.memory_space<vmem>> -> memref<250xi32, #tpu.memory_space<vmem>>
    %dma_start3A_13 = arith.constant 0 : i32
    %dma_start3A_14 = tpu.memref_slice %arg2[%add3A_8, %dma_start3A_13] : memref<12800x250xi32, #tpu.memory_space<hbm>> -> memref<1x250xi32, #tpu.memory_space<hbm>>
    %dma_start3A_15 = tpu.memref_squeeze %dma_start3A_14 : memref<1x250xi32, #tpu.memory_space<hbm>> -> memref<250xi32, #tpu.memory_space<hbm>>
    %dma_start3A_16 = arith.constant 0 : i32
    %dma_start3A_17 = tpu.memref_slice %arg7[%dma_start3A, %dma_start3A_9, %dma_start3A_16] : memref<4x2x250xi32, #tpu.memory_space<vmem>> -> memref<1x1x250xi32, #tpu.memory_space<vmem>>
    %dma_start3A_18 = tpu.memref_squeeze %dma_start3A_17 : memref<1x1x250xi32, #tpu.memory_space<vmem>> -> memref<250xi32, #tpu.memory_space<vmem>>
    %dma_start3A_19 = arith.constant 0 : i32
    %dma_start3A_20 = tpu.memref_slice %arg2[%add3A_8, %dma_start3A_19] : memref<12800x250xi32, #tpu.memory_space<hbm>> -> memref<1x250xi32, #tpu.memory_space<hbm>>
    %dma_start3A_21 = tpu.memref_squeeze %dma_start3A_20 : memref<1x250xi32, #tpu.memory_space<hbm>> -> memref<250xi32, #tpu.memory_space<hbm>>
    tpu.enqueue_dma source(%dma_start3A_21 : memref<250xi32, #tpu.memory_space<hbm>>) target(%dma_start3A_18 : memref<250xi32, #tpu.memory_space<vmem>>) target_semaphore(%arg10 : memref<!tpu.dma_semaphore, #tpu.memory_space<semaphore_mem>>)
    %add3A_22 = arith.constant 0 : i32
    %add3A_23 = arith.addi %mul3A_6, %add3A_22 : i32
    %dma_start3A_24 = arith.constant 0 : i32
    %dma_start3A_25 = arith.constant 1 : i32
    %dma_start3A_26 = arith.constant 0 : i32
    %dma_start3A_27 = tpu.memref_slice %arg7[%dma_start3A_24, %dma_start3A_25, %dma_start3A_26] : memref<4x2x250xi32, #tpu.memory_space<vmem>> -> memref<1x1x250xi32, #tpu.memory_space<vmem>>
    %dma_start3A_28 = tpu.memref_squeeze %dma_start3A_27 : memref<1x1x250xi32, #tpu.memory_space<vmem>> -> memref<250xi32, #tpu.memory_space<vmem>>
    %dma_start3A_29 = arith.constant 0 : i32
    %dma_start3A_30 = tpu.memref_slice %arg3[%add3A_23, %dma_start3A_29] : memref<12800x250xi32, #tpu.memory_space<hbm>> -> memref<1x250xi32, #tpu.memory_space<hbm>>
    %dma_start3A_31 = tpu.memref_squeeze %dma_start3A_30 : memref<1x250xi32, #tpu.memory_space<hbm>> -> memref<250xi32, #tpu.memory_space<hbm>>
    %dma_start3A_32 = arith.constant 0 : i32
    %dma_start3A_33 = tpu.memref_slice %arg7[%dma_start3A_24, %dma_start3A_25, %dma_start3A_32] : memref<4x2x250xi32, #tpu.memory_space<vmem>> -> memref<1x1x250xi32, #tpu.memory_space<vmem>>
    %dma_start3A_34 = tpu.memref_squeeze %dma_start3A_33 : memref<1x1x250xi32, #tpu.memory_space<vmem>> -> memref<250xi32, #tpu.memory_space<vmem>>
    %dma_start3A_35 = arith.constant 0 : i32
    %dma_start3A_36 = tpu.memref_slice %arg3[%add3A_23, %dma_start3A_35] : memref<12800x250xi32, #tpu.memory_space<hbm>> -> memref<1x250xi32, #tpu.memory_space<hbm>>
    %dma_start3A_37 = tpu.memref_squeeze %dma_start3A_36 : memref<1x250xi32, #tpu.memory_space<hbm>> -> memref<250xi32, #tpu.memory_space<hbm>>
    tpu.enqueue_dma source(%dma_start3A_37 : memref<250xi32, #tpu.memory_space<hbm>>) target(%dma_start3A_34 : memref<250xi32, #tpu.memory_space<vmem>>) target_semaphore(%arg10 : memref<!tpu.dma_semaphore, #tpu.memory_space<semaphore_mem>>)
    %add3A_38 = arith.constant 1 : i32
    %add3A_39 = arith.addi %mul3A_6, %add3A_38 : i32
    %dma_start3A_40 = arith.constant 1 : i32
    %dma_start3A_41 = arith.constant 0 : i32
    %dma_start3A_42 = arith.constant 0 : i32
    %dma_start3A_43 = tpu.memref_slice %arg7[%dma_start3A_40, %dma_start3A_41, %dma_start3A_42] : memref<4x2x250xi32, #tpu.memory_space<vmem>> -> memref<1x1x250xi32, #tpu.memory_space<vmem>>
    %dma_start3A_44 = tpu.memref_squeeze %dma_start3A_43 : memref<1x1x250xi32, #tpu.memory_space<vmem>> -> memref<250xi32, #tpu.memory_space<vmem>>
    %dma_start3A_45 = arith.constant 0 : i32
    %dma_start3A_46 = tpu.memref_slice %arg2[%add3A_39, %dma_start3A_45] : memref<12800x250xi32, #tpu.memory_space<hbm>> -> memref<1x250xi32, #tpu.memory_space<hbm>>
    %dma_start3A_47 = tpu.memref_squeeze %dma_start3A_46 : memref<1x250xi32, #tpu.memory_space<hbm>> -> memref<250xi32, #tpu.memory_space<hbm>>
    %dma_start3A_48 = arith.constant 0 : i32
    %dma_start3A_49 = tpu.memref_slice %arg7[%dma_start3A_40, %dma_start3A_41, %dma_start3A_48] : memref<4x2x250xi32, #tpu.memory_space<vmem>> -> memref<1x1x250xi32, #tpu.memory_space<vmem>>
    %dma_start3A_50 = tpu.memref_squeeze %dma_start3A_49 : memref<1x1x250xi32, #tpu.memory_space<vmem>> -> memref<250xi32, #tpu.memory_space<vmem>>
    %dma_start3A_51 = arith.constant 0 : i32
    %dma_start3A_52 = tpu.memref_slice %arg2[%add3A_39, %dma_start3A_51] : memref<12800x250xi32, #tpu.memory_space<hbm>> -> memref<1x250xi32, #tpu.memory_space<hbm>>
    %dma_start3A_53 = tpu.memref_squeeze %dma_start3A_52 : memref<1x250xi32, #tpu.memory_space<hbm>> -> memref<250xi32, #tpu.memory_space<hbm>>
    tpu.enqueue_dma source(%dma_start3A_53 : memref<250xi32, #tpu.memory_space<hbm>>) target(%dma_start3A_50 : memref<250xi32, #tpu.memory_space<vmem>>) target_semaphore(%arg10 : memref<!tpu.dma_semaphore, #tpu.memory_space<semaphore_mem>>)
    %add3A_54 = arith.constant 1 : i32
    %add3A_55 = arith.addi %mul3A_6, %add3A_54 : i32
    %dma_start3A_56 = arith.constant 1 : i32
    %dma_start3A_57 = arith.constant 1 : i32
    %dma_start3A_58 = arith.constant 0 : i32
    %dma_start3A_59 = tpu.memref_slice %arg7[%dma_start3A_56, %dma_start3A_57, %dma_start3A_58] : memref<4x2x250xi32, #tpu.memory_space<vmem>> -> memref<1x1x250xi32, #tpu.memory_space<vmem>>
    %dma_start3A_60 = tpu.memref_squeeze %dma_start3A_59 : memref<1x1x250xi32, #tpu.memory_space<vmem>> -> memref<250xi32, #tpu.memory_space<vmem>>
    %dma_start3A_61 = arith.constant 0 : i32
    %dma_start3A_62 = tpu.memref_slice %arg3[%add3A_55, %dma_start3A_61] : memref<12800x250xi32, #tpu.memory_space<hbm>> -> memref<1x250xi32, #tpu.memory_space<hbm>>
    %dma_start3A_63 = tpu.memref_squeeze %dma_start3A_62 : memref<1x250xi32, #tpu.memory_space<hbm>> -> memref<250xi32, #tpu.memory_space<hbm>>
    %dma_start3A_64 = arith.constant 0 : i32
    %dma_start3A_65 = tpu.memref_slice %arg7[%dma_start3A_56, %dma_start3A_57, %dma_start3A_64] : memref<4x2x250xi32, #tpu.memory_space<vmem>> -> memref<1x1x250xi32, #tpu.memory_space<vmem>>
    %dma_start3A_66 = tpu.memref_squeeze %dma_start3A_65 : memref<1x1x250xi32, #tpu.memory_space<vmem>> -> memref<250xi32, #tpu.memory_space<vmem>>
    %dma_start3A_67 = arith.constant 0 : i32
    %dma_start3A_68 = tpu.memref_slice %arg3[%add3A_55, %dma_start3A_67] : memref<12800x250xi32, #tpu.memory_space<hbm>> -> memref<1x250xi32, #tpu.memory_space<hbm>>
    %dma_start3A_69 = tpu.memref_squeeze %dma_start3A_68 : memref<1x250xi32, #tpu.memory_space<hbm>> -> memref<250xi32, #tpu.memory_space<hbm>>
    tpu.enqueue_dma source(%dma_start3A_69 : memref<250xi32, #tpu.memory_space<hbm>>) target(%dma_start3A_66 : memref<250xi32, #tpu.memory_space<vmem>>) target_semaphore(%arg10 : memref<!tpu.dma_semaphore, #tpu.memory_space<semaphore_mem>>)
    %dma_wait3A = arith.constant 0 : i32
    %dma_wait3A_70 = arith.constant 0 : i32
    %dma_wait3A_71 = arith.constant 0 : i32
    %dma_wait3A_72 = tpu.memref_slice %arg7[%dma_wait3A, %dma_wait3A_70, %dma_wait3A_71] : memref<4x2x250xi32, #tpu.memory_space<vmem>> -> memref<1x1x250xi32, #tpu.memory_space<vmem>>
    %dma_wait3A_73 = tpu.memref_squeeze %dma_wait3A_72 : memref<1x1x250xi32, #tpu.memory_space<vmem>> -> memref<250xi32, #tpu.memory_space<vmem>>
    %dma_wait3A_74 = arith.constant 0 : i32
    %dma_wait3A_75 = tpu.memref_slice %arg2[%mul3A_6, %dma_wait3A_74] : memref<12800x250xi32, #tpu.memory_space<hbm>> -> memref<1x250xi32, #tpu.memory_space<hbm>>
    %dma_wait3A_76 = tpu.memref_squeeze %dma_wait3A_75 : memref<1x250xi32, #tpu.memory_space<hbm>> -> memref<250xi32, #tpu.memory_space<hbm>>
    %dma_wait3A_77 = arith.constant 0 : i32
    %dma_wait3A_78 = tpu.memref_slice %arg7[%dma_wait3A, %dma_wait3A_70, %dma_wait3A_77] : memref<4x2x250xi32, #tpu.memory_space<vmem>> -> memref<1x1x250xi32, #tpu.memory_space<vmem>>
    %dma_wait3A_79 = tpu.memref_squeeze %dma_wait3A_78 : memref<1x1x250xi32, #tpu.memory_space<vmem>> -> memref<250xi32, #tpu.memory_space<vmem>>
    %dma_wait3A_80 = arith.constant 0 : i32
    %dma_wait3A_81 = tpu.memref_slice %arg2[%mul3A_6, %dma_wait3A_80] : memref<12800x250xi32, #tpu.memory_space<hbm>> -> memref<1x250xi32, #tpu.memory_space<hbm>>
    %dma_wait3A_82 = tpu.memref_squeeze %dma_wait3A_81 : memref<1x250xi32, #tpu.memory_space<hbm>> -> memref<250xi32, #tpu.memory_space<hbm>>
    tpu.wait_dma2 semaphore(%arg10 : memref<!tpu.dma_semaphore, #tpu.memory_space<semaphore_mem>>) src(%dma_wait3A_82 : memref<250xi32, #tpu.memory_space<hbm>>) dst(%dma_wait3A_79 : memref<250xi32, #tpu.memory_space<vmem>>)
    %dma_wait3A_83 = arith.constant 0 : i32
    %dma_wait3A_84 = arith.constant 1 : i32
    %dma_wait3A_85 = arith.constant 0 : i32
    %dma_wait3A_86 = tpu.memref_slice %arg7[%dma_wait3A_83, %dma_wait3A_84, %dma_wait3A_85] : memref<4x2x250xi32, #tpu.memory_space<vmem>> -> memref<1x1x250xi32, #tpu.memory_space<vmem>>
    %dma_wait3A_87 = tpu.memref_squeeze %dma_wait3A_86 : memref<1x1x250xi32, #tpu.memory_space<vmem>> -> memref<250xi32, #tpu.memory_space<vmem>>
    %dma_wait3A_88 = arith.constant 0 : i32
    %dma_wait3A_89 = tpu.memref_slice %arg3[%mul3A_6, %dma_wait3A_88] : memref<12800x250xi32, #tpu.memory_space<hbm>> -> memref<1x250xi32, #tpu.memory_space<hbm>>
    %dma_wait3A_90 = tpu.memref_squeeze %dma_wait3A_89 : memref<1x250xi32, #tpu.memory_space<hbm>> -> memref<250xi32, #tpu.memory_space<hbm>>
    %dma_wait3A_91 = arith.constant 0 : i32
    %dma_wait3A_92 = tpu.memref_slice %arg7[%dma_wait3A_83, %dma_wait3A_84, %dma_wait3A_91] : memref<4x2x250xi32, #tpu.memory_space<vmem>> -> memref<1x1x250xi32, #tpu.memory_space<vmem>>
    %dma_wait3A_93 = tpu.memref_squeeze %dma_wait3A_92 : memref<1x1x250xi32, #tpu.memory_space<vmem>> -> memref<250xi32, #tpu.memory_space<vmem>>
    %dma_wait3A_94 = arith.constant 0 : i32
    %dma_wait3A_95 = tpu.memref_slice %arg3[%mul3A_6, %dma_wait3A_94] : memref<12800x250xi32, #tpu.memory_space<hbm>> -> memref<1x250xi32, #tpu.memory_space<hbm>>
    %dma_wait3A_96 = tpu.memref_squeeze %dma_wait3A_95 : memref<1x250xi32, #tpu.memory_space<hbm>> -> memref<250xi32, #tpu.memory_space<hbm>>
    tpu.wait_dma2 semaphore(%arg10 : memref<!tpu.dma_semaphore, #tpu.memory_space<semaphore_mem>>) src(%dma_wait3A_96 : memref<250xi32, #tpu.memory_space<hbm>>) dst(%dma_wait3A_93 : memref<250xi32, #tpu.memory_space<vmem>>)
    %dma_start3A_97 = arith.constant 0 : i32
    %dma_start3A_98 = arith.constant 0 : i32
    %dma_start3A_99 = arith.constant 0 : i32
    %dma_start3A_100 = arith.constant 0 : i32
    %dma_start3A_101 = arith.constant 0 : i32
    %dma_start3A_102 = arith.constant 0 : i32
    %dma_start3A_103 = tpu.memref_slice %arg8[%dma_start3A_100, %dma_start3A_101, %dma_start3A_102] : memref<4x250x16xf32, #tpu.memory_space<vmem>> -> memref<1x250x16xf32, #tpu.memory_space<vmem>>
    %dma_start3A_104 = tpu.memref_squeeze %dma_start3A_103 : memref<1x250x16xf32, #tpu.memory_space<vmem>> -> memref<250x16xf32, #tpu.memory_space<vmem>>
    %dma_start3A_105 = arith.constant 0 : i32
    %dma_start3A_106 = tpu.memref_slice %arg7[%dma_start3A_98, %dma_start3A_99, %dma_start3A_105] : memref<4x2x250xi32, #tpu.memory_space<vmem>> -> memref<1x1x250xi32, #tpu.memory_space<vmem>>
    %dma_start3A_107 = tpu.memref_squeeze %dma_start3A_106 : memref<1x1x250xi32, #tpu.memory_space<vmem>> -> memref<250xi32, #tpu.memory_space<vmem>>
    %dma_start3A_108 = arith.constant 0 : i32
    %dma_start3A_109 = arith.constant 0 : i32
    %dma_start3A_110 = tpu.memref_slice %arg4[%dma_start3A_97, %dma_start3A_108, %dma_start3A_109] : memref<1x100096x16xf32, #tpu.memory_space<hbm>> -> memref<1x100096x16xf32, #tpu.memory_space<hbm>>
    %dma_start3A_111 = tpu.memref_squeeze %dma_start3A_110 : memref<1x100096x16xf32, #tpu.memory_space<hbm>> -> memref<100096x16xf32, #tpu.memory_space<hbm>>
    %dma_start3A_112 = arith.constant 0 : i32
    %dma_start3A_113 = arith.constant 0 : i32
    %dma_start3A_114 = tpu.memref_slice %dma_start3A_111[%dma_start3A_112, %dma_start3A_113] : memref<100096x16xf32, #tpu.memory_space<hbm>> -> memref<100096x16xf32, #tpu.memory_space<hbm>>
    tpu.enqueue_indirect_dma source(%dma_start3A_114 : memref<100096x16xf32, #tpu.memory_space<hbm>>) target(%dma_start3A_104 : memref<250x16xf32, #tpu.memory_space<vmem>>) offsets(%dma_start3A_107 : memref<250xi32, #tpu.memory_space<vmem>>) semaphore(%arg11 : memref<!tpu.dma_semaphore, #tpu.memory_space<semaphore_mem>>)
    %scan3A = arith.constant 0 : i32
    %scan3A_115 = arith.constant 0 : i32
    %scan3A_116 = arith.constant 0 : i32
    %scan3A_117 = arith.constant 100 : i32
    %scan3A_118 = arith.addi %scan3A_116, %scan3A_117 : i32
    %scan3A_119 = arith.constant 1 : i32
    scf.for %scan3A_152 = %scan3A_116 to %scan3A_118 step %scan3A_119  : i32 {
      %mul3A_153 = arith.constant 4 : i32
      %mul3A_154 = arith.muli %scan3A_152, %mul3A_153 : i32
      %add3A_155 = arith.constant 0 : i32
      %add3A_156 = arith.addi %mul3A_154, %add3A_155 : i32
      %ge3A = arith.constant 1 : i32
      %ge3A_157 = arith.cmpi sge, %scan3A_152, %ge3A : i32
      %convert_element_type3A = arith.extui %ge3A_157 : i1 to i32
      %cond3A = arith.constant 0 : i32
      %cond3A_158 = arith.cmpi ne, %convert_element_type3A, %cond3A : i32
      scf.if %cond3A_158 {
        %dma_wait3A_530 = arith.constant 2 : i32
        %dma_wait3A_531 = arith.constant 2 : i32
        %dma_wait3A_532 = arith.constant 1 : i32
        %dma_wait3A_533 = arith.constant 0 : i32
        %dma_wait3A_534 = arith.constant 0 : i32
        %dma_wait3A_535 = tpu.memref_slice %arg8[%dma_wait3A_530, %dma_wait3A_533, %dma_wait3A_534] : memref<4x250x16xf32, #tpu.memory_space<vmem>> -> memref<1x250x16xf32, #tpu.memory_space<vmem>>
        %dma_wait3A_536 = tpu.memref_squeeze %dma_wait3A_535 : memref<1x250x16xf32, #tpu.memory_space<vmem>> -> memref<250x16xf32, #tpu.memory_space<vmem>>
        %dma_wait3A_537 = arith.constant 0 : i32
        %dma_wait3A_538 = tpu.memref_slice %arg7[%dma_wait3A_531, %dma_wait3A_532, %dma_wait3A_537] : memref<4x2x250xi32, #tpu.memory_space<vmem>> -> memref<1x1x250xi32, #tpu.memory_space<vmem>>
        %dma_wait3A_539 = tpu.memref_squeeze %dma_wait3A_538 : memref<1x1x250xi32, #tpu.memory_space<vmem>> -> memref<250xi32, #tpu.memory_space<vmem>>
        %dma_wait3A_540 = arith.constant 0 : i32
        %dma_wait3A_541 = arith.constant 0 : i32
        %dma_wait3A_542 = tpu.memref_slice %arg9[%dma_wait3A_540, %dma_wait3A_541] : memref<100096x16xf32, #tpu.memory_space<vmem_shared>> -> memref<100096x16xf32, #tpu.memory_space<vmem_shared>>
        tpu.wait_indirect_dma semaphore(%arg12 : memref<!tpu.dma_semaphore, #tpu.memory_space<semaphore_mem>>) src(%dma_wait3A_536 : memref<250x16xf32, #tpu.memory_space<vmem>>) dst(%dma_wait3A_542 : memref<100096x16xf32, #tpu.memory_space<vmem_shared>>)
      } else {
      }
      %dma_wait3A_159 = arith.constant 1 : i32
      %dma_wait3A_160 = arith.constant 0 : i32
      %dma_wait3A_161 = arith.constant 0 : i32
      %dma_wait3A_162 = tpu.memref_slice %arg7[%dma_wait3A_159, %dma_wait3A_160, %dma_wait3A_161] : memref<4x2x250xi32, #tpu.memory_space<vmem>> -> memref<1x1x250xi32, #tpu.memory_space<vmem>>
      %dma_wait3A_163 = tpu.memref_squeeze %dma_wait3A_162 : memref<1x1x250xi32, #tpu.memory_space<vmem>> -> memref<250xi32, #tpu.memory_space<vmem>>
      %dma_wait3A_164 = arith.constant 0 : i32
      %dma_wait3A_165 = tpu.memref_slice %arg2[%mul3A_6, %dma_wait3A_164] : memref<12800x250xi32, #tpu.memory_space<hbm>> -> memref<1x250xi32, #tpu.memory_space<hbm>>
      %dma_wait3A_166 = tpu.memref_squeeze %dma_wait3A_165 : memref<1x250xi32, #tpu.memory_space<hbm>> -> memref<250xi32, #tpu.memory_space<hbm>>
      %dma_wait3A_167 = arith.constant 0 : i32
      %dma_wait3A_168 = tpu.memref_slice %arg7[%dma_wait3A_159, %dma_wait3A_160, %dma_wait3A_167] : memref<4x2x250xi32, #tpu.memory_space<vmem>> -> memref<1x1x250xi32, #tpu.memory_space<vmem>>
      %dma_wait3A_169 = tpu.memref_squeeze %dma_wait3A_168 : memref<1x1x250xi32, #tpu.memory_space<vmem>> -> memref<250xi32, #tpu.memory_space<vmem>>
      %dma_wait3A_170 = arith.constant 0 : i32
      %dma_wait3A_171 = tpu.memref_slice %arg2[%mul3A_6, %dma_wait3A_170] : memref<12800x250xi32, #tpu.memory_space<hbm>> -> memref<1x250xi32, #tpu.memory_space<hbm>>
      %dma_wait3A_172 = tpu.memref_squeeze %dma_wait3A_171 : memref<1x250xi32, #tpu.memory_space<hbm>> -> memref<250xi32, #tpu.memory_space<hbm>>
      tpu.wait_dma2 semaphore(%arg10 : memref<!tpu.dma_semaphore, #tpu.memory_space<semaphore_mem>>) src(%dma_wait3A_172 : memref<250xi32, #tpu.memory_space<hbm>>) dst(%dma_wait3A_169 : memref<250xi32, #tpu.memory_space<vmem>>)
      %dma_wait3A_173 = arith.constant 1 : i32
      %dma_wait3A_174 = arith.constant 1 : i32
      %dma_wait3A_175 = arith.constant 0 : i32
      %dma_wait3A_176 = tpu.memref_slice %arg7[%dma_wait3A_173, %dma_wait3A_174, %dma_wait3A_175] : memref<4x2x250xi32, #tpu.memory_space<vmem>> -> memref<1x1x250xi32, #tpu.memory_space<vmem>>
      %dma_wait3A_177 = tpu.memref_squeeze %dma_wait3A_176 : memref<1x1x250xi32, #tpu.memory_space<vmem>> -> memref<250xi32, #tpu.memory_space<vmem>>
      %dma_wait3A_178 = arith.constant 0 : i32
      %dma_wait3A_179 = tpu.memref_slice %arg3[%mul3A_6, %dma_wait3A_178] : memref<12800x250xi32, #tpu.memory_space<hbm>> -> memref<1x250xi32, #tpu.memory_space<hbm>>
      %dma_wait3A_180 = tpu.memref_squeeze %dma_wait3A_179 : memref<1x250xi32, #tpu.memory_space<hbm>> -> memref<250xi32, #tpu.memory_space<hbm>>
      %dma_wait3A_181 = arith.constant 0 : i32
      %dma_wait3A_182 = tpu.memref_slice %arg7[%dma_wait3A_173, %dma_wait3A_174, %dma_wait3A_181] : memref<4x2x250xi32, #tpu.memory_space<vmem>> -> memref<1x1x250xi32, #tpu.memory_space<vmem>>
      %dma_wait3A_183 = tpu.memref_squeeze %dma_wait3A_182 : memref<1x1x250xi32, #tpu.memory_space<vmem>> -> memref<250xi32, #tpu.memory_space<vmem>>
      %dma_wait3A_184 = arith.constant 0 : i32
      %dma_wait3A_185 = tpu.memref_slice %arg3[%mul3A_6, %dma_wait3A_184] : memref<12800x250xi32, #tpu.memory_space<hbm>> -> memref<1x250xi32, #tpu.memory_space<hbm>>
      %dma_wait3A_186 = tpu.memref_squeeze %dma_wait3A_185 : memref<1x250xi32, #tpu.memory_space<hbm>> -> memref<250xi32, #tpu.memory_space<hbm>>
      tpu.wait_dma2 semaphore(%arg10 : memref<!tpu.dma_semaphore, #tpu.memory_space<semaphore_mem>>) src(%dma_wait3A_186 : memref<250xi32, #tpu.memory_space<hbm>>) dst(%dma_wait3A_183 : memref<250xi32, #tpu.memory_space<vmem>>)
      %dma_start3A_187 = arith.constant 1 : i32
      %dma_start3A_188 = arith.constant 0 : i32
      %dma_start3A_189 = arith.constant 1 : i32
      %dma_start3A_190 = arith.constant 0 : i32
      %dma_start3A_191 = arith.constant 0 : i32
      %dma_start3A_192 = tpu.memref_slice %arg8[%dma_start3A_189, %dma_start3A_190, %dma_start3A_191] : memref<4x250x16xf32, #tpu.memory_space<vmem>> -> memref<1x250x16xf32, #tpu.memory_space<vmem>>
      %dma_start3A_193 = tpu.memref_squeeze %dma_start3A_192 : memref<1x250x16xf32, #tpu.memory_space<vmem>> -> memref<250x16xf32, #tpu.memory_space<vmem>>
      %dma_start3A_194 = arith.constant 0 : i32
      %dma_start3A_195 = tpu.memref_slice %arg7[%dma_start3A_187, %dma_start3A_188, %dma_start3A_194] : memref<4x2x250xi32, #tpu.memory_space<vmem>> -> memref<1x1x250xi32, #tpu.memory_space<vmem>>
      %dma_start3A_196 = tpu.memref_squeeze %dma_start3A_195 : memref<1x1x250xi32, #tpu.memory_space<vmem>> -> memref<250xi32, #tpu.memory_space<vmem>>
      %dma_start3A_197 = arith.constant 0 : i32
      %dma_start3A_198 = arith.constant 0 : i32
      %dma_start3A_199 = tpu.memref_slice %arg4[%scan3A_115, %dma_start3A_197, %dma_start3A_198] : memref<1x100096x16xf32, #tpu.memory_space<hbm>> -> memref<1x100096x16xf32, #tpu.memory_space<hbm>>
      %dma_start3A_200 = tpu.memref_squeeze %dma_start3A_199 : memref<1x100096x16xf32, #tpu.memory_space<hbm>> -> memref<100096x16xf32, #tpu.memory_space<hbm>>
      %dma_start3A_201 = arith.constant 0 : i32
      %dma_start3A_202 = arith.constant 0 : i32
      %dma_start3A_203 = tpu.memref_slice %dma_start3A_200[%dma_start3A_201, %dma_start3A_202] : memref<100096x16xf32, #tpu.memory_space<hbm>> -> memref<100096x16xf32, #tpu.memory_space<hbm>>
      tpu.enqueue_indirect_dma source(%dma_start3A_203 : memref<100096x16xf32, #tpu.memory_space<hbm>>) target(%dma_start3A_193 : memref<250x16xf32, #tpu.memory_space<vmem>>) offsets(%dma_start3A_196 : memref<250xi32, #tpu.memory_space<vmem>>) semaphore(%arg11 : memref<!tpu.dma_semaphore, #tpu.memory_space<semaphore_mem>>)
      %add3A_204 = arith.constant 2 : i32
      %add3A_205 = arith.addi %add3A_156, %add3A_204 : i32
      %add3A_206 = arith.addi %mul3A_6, %add3A_205 : i32
      %dma_start3A_207 = arith.constant 2 : i32
      %dma_start3A_208 = arith.constant 0 : i32
      %dma_start3A_209 = arith.constant 0 : i32
      %dma_start3A_210 = tpu.memref_slice %arg7[%dma_start3A_207, %dma_start3A_208, %dma_start3A_209] : memref<4x2x250xi32, #tpu.memory_space<vmem>> -> memref<1x1x250xi32, #tpu.memory_space<vmem>>
      %dma_start3A_211 = tpu.memref_squeeze %dma_start3A_210 : memref<1x1x250xi32, #tpu.memory_space<vmem>> -> memref<250xi32, #tpu.memory_space<vmem>>
      %dma_start3A_212 = arith.constant 0 : i32
      %dma_start3A_213 = tpu.memref_slice %arg2[%add3A_206, %dma_start3A_212] : memref<12800x250xi32, #tpu.memory_space<hbm>> -> memref<1x250xi32, #tpu.memory_space<hbm>>
      %dma_start3A_214 = tpu.memref_squeeze %dma_start3A_213 : memref<1x250xi32, #tpu.memory_space<hbm>> -> memref<250xi32, #tpu.memory_space<hbm>>
      %dma_start3A_215 = arith.constant 0 : i32
      %dma_start3A_216 = tpu.memref_slice %arg7[%dma_start3A_207, %dma_start3A_208, %dma_start3A_215] : memref<4x2x250xi32, #tpu.memory_space<vmem>> -> memref<1x1x250xi32, #tpu.memory_space<vmem>>
      %dma_start3A_217 = tpu.memref_squeeze %dma_start3A_216 : memref<1x1x250xi32, #tpu.memory_space<vmem>> -> memref<250xi32, #tpu.memory_space<vmem>>
      %dma_start3A_218 = arith.constant 0 : i32
      %dma_start3A_219 = tpu.memref_slice %arg2[%add3A_206, %dma_start3A_218] : memref<12800x250xi32, #tpu.memory_space<hbm>> -> memref<1x250xi32, #tpu.memory_space<hbm>>
      %dma_start3A_220 = tpu.memref_squeeze %dma_start3A_219 : memref<1x250xi32, #tpu.memory_space<hbm>> -> memref<250xi32, #tpu.memory_space<hbm>>
      tpu.enqueue_dma source(%dma_start3A_220 : memref<250xi32, #tpu.memory_space<hbm>>) target(%dma_start3A_217 : memref<250xi32, #tpu.memory_space<vmem>>) target_semaphore(%arg10 : memref<!tpu.dma_semaphore, #tpu.memory_space<semaphore_mem>>)
      %add3A_221 = arith.addi %mul3A_6, %add3A_205 : i32
      %dma_start3A_222 = arith.constant 2 : i32
      %dma_start3A_223 = arith.constant 1 : i32
      %dma_start3A_224 = arith.constant 0 : i32
      %dma_start3A_225 = tpu.memref_slice %arg7[%dma_start3A_222, %dma_start3A_223, %dma_start3A_224] : memref<4x2x250xi32, #tpu.memory_space<vmem>> -> memref<1x1x250xi32, #tpu.memory_space<vmem>>
      %dma_start3A_226 = tpu.memref_squeeze %dma_start3A_225 : memref<1x1x250xi32, #tpu.memory_space<vmem>> -> memref<250xi32, #tpu.memory_space<vmem>>
      %dma_start3A_227 = arith.constant 0 : i32
      %dma_start3A_228 = tpu.memref_slice %arg3[%add3A_221, %dma_start3A_227] : memref<12800x250xi32, #tpu.memory_space<hbm>> -> memref<1x250xi32, #tpu.memory_space<hbm>>
      %dma_start3A_229 = tpu.memref_squeeze %dma_start3A_228 : memref<1x250xi32, #tpu.memory_space<hbm>> -> memref<250xi32, #tpu.memory_space<hbm>>
      %dma_start3A_230 = arith.constant 0 : i32
      %dma_start3A_231 = tpu.memref_slice %arg7[%dma_start3A_222, %dma_start3A_223, %dma_start3A_230] : memref<4x2x250xi32, #tpu.memory_space<vmem>> -> memref<1x1x250xi32, #tpu.memory_space<vmem>>
      %dma_start3A_232 = tpu.memref_squeeze %dma_start3A_231 : memref<1x1x250xi32, #tpu.memory_space<vmem>> -> memref<250xi32, #tpu.memory_space<vmem>>
      %dma_start3A_233 = arith.constant 0 : i32
      %dma_start3A_234 = tpu.memref_slice %arg3[%add3A_221, %dma_start3A_233] : memref<12800x250xi32, #tpu.memory_space<hbm>> -> memref<1x250xi32, #tpu.memory_space<hbm>>
      %dma_start3A_235 = tpu.memref_squeeze %dma_start3A_234 : memref<1x250xi32, #tpu.memory_space<hbm>> -> memref<250xi32, #tpu.memory_space<hbm>>
      tpu.enqueue_dma source(%dma_start3A_235 : memref<250xi32, #tpu.memory_space<hbm>>) target(%dma_start3A_232 : memref<250xi32, #tpu.memory_space<vmem>>) target_semaphore(%arg10 : memref<!tpu.dma_semaphore, #tpu.memory_space<semaphore_mem>>)
      %dma_wait3A_236 = arith.constant 0 : i32
      %dma_wait3A_237 = arith.constant 0 : i32
      %dma_wait3A_238 = arith.constant 0 : i32
      %dma_wait3A_239 = arith.constant 0 : i32
      %dma_wait3A_240 = arith.constant 0 : i32
      %dma_wait3A_241 = tpu.memref_slice %arg8[%dma_wait3A_238, %dma_wait3A_239, %dma_wait3A_240] : memref<4x250x16xf32, #tpu.memory_space<vmem>> -> memref<1x250x16xf32, #tpu.memory_space<vmem>>
      %dma_wait3A_242 = tpu.memref_squeeze %dma_wait3A_241 : memref<1x250x16xf32, #tpu.memory_space<vmem>> -> memref<250x16xf32, #tpu.memory_space<vmem>>
      %dma_wait3A_243 = arith.constant 0 : i32
      %dma_wait3A_244 = tpu.memref_slice %arg7[%dma_wait3A_236, %dma_wait3A_237, %dma_wait3A_243] : memref<4x2x250xi32, #tpu.memory_space<vmem>> -> memref<1x1x250xi32, #tpu.memory_space<vmem>>
      %dma_wait3A_245 = tpu.memref_squeeze %dma_wait3A_244 : memref<1x1x250xi32, #tpu.memory_space<vmem>> -> memref<250xi32, #tpu.memory_space<vmem>>
      %dma_wait3A_246 = arith.constant 0 : i32
      %dma_wait3A_247 = arith.constant 0 : i32
      %dma_wait3A_248 = tpu.memref_slice %arg4[%scan3A_115, %dma_wait3A_246, %dma_wait3A_247] : memref<1x100096x16xf32, #tpu.memory_space<hbm>> -> memref<1x100096x16xf32, #tpu.memory_space<hbm>>
      %dma_wait3A_249 = tpu.memref_squeeze %dma_wait3A_248 : memref<1x100096x16xf32, #tpu.memory_space<hbm>> -> memref<100096x16xf32, #tpu.memory_space<hbm>>
      %dma_wait3A_250 = arith.constant 0 : i32
      %dma_wait3A_251 = arith.constant 0 : i32
      %dma_wait3A_252 = tpu.memref_slice %dma_wait3A_249[%dma_wait3A_250, %dma_wait3A_251] : memref<100096x16xf32, #tpu.memory_space<hbm>> -> memref<100096x16xf32, #tpu.memory_space<hbm>>
      tpu.wait_indirect_dma semaphore(%arg11 : memref<!tpu.dma_semaphore, #tpu.memory_space<semaphore_mem>>) src(%dma_wait3A_252 : memref<100096x16xf32, #tpu.memory_space<hbm>>) dst(%dma_wait3A_242 : memref<250x16xf32, #tpu.memory_space<vmem>>)
      %dma_start3A_253 = arith.constant 0 : i32
      %dma_start3A_254 = arith.constant 0 : i32
      %dma_start3A_255 = arith.constant 1 : i32
      %dma_start3A_256 = arith.constant 0 : i32
      %dma_start3A_257 = arith.constant 0 : i32
      %dma_start3A_258 = tpu.memref_slice %arg8[%dma_start3A_253, %dma_start3A_256, %dma_start3A_257] : memref<4x250x16xf32, #tpu.memory_space<vmem>> -> memref<1x250x16xf32, #tpu.memory_space<vmem>>
      %dma_start3A_259 = tpu.memref_squeeze %dma_start3A_258 : memref<1x250x16xf32, #tpu.memory_space<vmem>> -> memref<250x16xf32, #tpu.memory_space<vmem>>
      %dma_start3A_260 = arith.constant 0 : i32
      %dma_start3A_261 = tpu.memref_slice %arg7[%dma_start3A_254, %dma_start3A_255, %dma_start3A_260] : memref<4x2x250xi32, #tpu.memory_space<vmem>> -> memref<1x1x250xi32, #tpu.memory_space<vmem>>
      %dma_start3A_262 = tpu.memref_squeeze %dma_start3A_261 : memref<1x1x250xi32, #tpu.memory_space<vmem>> -> memref<250xi32, #tpu.memory_space<vmem>>
      %dma_start3A_263 = arith.constant 0 : i32
      %dma_start3A_264 = arith.constant 0 : i32
      %dma_start3A_265 = tpu.memref_slice %arg9[%dma_start3A_263, %dma_start3A_264] : memref<100096x16xf32, #tpu.memory_space<vmem_shared>> -> memref<100096x16xf32, #tpu.memory_space<vmem_shared>>
      tpu.enqueue_indirect_dma source(%dma_start3A_259 : memref<250x16xf32, #tpu.memory_space<vmem>>) target(%dma_start3A_265 : memref<100096x16xf32, #tpu.memory_space<vmem_shared>>) offsets(%dma_start3A_262 : memref<250xi32, #tpu.memory_space<vmem>>) semaphore(%arg12 : memref<!tpu.dma_semaphore, #tpu.memory_space<semaphore_mem>>) {add = true}
      %mul3A_266 = arith.constant 4 : i32
      %mul3A_267 = arith.muli %scan3A_152, %mul3A_266 : i32
      %add3A_268 = arith.constant 1 : i32
      %add3A_269 = arith.addi %mul3A_267, %add3A_268 : i32
      %ge3A_270 = arith.constant 1 : i32
      %ge3A_271 = arith.cmpi sge, %scan3A_152, %ge3A_270 : i32
      %convert_element_type3A_272 = arith.extui %ge3A_271 : i1 to i32
      %cond3A_273 = arith.constant 0 : i32
      %cond3A_274 = arith.cmpi ne, %convert_element_type3A_272, %cond3A_273 : i32
      scf.if %cond3A_274 {
        %dma_wait3A_530 = arith.constant 3 : i32
        %dma_wait3A_531 = arith.constant 3 : i32
        %dma_wait3A_532 = arith.constant 1 : i32
        %dma_wait3A_533 = arith.constant 0 : i32
        %dma_wait3A_534 = arith.constant 0 : i32
        %dma_wait3A_535 = tpu.memref_slice %arg8[%dma_wait3A_530, %dma_wait3A_533, %dma_wait3A_534] : memref<4x250x16xf32, #tpu.memory_space<vmem>> -> memref<1x250x16xf32, #tpu.memory_space<vmem>>
        %dma_wait3A_536 = tpu.memref_squeeze %dma_wait3A_535 : memref<1x250x16xf32, #tpu.memory_space<vmem>> -> memref<250x16xf32, #tpu.memory_space<vmem>>
        %dma_wait3A_537 = arith.constant 0 : i32
        %dma_wait3A_538 = tpu.memref_slice %arg7[%dma_wait3A_531, %dma_wait3A_532, %dma_wait3A_537] : memref<4x2x250xi32, #tpu.memory_space<vmem>> -> memref<1x1x250xi32, #tpu.memory_space<vmem>>
        %dma_wait3A_539 = tpu.memref_squeeze %dma_wait3A_538 : memref<1x1x250xi32, #tpu.memory_space<vmem>> -> memref<250xi32, #tpu.memory_space<vmem>>
        %dma_wait3A_540 = arith.constant 0 : i32
        %dma_wait3A_541 = arith.constant 0 : i32
        %dma_wait3A_542 = tpu.memref_slice %arg9[%dma_wait3A_540, %dma_wait3A_541] : memref<100096x16xf32, #tpu.memory_space<vmem_shared>> -> memref<100096x16xf32, #tpu.memory_space<vmem_shared>>
        tpu.wait_indirect_dma semaphore(%arg12 : memref<!tpu.dma_semaphore, #tpu.memory_space<semaphore_mem>>) src(%dma_wait3A_536 : memref<250x16xf32, #tpu.memory_space<vmem>>) dst(%dma_wait3A_542 : memref<100096x16xf32, #tpu.memory_space<vmem_shared>>)
      } else {
      }
      %dma_wait3A_275 = arith.constant 2 : i32
      %dma_wait3A_276 = arith.constant 0 : i32
      %dma_wait3A_277 = arith.constant 0 : i32
      %dma_wait3A_278 = tpu.memref_slice %arg7[%dma_wait3A_275, %dma_wait3A_276, %dma_wait3A_277] : memref<4x2x250xi32, #tpu.memory_space<vmem>> -> memref<1x1x250xi32, #tpu.memory_space<vmem>>
      %dma_wait3A_279 = tpu.memref_squeeze %dma_wait3A_278 : memref<1x1x250xi32, #tpu.memory_space<vmem>> -> memref<250xi32, #tpu.memory_space<vmem>>
      %dma_wait3A_280 = arith.constant 0 : i32
      %dma_wait3A_281 = tpu.memref_slice %arg2[%mul3A_6, %dma_wait3A_280] : memref<12800x250xi32, #tpu.memory_space<hbm>> -> memref<1x250xi32, #tpu.memory_space<hbm>>
      %dma_wait3A_282 = tpu.memref_squeeze %dma_wait3A_281 : memref<1x250xi32, #tpu.memory_space<hbm>> -> memref<250xi32, #tpu.memory_space<hbm>>
      %dma_wait3A_283 = arith.constant 0 : i32
      %dma_wait3A_284 = tpu.memref_slice %arg7[%dma_wait3A_275, %dma_wait3A_276, %dma_wait3A_283] : memref<4x2x250xi32, #tpu.memory_space<vmem>> -> memref<1x1x250xi32, #tpu.memory_space<vmem>>
      %dma_wait3A_285 = tpu.memref_squeeze %dma_wait3A_284 : memref<1x1x250xi32, #tpu.memory_space<vmem>> -> memref<250xi32, #tpu.memory_space<vmem>>
      %dma_wait3A_286 = arith.constant 0 : i32
      %dma_wait3A_287 = tpu.memref_slice %arg2[%mul3A_6, %dma_wait3A_286] : memref<12800x250xi32, #tpu.memory_space<hbm>> -> memref<1x250xi32, #tpu.memory_space<hbm>>
      %dma_wait3A_288 = tpu.memref_squeeze %dma_wait3A_287 : memref<1x250xi32, #tpu.memory_space<hbm>> -> memref<250xi32, #tpu.memory_space<hbm>>
      tpu.wait_dma2 semaphore(%arg10 : memref<!tpu.dma_semaphore, #tpu.memory_space<semaphore_mem>>) src(%dma_wait3A_288 : memref<250xi32, #tpu.memory_space<hbm>>) dst(%dma_wait3A_285 : memref<250xi32, #tpu.memory_space<vmem>>)
      %dma_wait3A_289 = arith.constant 2 : i32
      %dma_wait3A_290 = arith.constant 1 : i32
      %dma_wait3A_291 = arith.constant 0 : i32
      %dma_wait3A_292 = tpu.memref_slice %arg7[%dma_wait3A_289, %dma_wait3A_290, %dma_wait3A_291] : memref<4x2x250xi32, #tpu.memory_space<vmem>> -> memref<1x1x250xi32, #tpu.memory_space<vmem>>
      %dma_wait3A_293 = tpu.memref_squeeze %dma_wait3A_292 : memref<1x1x250xi32, #tpu.memory_space<vmem>> -> memref<250xi32, #tpu.memory_space<vmem>>
      %dma_wait3A_294 = arith.constant 0 : i32
      %dma_wait3A_295 = tpu.memref_slice %arg3[%mul3A_6, %dma_wait3A_294] : memref<12800x250xi32, #tpu.memory_space<hbm>> -> memref<1x250xi32, #tpu.memory_space<hbm>>
      %dma_wait3A_296 = tpu.memref_squeeze %dma_wait3A_295 : memref<1x250xi32, #tpu.memory_space<hbm>> -> memref<250xi32, #tpu.memory_space<hbm>>
      %dma_wait3A_297 = arith.constant 0 : i32
      %dma_wait3A_298 = tpu.memref_slice %arg7[%dma_wait3A_289, %dma_wait3A_290, %dma_wait3A_297] : memref<4x2x250xi32, #tpu.memory_space<vmem>> -> memref<1x1x250xi32, #tpu.memory_space<vmem>>
      %dma_wait3A_299 = tpu.memref_squeeze %dma_wait3A_298 : memref<1x1x250xi32, #tpu.memory_space<vmem>> -> memref<250xi32, #tpu.memory_space<vmem>>
      %dma_wait3A_300 = arith.constant 0 : i32
      %dma_wait3A_301 = tpu.memref_slice %arg3[%mul3A_6, %dma_wait3A_300] : memref<12800x250xi32, #tpu.memory_space<hbm>> -> memref<1x250xi32, #tpu.memory_space<hbm>>
      %dma_wait3A_302 = tpu.memref_squeeze %dma_wait3A_301 : memref<1x250xi32, #tpu.memory_space<hbm>> -> memref<250xi32, #tpu.memory_space<hbm>>
      tpu.wait_dma2 semaphore(%arg10 : memref<!tpu.dma_semaphore, #tpu.memory_space<semaphore_mem>>) src(%dma_wait3A_302 : memref<250xi32, #tpu.memory_space<hbm>>) dst(%dma_wait3A_299 : memref<250xi32, #tpu.memory_space<vmem>>)
      %dma_start3A_303 = arith.constant 2 : i32
      %dma_start3A_304 = arith.constant 0 : i32
      %dma_start3A_305 = arith.constant 2 : i32
      %dma_start3A_306 = arith.constant 0 : i32
      %dma_start3A_307 = arith.constant 0 : i32
      %dma_start3A_308 = tpu.memref_slice %arg8[%dma_start3A_305, %dma_start3A_306, %dma_start3A_307] : memref<4x250x16xf32, #tpu.memory_space<vmem>> -> memref<1x250x16xf32, #tpu.memory_space<vmem>>
      %dma_start3A_309 = tpu.memref_squeeze %dma_start3A_308 : memref<1x250x16xf32, #tpu.memory_space<vmem>> -> memref<250x16xf32, #tpu.memory_space<vmem>>
      %dma_start3A_310 = arith.constant 0 : i32
      %dma_start3A_311 = tpu.memref_slice %arg7[%dma_start3A_303, %dma_start3A_304, %dma_start3A_310] : memref<4x2x250xi32, #tpu.memory_space<vmem>> -> memref<1x1x250xi32, #tpu.memory_space<vmem>>
      %dma_start3A_312 = tpu.memref_squeeze %dma_start3A_311 : memref<1x1x250xi32, #tpu.memory_space<vmem>> -> memref<250xi32, #tpu.memory_space<vmem>>
      %dma_start3A_313 = arith.constant 0 : i32
      %dma_start3A_314 = arith.constant 0 : i32
      %dma_start3A_315 = tpu.memref_slice %arg4[%scan3A_115, %dma_start3A_313, %dma_start3A_314] : memref<1x100096x16xf32, #tpu.memory_space<hbm>> -> memref<1x100096x16xf32, #tpu.memory_space<hbm>>
      %dma_start3A_316 = tpu.memref_squeeze %dma_start3A_315 : memref<1x100096x16xf32, #tpu.memory_space<hbm>> -> memref<100096x16xf32, #tpu.memory_space<hbm>>
      %dma_start3A_317 = arith.constant 0 : i32
      %dma_start3A_318 = arith.constant 0 : i32
      %dma_start3A_319 = tpu.memref_slice %dma_start3A_316[%dma_start3A_317, %dma_start3A_318] : memref<100096x16xf32, #tpu.memory_space<hbm>> -> memref<100096x16xf32, #tpu.memory_space<hbm>>
      tpu.enqueue_indirect_dma source(%dma_start3A_319 : memref<100096x16xf32, #tpu.memory_space<hbm>>) target(%dma_start3A_309 : memref<250x16xf32, #tpu.memory_space<vmem>>) offsets(%dma_start3A_312 : memref<250xi32, #tpu.memory_space<vmem>>) semaphore(%arg11 : memref<!tpu.dma_semaphore, #tpu.memory_space<semaphore_mem>>)
      %add3A_320 = arith.constant 2 : i32
      %add3A_321 = arith.addi %add3A_269, %add3A_320 : i32
      %add3A_322 = arith.addi %mul3A_6, %add3A_321 : i32
      %dma_start3A_323 = arith.constant 3 : i32
      %dma_start3A_324 = arith.constant 0 : i32
      %dma_start3A_325 = arith.constant 0 : i32
      %dma_start3A_326 = tpu.memref_slice %arg7[%dma_start3A_323, %dma_start3A_324, %dma_start3A_325] : memref<4x2x250xi32, #tpu.memory_space<vmem>> -> memref<1x1x250xi32, #tpu.memory_space<vmem>>
      %dma_start3A_327 = tpu.memref_squeeze %dma_start3A_326 : memref<1x1x250xi32, #tpu.memory_space<vmem>> -> memref<250xi32, #tpu.memory_space<vmem>>
      %dma_start3A_328 = arith.constant 0 : i32
      %dma_start3A_329 = tpu.memref_slice %arg2[%add3A_322, %dma_start3A_328] : memref<12800x250xi32, #tpu.memory_space<hbm>> -> memref<1x250xi32, #tpu.memory_space<hbm>>
      %dma_start3A_330 = tpu.memref_squeeze %dma_start3A_329 : memref<1x250xi32, #tpu.memory_space<hbm>> -> memref<250xi32, #tpu.memory_space<hbm>>
      %dma_start3A_331 = arith.constant 0 : i32
      %dma_start3A_332 = tpu.memref_slice %arg7[%dma_start3A_323, %dma_start3A_324, %dma_start3A_331] : memref<4x2x250xi32, #tpu.memory_space<vmem>> -> memref<1x1x250xi32, #tpu.memory_space<vmem>>
      %dma_start3A_333 = tpu.memref_squeeze %dma_start3A_332 : memref<1x1x250xi32, #tpu.memory_space<vmem>> -> memref<250xi32, #tpu.memory_space<vmem>>
      %dma_start3A_334 = arith.constant 0 : i32
      %dma_start3A_335 = tpu.memref_slice %arg2[%add3A_322, %dma_start3A_334] : memref<12800x250xi32, #tpu.memory_space<hbm>> -> memref<1x250xi32, #tpu.memory_space<hbm>>
      %dma_start3A_336 = tpu.memref_squeeze %dma_start3A_335 : memref<1x250xi32, #tpu.memory_space<hbm>> -> memref<250xi32, #tpu.memory_space<hbm>>
      tpu.enqueue_dma source(%dma_start3A_336 : memref<250xi32, #tpu.memory_space<hbm>>) target(%dma_start3A_333 : memref<250xi32, #tpu.memory_space<vmem>>) target_semaphore(%arg10 : memref<!tpu.dma_semaphore, #tpu.memory_space<semaphore_mem>>)
      %add3A_337 = arith.addi %mul3A_6, %add3A_321 : i32
      %dma_start3A_338 = arith.constant 3 : i32
      %dma_start3A_339 = arith.constant 1 : i32
      %dma_start3A_340 = arith.constant 0 : i32
      %dma_start3A_341 = tpu.memref_slice %arg7[%dma_start3A_338, %dma_start3A_339, %dma_start3A_340] : memref<4x2x250xi32, #tpu.memory_space<vmem>> -> memref<1x1x250xi32, #tpu.memory_space<vmem>>
      %dma_start3A_342 = tpu.memref_squeeze %dma_start3A_341 : memref<1x1x250xi32, #tpu.memory_space<vmem>> -> memref<250xi32, #tpu.memory_space<vmem>>
      %dma_start3A_343 = arith.constant 0 : i32
      %dma_start3A_344 = tpu.memref_slice %arg3[%add3A_337, %dma_start3A_343] : memref<12800x250xi32, #tpu.memory_space<hbm>> -> memref<1x250xi32, #tpu.memory_space<hbm>>
      %dma_start3A_345 = tpu.memref_squeeze %dma_start3A_344 : memref<1x250xi32, #tpu.memory_space<hbm>> -> memref<250xi32, #tpu.memory_space<hbm>>
      %dma_start3A_346 = arith.constant 0 : i32
      %dma_start3A_347 = tpu.memref_slice %arg7[%dma_start3A_338, %dma_start3A_339, %dma_start3A_346] : memref<4x2x250xi32, #tpu.memory_space<vmem>> -> memref<1x1x250xi32, #tpu.memory_space<vmem>>
      %dma_start3A_348 = tpu.memref_squeeze %dma_start3A_347 : memref<1x1x250xi32, #tpu.memory_space<vmem>> -> memref<250xi32, #tpu.memory_space<vmem>>
      %dma_start3A_349 = arith.constant 0 : i32
      %dma_start3A_350 = tpu.memref_slice %arg3[%add3A_337, %dma_start3A_349] : memref<12800x250xi32, #tpu.memory_space<hbm>> -> memref<1x250xi32, #tpu.memory_space<hbm>>
      %dma_start3A_351 = tpu.memref_squeeze %dma_start3A_350 : memref<1x250xi32, #tpu.memory_space<hbm>> -> memref<250xi32, #tpu.memory_space<hbm>>
      tpu.enqueue_dma source(%dma_start3A_351 : memref<250xi32, #tpu.memory_space<hbm>>) target(%dma_start3A_348 : memref<250xi32, #tpu.memory_space<vmem>>) target_semaphore(%arg10 : memref<!tpu.dma_semaphore, #tpu.memory_space<semaphore_mem>>)
      %dma_wait3A_352 = arith.constant 1 : i32
      %dma_wait3A_353 = arith.constant 0 : i32
      %dma_wait3A_354 = arith.constant 1 : i32
      %dma_wait3A_355 = arith.constant 0 : i32
      %dma_wait3A_356 = arith.constant 0 : i32
      %dma_wait3A_357 = tpu.memref_slice %arg8[%dma_wait3A_354, %dma_wait3A_355, %dma_wait3A_356] : memref<4x250x16xf32, #tpu.memory_space<vmem>> -> memref<1x250x16xf32, #tpu.memory_space<vmem>>
      %dma_wait3A_358 = tpu.memref_squeeze %dma_wait3A_357 : memref<1x250x16xf32, #tpu.memory_space<vmem>> -> memref<250x16xf32, #tpu.memory_space<vmem>>
      %dma_wait3A_359 = arith.constant 0 : i32
      %dma_wait3A_360 = tpu.memref_slice %arg7[%dma_wait3A_352, %dma_wait3A_353, %dma_wait3A_359] : memref<4x2x250xi32, #tpu.memory_space<vmem>> -> memref<1x1x250xi32, #tpu.memory_space<vmem>>
      %dma_wait3A_361 = tpu.memref_squeeze %dma_wait3A_360 : memref<1x1x250xi32, #tpu.memory_space<vmem>> -> memref<250xi32, #tpu.memory_space<vmem>>
      %dma_wait3A_362 = arith.constant 0 : i32
      %dma_wait3A_363 = arith.constant 0 : i32
      %dma_wait3A_364 = tpu.memref_slice %arg4[%scan3A_115, %dma_wait3A_362, %dma_wait3A_363] : memref<1x100096x16xf32, #tpu.memory_space<hbm>> -> memref<1x100096x16xf32, #tpu.memory_space<hbm>>
      %dma_wait3A_365 = tpu.memref_squeeze %dma_wait3A_364 : memref<1x100096x16xf32, #tpu.memory_space<hbm>> -> memref<100096x16xf32, #tpu.memory_space<hbm>>
      %dma_wait3A_366 = arith.constant 0 : i32
      %dma_wait3A_367 = arith.constant 0 : i32
      %dma_wait3A_368 = tpu.memref_slice %dma_wait3A_365[%dma_wait3A_366, %dma_wait3A_367] : memref<100096x16xf32, #tpu.memory_space<hbm>> -> memref<100096x16xf32, #tpu.memory_space<hbm>>
      tpu.wait_indirect_dma semaphore(%arg11 : memref<!tpu.dma_semaphore, #tpu.memory_space<semaphore_mem>>) src(%dma_wait3A_368 : memref<100096x16xf32, #tpu.memory_space<hbm>>) dst(%dma_wait3A_358 : memref<250x16xf32, #tpu.memory_space<vmem>>)
      %dma_start3A_369 = arith.constant 1 : i32
      %dma_start3A_370 = arith.constant 1 : i32
      %dma_start3A_371 = arith.constant 1 : i32
      %dma_start3A_372 = arith.constant 0 : i32
      %dma_start3A_373 = arith.constant 0 : i32
      %dma_start3A_374 = tpu.memref_slice %arg8[%dma_start3A_369, %dma_start3A_372, %dma_start3A_373] : memref<4x250x16xf32, #tpu.memory_space<vmem>> -> memref<1x250x16xf32, #tpu.memory_space<vmem>>
      %dma_start3A_375 = tpu.memref_squeeze %dma_start3A_374 : memref<1x250x16xf32, #tpu.memory_space<vmem>> -> memref<250x16xf32, #tpu.memory_space<vmem>>
      %dma_start3A_376 = arith.constant 0 : i32
      %dma_start3A_377 = tpu.memref_slice %arg7[%dma_start3A_370, %dma_start3A_371, %dma_start3A_376] : memref<4x2x250xi32, #tpu.memory_space<vmem>> -> memref<1x1x250xi32, #tpu.memory_space<vmem>>
      %dma_start3A_378 = tpu.memref_squeeze %dma_start3A_377 : memref<1x1x250xi32, #tpu.memory_space<vmem>> -> memref<250xi32, #tpu.memory_space<vmem>>
      %dma_start3A_379 = arith.constant 0 : i32
      %dma_start3A_380 = arith.constant 0 : i32
      %dma_start3A_381 = tpu.memref_slice %arg9[%dma_start3A_379, %dma_start3A_380] : memref<100096x16xf32, #tpu.memory_space<vmem_shared>> -> memref<100096x16xf32, #tpu.memory_space<vmem_shared>>
      tpu.enqueue_indirect_dma source(%dma_start3A_375 : memref<250x16xf32, #tpu.memory_space<vmem>>) target(%dma_start3A_381 : memref<100096x16xf32, #tpu.memory_space<vmem_shared>>) offsets(%dma_start3A_378 : memref<250xi32, #tpu.memory_space<vmem>>) semaphore(%arg12 : memref<!tpu.dma_semaphore, #tpu.memory_space<semaphore_mem>>) {add = true}
      %mul3A_382 = arith.constant 4 : i32
      %mul3A_383 = arith.muli %scan3A_152, %mul3A_382 : i32
      %add3A_384 = arith.constant 2 : i32
      %add3A_385 = arith.addi %mul3A_383, %add3A_384 : i32
      %dma_wait3A_386 = arith.constant 0 : i32
      %dma_wait3A_387 = arith.constant 0 : i32
      %dma_wait3A_388 = arith.constant 1 : i32
      %dma_wait3A_389 = arith.constant 0 : i32
      %dma_wait3A_390 = arith.constant 0 : i32
      %dma_wait3A_391 = tpu.memref_slice %arg8[%dma_wait3A_386, %dma_wait3A_389, %dma_wait3A_390] : memref<4x250x16xf32, #tpu.memory_space<vmem>> -> memref<1x250x16xf32, #tpu.memory_space<vmem>>
      %dma_wait3A_392 = tpu.memref_squeeze %dma_wait3A_391 : memref<1x250x16xf32, #tpu.memory_space<vmem>> -> memref<250x16xf32, #tpu.memory_space<vmem>>
      %dma_wait3A_393 = arith.constant 0 : i32
      %dma_wait3A_394 = tpu.memref_slice %arg7[%dma_wait3A_387, %dma_wait3A_388, %dma_wait3A_393] : memref<4x2x250xi32, #tpu.memory_space<vmem>> -> memref<1x1x250xi32, #tpu.memory_space<vmem>>
      %dma_wait3A_395 = tpu.memref_squeeze %dma_wait3A_394 : memref<1x1x250xi32, #tpu.memory_space<vmem>> -> memref<250xi32, #tpu.memory_space<vmem>>
      %dma_wait3A_396 = arith.constant 0 : i32
      %dma_wait3A_397 = arith.constant 0 : i32
      %dma_wait3A_398 = tpu.memref_slice %arg9[%dma_wait3A_396, %dma_wait3A_397] : memref<100096x16xf32, #tpu.memory_space<vmem_shared>> -> memref<100096x16xf32, #tpu.memory_space<vmem_shared>>
      tpu.wait_indirect_dma semaphore(%arg12 : memref<!tpu.dma_semaphore, #tpu.memory_space<semaphore_mem>>) src(%dma_wait3A_392 : memref<250x16xf32, #tpu.memory_space<vmem>>) dst(%dma_wait3A_398 : memref<100096x16xf32, #tpu.memory_space<vmem_shared>>)
      %dma_wait3A_399 = arith.constant 3 : i32
      %dma_wait3A_400 = arith.constant 0 : i32
      %dma_wait3A_401 = arith.constant 0 : i32
      %dma_wait3A_402 = tpu.memref_slice %arg7[%dma_wait3A_399, %dma_wait3A_400, %dma_wait3A_401] : memref<4x2x250xi32, #tpu.memory_space<vmem>> -> memref<1x1x250xi32, #tpu.memory_space<vmem>>
      %dma_wait3A_403 = tpu.memref_squeeze %dma_wait3A_402 : memref<1x1x250xi32, #tpu.memory_space<vmem>> -> memref<250xi32, #tpu.memory_space<vmem>>
      %dma_wait3A_404 = arith.constant 0 : i32
      %dma_wait3A_405 = tpu.memref_slice %arg2[%mul3A_6, %dma_wait3A_404] : memref<12800x250xi32, #tpu.memory_space<hbm>> -> memref<1x250xi32, #tpu.memory_space<hbm>>
      %dma_wait3A_406 = tpu.memref_squeeze %dma_wait3A_405 : memref<1x250xi32, #tpu.memory_space<hbm>> -> memref<250xi32, #tpu.memory_space<hbm>>
      %dma_wait3A_407 = arith.constant 0 : i32
      %dma_wait3A_408 = tpu.memref_slice %arg7[%dma_wait3A_399, %dma_wait3A_400, %dma_wait3A_407] : memref<4x2x250xi32, #tpu.memory_space<vmem>> -> memref<1x1x250xi32, #tpu.memory_space<vmem>>
      %dma_wait3A_409 = tpu.memref_squeeze %dma_wait3A_408 : memref<1x1x250xi32, #tpu.memory_space<vmem>> -> memref<250xi32, #tpu.memory_space<vmem>>
      %dma_wait3A_410 = arith.constant 0 : i32
      %dma_wait3A_411 = tpu.memref_slice %arg2[%mul3A_6, %dma_wait3A_410] : memref<12800x250xi32, #tpu.memory_space<hbm>> -> memref<1x250xi32, #tpu.memory_space<hbm>>
      %dma_wait3A_412 = tpu.memref_squeeze %dma_wait3A_411 : memref<1x250xi32, #tpu.memory_space<hbm>> -> memref<250xi32, #tpu.memory_space<hbm>>
      tpu.wait_dma2 semaphore(%arg10 : memref<!tpu.dma_semaphore, #tpu.memory_space<semaphore_mem>>) src(%dma_wait3A_412 : memref<250xi32, #tpu.memory_space<hbm>>) dst(%dma_wait3A_409 : memref<250xi32, #tpu.memory_space<vmem>>)
      %dma_wait3A_413 = arith.constant 3 : i32
      %dma_wait3A_414 = arith.constant 1 : i32
      %dma_wait3A_415 = arith.constant 0 : i32
      %dma_wait3A_416 = tpu.memref_slice %arg7[%dma_wait3A_413, %dma_wait3A_414, %dma_wait3A_415] : memref<4x2x250xi32, #tpu.memory_space<vmem>> -> memref<1x1x250xi32, #tpu.memory_space<vmem>>
      %dma_wait3A_417 = tpu.memref_squeeze %dma_wait3A_416 : memref<1x1x250xi32, #tpu.memory_space<vmem>> -> memref<250xi32, #tpu.memory_space<vmem>>
      %dma_wait3A_418 = arith.constant 0 : i32
      %dma_wait3A_419 = tpu.memref_slice %arg3[%mul3A_6, %dma_wait3A_418] : memref<12800x250xi32, #tpu.memory_space<hbm>> -> memref<1x250xi32, #tpu.memory_space<hbm>>
      %dma_wait3A_420 = tpu.memref_squeeze %dma_wait3A_419 : memref<1x250xi32, #tpu.memory_space<hbm>> -> memref<250xi32, #tpu.memory_space<hbm>>
      %dma_wait3A_421 = arith.constant 0 : i32
      %dma_wait3A_422 = tpu.memref_slice %arg7[%dma_wait3A_413, %dma_wait3A_414, %dma_wait3A_421] : memref<4x2x250xi32, #tpu.memory_space<vmem>> -> memref<1x1x250xi32, #tpu.memory_space<vmem>>
      %dma_wait3A_423 = tpu.memref_squeeze %dma_wait3A_422 : memref<1x1x250xi32, #tpu.memory_space<vmem>> -> memref<250xi32, #tpu.memory_space<vmem>>
      %dma_wait3A_424 = arith.constant 0 : i32
      %dma_wait3A_425 = tpu.memref_slice %arg3[%mul3A_6, %dma_wait3A_424] : memref<12800x250xi32, #tpu.memory_space<hbm>> -> memref<1x250xi32, #tpu.memory_space<hbm>>
      %dma_wait3A_426 = tpu.memref_squeeze %dma_wait3A_425 : memref<1x250xi32, #tpu.memory_space<hbm>> -> memref<250xi32, #tpu.memory_space<hbm>>
      tpu.wait_dma2 semaphore(%arg10 : memref<!tpu.dma_semaphore, #tpu.memory_space<semaphore_mem>>) src(%dma_wait3A_426 : memref<250xi32, #tpu.memory_space<hbm>>) dst(%dma_wait3A_423 : memref<250xi32, #tpu.memory_space<vmem>>)
      %dma_start3A_427 = arith.constant 3 : i32
      %dma_start3A_428 = arith.constant 0 : i32
      %dma_start3A_429 = arith.constant 3 : i32
      %dma_start3A_430 = arith.constant 0 : i32
      %dma_start3A_431 = arith.constant 0 : i32
      %dma_start3A_432 = tpu.memref_slice %arg8[%dma_start3A_429, %dma_start3A_430, %dma_start3A_431] : memref<4x250x16xf32, #tpu.memory_space<vmem>> -> memref<1x250x16xf32, #tpu.memory_space<vmem>>
      %dma_start3A_433 = tpu.memref_squeeze %dma_start3A_432 : memref<1x250x16xf32, #tpu.memory_space<vmem>> -> memref<250x16xf32, #tpu.memory_space<vmem>>
      %dma_start3A_434 = arith.constant 0 : i32
      %dma_start3A_435 = tpu.memref_slice %arg7[%dma_start3A_427, %dma_start3A_428, %dma_start3A_434] : memref<4x2x250xi32, #tpu.memory_space<vmem>> -> memref<1x1x250xi32, #tpu.memory_space<vmem>>
      %dma_start3A_436 = tpu.memref_squeeze %dma_start3A_435 : memref<1x1x250xi32, #tpu.memory_space<vmem>> -> memref<250xi32, #tpu.memory_space<vmem>>
      %dma_start3A_437 = arith.constant 0 : i32
      %dma_start3A_438 = arith.constant 0 : i32
      %dma_start3A_439 = tpu.memref_slice %arg4[%scan3A_115, %dma_start3A_437, %dma_start3A_438] : memref<1x100096x16xf32, #tpu.memory_space<hbm>> -> memref<1x100096x16xf32, #tpu.memory_space<hbm>>
      %dma_start3A_440 = tpu.memref_squeeze %dma_start3A_439 : memref<1x100096x16xf32, #tpu.memory_space<hbm>> -> memref<100096x16xf32, #tpu.memory_space<hbm>>
      %dma_start3A_441 = arith.constant 0 : i32
      %dma_start3A_442 = arith.constant 0 : i32
      %dma_start3A_443 = tpu.memref_slice %dma_start3A_440[%dma_start3A_441, %dma_start3A_442] : memref<100096x16xf32, #tpu.memory_space<hbm>> -> memref<100096x16xf32, #tpu.memory_space<hbm>>
      tpu.enqueue_indirect_dma source(%dma_start3A_443 : memref<100096x16xf32, #tpu.memory_space<hbm>>) target(%dma_start3A_433 : memref<250x16xf32, #tpu.memory_space<vmem>>) offsets(%dma_start3A_436 : memref<250xi32, #tpu.memory_space<vmem>>) semaphore(%arg11 : memref<!tpu.dma_semaphore, #tpu.memory_space<semaphore_mem>>)
      %lt3A = arith.constant 99 : i32
      %lt3A_444 = arith.cmpi slt, %scan3A_152, %lt3A : i32
      %convert_element_type3A_445 = arith.extui %lt3A_444 : i1 to i32
      %cond3A_446 = arith.constant 0 : i32
      %cond3A_447 = arith.cmpi ne, %convert_element_type3A_445, %cond3A_446 : i32
      scf.if %cond3A_447 {
        %add3A_530 = arith.constant 2 : i32
        %add3A_531 = arith.addi %add3A_385, %add3A_530 : i32
        %add3A_532 = arith.addi %mul3A_6, %add3A_531 : i32
        %dma_start3A_533 = arith.constant 0 : i32
        %dma_start3A_534 = arith.constant 0 : i32
        %dma_start3A_535 = arith.constant 0 : i32
        %dma_start3A_536 = tpu.memref_slice %arg7[%dma_start3A_533, %dma_start3A_534, %dma_start3A_535] : memref<4x2x250xi32, #tpu.memory_space<vmem>> -> memref<1x1x250xi32, #tpu.memory_space<vmem>>
        %dma_start3A_537 = tpu.memref_squeeze %dma_start3A_536 : memref<1x1x250xi32, #tpu.memory_space<vmem>> -> memref<250xi32, #tpu.memory_space<vmem>>
        %dma_start3A_538 = arith.constant 0 : i32
        %dma_start3A_539 = tpu.memref_slice %arg2[%add3A_532, %dma_start3A_538] : memref<12800x250xi32, #tpu.memory_space<hbm>> -> memref<1x250xi32, #tpu.memory_space<hbm>>
        %dma_start3A_540 = tpu.memref_squeeze %dma_start3A_539 : memref<1x250xi32, #tpu.memory_space<hbm>> -> memref<250xi32, #tpu.memory_space<hbm>>
        %dma_start3A_541 = arith.constant 0 : i32
        %dma_start3A_542 = tpu.memref_slice %arg7[%dma_start3A_533, %dma_start3A_534, %dma_start3A_541] : memref<4x2x250xi32, #tpu.memory_space<vmem>> -> memref<1x1x250xi32, #tpu.memory_space<vmem>>
        %dma_start3A_543 = tpu.memref_squeeze %dma_start3A_542 : memref<1x1x250xi32, #tpu.memory_space<vmem>> -> memref<250xi32, #tpu.memory_space<vmem>>
        %dma_start3A_544 = arith.constant 0 : i32
        %dma_start3A_545 = tpu.memref_slice %arg2[%add3A_532, %dma_start3A_544] : memref<12800x250xi32, #tpu.memory_space<hbm>> -> memref<1x250xi32, #tpu.memory_space<hbm>>
        %dma_start3A_546 = tpu.memref_squeeze %dma_start3A_545 : memref<1x250xi32, #tpu.memory_space<hbm>> -> memref<250xi32, #tpu.memory_space<hbm>>
        tpu.enqueue_dma source(%dma_start3A_546 : memref<250xi32, #tpu.memory_space<hbm>>) target(%dma_start3A_543 : memref<250xi32, #tpu.memory_space<vmem>>) target_semaphore(%arg10 : memref<!tpu.dma_semaphore, #tpu.memory_space<semaphore_mem>>)
        %add3A_547 = arith.addi %mul3A_6, %add3A_531 : i32
        %dma_start3A_548 = arith.constant 0 : i32
        %dma_start3A_549 = arith.constant 1 : i32
        %dma_start3A_550 = arith.constant 0 : i32
        %dma_start3A_551 = tpu.memref_slice %arg7[%dma_start3A_548, %dma_start3A_549, %dma_start3A_550] : memref<4x2x250xi32, #tpu.memory_space<vmem>> -> memref<1x1x250xi32, #tpu.memory_space<vmem>>
        %dma_start3A_552 = tpu.memref_squeeze %dma_start3A_551 : memref<1x1x250xi32, #tpu.memory_space<vmem>> -> memref<250xi32, #tpu.memory_space<vmem>>
        %dma_start3A_553 = arith.constant 0 : i32
        %dma_start3A_554 = tpu.memref_slice %arg3[%add3A_547, %dma_start3A_553] : memref<12800x250xi32, #tpu.memory_space<hbm>> -> memref<1x250xi32, #tpu.memory_space<hbm>>
        %dma_start3A_555 = tpu.memref_squeeze %dma_start3A_554 : memref<1x250xi32, #tpu.memory_space<hbm>> -> memref<250xi32, #tpu.memory_space<hbm>>
        %dma_start3A_556 = arith.constant 0 : i32
        %dma_start3A_557 = tpu.memref_slice %arg7[%dma_start3A_548, %dma_start3A_549, %dma_start3A_556] : memref<4x2x250xi32, #tpu.memory_space<vmem>> -> memref<1x1x250xi32, #tpu.memory_space<vmem>>
        %dma_start3A_558 = tpu.memref_squeeze %dma_start3A_557 : memref<1x1x250xi32, #tpu.memory_space<vmem>> -> memref<250xi32, #tpu.memory_space<vmem>>
        %dma_start3A_559 = arith.constant 0 : i32
        %dma_start3A_560 = tpu.memref_slice %arg3[%add3A_547, %dma_start3A_559] : memref<12800x250xi32, #tpu.memory_space<hbm>> -> memref<1x250xi32, #tpu.memory_space<hbm>>
        %dma_start3A_561 = tpu.memref_squeeze %dma_start3A_560 : memref<1x250xi32, #tpu.memory_space<hbm>> -> memref<250xi32, #tpu.memory_space<hbm>>
        tpu.enqueue_dma source(%dma_start3A_561 : memref<250xi32, #tpu.memory_space<hbm>>) target(%dma_start3A_558 : memref<250xi32, #tpu.memory_space<vmem>>) target_semaphore(%arg10 : memref<!tpu.dma_semaphore, #tpu.memory_space<semaphore_mem>>)
      } else {
      }
      %dma_wait3A_448 = arith.constant 2 : i32
      %dma_wait3A_449 = arith.constant 0 : i32
      %dma_wait3A_450 = arith.constant 2 : i32
      %dma_wait3A_451 = arith.constant 0 : i32
      %dma_wait3A_452 = arith.constant 0 : i32
      %dma_wait3A_453 = tpu.memref_slice %arg8[%dma_wait3A_450, %dma_wait3A_451, %dma_wait3A_452] : memref<4x250x16xf32, #tpu.memory_space<vmem>> -> memref<1x250x16xf32, #tpu.memory_space<vmem>>
      %dma_wait3A_454 = tpu.memref_squeeze %dma_wait3A_453 : memref<1x250x16xf32, #tpu.memory_space<vmem>> -> memref<250x16xf32, #tpu.memory_space<vmem>>
      %dma_wait3A_455 = arith.constant 0 : i32
      %dma_wait3A_456 = tpu.memref_slice %arg7[%dma_wait3A_448, %dma_wait3A_449, %dma_wait3A_455] : memref<4x2x250xi32, #tpu.memory_space<vmem>> -> memref<1x1x250xi32, #tpu.memory_space<vmem>>
      %dma_wait3A_457 = tpu.memref_squeeze %dma_wait3A_456 : memref<1x1x250xi32, #tpu.memory_space<vmem>> -> memref<250xi32, #tpu.memory_space<vmem>>
      %dma_wait3A_458 = arith.constant 0 : i32
      %dma_wait3A_459 = arith.constant 0 : i32
      %dma_wait3A_460 = tpu.memref_slice %arg4[%scan3A_115, %dma_wait3A_458, %dma_wait3A_459] : memref<1x100096x16xf32, #tpu.memory_space<hbm>> -> memref<1x100096x16xf32, #tpu.memory_space<hbm>>
      %dma_wait3A_461 = tpu.memref_squeeze %dma_wait3A_460 : memref<1x100096x16xf32, #tpu.memory_space<hbm>> -> memref<100096x16xf32, #tpu.memory_space<hbm>>
      %dma_wait3A_462 = arith.constant 0 : i32
      %dma_wait3A_463 = arith.constant 0 : i32
      %dma_wait3A_464 = tpu.memref_slice %dma_wait3A_461[%dma_wait3A_462, %dma_wait3A_463] : memref<100096x16xf32, #tpu.memory_space<hbm>> -> memref<100096x16xf32, #tpu.memory_space<hbm>>
      tpu.wait_indirect_dma semaphore(%arg11 : memref<!tpu.dma_semaphore, #tpu.memory_space<semaphore_mem>>) src(%dma_wait3A_464 : memref<100096x16xf32, #tpu.memory_space<hbm>>) dst(%dma_wait3A_454 : memref<250x16xf32, #tpu.memory_space<vmem>>)
      %dma_start3A_465 = arith.constant 2 : i32
      %dma_start3A_466 = arith.constant 2 : i32
      %dma_start3A_467 = arith.constant 1 : i32
      %dma_start3A_468 = arith.constant 0 : i32
      %dma_start3A_469 = arith.constant 0 : i32
      %dma_start3A_470 = tpu.memref_slice %arg8[%dma_start3A_465, %dma_start3A_468, %dma_start3A_469] : memref<4x250x16xf32, #tpu.memory_space<vmem>> -> memref<1x250x16xf32, #tpu.memory_space<vmem>>
      %dma_start3A_471 = tpu.memref_squeeze %dma_start3A_470 : memref<1x250x16xf32, #tpu.memory_space<vmem>> -> memref<250x16xf32, #tpu.memory_space<vmem>>
      %dma_start3A_472 = arith.constant 0 : i32
      %dma_start3A_473 = tpu.memref_slice %arg7[%dma_start3A_466, %dma_start3A_467, %dma_start3A_472] : memref<4x2x250xi32, #tpu.memory_space<vmem>> -> memref<1x1x250xi32, #tpu.memory_space<vmem>>
      %dma_start3A_474 = tpu.memref_squeeze %dma_start3A_473 : memref<1x1x250xi32, #tpu.memory_space<vmem>> -> memref<250xi32, #tpu.memory_space<vmem>>
      %dma_start3A_475 = arith.constant 0 : i32
      %dma_start3A_476 = arith.constant 0 : i32
      %dma_start3A_477 = tpu.memref_slice %arg9[%dma_start3A_475, %dma_start3A_476] : memref<100096x16xf32, #tpu.memory_space<vmem_shared>> -> memref<100096x16xf32, #tpu.memory_space<vmem_shared>>
      tpu.enqueue_indirect_dma source(%dma_start3A_471 : memref<250x16xf32, #tpu.memory_space<vmem>>) target(%dma_start3A_477 : memref<100096x16xf32, #tpu.memory_space<vmem_shared>>) offsets(%dma_start3A_474 : memref<250xi32, #tpu.memory_space<vmem>>) semaphore(%arg12 : memref<!tpu.dma_semaphore, #tpu.memory_space<semaphore_mem>>) {add = true}
      %mul3A_478 = arith.constant 4 : i32
      %mul3A_479 = arith.muli %scan3A_152, %mul3A_478 : i32
      %add3A_480 = arith.constant 3 : i32
      %add3A_481 = arith.addi %mul3A_479, %add3A_480 : i32
      %dma_wait3A_482 = arith.constant 1 : i32
      %dma_wait3A_483 = arith.constant 1 : i32
      %dma_wait3A_484 = arith.constant 1 : i32
      %dma_wait3A_485 = arith.constant 0 : i32
      %dma_wait3A_486 = arith.constant 0 : i32
      %dma_wait3A_487 = tpu.memref_slice %arg8[%dma_wait3A_482, %dma_wait3A_485, %dma_wait3A_486] : memref<4x250x16xf32, #tpu.memory_space<vmem>> -> memref<1x250x16xf32, #tpu.memory_space<vmem>>
      %dma_wait3A_488 = tpu.memref_squeeze %dma_wait3A_487 : memref<1x250x16xf32, #tpu.memory_space<vmem>> -> memref<250x16xf32, #tpu.memory_space<vmem>>
      %dma_wait3A_489 = arith.constant 0 : i32
      %dma_wait3A_490 = tpu.memref_slice %arg7[%dma_wait3A_483, %dma_wait3A_484, %dma_wait3A_489] : memref<4x2x250xi32, #tpu.memory_space<vmem>> -> memref<1x1x250xi32, #tpu.memory_space<vmem>>
      %dma_wait3A_491 = tpu.memref_squeeze %dma_wait3A_490 : memref<1x1x250xi32, #tpu.memory_space<vmem>> -> memref<250xi32, #tpu.memory_space<vmem>>
      %dma_wait3A_492 = arith.constant 0 : i32
      %dma_wait3A_493 = arith.constant 0 : i32
      %dma_wait3A_494 = tpu.memref_slice %arg9[%dma_wait3A_492, %dma_wait3A_493] : memref<100096x16xf32, #tpu.memory_space<vmem_shared>> -> memref<100096x16xf32, #tpu.memory_space<vmem_shared>>
      tpu.wait_indirect_dma semaphore(%arg12 : memref<!tpu.dma_semaphore, #tpu.memory_space<semaphore_mem>>) src(%dma_wait3A_488 : memref<250x16xf32, #tpu.memory_space<vmem>>) dst(%dma_wait3A_494 : memref<100096x16xf32, #tpu.memory_space<vmem_shared>>)
      %lt3A_495 = arith.constant 99 : i32
      %lt3A_496 = arith.cmpi slt, %scan3A_152, %lt3A_495 : i32
      %convert_element_type3A_497 = arith.extui %lt3A_496 : i1 to i32
      %cond3A_498 = arith.constant 0 : i32
      %cond3A_499 = arith.cmpi ne, %convert_element_type3A_497, %cond3A_498 : i32
      scf.if %cond3A_499 {
        %dma_wait3A_530 = arith.constant 0 : i32
        %dma_wait3A_531 = arith.constant 0 : i32
        %dma_wait3A_532 = arith.constant 0 : i32
        %dma_wait3A_533 = tpu.memref_slice %arg7[%dma_wait3A_530, %dma_wait3A_531, %dma_wait3A_532] : memref<4x2x250xi32, #tpu.memory_space<vmem>> -> memref<1x1x250xi32, #tpu.memory_space<vmem>>
        %dma_wait3A_534 = tpu.memref_squeeze %dma_wait3A_533 : memref<1x1x250xi32, #tpu.memory_space<vmem>> -> memref<250xi32, #tpu.memory_space<vmem>>
        %dma_wait3A_535 = arith.constant 0 : i32
        %dma_wait3A_536 = tpu.memref_slice %arg2[%mul3A_6, %dma_wait3A_535] : memref<12800x250xi32, #tpu.memory_space<hbm>> -> memref<1x250xi32, #tpu.memory_space<hbm>>
        %dma_wait3A_537 = tpu.memref_squeeze %dma_wait3A_536 : memref<1x250xi32, #tpu.memory_space<hbm>> -> memref<250xi32, #tpu.memory_space<hbm>>
        %dma_wait3A_538 = arith.constant 0 : i32
        %dma_wait3A_539 = tpu.memref_slice %arg7[%dma_wait3A_530, %dma_wait3A_531, %dma_wait3A_538] : memref<4x2x250xi32, #tpu.memory_space<vmem>> -> memref<1x1x250xi32, #tpu.memory_space<vmem>>
        %dma_wait3A_540 = tpu.memref_squeeze %dma_wait3A_539 : memref<1x1x250xi32, #tpu.memory_space<vmem>> -> memref<250xi32, #tpu.memory_space<vmem>>
        %dma_wait3A_541 = arith.constant 0 : i32
        %dma_wait3A_542 = tpu.memref_slice %arg2[%mul3A_6, %dma_wait3A_541] : memref<12800x250xi32, #tpu.memory_space<hbm>> -> memref<1x250xi32, #tpu.memory_space<hbm>>
        %dma_wait3A_543 = tpu.memref_squeeze %dma_wait3A_542 : memref<1x250xi32, #tpu.memory_space<hbm>> -> memref<250xi32, #tpu.memory_space<hbm>>
        tpu.wait_dma2 semaphore(%arg10 : memref<!tpu.dma_semaphore, #tpu.memory_space<semaphore_mem>>) src(%dma_wait3A_543 : memref<250xi32, #tpu.memory_space<hbm>>) dst(%dma_wait3A_540 : memref<250xi32, #tpu.memory_space<vmem>>)
        %dma_wait3A_544 = arith.constant 0 : i32
        %dma_wait3A_545 = arith.constant 1 : i32
        %dma_wait3A_546 = arith.constant 0 : i32
        %dma_wait3A_547 = tpu.memref_slice %arg7[%dma_wait3A_544, %dma_wait3A_545, %dma_wait3A_546] : memref<4x2x250xi32, #tpu.memory_space<vmem>> -> memref<1x1x250xi32, #tpu.memory_space<vmem>>
        %dma_wait3A_548 = tpu.memref_squeeze %dma_wait3A_547 : memref<1x1x250xi32, #tpu.memory_space<vmem>> -> memref<250xi32, #tpu.memory_space<vmem>>
        %dma_wait3A_549 = arith.constant 0 : i32
        %dma_wait3A_550 = tpu.memref_slice %arg3[%mul3A_6, %dma_wait3A_549] : memref<12800x250xi32, #tpu.memory_space<hbm>> -> memref<1x250xi32, #tpu.memory_space<hbm>>
        %dma_wait3A_551 = tpu.memref_squeeze %dma_wait3A_550 : memref<1x250xi32, #tpu.memory_space<hbm>> -> memref<250xi32, #tpu.memory_space<hbm>>
        %dma_wait3A_552 = arith.constant 0 : i32
        %dma_wait3A_553 = tpu.memref_slice %arg7[%dma_wait3A_544, %dma_wait3A_545, %dma_wait3A_552] : memref<4x2x250xi32, #tpu.memory_space<vmem>> -> memref<1x1x250xi32, #tpu.memory_space<vmem>>
        %dma_wait3A_554 = tpu.memref_squeeze %dma_wait3A_553 : memref<1x1x250xi32, #tpu.memory_space<vmem>> -> memref<250xi32, #tpu.memory_space<vmem>>
        %dma_wait3A_555 = arith.constant 0 : i32
        %dma_wait3A_556 = tpu.memref_slice %arg3[%mul3A_6, %dma_wait3A_555] : memref<12800x250xi32, #tpu.memory_space<hbm>> -> memref<1x250xi32, #tpu.memory_space<hbm>>
        %dma_wait3A_557 = tpu.memref_squeeze %dma_wait3A_556 : memref<1x250xi32, #tpu.memory_space<hbm>> -> memref<250xi32, #tpu.memory_space<hbm>>
        tpu.wait_dma2 semaphore(%arg10 : memref<!tpu.dma_semaphore, #tpu.memory_space<semaphore_mem>>) src(%dma_wait3A_557 : memref<250xi32, #tpu.memory_space<hbm>>) dst(%dma_wait3A_554 : memref<250xi32, #tpu.memory_space<vmem>>)
        %dma_start3A_558 = arith.constant 0 : i32
        %dma_start3A_559 = arith.constant 0 : i32
        %dma_start3A_560 = arith.constant 0 : i32
        %dma_start3A_561 = arith.constant 0 : i32
        %dma_start3A_562 = arith.constant 0 : i32
        %dma_start3A_563 = tpu.memref_slice %arg8[%dma_start3A_560, %dma_start3A_561, %dma_start3A_562] : memref<4x250x16xf32, #tpu.memory_space<vmem>> -> memref<1x250x16xf32, #tpu.memory_space<vmem>>
        %dma_start3A_564 = tpu.memref_squeeze %dma_start3A_563 : memref<1x250x16xf32, #tpu.memory_space<vmem>> -> memref<250x16xf32, #tpu.memory_space<vmem>>
        %dma_start3A_565 = arith.constant 0 : i32
        %dma_start3A_566 = tpu.memref_slice %arg7[%dma_start3A_558, %dma_start3A_559, %dma_start3A_565] : memref<4x2x250xi32, #tpu.memory_space<vmem>> -> memref<1x1x250xi32, #tpu.memory_space<vmem>>
        %dma_start3A_567 = tpu.memref_squeeze %dma_start3A_566 : memref<1x1x250xi32, #tpu.memory_space<vmem>> -> memref<250xi32, #tpu.memory_space<vmem>>
        %dma_start3A_568 = arith.constant 0 : i32
        %dma_start3A_569 = arith.constant 0 : i32
        %dma_start3A_570 = tpu.memref_slice %arg4[%scan3A_115, %dma_start3A_568, %dma_start3A_569] : memref<1x100096x16xf32, #tpu.memory_space<hbm>> -> memref<1x100096x16xf32, #tpu.memory_space<hbm>>
        %dma_start3A_571 = tpu.memref_squeeze %dma_start3A_570 : memref<1x100096x16xf32, #tpu.memory_space<hbm>> -> memref<100096x16xf32, #tpu.memory_space<hbm>>
        %dma_start3A_572 = arith.constant 0 : i32
        %dma_start3A_573 = arith.constant 0 : i32
        %dma_start3A_574 = tpu.memref_slice %dma_start3A_571[%dma_start3A_572, %dma_start3A_573] : memref<100096x16xf32, #tpu.memory_space<hbm>> -> memref<100096x16xf32, #tpu.memory_space<hbm>>
        tpu.enqueue_indirect_dma source(%dma_start3A_574 : memref<100096x16xf32, #tpu.memory_space<hbm>>) target(%dma_start3A_564 : memref<250x16xf32, #tpu.memory_space<vmem>>) offsets(%dma_start3A_567 : memref<250xi32, #tpu.memory_space<vmem>>) semaphore(%arg11 : memref<!tpu.dma_semaphore, #tpu.memory_space<semaphore_mem>>)
        %add3A_575 = arith.constant 2 : i32
        %add3A_576 = arith.addi %add3A_481, %add3A_575 : i32
        %add3A_577 = arith.addi %mul3A_6, %add3A_576 : i32
        %dma_start3A_578 = arith.constant 1 : i32
        %dma_start3A_579 = arith.constant 0 : i32
        %dma_start3A_580 = arith.constant 0 : i32
        %dma_start3A_581 = tpu.memref_slice %arg7[%dma_start3A_578, %dma_start3A_579, %dma_start3A_580] : memref<4x2x250xi32, #tpu.memory_space<vmem>> -> memref<1x1x250xi32, #tpu.memory_space<vmem>>
        %dma_start3A_582 = tpu.memref_squeeze %dma_start3A_581 : memref<1x1x250xi32, #tpu.memory_space<vmem>> -> memref<250xi32, #tpu.memory_space<vmem>>
        %dma_start3A_583 = arith.constant 0 : i32
        %dma_start3A_584 = tpu.memref_slice %arg2[%add3A_577, %dma_start3A_583] : memref<12800x250xi32, #tpu.memory_space<hbm>> -> memref<1x250xi32, #tpu.memory_space<hbm>>
        %dma_start3A_585 = tpu.memref_squeeze %dma_start3A_584 : memref<1x250xi32, #tpu.memory_space<hbm>> -> memref<250xi32, #tpu.memory_space<hbm>>
        %dma_start3A_586 = arith.constant 0 : i32
        %dma_start3A_587 = tpu.memref_slice %arg7[%dma_start3A_578, %dma_start3A_579, %dma_start3A_586] : memref<4x2x250xi32, #tpu.memory_space<vmem>> -> memref<1x1x250xi32, #tpu.memory_space<vmem>>
        %dma_start3A_588 = tpu.memref_squeeze %dma_start3A_587 : memref<1x1x250xi32, #tpu.memory_space<vmem>> -> memref<250xi32, #tpu.memory_space<vmem>>
        %dma_start3A_589 = arith.constant 0 : i32
        %dma_start3A_590 = tpu.memref_slice %arg2[%add3A_577, %dma_start3A_589] : memref<12800x250xi32, #tpu.memory_space<hbm>> -> memref<1x250xi32, #tpu.memory_space<hbm>>
        %dma_start3A_591 = tpu.memref_squeeze %dma_start3A_590 : memref<1x250xi32, #tpu.memory_space<hbm>> -> memref<250xi32, #tpu.memory_space<hbm>>
        tpu.enqueue_dma source(%dma_start3A_591 : memref<250xi32, #tpu.memory_space<hbm>>) target(%dma_start3A_588 : memref<250xi32, #tpu.memory_space<vmem>>) target_semaphore(%arg10 : memref<!tpu.dma_semaphore, #tpu.memory_space<semaphore_mem>>)
        %add3A_592 = arith.addi %mul3A_6, %add3A_576 : i32
        %dma_start3A_593 = arith.constant 1 : i32
        %dma_start3A_594 = arith.constant 1 : i32
        %dma_start3A_595 = arith.constant 0 : i32
        %dma_start3A_596 = tpu.memref_slice %arg7[%dma_start3A_593, %dma_start3A_594, %dma_start3A_595] : memref<4x2x250xi32, #tpu.memory_space<vmem>> -> memref<1x1x250xi32, #tpu.memory_space<vmem>>
        %dma_start3A_597 = tpu.memref_squeeze %dma_start3A_596 : memref<1x1x250xi32, #tpu.memory_space<vmem>> -> memref<250xi32, #tpu.memory_space<vmem>>
        %dma_start3A_598 = arith.constant 0 : i32
        %dma_start3A_599 = tpu.memref_slice %arg3[%add3A_592, %dma_start3A_598] : memref<12800x250xi32, #tpu.memory_space<hbm>> -> memref<1x250xi32, #tpu.memory_space<hbm>>
        %dma_start3A_600 = tpu.memref_squeeze %dma_start3A_599 : memref<1x250xi32, #tpu.memory_space<hbm>> -> memref<250xi32, #tpu.memory_space<hbm>>
        %dma_start3A_601 = arith.constant 0 : i32
        %dma_start3A_602 = tpu.memref_slice %arg7[%dma_start3A_593, %dma_start3A_594, %dma_start3A_601] : memref<4x2x250xi32, #tpu.memory_space<vmem>> -> memref<1x1x250xi32, #tpu.memory_space<vmem>>
        %dma_start3A_603 = tpu.memref_squeeze %dma_start3A_602 : memref<1x1x250xi32, #tpu.memory_space<vmem>> -> memref<250xi32, #tpu.memory_space<vmem>>
        %dma_start3A_604 = arith.constant 0 : i32
        %dma_start3A_605 = tpu.memref_slice %arg3[%add3A_592, %dma_start3A_604] : memref<12800x250xi32, #tpu.memory_space<hbm>> -> memref<1x250xi32, #tpu.memory_space<hbm>>
        %dma_start3A_606 = tpu.memref_squeeze %dma_start3A_605 : memref<1x250xi32, #tpu.memory_space<hbm>> -> memref<250xi32, #tpu.memory_space<hbm>>
        tpu.enqueue_dma source(%dma_start3A_606 : memref<250xi32, #tpu.memory_space<hbm>>) target(%dma_start3A_603 : memref<250xi32, #tpu.memory_space<vmem>>) target_semaphore(%arg10 : memref<!tpu.dma_semaphore, #tpu.memory_space<semaphore_mem>>)
      } else {
      }
      %dma_wait3A_500 = arith.constant 3 : i32
      %dma_wait3A_501 = arith.constant 0 : i32
      %dma_wait3A_502 = arith.constant 3 : i32
      %dma_wait3A_503 = arith.constant 0 : i32
      %dma_wait3A_504 = arith.constant 0 : i32
      %dma_wait3A_505 = tpu.memref_slice %arg8[%dma_wait3A_502, %dma_wait3A_503, %dma_wait3A_504] : memref<4x250x16xf32, #tpu.memory_space<vmem>> -> memref<1x250x16xf32, #tpu.memory_space<vmem>>
      %dma_wait3A_506 = tpu.memref_squeeze %dma_wait3A_505 : memref<1x250x16xf32, #tpu.memory_space<vmem>> -> memref<250x16xf32, #tpu.memory_space<vmem>>
      %dma_wait3A_507 = arith.constant 0 : i32
      %dma_wait3A_508 = tpu.memref_slice %arg7[%dma_wait3A_500, %dma_wait3A_501, %dma_wait3A_507] : memref<4x2x250xi32, #tpu.memory_space<vmem>> -> memref<1x1x250xi32, #tpu.memory_space<vmem>>
      %dma_wait3A_509 = tpu.memref_squeeze %dma_wait3A_508 : memref<1x1x250xi32, #tpu.memory_space<vmem>> -> memref<250xi32, #tpu.memory_space<vmem>>
      %dma_wait3A_510 = arith.constant 0 : i32
      %dma_wait3A_511 = arith.constant 0 : i32
      %dma_wait3A_512 = tpu.memref_slice %arg4[%scan3A_115, %dma_wait3A_510, %dma_wait3A_511] : memref<1x100096x16xf32, #tpu.memory_space<hbm>> -> memref<1x100096x16xf32, #tpu.memory_space<hbm>>
      %dma_wait3A_513 = tpu.memref_squeeze %dma_wait3A_512 : memref<1x100096x16xf32, #tpu.memory_space<hbm>> -> memref<100096x16xf32, #tpu.memory_space<hbm>>
      %dma_wait3A_514 = arith.constant 0 : i32
      %dma_wait3A_515 = arith.constant 0 : i32
      %dma_wait3A_516 = tpu.memref_slice %dma_wait3A_513[%dma_wait3A_514, %dma_wait3A_515] : memref<100096x16xf32, #tpu.memory_space<hbm>> -> memref<100096x16xf32, #tpu.memory_space<hbm>>
      tpu.wait_indirect_dma semaphore(%arg11 : memref<!tpu.dma_semaphore, #tpu.memory_space<semaphore_mem>>) src(%dma_wait3A_516 : memref<100096x16xf32, #tpu.memory_space<hbm>>) dst(%dma_wait3A_506 : memref<250x16xf32, #tpu.memory_space<vmem>>)
      %dma_start3A_517 = arith.constant 3 : i32
      %dma_start3A_518 = arith.constant 3 : i32
      %dma_start3A_519 = arith.constant 1 : i32
      %dma_start3A_520 = arith.constant 0 : i32
      %dma_start3A_521 = arith.constant 0 : i32
      %dma_start3A_522 = tpu.memref_slice %arg8[%dma_start3A_517, %dma_start3A_520, %dma_start3A_521] : memref<4x250x16xf32, #tpu.memory_space<vmem>> -> memref<1x250x16xf32, #tpu.memory_space<vmem>>
      %dma_start3A_523 = tpu.memref_squeeze %dma_start3A_522 : memref<1x250x16xf32, #tpu.memory_space<vmem>> -> memref<250x16xf32, #tpu.memory_space<vmem>>
      %dma_start3A_524 = arith.constant 0 : i32
      %dma_start3A_525 = tpu.memref_slice %arg7[%dma_start3A_518, %dma_start3A_519, %dma_start3A_524] : memref<4x2x250xi32, #tpu.memory_space<vmem>> -> memref<1x1x250xi32, #tpu.memory_space<vmem>>
      %dma_start3A_526 = tpu.memref_squeeze %dma_start3A_525 : memref<1x1x250xi32, #tpu.memory_space<vmem>> -> memref<250xi32, #tpu.memory_space<vmem>>
      %dma_start3A_527 = arith.constant 0 : i32
      %dma_start3A_528 = arith.constant 0 : i32
      %dma_start3A_529 = tpu.memref_slice %arg9[%dma_start3A_527, %dma_start3A_528] : memref<100096x16xf32, #tpu.memory_space<vmem_shared>> -> memref<100096x16xf32, #tpu.memory_space<vmem_shared>>
      tpu.enqueue_indirect_dma source(%dma_start3A_523 : memref<250x16xf32, #tpu.memory_space<vmem>>) target(%dma_start3A_529 : memref<100096x16xf32, #tpu.memory_space<vmem_shared>>) offsets(%dma_start3A_526 : memref<250xi32, #tpu.memory_space<vmem>>) semaphore(%arg12 : memref<!tpu.dma_semaphore, #tpu.memory_space<semaphore_mem>>) {add = true}
    }
    %scan3A_120 = arith.constant 100 : i32
    %dma_wait3A_121 = arith.constant 2 : i32
    %dma_wait3A_122 = arith.constant 2 : i32
    %dma_wait3A_123 = arith.constant 1 : i32
    %dma_wait3A_124 = arith.constant 0 : i32
    %dma_wait3A_125 = arith.constant 0 : i32
    %dma_wait3A_126 = tpu.memref_slice %arg8[%dma_wait3A_121, %dma_wait3A_124, %dma_wait3A_125] : memref<4x250x16xf32, #tpu.memory_space<vmem>> -> memref<1x250x16xf32, #tpu.memory_space<vmem>>
    %dma_wait3A_127 = tpu.memref_squeeze %dma_wait3A_126 : memref<1x250x16xf32, #tpu.memory_space<vmem>> -> memref<250x16xf32, #tpu.memory_space<vmem>>
    %dma_wait3A_128 = arith.constant 0 : i32
    %dma_wait3A_129 = tpu.memref_slice %arg7[%dma_wait3A_122, %dma_wait3A_123, %dma_wait3A_128] : memref<4x2x250xi32, #tpu.memory_space<vmem>> -> memref<1x1x250xi32, #tpu.memory_space<vmem>>
    %dma_wait3A_130 = tpu.memref_squeeze %dma_wait3A_129 : memref<1x1x250xi32, #tpu.memory_space<vmem>> -> memref<250xi32, #tpu.memory_space<vmem>>
    %dma_wait3A_131 = arith.constant 0 : i32
    %dma_wait3A_132 = arith.constant 0 : i32
    %dma_wait3A_133 = tpu.memref_slice %arg9[%dma_wait3A_131, %dma_wait3A_132] : memref<100096x16xf32, #tpu.memory_space<vmem_shared>> -> memref<100096x16xf32, #tpu.memory_space<vmem_shared>>
    tpu.wait_indirect_dma semaphore(%arg12 : memref<!tpu.dma_semaphore, #tpu.memory_space<semaphore_mem>>) src(%dma_wait3A_127 : memref<250x16xf32, #tpu.memory_space<vmem>>) dst(%dma_wait3A_133 : memref<100096x16xf32, #tpu.memory_space<vmem_shared>>)
    %dma_wait3A_134 = arith.constant 3 : i32
    %dma_wait3A_135 = arith.constant 3 : i32
    %dma_wait3A_136 = arith.constant 1 : i32
    %dma_wait3A_137 = arith.constant 0 : i32
    %dma_wait3A_138 = arith.constant 0 : i32
    %dma_wait3A_139 = tpu.memref_slice %arg8[%dma_wait3A_134, %dma_wait3A_137, %dma_wait3A_138] : memref<4x250x16xf32, #tpu.memory_space<vmem>> -> memref<1x250x16xf32, #tpu.memory_space<vmem>>
    %dma_wait3A_140 = tpu.memref_squeeze %dma_wait3A_139 : memref<1x250x16xf32, #tpu.memory_space<vmem>> -> memref<250x16xf32, #tpu.memory_space<vmem>>
    %dma_wait3A_141 = arith.constant 0 : i32
    %dma_wait3A_142 = tpu.memref_slice %arg7[%dma_wait3A_135, %dma_wait3A_136, %dma_wait3A_141] : memref<4x2x250xi32, #tpu.memory_space<vmem>> -> memref<1x1x250xi32, #tpu.memory_space<vmem>>
    %dma_wait3A_143 = tpu.memref_squeeze %dma_wait3A_142 : memref<1x1x250xi32, #tpu.memory_space<vmem>> -> memref<250xi32, #tpu.memory_space<vmem>>
    %dma_wait3A_144 = arith.constant 0 : i32
    %dma_wait3A_145 = arith.constant 0 : i32
    %dma_wait3A_146 = tpu.memref_slice %arg9[%dma_wait3A_144, %dma_wait3A_145] : memref<100096x16xf32, #tpu.memory_space<vmem_shared>> -> memref<100096x16xf32, #tpu.memory_space<vmem_shared>>
    tpu.wait_indirect_dma semaphore(%arg12 : memref<!tpu.dma_semaphore, #tpu.memory_space<semaphore_mem>>) src(%dma_wait3A_140 : memref<250x16xf32, #tpu.memory_space<vmem>>) dst(%dma_wait3A_146 : memref<100096x16xf32, #tpu.memory_space<vmem_shared>>)
    %barrier3A_147 = arith.constant 0 : index
    tpu.barrier barrier_id(%barrier3A_147)
    %mul3A_148 = arith.constant 6256 : i32
    %mul3A_149 = arith.muli %arg1, %mul3A_148 : i32
    %mul3A_150 = arith.constant 6256 : i32
    %mul3A_151 = arith.muli %arg1, %mul3A_150 : i32
    "tpu.region"() ({
      %run_scoped3A = tpu.sem_alloc : memref<!tpu.dma_semaphore, #tpu.memory_space<semaphore_mem>>
      %dma_start3A_152 = arith.constant 0 : i32
      %dma_start3A_153 = arith.constant 0 : i32
      %dma_start3A_154 = tpu.memref_slice %arg6[%arg0, %dma_start3A_152, %dma_start3A_153] : memref<2x100096x16xf32, #tpu.memory_space<hbm>> -> memref<1x100096x16xf32, #tpu.memory_space<hbm>>
      %dma_start3A_155 = tpu.memref_squeeze %dma_start3A_154 : memref<1x100096x16xf32, #tpu.memory_space<hbm>> -> memref<100096x16xf32, #tpu.memory_space<hbm>>
      %dma_start3A_156 = arith.constant 0 : i32
      %dma_start3A_157 = tpu.memref_slice %dma_start3A_155[%mul3A_151, %dma_start3A_156] : memref<100096x16xf32, #tpu.memory_space<hbm>> -> memref<6256x16xf32, #tpu.memory_space<hbm>>
      %dma_start3A_158 = arith.constant 0 : i32
      %dma_start3A_159 = tpu.memref_slice %arg9[%mul3A_149, %dma_start3A_158] : memref<100096x16xf32, #tpu.memory_space<vmem_shared>> -> memref<6256x16xf32, #tpu.memory_space<vmem_shared>>
      tpu.enqueue_dma source(%dma_start3A_159 : memref<6256x16xf32, #tpu.memory_space<vmem_shared>>) target(%dma_start3A_157 : memref<6256x16xf32, #tpu.memory_space<hbm>>) target_semaphore(%run_scoped3A : memref<!tpu.dma_semaphore, #tpu.memory_space<semaphore_mem>>)
      %dma_wait3A_160 = arith.constant 0 : i32
      %dma_wait3A_161 = arith.constant 0 : i32
      %dma_wait3A_162 = tpu.memref_slice %arg6[%arg0, %dma_wait3A_160, %dma_wait3A_161] : memref<2x100096x16xf32, #tpu.memory_space<hbm>> -> memref<1x100096x16xf32, #tpu.memory_space<hbm>>
      %dma_wait3A_163 = tpu.memref_squeeze %dma_wait3A_162 : memref<1x100096x16xf32, #tpu.memory_space<hbm>> -> memref<100096x16xf32, #tpu.memory_space<hbm>>
      %dma_wait3A_164 = arith.constant 0 : i32
      %dma_wait3A_165 = tpu.memref_slice %dma_wait3A_163[%mul3A_151, %dma_wait3A_164] : memref<100096x16xf32, #tpu.memory_space<hbm>> -> memref<6256x16xf32, #tpu.memory_space<hbm>>
      %dma_wait3A_166 = arith.constant 0 : i32
      %dma_wait3A_167 = tpu.memref_slice %arg9[%mul3A_149, %dma_wait3A_166] : memref<100096x16xf32, #tpu.memory_space<vmem_shared>> -> memref<6256x16xf32, #tpu.memory_space<vmem_shared>>
      tpu.wait_dma2 semaphore(%run_scoped3A : memref<!tpu.dma_semaphore, #tpu.memory_space<semaphore_mem>>) src(%dma_wait3A_167 : memref<6256x16xf32, #tpu.memory_space<vmem_shared>>) dst(%dma_wait3A_165 : memref<6256x16xf32, #tpu.memory_space<hbm>>)
      tpu.yield
    }) : () -> ()
    return
  }
}

#map = affine_map<(d0, d1) -> (0, 0)>
#map1 = affine_map<(d0, d1) -> (0, 0, 0)>
module attributes {stable_mosaic.version = 14 : i64} {
  func.func @edge_kernel(%arg0: i32, %arg1: i32, %arg2: memref<12800x250xi32, #tpu.memory_space<hbm>>, %arg3: memref<12800x250xi32, #tpu.memory_space<hbm>>, %arg4: memref<2x100096x16xf32, #tpu.memory_space<hbm>>, %arg5: memref<100096x16xf32, #tpu.memory_space<hbm>>, %arg6: memref<2x100096x16xf32, #tpu.memory_space<hbm>>, %arg7: memref<4x2x250xi32, #tpu.memory_space<vmem>>, %arg8: memref<4x250x16xf32, #tpu.memory_space<vmem>>, %arg9: memref<100096x16xf32, #tpu.memory_space<vmem_shared>>, %arg10: memref<!tpu.dma_semaphore, #tpu.memory_space<semaphore_mem>>, %arg11: memref<!tpu.dma_semaphore, #tpu.memory_space<semaphore_mem>>, %arg12: memref<!tpu.dma_semaphore, #tpu.memory_space<semaphore_mem>>) attributes {dimension_semantics = [#tpu.dimension_semantics<core_parallel>, #tpu.dimension_semantics<subcore_parallel>], iteration_bounds = array<i64: 2, 16>, scalar_prefetch = 0 : i64, scratch_operands = 6 : i64, tpu.core_type = #tpu.core_type<sc_vector_subcore>, window_params = [{transform_indices = #map}, {transform_indices = #map}, {transform_indices = #map1}, {transform_indices = #map}, {transform_indices = #map1}]} {
    %mul3A = arith.constant 6256 : i32
    %mul3A_0 = arith.muli %arg1, %mul3A : i32
    %mul3A_1 = arith.constant 6256 : i32
    %mul3A_2 = arith.muli %arg1, %mul3A_1 : i32
    "tpu.region"() ({
      %run_scoped3A = tpu.sem_alloc : memref<!tpu.dma_semaphore, #tpu.memory_space<semaphore_mem>>
      %dma_start3A_147 = arith.constant 0 : i32
      %dma_start3A_148 = tpu.memref_slice %arg9[%mul3A_2, %dma_start3A_147] : memref<100096x16xf32, #tpu.memory_space<vmem_shared>> -> memref<6256x16xf32, #tpu.memory_space<vmem_shared>>
      %dma_start3A_149 = arith.constant 0 : i32
      %dma_start3A_150 = tpu.memref_slice %arg5[%mul3A_0, %dma_start3A_149] : memref<100096x16xf32, #tpu.memory_space<hbm>> -> memref<6256x16xf32, #tpu.memory_space<hbm>>
      tpu.enqueue_dma source(%dma_start3A_150 : memref<6256x16xf32, #tpu.memory_space<hbm>>) target(%dma_start3A_148 : memref<6256x16xf32, #tpu.memory_space<vmem_shared>>) target_semaphore(%run_scoped3A : memref<!tpu.dma_semaphore, #tpu.memory_space<semaphore_mem>>)
      %dma_wait3A_151 = arith.constant 0 : i32
      %dma_wait3A_152 = tpu.memref_slice %arg9[%mul3A_2, %dma_wait3A_151] : memref<100096x16xf32, #tpu.memory_space<vmem_shared>> -> memref<6256x16xf32, #tpu.memory_space<vmem_shared>>
      %dma_wait3A_153 = arith.constant 0 : i32
      %dma_wait3A_154 = tpu.memref_slice %arg5[%mul3A_0, %dma_wait3A_153] : memref<100096x16xf32, #tpu.memory_space<hbm>> -> memref<6256x16xf32, #tpu.memory_space<hbm>>
      tpu.wait_dma2 semaphore(%run_scoped3A : memref<!tpu.dma_semaphore, #tpu.memory_space<semaphore_mem>>) src(%dma_wait3A_154 : memref<6256x16xf32, #tpu.memory_space<hbm>>) dst(%dma_wait3A_152 : memref<6256x16xf32, #tpu.memory_space<vmem_shared>>)
      tpu.yield
    }) : () -> ()
    %barrier3A = arith.constant 0 : index
    tpu.barrier barrier_id(%barrier3A)
    %mul3A_3 = arith.constant 800 : i32
    %mul3A_4 = arith.muli %arg1, %mul3A_3 : i32
    %add3A = arith.constant 0 : i32
    %add3A_5 = arith.addi %mul3A_4, %add3A : i32
    %dma_start3A = arith.constant 0 : i32
    %dma_start3A_6 = arith.constant 0 : i32
    %dma_start3A_7 = arith.constant 0 : i32
    %dma_start3A_8 = tpu.memref_slice %arg7[%dma_start3A, %dma_start3A_6, %dma_start3A_7] : memref<4x2x250xi32, #tpu.memory_space<vmem>> -> memref<1x1x250xi32, #tpu.memory_space<vmem>>
    %dma_start3A_9 = tpu.memref_squeeze %dma_start3A_8 : memref<1x1x250xi32, #tpu.memory_space<vmem>> -> memref<250xi32, #tpu.memory_space<vmem>>
    %dma_start3A_10 = arith.constant 0 : i32
    %dma_start3A_11 = tpu.memref_slice %arg2[%add3A_5, %dma_start3A_10] : memref<12800x250xi32, #tpu.memory_space<hbm>> -> memref<1x250xi32, #tpu.memory_space<hbm>>
    %dma_start3A_12 = tpu.memref_squeeze %dma_start3A_11 : memref<1x250xi32, #tpu.memory_space<hbm>> -> memref<250xi32, #tpu.memory_space<hbm>>
    %dma_start3A_13 = arith.constant 0 : i32
    %dma_start3A_14 = tpu.memref_slice %arg7[%dma_start3A, %dma_start3A_6, %dma_start3A_13] : memref<4x2x250xi32, #tpu.memory_space<vmem>> -> memref<1x1x250xi32, #tpu.memory_space<vmem>>
    %dma_start3A_15 = tpu.memref_squeeze %dma_start3A_14 : memref<1x1x250xi32, #tpu.memory_space<vmem>> -> memref<250xi32, #tpu.memory_space<vmem>>
    %dma_start3A_16 = arith.constant 0 : i32
    %dma_start3A_17 = tpu.memref_slice %arg2[%add3A_5, %dma_start3A_16] : memref<12800x250xi32, #tpu.memory_space<hbm>> -> memref<1x250xi32, #tpu.memory_space<hbm>>
    %dma_start3A_18 = tpu.memref_squeeze %dma_start3A_17 : memref<1x250xi32, #tpu.memory_space<hbm>> -> memref<250xi32, #tpu.memory_space<hbm>>
    tpu.enqueue_dma source(%dma_start3A_18 : memref<250xi32, #tpu.memory_space<hbm>>) target(%dma_start3A_15 : memref<250xi32, #tpu.memory_space<vmem>>) target_semaphore(%arg10 : memref<!tpu.dma_semaphore, #tpu.memory_space<semaphore_mem>>)
    %add3A_19 = arith.constant 0 : i32
    %add3A_20 = arith.addi %mul3A_4, %add3A_19 : i32
    %dma_start3A_21 = arith.constant 0 : i32
    %dma_start3A_22 = arith.constant 1 : i32
    %dma_start3A_23 = arith.constant 0 : i32
    %dma_start3A_24 = tpu.memref_slice %arg7[%dma_start3A_21, %dma_start3A_22, %dma_start3A_23] : memref<4x2x250xi32, #tpu.memory_space<vmem>> -> memref<1x1x250xi32, #tpu.memory_space<vmem>>
    %dma_start3A_25 = tpu.memref_squeeze %dma_start3A_24 : memref<1x1x250xi32, #tpu.memory_space<vmem>> -> memref<250xi32, #tpu.memory_space<vmem>>
    %dma_start3A_26 = arith.constant 0 : i32
    %dma_start3A_27 = tpu.memref_slice %arg3[%add3A_20, %dma_start3A_26] : memref<12800x250xi32, #tpu.memory_space<hbm>> -> memref<1x250xi32, #tpu.memory_space<hbm>>
    %dma_start3A_28 = tpu.memref_squeeze %dma_start3A_27 : memref<1x250xi32, #tpu.memory_space<hbm>> -> memref<250xi32, #tpu.memory_space<hbm>>
    %dma_start3A_29 = arith.constant 0 : i32
    %dma_start3A_30 = tpu.memref_slice %arg7[%dma_start3A_21, %dma_start3A_22, %dma_start3A_29] : memref<4x2x250xi32, #tpu.memory_space<vmem>> -> memref<1x1x250xi32, #tpu.memory_space<vmem>>
    %dma_start3A_31 = tpu.memref_squeeze %dma_start3A_30 : memref<1x1x250xi32, #tpu.memory_space<vmem>> -> memref<250xi32, #tpu.memory_space<vmem>>
    %dma_start3A_32 = arith.constant 0 : i32
    %dma_start3A_33 = tpu.memref_slice %arg3[%add3A_20, %dma_start3A_32] : memref<12800x250xi32, #tpu.memory_space<hbm>> -> memref<1x250xi32, #tpu.memory_space<hbm>>
    %dma_start3A_34 = tpu.memref_squeeze %dma_start3A_33 : memref<1x250xi32, #tpu.memory_space<hbm>> -> memref<250xi32, #tpu.memory_space<hbm>>
    tpu.enqueue_dma source(%dma_start3A_34 : memref<250xi32, #tpu.memory_space<hbm>>) target(%dma_start3A_31 : memref<250xi32, #tpu.memory_space<vmem>>) target_semaphore(%arg10 : memref<!tpu.dma_semaphore, #tpu.memory_space<semaphore_mem>>)
    %add3A_35 = arith.constant 1 : i32
    %add3A_36 = arith.addi %mul3A_4, %add3A_35 : i32
    %dma_start3A_37 = arith.constant 1 : i32
    %dma_start3A_38 = arith.constant 0 : i32
    %dma_start3A_39 = arith.constant 0 : i32
    %dma_start3A_40 = tpu.memref_slice %arg7[%dma_start3A_37, %dma_start3A_38, %dma_start3A_39] : memref<4x2x250xi32, #tpu.memory_space<vmem>> -> memref<1x1x250xi32, #tpu.memory_space<vmem>>
    %dma_start3A_41 = tpu.memref_squeeze %dma_start3A_40 : memref<1x1x250xi32, #tpu.memory_space<vmem>> -> memref<250xi32, #tpu.memory_space<vmem>>
    %dma_start3A_42 = arith.constant 0 : i32
    %dma_start3A_43 = tpu.memref_slice %arg2[%add3A_36, %dma_start3A_42] : memref<12800x250xi32, #tpu.memory_space<hbm>> -> memref<1x250xi32, #tpu.memory_space<hbm>>
    %dma_start3A_44 = tpu.memref_squeeze %dma_start3A_43 : memref<1x250xi32, #tpu.memory_space<hbm>> -> memref<250xi32, #tpu.memory_space<hbm>>
    %dma_start3A_45 = arith.constant 0 : i32
    %dma_start3A_46 = tpu.memref_slice %arg7[%dma_start3A_37, %dma_start3A_38, %dma_start3A_45] : memref<4x2x250xi32, #tpu.memory_space<vmem>> -> memref<1x1x250xi32, #tpu.memory_space<vmem>>
    %dma_start3A_47 = tpu.memref_squeeze %dma_start3A_46 : memref<1x1x250xi32, #tpu.memory_space<vmem>> -> memref<250xi32, #tpu.memory_space<vmem>>
    %dma_start3A_48 = arith.constant 0 : i32
    %dma_start3A_49 = tpu.memref_slice %arg2[%add3A_36, %dma_start3A_48] : memref<12800x250xi32, #tpu.memory_space<hbm>> -> memref<1x250xi32, #tpu.memory_space<hbm>>
    %dma_start3A_50 = tpu.memref_squeeze %dma_start3A_49 : memref<1x250xi32, #tpu.memory_space<hbm>> -> memref<250xi32, #tpu.memory_space<hbm>>
    tpu.enqueue_dma source(%dma_start3A_50 : memref<250xi32, #tpu.memory_space<hbm>>) target(%dma_start3A_47 : memref<250xi32, #tpu.memory_space<vmem>>) target_semaphore(%arg10 : memref<!tpu.dma_semaphore, #tpu.memory_space<semaphore_mem>>)
    %add3A_51 = arith.constant 1 : i32
    %add3A_52 = arith.addi %mul3A_4, %add3A_51 : i32
    %dma_start3A_53 = arith.constant 1 : i32
    %dma_start3A_54 = arith.constant 1 : i32
    %dma_start3A_55 = arith.constant 0 : i32
    %dma_start3A_56 = tpu.memref_slice %arg7[%dma_start3A_53, %dma_start3A_54, %dma_start3A_55] : memref<4x2x250xi32, #tpu.memory_space<vmem>> -> memref<1x1x250xi32, #tpu.memory_space<vmem>>
    %dma_start3A_57 = tpu.memref_squeeze %dma_start3A_56 : memref<1x1x250xi32, #tpu.memory_space<vmem>> -> memref<250xi32, #tpu.memory_space<vmem>>
    %dma_start3A_58 = arith.constant 0 : i32
    %dma_start3A_59 = tpu.memref_slice %arg3[%add3A_52, %dma_start3A_58] : memref<12800x250xi32, #tpu.memory_space<hbm>> -> memref<1x250xi32, #tpu.memory_space<hbm>>
    %dma_start3A_60 = tpu.memref_squeeze %dma_start3A_59 : memref<1x250xi32, #tpu.memory_space<hbm>> -> memref<250xi32, #tpu.memory_space<hbm>>
    %dma_start3A_61 = arith.constant 0 : i32
    %dma_start3A_62 = tpu.memref_slice %arg7[%dma_start3A_53, %dma_start3A_54, %dma_start3A_61] : memref<4x2x250xi32, #tpu.memory_space<vmem>> -> memref<1x1x250xi32, #tpu.memory_space<vmem>>
    %dma_start3A_63 = tpu.memref_squeeze %dma_start3A_62 : memref<1x1x250xi32, #tpu.memory_space<vmem>> -> memref<250xi32, #tpu.memory_space<vmem>>
    %dma_start3A_64 = arith.constant 0 : i32
    %dma_start3A_65 = tpu.memref_slice %arg3[%add3A_52, %dma_start3A_64] : memref<12800x250xi32, #tpu.memory_space<hbm>> -> memref<1x250xi32, #tpu.memory_space<hbm>>
    %dma_start3A_66 = tpu.memref_squeeze %dma_start3A_65 : memref<1x250xi32, #tpu.memory_space<hbm>> -> memref<250xi32, #tpu.memory_space<hbm>>
    tpu.enqueue_dma source(%dma_start3A_66 : memref<250xi32, #tpu.memory_space<hbm>>) target(%dma_start3A_63 : memref<250xi32, #tpu.memory_space<vmem>>) target_semaphore(%arg10 : memref<!tpu.dma_semaphore, #tpu.memory_space<semaphore_mem>>)
    %dma_wait3A = arith.constant 0 : i32
    %dma_wait3A_67 = arith.constant 0 : i32
    %dma_wait3A_68 = arith.constant 0 : i32
    %dma_wait3A_69 = tpu.memref_slice %arg7[%dma_wait3A, %dma_wait3A_67, %dma_wait3A_68] : memref<4x2x250xi32, #tpu.memory_space<vmem>> -> memref<1x1x250xi32, #tpu.memory_space<vmem>>
    %dma_wait3A_70 = tpu.memref_squeeze %dma_wait3A_69 : memref<1x1x250xi32, #tpu.memory_space<vmem>> -> memref<250xi32, #tpu.memory_space<vmem>>
    %dma_wait3A_71 = arith.constant 0 : i32
    %dma_wait3A_72 = tpu.memref_slice %arg2[%mul3A_4, %dma_wait3A_71] : memref<12800x250xi32, #tpu.memory_space<hbm>> -> memref<1x250xi32, #tpu.memory_space<hbm>>
    %dma_wait3A_73 = tpu.memref_squeeze %dma_wait3A_72 : memref<1x250xi32, #tpu.memory_space<hbm>> -> memref<250xi32, #tpu.memory_space<hbm>>
    %dma_wait3A_74 = arith.constant 0 : i32
    %dma_wait3A_75 = tpu.memref_slice %arg7[%dma_wait3A, %dma_wait3A_67, %dma_wait3A_74] : memref<4x2x250xi32, #tpu.memory_space<vmem>> -> memref<1x1x250xi32, #tpu.memory_space<vmem>>
    %dma_wait3A_76 = tpu.memref_squeeze %dma_wait3A_75 : memref<1x1x250xi32, #tpu.memory_space<vmem>> -> memref<250xi32, #tpu.memory_space<vmem>>
    %dma_wait3A_77 = arith.constant 0 : i32
    %dma_wait3A_78 = tpu.memref_slice %arg2[%mul3A_4, %dma_wait3A_77] : memref<12800x250xi32, #tpu.memory_space<hbm>> -> memref<1x250xi32, #tpu.memory_space<hbm>>
    %dma_wait3A_79 = tpu.memref_squeeze %dma_wait3A_78 : memref<1x250xi32, #tpu.memory_space<hbm>> -> memref<250xi32, #tpu.memory_space<hbm>>
    tpu.wait_dma2 semaphore(%arg10 : memref<!tpu.dma_semaphore, #tpu.memory_space<semaphore_mem>>) src(%dma_wait3A_79 : memref<250xi32, #tpu.memory_space<hbm>>) dst(%dma_wait3A_76 : memref<250xi32, #tpu.memory_space<vmem>>)
    %dma_wait3A_80 = arith.constant 0 : i32
    %dma_wait3A_81 = arith.constant 1 : i32
    %dma_wait3A_82 = arith.constant 0 : i32
    %dma_wait3A_83 = tpu.memref_slice %arg7[%dma_wait3A_80, %dma_wait3A_81, %dma_wait3A_82] : memref<4x2x250xi32, #tpu.memory_space<vmem>> -> memref<1x1x250xi32, #tpu.memory_space<vmem>>
    %dma_wait3A_84 = tpu.memref_squeeze %dma_wait3A_83 : memref<1x1x250xi32, #tpu.memory_space<vmem>> -> memref<250xi32, #tpu.memory_space<vmem>>
    %dma_wait3A_85 = arith.constant 0 : i32
    %dma_wait3A_86 = tpu.memref_slice %arg3[%mul3A_4, %dma_wait3A_85] : memref<12800x250xi32, #tpu.memory_space<hbm>> -> memref<1x250xi32, #tpu.memory_space<hbm>>
    %dma_wait3A_87 = tpu.memref_squeeze %dma_wait3A_86 : memref<1x250xi32, #tpu.memory_space<hbm>> -> memref<250xi32, #tpu.memory_space<hbm>>
    %dma_wait3A_88 = arith.constant 0 : i32
    %dma_wait3A_89 = tpu.memref_slice %arg7[%dma_wait3A_80, %dma_wait3A_81, %dma_wait3A_88] : memref<4x2x250xi32, #tpu.memory_space<vmem>> -> memref<1x1x250xi32, #tpu.memory_space<vmem>>
    %dma_wait3A_90 = tpu.memref_squeeze %dma_wait3A_89 : memref<1x1x250xi32, #tpu.memory_space<vmem>> -> memref<250xi32, #tpu.memory_space<vmem>>
    %dma_wait3A_91 = arith.constant 0 : i32
    %dma_wait3A_92 = tpu.memref_slice %arg3[%mul3A_4, %dma_wait3A_91] : memref<12800x250xi32, #tpu.memory_space<hbm>> -> memref<1x250xi32, #tpu.memory_space<hbm>>
    %dma_wait3A_93 = tpu.memref_squeeze %dma_wait3A_92 : memref<1x250xi32, #tpu.memory_space<hbm>> -> memref<250xi32, #tpu.memory_space<hbm>>
    tpu.wait_dma2 semaphore(%arg10 : memref<!tpu.dma_semaphore, #tpu.memory_space<semaphore_mem>>) src(%dma_wait3A_93 : memref<250xi32, #tpu.memory_space<hbm>>) dst(%dma_wait3A_90 : memref<250xi32, #tpu.memory_space<vmem>>)
    %dma_start3A_94 = arith.constant 0 : i32
    %dma_start3A_95 = arith.constant 0 : i32
    %dma_start3A_96 = arith.constant 0 : i32
    %dma_start3A_97 = arith.constant 0 : i32
    %dma_start3A_98 = arith.constant 0 : i32
    %dma_start3A_99 = tpu.memref_slice %arg8[%dma_start3A_96, %dma_start3A_97, %dma_start3A_98] : memref<4x250x16xf32, #tpu.memory_space<vmem>> -> memref<1x250x16xf32, #tpu.memory_space<vmem>>
    %dma_start3A_100 = tpu.memref_squeeze %dma_start3A_99 : memref<1x250x16xf32, #tpu.memory_space<vmem>> -> memref<250x16xf32, #tpu.memory_space<vmem>>
    %dma_start3A_101 = arith.constant 0 : i32
    %dma_start3A_102 = tpu.memref_slice %arg7[%dma_start3A_94, %dma_start3A_95, %dma_start3A_101] : memref<4x2x250xi32, #tpu.memory_space<vmem>> -> memref<1x1x250xi32, #tpu.memory_space<vmem>>
    %dma_start3A_103 = tpu.memref_squeeze %dma_start3A_102 : memref<1x1x250xi32, #tpu.memory_space<vmem>> -> memref<250xi32, #tpu.memory_space<vmem>>
    %dma_start3A_104 = arith.constant 0 : i32
    %dma_start3A_105 = arith.constant 0 : i32
    %dma_start3A_106 = tpu.memref_slice %arg4[%arg0, %dma_start3A_104, %dma_start3A_105] : memref<2x100096x16xf32, #tpu.memory_space<hbm>> -> memref<1x100096x16xf32, #tpu.memory_space<hbm>>
    %dma_start3A_107 = tpu.memref_squeeze %dma_start3A_106 : memref<1x100096x16xf32, #tpu.memory_space<hbm>> -> memref<100096x16xf32, #tpu.memory_space<hbm>>
    %dma_start3A_108 = arith.constant 0 : i32
    %dma_start3A_109 = arith.constant 0 : i32
    %dma_start3A_110 = tpu.memref_slice %dma_start3A_107[%dma_start3A_108, %dma_start3A_109] : memref<100096x16xf32, #tpu.memory_space<hbm>> -> memref<100096x16xf32, #tpu.memory_space<hbm>>
    tpu.enqueue_indirect_dma source(%dma_start3A_110 : memref<100096x16xf32, #tpu.memory_space<hbm>>) target(%dma_start3A_100 : memref<250x16xf32, #tpu.memory_space<vmem>>) offsets(%dma_start3A_103 : memref<250xi32, #tpu.memory_space<vmem>>) semaphore(%arg11 : memref<!tpu.dma_semaphore, #tpu.memory_space<semaphore_mem>>)
    %scan3A = arith.constant 0 : i32
    %scan3A_111 = arith.constant 0 : i32
    %scan3A_112 = arith.constant 200 : i32
    %scan3A_113 = arith.addi %scan3A_111, %scan3A_112 : i32
    %scan3A_114 = arith.constant 1 : i32
    scf.for %scan3A_147 = %scan3A_111 to %scan3A_113 step %scan3A_114  : i32 {
      %mul3A_148 = arith.constant 4 : i32
      %mul3A_149 = arith.muli %scan3A_147, %mul3A_148 : i32
      %add3A_150 = arith.constant 0 : i32
      %add3A_151 = arith.addi %mul3A_149, %add3A_150 : i32
      %ge3A = arith.constant 1 : i32
      %ge3A_152 = arith.cmpi sge, %scan3A_147, %ge3A : i32
      %convert_element_type3A = arith.extui %ge3A_152 : i1 to i32
      %cond3A = arith.constant 0 : i32
      %cond3A_153 = arith.cmpi ne, %convert_element_type3A, %cond3A : i32
      scf.if %cond3A_153 {
        %dma_wait3A_525 = arith.constant 2 : i32
        %dma_wait3A_526 = arith.constant 2 : i32
        %dma_wait3A_527 = arith.constant 1 : i32
        %dma_wait3A_528 = arith.constant 0 : i32
        %dma_wait3A_529 = arith.constant 0 : i32
        %dma_wait3A_530 = tpu.memref_slice %arg8[%dma_wait3A_525, %dma_wait3A_528, %dma_wait3A_529] : memref<4x250x16xf32, #tpu.memory_space<vmem>> -> memref<1x250x16xf32, #tpu.memory_space<vmem>>
        %dma_wait3A_531 = tpu.memref_squeeze %dma_wait3A_530 : memref<1x250x16xf32, #tpu.memory_space<vmem>> -> memref<250x16xf32, #tpu.memory_space<vmem>>
        %dma_wait3A_532 = arith.constant 0 : i32
        %dma_wait3A_533 = tpu.memref_slice %arg7[%dma_wait3A_526, %dma_wait3A_527, %dma_wait3A_532] : memref<4x2x250xi32, #tpu.memory_space<vmem>> -> memref<1x1x250xi32, #tpu.memory_space<vmem>>
        %dma_wait3A_534 = tpu.memref_squeeze %dma_wait3A_533 : memref<1x1x250xi32, #tpu.memory_space<vmem>> -> memref<250xi32, #tpu.memory_space<vmem>>
        %dma_wait3A_535 = arith.constant 0 : i32
        %dma_wait3A_536 = arith.constant 0 : i32
        %dma_wait3A_537 = tpu.memref_slice %arg9[%dma_wait3A_535, %dma_wait3A_536] : memref<100096x16xf32, #tpu.memory_space<vmem_shared>> -> memref<100096x16xf32, #tpu.memory_space<vmem_shared>>
        tpu.wait_indirect_dma semaphore(%arg12 : memref<!tpu.dma_semaphore, #tpu.memory_space<semaphore_mem>>) src(%dma_wait3A_531 : memref<250x16xf32, #tpu.memory_space<vmem>>) dst(%dma_wait3A_537 : memref<100096x16xf32, #tpu.memory_space<vmem_shared>>)
      } else {
      }
      %dma_wait3A_154 = arith.constant 1 : i32
      %dma_wait3A_155 = arith.constant 0 : i32
      %dma_wait3A_156 = arith.constant 0 : i32
      %dma_wait3A_157 = tpu.memref_slice %arg7[%dma_wait3A_154, %dma_wait3A_155, %dma_wait3A_156] : memref<4x2x250xi32, #tpu.memory_space<vmem>> -> memref<1x1x250xi32, #tpu.memory_space<vmem>>
      %dma_wait3A_158 = tpu.memref_squeeze %dma_wait3A_157 : memref<1x1x250xi32, #tpu.memory_space<vmem>> -> memref<250xi32, #tpu.memory_space<vmem>>
      %dma_wait3A_159 = arith.constant 0 : i32
      %dma_wait3A_160 = tpu.memref_slice %arg2[%mul3A_4, %dma_wait3A_159] : memref<12800x250xi32, #tpu.memory_space<hbm>> -> memref<1x250xi32, #tpu.memory_space<hbm>>
      %dma_wait3A_161 = tpu.memref_squeeze %dma_wait3A_160 : memref<1x250xi32, #tpu.memory_space<hbm>> -> memref<250xi32, #tpu.memory_space<hbm>>
      %dma_wait3A_162 = arith.constant 0 : i32
      %dma_wait3A_163 = tpu.memref_slice %arg7[%dma_wait3A_154, %dma_wait3A_155, %dma_wait3A_162] : memref<4x2x250xi32, #tpu.memory_space<vmem>> -> memref<1x1x250xi32, #tpu.memory_space<vmem>>
      %dma_wait3A_164 = tpu.memref_squeeze %dma_wait3A_163 : memref<1x1x250xi32, #tpu.memory_space<vmem>> -> memref<250xi32, #tpu.memory_space<vmem>>
      %dma_wait3A_165 = arith.constant 0 : i32
      %dma_wait3A_166 = tpu.memref_slice %arg2[%mul3A_4, %dma_wait3A_165] : memref<12800x250xi32, #tpu.memory_space<hbm>> -> memref<1x250xi32, #tpu.memory_space<hbm>>
      %dma_wait3A_167 = tpu.memref_squeeze %dma_wait3A_166 : memref<1x250xi32, #tpu.memory_space<hbm>> -> memref<250xi32, #tpu.memory_space<hbm>>
      tpu.wait_dma2 semaphore(%arg10 : memref<!tpu.dma_semaphore, #tpu.memory_space<semaphore_mem>>) src(%dma_wait3A_167 : memref<250xi32, #tpu.memory_space<hbm>>) dst(%dma_wait3A_164 : memref<250xi32, #tpu.memory_space<vmem>>)
      %dma_wait3A_168 = arith.constant 1 : i32
      %dma_wait3A_169 = arith.constant 1 : i32
      %dma_wait3A_170 = arith.constant 0 : i32
      %dma_wait3A_171 = tpu.memref_slice %arg7[%dma_wait3A_168, %dma_wait3A_169, %dma_wait3A_170] : memref<4x2x250xi32, #tpu.memory_space<vmem>> -> memref<1x1x250xi32, #tpu.memory_space<vmem>>
      %dma_wait3A_172 = tpu.memref_squeeze %dma_wait3A_171 : memref<1x1x250xi32, #tpu.memory_space<vmem>> -> memref<250xi32, #tpu.memory_space<vmem>>
      %dma_wait3A_173 = arith.constant 0 : i32
      %dma_wait3A_174 = tpu.memref_slice %arg3[%mul3A_4, %dma_wait3A_173] : memref<12800x250xi32, #tpu.memory_space<hbm>> -> memref<1x250xi32, #tpu.memory_space<hbm>>
      %dma_wait3A_175 = tpu.memref_squeeze %dma_wait3A_174 : memref<1x250xi32, #tpu.memory_space<hbm>> -> memref<250xi32, #tpu.memory_space<hbm>>
      %dma_wait3A_176 = arith.constant 0 : i32
      %dma_wait3A_177 = tpu.memref_slice %arg7[%dma_wait3A_168, %dma_wait3A_169, %dma_wait3A_176] : memref<4x2x250xi32, #tpu.memory_space<vmem>> -> memref<1x1x250xi32, #tpu.memory_space<vmem>>
      %dma_wait3A_178 = tpu.memref_squeeze %dma_wait3A_177 : memref<1x1x250xi32, #tpu.memory_space<vmem>> -> memref<250xi32, #tpu.memory_space<vmem>>
      %dma_wait3A_179 = arith.constant 0 : i32
      %dma_wait3A_180 = tpu.memref_slice %arg3[%mul3A_4, %dma_wait3A_179] : memref<12800x250xi32, #tpu.memory_space<hbm>> -> memref<1x250xi32, #tpu.memory_space<hbm>>
      %dma_wait3A_181 = tpu.memref_squeeze %dma_wait3A_180 : memref<1x250xi32, #tpu.memory_space<hbm>> -> memref<250xi32, #tpu.memory_space<hbm>>
      tpu.wait_dma2 semaphore(%arg10 : memref<!tpu.dma_semaphore, #tpu.memory_space<semaphore_mem>>) src(%dma_wait3A_181 : memref<250xi32, #tpu.memory_space<hbm>>) dst(%dma_wait3A_178 : memref<250xi32, #tpu.memory_space<vmem>>)
      %dma_start3A_182 = arith.constant 1 : i32
      %dma_start3A_183 = arith.constant 0 : i32
      %dma_start3A_184 = arith.constant 1 : i32
      %dma_start3A_185 = arith.constant 0 : i32
      %dma_start3A_186 = arith.constant 0 : i32
      %dma_start3A_187 = tpu.memref_slice %arg8[%dma_start3A_184, %dma_start3A_185, %dma_start3A_186] : memref<4x250x16xf32, #tpu.memory_space<vmem>> -> memref<1x250x16xf32, #tpu.memory_space<vmem>>
      %dma_start3A_188 = tpu.memref_squeeze %dma_start3A_187 : memref<1x250x16xf32, #tpu.memory_space<vmem>> -> memref<250x16xf32, #tpu.memory_space<vmem>>
      %dma_start3A_189 = arith.constant 0 : i32
      %dma_start3A_190 = tpu.memref_slice %arg7[%dma_start3A_182, %dma_start3A_183, %dma_start3A_189] : memref<4x2x250xi32, #tpu.memory_space<vmem>> -> memref<1x1x250xi32, #tpu.memory_space<vmem>>
      %dma_start3A_191 = tpu.memref_squeeze %dma_start3A_190 : memref<1x1x250xi32, #tpu.memory_space<vmem>> -> memref<250xi32, #tpu.memory_space<vmem>>
      %dma_start3A_192 = arith.constant 0 : i32
      %dma_start3A_193 = arith.constant 0 : i32
      %dma_start3A_194 = tpu.memref_slice %arg4[%arg0, %dma_start3A_192, %dma_start3A_193] : memref<2x100096x16xf32, #tpu.memory_space<hbm>> -> memref<1x100096x16xf32, #tpu.memory_space<hbm>>
      %dma_start3A_195 = tpu.memref_squeeze %dma_start3A_194 : memref<1x100096x16xf32, #tpu.memory_space<hbm>> -> memref<100096x16xf32, #tpu.memory_space<hbm>>
      %dma_start3A_196 = arith.constant 0 : i32
      %dma_start3A_197 = arith.constant 0 : i32
      %dma_start3A_198 = tpu.memref_slice %dma_start3A_195[%dma_start3A_196, %dma_start3A_197] : memref<100096x16xf32, #tpu.memory_space<hbm>> -> memref<100096x16xf32, #tpu.memory_space<hbm>>
      tpu.enqueue_indirect_dma source(%dma_start3A_198 : memref<100096x16xf32, #tpu.memory_space<hbm>>) target(%dma_start3A_188 : memref<250x16xf32, #tpu.memory_space<vmem>>) offsets(%dma_start3A_191 : memref<250xi32, #tpu.memory_space<vmem>>) semaphore(%arg11 : memref<!tpu.dma_semaphore, #tpu.memory_space<semaphore_mem>>)
      %add3A_199 = arith.constant 2 : i32
      %add3A_200 = arith.addi %add3A_151, %add3A_199 : i32
      %add3A_201 = arith.addi %mul3A_4, %add3A_200 : i32
      %dma_start3A_202 = arith.constant 2 : i32
      %dma_start3A_203 = arith.constant 0 : i32
      %dma_start3A_204 = arith.constant 0 : i32
      %dma_start3A_205 = tpu.memref_slice %arg7[%dma_start3A_202, %dma_start3A_203, %dma_start3A_204] : memref<4x2x250xi32, #tpu.memory_space<vmem>> -> memref<1x1x250xi32, #tpu.memory_space<vmem>>
      %dma_start3A_206 = tpu.memref_squeeze %dma_start3A_205 : memref<1x1x250xi32, #tpu.memory_space<vmem>> -> memref<250xi32, #tpu.memory_space<vmem>>
      %dma_start3A_207 = arith.constant 0 : i32
      %dma_start3A_208 = tpu.memref_slice %arg2[%add3A_201, %dma_start3A_207] : memref<12800x250xi32, #tpu.memory_space<hbm>> -> memref<1x250xi32, #tpu.memory_space<hbm>>
      %dma_start3A_209 = tpu.memref_squeeze %dma_start3A_208 : memref<1x250xi32, #tpu.memory_space<hbm>> -> memref<250xi32, #tpu.memory_space<hbm>>
      %dma_start3A_210 = arith.constant 0 : i32
      %dma_start3A_211 = tpu.memref_slice %arg7[%dma_start3A_202, %dma_start3A_203, %dma_start3A_210] : memref<4x2x250xi32, #tpu.memory_space<vmem>> -> memref<1x1x250xi32, #tpu.memory_space<vmem>>
      %dma_start3A_212 = tpu.memref_squeeze %dma_start3A_211 : memref<1x1x250xi32, #tpu.memory_space<vmem>> -> memref<250xi32, #tpu.memory_space<vmem>>
      %dma_start3A_213 = arith.constant 0 : i32
      %dma_start3A_214 = tpu.memref_slice %arg2[%add3A_201, %dma_start3A_213] : memref<12800x250xi32, #tpu.memory_space<hbm>> -> memref<1x250xi32, #tpu.memory_space<hbm>>
      %dma_start3A_215 = tpu.memref_squeeze %dma_start3A_214 : memref<1x250xi32, #tpu.memory_space<hbm>> -> memref<250xi32, #tpu.memory_space<hbm>>
      tpu.enqueue_dma source(%dma_start3A_215 : memref<250xi32, #tpu.memory_space<hbm>>) target(%dma_start3A_212 : memref<250xi32, #tpu.memory_space<vmem>>) target_semaphore(%arg10 : memref<!tpu.dma_semaphore, #tpu.memory_space<semaphore_mem>>)
      %add3A_216 = arith.addi %mul3A_4, %add3A_200 : i32
      %dma_start3A_217 = arith.constant 2 : i32
      %dma_start3A_218 = arith.constant 1 : i32
      %dma_start3A_219 = arith.constant 0 : i32
      %dma_start3A_220 = tpu.memref_slice %arg7[%dma_start3A_217, %dma_start3A_218, %dma_start3A_219] : memref<4x2x250xi32, #tpu.memory_space<vmem>> -> memref<1x1x250xi32, #tpu.memory_space<vmem>>
      %dma_start3A_221 = tpu.memref_squeeze %dma_start3A_220 : memref<1x1x250xi32, #tpu.memory_space<vmem>> -> memref<250xi32, #tpu.memory_space<vmem>>
      %dma_start3A_222 = arith.constant 0 : i32
      %dma_start3A_223 = tpu.memref_slice %arg3[%add3A_216, %dma_start3A_222] : memref<12800x250xi32, #tpu.memory_space<hbm>> -> memref<1x250xi32, #tpu.memory_space<hbm>>
      %dma_start3A_224 = tpu.memref_squeeze %dma_start3A_223 : memref<1x250xi32, #tpu.memory_space<hbm>> -> memref<250xi32, #tpu.memory_space<hbm>>
      %dma_start3A_225 = arith.constant 0 : i32
      %dma_start3A_226 = tpu.memref_slice %arg7[%dma_start3A_217, %dma_start3A_218, %dma_start3A_225] : memref<4x2x250xi32, #tpu.memory_space<vmem>> -> memref<1x1x250xi32, #tpu.memory_space<vmem>>
      %dma_start3A_227 = tpu.memref_squeeze %dma_start3A_226 : memref<1x1x250xi32, #tpu.memory_space<vmem>> -> memref<250xi32, #tpu.memory_space<vmem>>
      %dma_start3A_228 = arith.constant 0 : i32
      %dma_start3A_229 = tpu.memref_slice %arg3[%add3A_216, %dma_start3A_228] : memref<12800x250xi32, #tpu.memory_space<hbm>> -> memref<1x250xi32, #tpu.memory_space<hbm>>
      %dma_start3A_230 = tpu.memref_squeeze %dma_start3A_229 : memref<1x250xi32, #tpu.memory_space<hbm>> -> memref<250xi32, #tpu.memory_space<hbm>>
      tpu.enqueue_dma source(%dma_start3A_230 : memref<250xi32, #tpu.memory_space<hbm>>) target(%dma_start3A_227 : memref<250xi32, #tpu.memory_space<vmem>>) target_semaphore(%arg10 : memref<!tpu.dma_semaphore, #tpu.memory_space<semaphore_mem>>)
      %dma_wait3A_231 = arith.constant 0 : i32
      %dma_wait3A_232 = arith.constant 0 : i32
      %dma_wait3A_233 = arith.constant 0 : i32
      %dma_wait3A_234 = arith.constant 0 : i32
      %dma_wait3A_235 = arith.constant 0 : i32
      %dma_wait3A_236 = tpu.memref_slice %arg8[%dma_wait3A_233, %dma_wait3A_234, %dma_wait3A_235] : memref<4x250x16xf32, #tpu.memory_space<vmem>> -> memref<1x250x16xf32, #tpu.memory_space<vmem>>
      %dma_wait3A_237 = tpu.memref_squeeze %dma_wait3A_236 : memref<1x250x16xf32, #tpu.memory_space<vmem>> -> memref<250x16xf32, #tpu.memory_space<vmem>>
      %dma_wait3A_238 = arith.constant 0 : i32
      %dma_wait3A_239 = tpu.memref_slice %arg7[%dma_wait3A_231, %dma_wait3A_232, %dma_wait3A_238] : memref<4x2x250xi32, #tpu.memory_space<vmem>> -> memref<1x1x250xi32, #tpu.memory_space<vmem>>
      %dma_wait3A_240 = tpu.memref_squeeze %dma_wait3A_239 : memref<1x1x250xi32, #tpu.memory_space<vmem>> -> memref<250xi32, #tpu.memory_space<vmem>>
      %dma_wait3A_241 = arith.constant 0 : i32
      %dma_wait3A_242 = arith.constant 0 : i32
      %dma_wait3A_243 = tpu.memref_slice %arg4[%arg0, %dma_wait3A_241, %dma_wait3A_242] : memref<2x100096x16xf32, #tpu.memory_space<hbm>> -> memref<1x100096x16xf32, #tpu.memory_space<hbm>>
      %dma_wait3A_244 = tpu.memref_squeeze %dma_wait3A_243 : memref<1x100096x16xf32, #tpu.memory_space<hbm>> -> memref<100096x16xf32, #tpu.memory_space<hbm>>
      %dma_wait3A_245 = arith.constant 0 : i32
      %dma_wait3A_246 = arith.constant 0 : i32
      %dma_wait3A_247 = tpu.memref_slice %dma_wait3A_244[%dma_wait3A_245, %dma_wait3A_246] : memref<100096x16xf32, #tpu.memory_space<hbm>> -> memref<100096x16xf32, #tpu.memory_space<hbm>>
      tpu.wait_indirect_dma semaphore(%arg11 : memref<!tpu.dma_semaphore, #tpu.memory_space<semaphore_mem>>) src(%dma_wait3A_247 : memref<100096x16xf32, #tpu.memory_space<hbm>>) dst(%dma_wait3A_237 : memref<250x16xf32, #tpu.memory_space<vmem>>)
      %dma_start3A_248 = arith.constant 0 : i32
      %dma_start3A_249 = arith.constant 0 : i32
      %dma_start3A_250 = arith.constant 1 : i32
      %dma_start3A_251 = arith.constant 0 : i32
      %dma_start3A_252 = arith.constant 0 : i32
      %dma_start3A_253 = tpu.memref_slice %arg8[%dma_start3A_248, %dma_start3A_251, %dma_start3A_252] : memref<4x250x16xf32, #tpu.memory_space<vmem>> -> memref<1x250x16xf32, #tpu.memory_space<vmem>>
      %dma_start3A_254 = tpu.memref_squeeze %dma_start3A_253 : memref<1x250x16xf32, #tpu.memory_space<vmem>> -> memref<250x16xf32, #tpu.memory_space<vmem>>
      %dma_start3A_255 = arith.constant 0 : i32
      %dma_start3A_256 = tpu.memref_slice %arg7[%dma_start3A_249, %dma_start3A_250, %dma_start3A_255] : memref<4x2x250xi32, #tpu.memory_space<vmem>> -> memref<1x1x250xi32, #tpu.memory_space<vmem>>
      %dma_start3A_257 = tpu.memref_squeeze %dma_start3A_256 : memref<1x1x250xi32, #tpu.memory_space<vmem>> -> memref<250xi32, #tpu.memory_space<vmem>>
      %dma_start3A_258 = arith.constant 0 : i32
      %dma_start3A_259 = arith.constant 0 : i32
      %dma_start3A_260 = tpu.memref_slice %arg9[%dma_start3A_258, %dma_start3A_259] : memref<100096x16xf32, #tpu.memory_space<vmem_shared>> -> memref<100096x16xf32, #tpu.memory_space<vmem_shared>>
      tpu.enqueue_indirect_dma source(%dma_start3A_254 : memref<250x16xf32, #tpu.memory_space<vmem>>) target(%dma_start3A_260 : memref<100096x16xf32, #tpu.memory_space<vmem_shared>>) offsets(%dma_start3A_257 : memref<250xi32, #tpu.memory_space<vmem>>) semaphore(%arg12 : memref<!tpu.dma_semaphore, #tpu.memory_space<semaphore_mem>>) {add = true}
      %mul3A_261 = arith.constant 4 : i32
      %mul3A_262 = arith.muli %scan3A_147, %mul3A_261 : i32
      %add3A_263 = arith.constant 1 : i32
      %add3A_264 = arith.addi %mul3A_262, %add3A_263 : i32
      %ge3A_265 = arith.constant 1 : i32
      %ge3A_266 = arith.cmpi sge, %scan3A_147, %ge3A_265 : i32
      %convert_element_type3A_267 = arith.extui %ge3A_266 : i1 to i32
      %cond3A_268 = arith.constant 0 : i32
      %cond3A_269 = arith.cmpi ne, %convert_element_type3A_267, %cond3A_268 : i32
      scf.if %cond3A_269 {
        %dma_wait3A_525 = arith.constant 3 : i32
        %dma_wait3A_526 = arith.constant 3 : i32
        %dma_wait3A_527 = arith.constant 1 : i32
        %dma_wait3A_528 = arith.constant 0 : i32
        %dma_wait3A_529 = arith.constant 0 : i32
        %dma_wait3A_530 = tpu.memref_slice %arg8[%dma_wait3A_525, %dma_wait3A_528, %dma_wait3A_529] : memref<4x250x16xf32, #tpu.memory_space<vmem>> -> memref<1x250x16xf32, #tpu.memory_space<vmem>>
        %dma_wait3A_531 = tpu.memref_squeeze %dma_wait3A_530 : memref<1x250x16xf32, #tpu.memory_space<vmem>> -> memref<250x16xf32, #tpu.memory_space<vmem>>
        %dma_wait3A_532 = arith.constant 0 : i32
        %dma_wait3A_533 = tpu.memref_slice %arg7[%dma_wait3A_526, %dma_wait3A_527, %dma_wait3A_532] : memref<4x2x250xi32, #tpu.memory_space<vmem>> -> memref<1x1x250xi32, #tpu.memory_space<vmem>>
        %dma_wait3A_534 = tpu.memref_squeeze %dma_wait3A_533 : memref<1x1x250xi32, #tpu.memory_space<vmem>> -> memref<250xi32, #tpu.memory_space<vmem>>
        %dma_wait3A_535 = arith.constant 0 : i32
        %dma_wait3A_536 = arith.constant 0 : i32
        %dma_wait3A_537 = tpu.memref_slice %arg9[%dma_wait3A_535, %dma_wait3A_536] : memref<100096x16xf32, #tpu.memory_space<vmem_shared>> -> memref<100096x16xf32, #tpu.memory_space<vmem_shared>>
        tpu.wait_indirect_dma semaphore(%arg12 : memref<!tpu.dma_semaphore, #tpu.memory_space<semaphore_mem>>) src(%dma_wait3A_531 : memref<250x16xf32, #tpu.memory_space<vmem>>) dst(%dma_wait3A_537 : memref<100096x16xf32, #tpu.memory_space<vmem_shared>>)
      } else {
      }
      %dma_wait3A_270 = arith.constant 2 : i32
      %dma_wait3A_271 = arith.constant 0 : i32
      %dma_wait3A_272 = arith.constant 0 : i32
      %dma_wait3A_273 = tpu.memref_slice %arg7[%dma_wait3A_270, %dma_wait3A_271, %dma_wait3A_272] : memref<4x2x250xi32, #tpu.memory_space<vmem>> -> memref<1x1x250xi32, #tpu.memory_space<vmem>>
      %dma_wait3A_274 = tpu.memref_squeeze %dma_wait3A_273 : memref<1x1x250xi32, #tpu.memory_space<vmem>> -> memref<250xi32, #tpu.memory_space<vmem>>
      %dma_wait3A_275 = arith.constant 0 : i32
      %dma_wait3A_276 = tpu.memref_slice %arg2[%mul3A_4, %dma_wait3A_275] : memref<12800x250xi32, #tpu.memory_space<hbm>> -> memref<1x250xi32, #tpu.memory_space<hbm>>
      %dma_wait3A_277 = tpu.memref_squeeze %dma_wait3A_276 : memref<1x250xi32, #tpu.memory_space<hbm>> -> memref<250xi32, #tpu.memory_space<hbm>>
      %dma_wait3A_278 = arith.constant 0 : i32
      %dma_wait3A_279 = tpu.memref_slice %arg7[%dma_wait3A_270, %dma_wait3A_271, %dma_wait3A_278] : memref<4x2x250xi32, #tpu.memory_space<vmem>> -> memref<1x1x250xi32, #tpu.memory_space<vmem>>
      %dma_wait3A_280 = tpu.memref_squeeze %dma_wait3A_279 : memref<1x1x250xi32, #tpu.memory_space<vmem>> -> memref<250xi32, #tpu.memory_space<vmem>>
      %dma_wait3A_281 = arith.constant 0 : i32
      %dma_wait3A_282 = tpu.memref_slice %arg2[%mul3A_4, %dma_wait3A_281] : memref<12800x250xi32, #tpu.memory_space<hbm>> -> memref<1x250xi32, #tpu.memory_space<hbm>>
      %dma_wait3A_283 = tpu.memref_squeeze %dma_wait3A_282 : memref<1x250xi32, #tpu.memory_space<hbm>> -> memref<250xi32, #tpu.memory_space<hbm>>
      tpu.wait_dma2 semaphore(%arg10 : memref<!tpu.dma_semaphore, #tpu.memory_space<semaphore_mem>>) src(%dma_wait3A_283 : memref<250xi32, #tpu.memory_space<hbm>>) dst(%dma_wait3A_280 : memref<250xi32, #tpu.memory_space<vmem>>)
      %dma_wait3A_284 = arith.constant 2 : i32
      %dma_wait3A_285 = arith.constant 1 : i32
      %dma_wait3A_286 = arith.constant 0 : i32
      %dma_wait3A_287 = tpu.memref_slice %arg7[%dma_wait3A_284, %dma_wait3A_285, %dma_wait3A_286] : memref<4x2x250xi32, #tpu.memory_space<vmem>> -> memref<1x1x250xi32, #tpu.memory_space<vmem>>
      %dma_wait3A_288 = tpu.memref_squeeze %dma_wait3A_287 : memref<1x1x250xi32, #tpu.memory_space<vmem>> -> memref<250xi32, #tpu.memory_space<vmem>>
      %dma_wait3A_289 = arith.constant 0 : i32
      %dma_wait3A_290 = tpu.memref_slice %arg3[%mul3A_4, %dma_wait3A_289] : memref<12800x250xi32, #tpu.memory_space<hbm>> -> memref<1x250xi32, #tpu.memory_space<hbm>>
      %dma_wait3A_291 = tpu.memref_squeeze %dma_wait3A_290 : memref<1x250xi32, #tpu.memory_space<hbm>> -> memref<250xi32, #tpu.memory_space<hbm>>
      %dma_wait3A_292 = arith.constant 0 : i32
      %dma_wait3A_293 = tpu.memref_slice %arg7[%dma_wait3A_284, %dma_wait3A_285, %dma_wait3A_292] : memref<4x2x250xi32, #tpu.memory_space<vmem>> -> memref<1x1x250xi32, #tpu.memory_space<vmem>>
      %dma_wait3A_294 = tpu.memref_squeeze %dma_wait3A_293 : memref<1x1x250xi32, #tpu.memory_space<vmem>> -> memref<250xi32, #tpu.memory_space<vmem>>
      %dma_wait3A_295 = arith.constant 0 : i32
      %dma_wait3A_296 = tpu.memref_slice %arg3[%mul3A_4, %dma_wait3A_295] : memref<12800x250xi32, #tpu.memory_space<hbm>> -> memref<1x250xi32, #tpu.memory_space<hbm>>
      %dma_wait3A_297 = tpu.memref_squeeze %dma_wait3A_296 : memref<1x250xi32, #tpu.memory_space<hbm>> -> memref<250xi32, #tpu.memory_space<hbm>>
      tpu.wait_dma2 semaphore(%arg10 : memref<!tpu.dma_semaphore, #tpu.memory_space<semaphore_mem>>) src(%dma_wait3A_297 : memref<250xi32, #tpu.memory_space<hbm>>) dst(%dma_wait3A_294 : memref<250xi32, #tpu.memory_space<vmem>>)
      %dma_start3A_298 = arith.constant 2 : i32
      %dma_start3A_299 = arith.constant 0 : i32
      %dma_start3A_300 = arith.constant 2 : i32
      %dma_start3A_301 = arith.constant 0 : i32
      %dma_start3A_302 = arith.constant 0 : i32
      %dma_start3A_303 = tpu.memref_slice %arg8[%dma_start3A_300, %dma_start3A_301, %dma_start3A_302] : memref<4x250x16xf32, #tpu.memory_space<vmem>> -> memref<1x250x16xf32, #tpu.memory_space<vmem>>
      %dma_start3A_304 = tpu.memref_squeeze %dma_start3A_303 : memref<1x250x16xf32, #tpu.memory_space<vmem>> -> memref<250x16xf32, #tpu.memory_space<vmem>>
      %dma_start3A_305 = arith.constant 0 : i32
      %dma_start3A_306 = tpu.memref_slice %arg7[%dma_start3A_298, %dma_start3A_299, %dma_start3A_305] : memref<4x2x250xi32, #tpu.memory_space<vmem>> -> memref<1x1x250xi32, #tpu.memory_space<vmem>>
      %dma_start3A_307 = tpu.memref_squeeze %dma_start3A_306 : memref<1x1x250xi32, #tpu.memory_space<vmem>> -> memref<250xi32, #tpu.memory_space<vmem>>
      %dma_start3A_308 = arith.constant 0 : i32
      %dma_start3A_309 = arith.constant 0 : i32
      %dma_start3A_310 = tpu.memref_slice %arg4[%arg0, %dma_start3A_308, %dma_start3A_309] : memref<2x100096x16xf32, #tpu.memory_space<hbm>> -> memref<1x100096x16xf32, #tpu.memory_space<hbm>>
      %dma_start3A_311 = tpu.memref_squeeze %dma_start3A_310 : memref<1x100096x16xf32, #tpu.memory_space<hbm>> -> memref<100096x16xf32, #tpu.memory_space<hbm>>
      %dma_start3A_312 = arith.constant 0 : i32
      %dma_start3A_313 = arith.constant 0 : i32
      %dma_start3A_314 = tpu.memref_slice %dma_start3A_311[%dma_start3A_312, %dma_start3A_313] : memref<100096x16xf32, #tpu.memory_space<hbm>> -> memref<100096x16xf32, #tpu.memory_space<hbm>>
      tpu.enqueue_indirect_dma source(%dma_start3A_314 : memref<100096x16xf32, #tpu.memory_space<hbm>>) target(%dma_start3A_304 : memref<250x16xf32, #tpu.memory_space<vmem>>) offsets(%dma_start3A_307 : memref<250xi32, #tpu.memory_space<vmem>>) semaphore(%arg11 : memref<!tpu.dma_semaphore, #tpu.memory_space<semaphore_mem>>)
      %add3A_315 = arith.constant 2 : i32
      %add3A_316 = arith.addi %add3A_264, %add3A_315 : i32
      %add3A_317 = arith.addi %mul3A_4, %add3A_316 : i32
      %dma_start3A_318 = arith.constant 3 : i32
      %dma_start3A_319 = arith.constant 0 : i32
      %dma_start3A_320 = arith.constant 0 : i32
      %dma_start3A_321 = tpu.memref_slice %arg7[%dma_start3A_318, %dma_start3A_319, %dma_start3A_320] : memref<4x2x250xi32, #tpu.memory_space<vmem>> -> memref<1x1x250xi32, #tpu.memory_space<vmem>>
      %dma_start3A_322 = tpu.memref_squeeze %dma_start3A_321 : memref<1x1x250xi32, #tpu.memory_space<vmem>> -> memref<250xi32, #tpu.memory_space<vmem>>
      %dma_start3A_323 = arith.constant 0 : i32
      %dma_start3A_324 = tpu.memref_slice %arg2[%add3A_317, %dma_start3A_323] : memref<12800x250xi32, #tpu.memory_space<hbm>> -> memref<1x250xi32, #tpu.memory_space<hbm>>
      %dma_start3A_325 = tpu.memref_squeeze %dma_start3A_324 : memref<1x250xi32, #tpu.memory_space<hbm>> -> memref<250xi32, #tpu.memory_space<hbm>>
      %dma_start3A_326 = arith.constant 0 : i32
      %dma_start3A_327 = tpu.memref_slice %arg7[%dma_start3A_318, %dma_start3A_319, %dma_start3A_326] : memref<4x2x250xi32, #tpu.memory_space<vmem>> -> memref<1x1x250xi32, #tpu.memory_space<vmem>>
      %dma_start3A_328 = tpu.memref_squeeze %dma_start3A_327 : memref<1x1x250xi32, #tpu.memory_space<vmem>> -> memref<250xi32, #tpu.memory_space<vmem>>
      %dma_start3A_329 = arith.constant 0 : i32
      %dma_start3A_330 = tpu.memref_slice %arg2[%add3A_317, %dma_start3A_329] : memref<12800x250xi32, #tpu.memory_space<hbm>> -> memref<1x250xi32, #tpu.memory_space<hbm>>
      %dma_start3A_331 = tpu.memref_squeeze %dma_start3A_330 : memref<1x250xi32, #tpu.memory_space<hbm>> -> memref<250xi32, #tpu.memory_space<hbm>>
      tpu.enqueue_dma source(%dma_start3A_331 : memref<250xi32, #tpu.memory_space<hbm>>) target(%dma_start3A_328 : memref<250xi32, #tpu.memory_space<vmem>>) target_semaphore(%arg10 : memref<!tpu.dma_semaphore, #tpu.memory_space<semaphore_mem>>)
      %add3A_332 = arith.addi %mul3A_4, %add3A_316 : i32
      %dma_start3A_333 = arith.constant 3 : i32
      %dma_start3A_334 = arith.constant 1 : i32
      %dma_start3A_335 = arith.constant 0 : i32
      %dma_start3A_336 = tpu.memref_slice %arg7[%dma_start3A_333, %dma_start3A_334, %dma_start3A_335] : memref<4x2x250xi32, #tpu.memory_space<vmem>> -> memref<1x1x250xi32, #tpu.memory_space<vmem>>
      %dma_start3A_337 = tpu.memref_squeeze %dma_start3A_336 : memref<1x1x250xi32, #tpu.memory_space<vmem>> -> memref<250xi32, #tpu.memory_space<vmem>>
      %dma_start3A_338 = arith.constant 0 : i32
      %dma_start3A_339 = tpu.memref_slice %arg3[%add3A_332, %dma_start3A_338] : memref<12800x250xi32, #tpu.memory_space<hbm>> -> memref<1x250xi32, #tpu.memory_space<hbm>>
      %dma_start3A_340 = tpu.memref_squeeze %dma_start3A_339 : memref<1x250xi32, #tpu.memory_space<hbm>> -> memref<250xi32, #tpu.memory_space<hbm>>
      %dma_start3A_341 = arith.constant 0 : i32
      %dma_start3A_342 = tpu.memref_slice %arg7[%dma_start3A_333, %dma_start3A_334, %dma_start3A_341] : memref<4x2x250xi32, #tpu.memory_space<vmem>> -> memref<1x1x250xi32, #tpu.memory_space<vmem>>
      %dma_start3A_343 = tpu.memref_squeeze %dma_start3A_342 : memref<1x1x250xi32, #tpu.memory_space<vmem>> -> memref<250xi32, #tpu.memory_space<vmem>>
      %dma_start3A_344 = arith.constant 0 : i32
      %dma_start3A_345 = tpu.memref_slice %arg3[%add3A_332, %dma_start3A_344] : memref<12800x250xi32, #tpu.memory_space<hbm>> -> memref<1x250xi32, #tpu.memory_space<hbm>>
      %dma_start3A_346 = tpu.memref_squeeze %dma_start3A_345 : memref<1x250xi32, #tpu.memory_space<hbm>> -> memref<250xi32, #tpu.memory_space<hbm>>
      tpu.enqueue_dma source(%dma_start3A_346 : memref<250xi32, #tpu.memory_space<hbm>>) target(%dma_start3A_343 : memref<250xi32, #tpu.memory_space<vmem>>) target_semaphore(%arg10 : memref<!tpu.dma_semaphore, #tpu.memory_space<semaphore_mem>>)
      %dma_wait3A_347 = arith.constant 1 : i32
      %dma_wait3A_348 = arith.constant 0 : i32
      %dma_wait3A_349 = arith.constant 1 : i32
      %dma_wait3A_350 = arith.constant 0 : i32
      %dma_wait3A_351 = arith.constant 0 : i32
      %dma_wait3A_352 = tpu.memref_slice %arg8[%dma_wait3A_349, %dma_wait3A_350, %dma_wait3A_351] : memref<4x250x16xf32, #tpu.memory_space<vmem>> -> memref<1x250x16xf32, #tpu.memory_space<vmem>>
      %dma_wait3A_353 = tpu.memref_squeeze %dma_wait3A_352 : memref<1x250x16xf32, #tpu.memory_space<vmem>> -> memref<250x16xf32, #tpu.memory_space<vmem>>
      %dma_wait3A_354 = arith.constant 0 : i32
      %dma_wait3A_355 = tpu.memref_slice %arg7[%dma_wait3A_347, %dma_wait3A_348, %dma_wait3A_354] : memref<4x2x250xi32, #tpu.memory_space<vmem>> -> memref<1x1x250xi32, #tpu.memory_space<vmem>>
      %dma_wait3A_356 = tpu.memref_squeeze %dma_wait3A_355 : memref<1x1x250xi32, #tpu.memory_space<vmem>> -> memref<250xi32, #tpu.memory_space<vmem>>
      %dma_wait3A_357 = arith.constant 0 : i32
      %dma_wait3A_358 = arith.constant 0 : i32
      %dma_wait3A_359 = tpu.memref_slice %arg4[%arg0, %dma_wait3A_357, %dma_wait3A_358] : memref<2x100096x16xf32, #tpu.memory_space<hbm>> -> memref<1x100096x16xf32, #tpu.memory_space<hbm>>
      %dma_wait3A_360 = tpu.memref_squeeze %dma_wait3A_359 : memref<1x100096x16xf32, #tpu.memory_space<hbm>> -> memref<100096x16xf32, #tpu.memory_space<hbm>>
      %dma_wait3A_361 = arith.constant 0 : i32
      %dma_wait3A_362 = arith.constant 0 : i32
      %dma_wait3A_363 = tpu.memref_slice %dma_wait3A_360[%dma_wait3A_361, %dma_wait3A_362] : memref<100096x16xf32, #tpu.memory_space<hbm>> -> memref<100096x16xf32, #tpu.memory_space<hbm>>
      tpu.wait_indirect_dma semaphore(%arg11 : memref<!tpu.dma_semaphore, #tpu.memory_space<semaphore_mem>>) src(%dma_wait3A_363 : memref<100096x16xf32, #tpu.memory_space<hbm>>) dst(%dma_wait3A_353 : memref<250x16xf32, #tpu.memory_space<vmem>>)
      %dma_start3A_364 = arith.constant 1 : i32
      %dma_start3A_365 = arith.constant 1 : i32
      %dma_start3A_366 = arith.constant 1 : i32
      %dma_start3A_367 = arith.constant 0 : i32
      %dma_start3A_368 = arith.constant 0 : i32
      %dma_start3A_369 = tpu.memref_slice %arg8[%dma_start3A_364, %dma_start3A_367, %dma_start3A_368] : memref<4x250x16xf32, #tpu.memory_space<vmem>> -> memref<1x250x16xf32, #tpu.memory_space<vmem>>
      %dma_start3A_370 = tpu.memref_squeeze %dma_start3A_369 : memref<1x250x16xf32, #tpu.memory_space<vmem>> -> memref<250x16xf32, #tpu.memory_space<vmem>>
      %dma_start3A_371 = arith.constant 0 : i32
      %dma_start3A_372 = tpu.memref_slice %arg7[%dma_start3A_365, %dma_start3A_366, %dma_start3A_371] : memref<4x2x250xi32, #tpu.memory_space<vmem>> -> memref<1x1x250xi32, #tpu.memory_space<vmem>>
      %dma_start3A_373 = tpu.memref_squeeze %dma_start3A_372 : memref<1x1x250xi32, #tpu.memory_space<vmem>> -> memref<250xi32, #tpu.memory_space<vmem>>
      %dma_start3A_374 = arith.constant 0 : i32
      %dma_start3A_375 = arith.constant 0 : i32
      %dma_start3A_376 = tpu.memref_slice %arg9[%dma_start3A_374, %dma_start3A_375] : memref<100096x16xf32, #tpu.memory_space<vmem_shared>> -> memref<100096x16xf32, #tpu.memory_space<vmem_shared>>
      tpu.enqueue_indirect_dma source(%dma_start3A_370 : memref<250x16xf32, #tpu.memory_space<vmem>>) target(%dma_start3A_376 : memref<100096x16xf32, #tpu.memory_space<vmem_shared>>) offsets(%dma_start3A_373 : memref<250xi32, #tpu.memory_space<vmem>>) semaphore(%arg12 : memref<!tpu.dma_semaphore, #tpu.memory_space<semaphore_mem>>) {add = true}
      %mul3A_377 = arith.constant 4 : i32
      %mul3A_378 = arith.muli %scan3A_147, %mul3A_377 : i32
      %add3A_379 = arith.constant 2 : i32
      %add3A_380 = arith.addi %mul3A_378, %add3A_379 : i32
      %dma_wait3A_381 = arith.constant 0 : i32
      %dma_wait3A_382 = arith.constant 0 : i32
      %dma_wait3A_383 = arith.constant 1 : i32
      %dma_wait3A_384 = arith.constant 0 : i32
      %dma_wait3A_385 = arith.constant 0 : i32
      %dma_wait3A_386 = tpu.memref_slice %arg8[%dma_wait3A_381, %dma_wait3A_384, %dma_wait3A_385] : memref<4x250x16xf32, #tpu.memory_space<vmem>> -> memref<1x250x16xf32, #tpu.memory_space<vmem>>
      %dma_wait3A_387 = tpu.memref_squeeze %dma_wait3A_386 : memref<1x250x16xf32, #tpu.memory_space<vmem>> -> memref<250x16xf32, #tpu.memory_space<vmem>>
      %dma_wait3A_388 = arith.constant 0 : i32
      %dma_wait3A_389 = tpu.memref_slice %arg7[%dma_wait3A_382, %dma_wait3A_383, %dma_wait3A_388] : memref<4x2x250xi32, #tpu.memory_space<vmem>> -> memref<1x1x250xi32, #tpu.memory_space<vmem>>
      %dma_wait3A_390 = tpu.memref_squeeze %dma_wait3A_389 : memref<1x1x250xi32, #tpu.memory_space<vmem>> -> memref<250xi32, #tpu.memory_space<vmem>>
      %dma_wait3A_391 = arith.constant 0 : i32
      %dma_wait3A_392 = arith.constant 0 : i32
      %dma_wait3A_393 = tpu.memref_slice %arg9[%dma_wait3A_391, %dma_wait3A_392] : memref<100096x16xf32, #tpu.memory_space<vmem_shared>> -> memref<100096x16xf32, #tpu.memory_space<vmem_shared>>
      tpu.wait_indirect_dma semaphore(%arg12 : memref<!tpu.dma_semaphore, #tpu.memory_space<semaphore_mem>>) src(%dma_wait3A_387 : memref<250x16xf32, #tpu.memory_space<vmem>>) dst(%dma_wait3A_393 : memref<100096x16xf32, #tpu.memory_space<vmem_shared>>)
      %dma_wait3A_394 = arith.constant 3 : i32
      %dma_wait3A_395 = arith.constant 0 : i32
      %dma_wait3A_396 = arith.constant 0 : i32
      %dma_wait3A_397 = tpu.memref_slice %arg7[%dma_wait3A_394, %dma_wait3A_395, %dma_wait3A_396] : memref<4x2x250xi32, #tpu.memory_space<vmem>> -> memref<1x1x250xi32, #tpu.memory_space<vmem>>
      %dma_wait3A_398 = tpu.memref_squeeze %dma_wait3A_397 : memref<1x1x250xi32, #tpu.memory_space<vmem>> -> memref<250xi32, #tpu.memory_space<vmem>>
      %dma_wait3A_399 = arith.constant 0 : i32
      %dma_wait3A_400 = tpu.memref_slice %arg2[%mul3A_4, %dma_wait3A_399] : memref<12800x250xi32, #tpu.memory_space<hbm>> -> memref<1x250xi32, #tpu.memory_space<hbm>>
      %dma_wait3A_401 = tpu.memref_squeeze %dma_wait3A_400 : memref<1x250xi32, #tpu.memory_space<hbm>> -> memref<250xi32, #tpu.memory_space<hbm>>
      %dma_wait3A_402 = arith.constant 0 : i32
      %dma_wait3A_403 = tpu.memref_slice %arg7[%dma_wait3A_394, %dma_wait3A_395, %dma_wait3A_402] : memref<4x2x250xi32, #tpu.memory_space<vmem>> -> memref<1x1x250xi32, #tpu.memory_space<vmem>>
      %dma_wait3A_404 = tpu.memref_squeeze %dma_wait3A_403 : memref<1x1x250xi32, #tpu.memory_space<vmem>> -> memref<250xi32, #tpu.memory_space<vmem>>
      %dma_wait3A_405 = arith.constant 0 : i32
      %dma_wait3A_406 = tpu.memref_slice %arg2[%mul3A_4, %dma_wait3A_405] : memref<12800x250xi32, #tpu.memory_space<hbm>> -> memref<1x250xi32, #tpu.memory_space<hbm>>
      %dma_wait3A_407 = tpu.memref_squeeze %dma_wait3A_406 : memref<1x250xi32, #tpu.memory_space<hbm>> -> memref<250xi32, #tpu.memory_space<hbm>>
      tpu.wait_dma2 semaphore(%arg10 : memref<!tpu.dma_semaphore, #tpu.memory_space<semaphore_mem>>) src(%dma_wait3A_407 : memref<250xi32, #tpu.memory_space<hbm>>) dst(%dma_wait3A_404 : memref<250xi32, #tpu.memory_space<vmem>>)
      %dma_wait3A_408 = arith.constant 3 : i32
      %dma_wait3A_409 = arith.constant 1 : i32
      %dma_wait3A_410 = arith.constant 0 : i32
      %dma_wait3A_411 = tpu.memref_slice %arg7[%dma_wait3A_408, %dma_wait3A_409, %dma_wait3A_410] : memref<4x2x250xi32, #tpu.memory_space<vmem>> -> memref<1x1x250xi32, #tpu.memory_space<vmem>>
      %dma_wait3A_412 = tpu.memref_squeeze %dma_wait3A_411 : memref<1x1x250xi32, #tpu.memory_space<vmem>> -> memref<250xi32, #tpu.memory_space<vmem>>
      %dma_wait3A_413 = arith.constant 0 : i32
      %dma_wait3A_414 = tpu.memref_slice %arg3[%mul3A_4, %dma_wait3A_413] : memref<12800x250xi32, #tpu.memory_space<hbm>> -> memref<1x250xi32, #tpu.memory_space<hbm>>
      %dma_wait3A_415 = tpu.memref_squeeze %dma_wait3A_414 : memref<1x250xi32, #tpu.memory_space<hbm>> -> memref<250xi32, #tpu.memory_space<hbm>>
      %dma_wait3A_416 = arith.constant 0 : i32
      %dma_wait3A_417 = tpu.memref_slice %arg7[%dma_wait3A_408, %dma_wait3A_409, %dma_wait3A_416] : memref<4x2x250xi32, #tpu.memory_space<vmem>> -> memref<1x1x250xi32, #tpu.memory_space<vmem>>
      %dma_wait3A_418 = tpu.memref_squeeze %dma_wait3A_417 : memref<1x1x250xi32, #tpu.memory_space<vmem>> -> memref<250xi32, #tpu.memory_space<vmem>>
      %dma_wait3A_419 = arith.constant 0 : i32
      %dma_wait3A_420 = tpu.memref_slice %arg3[%mul3A_4, %dma_wait3A_419] : memref<12800x250xi32, #tpu.memory_space<hbm>> -> memref<1x250xi32, #tpu.memory_space<hbm>>
      %dma_wait3A_421 = tpu.memref_squeeze %dma_wait3A_420 : memref<1x250xi32, #tpu.memory_space<hbm>> -> memref<250xi32, #tpu.memory_space<hbm>>
      tpu.wait_dma2 semaphore(%arg10 : memref<!tpu.dma_semaphore, #tpu.memory_space<semaphore_mem>>) src(%dma_wait3A_421 : memref<250xi32, #tpu.memory_space<hbm>>) dst(%dma_wait3A_418 : memref<250xi32, #tpu.memory_space<vmem>>)
      %dma_start3A_422 = arith.constant 3 : i32
      %dma_start3A_423 = arith.constant 0 : i32
      %dma_start3A_424 = arith.constant 3 : i32
      %dma_start3A_425 = arith.constant 0 : i32
      %dma_start3A_426 = arith.constant 0 : i32
      %dma_start3A_427 = tpu.memref_slice %arg8[%dma_start3A_424, %dma_start3A_425, %dma_start3A_426] : memref<4x250x16xf32, #tpu.memory_space<vmem>> -> memref<1x250x16xf32, #tpu.memory_space<vmem>>
      %dma_start3A_428 = tpu.memref_squeeze %dma_start3A_427 : memref<1x250x16xf32, #tpu.memory_space<vmem>> -> memref<250x16xf32, #tpu.memory_space<vmem>>
      %dma_start3A_429 = arith.constant 0 : i32
      %dma_start3A_430 = tpu.memref_slice %arg7[%dma_start3A_422, %dma_start3A_423, %dma_start3A_429] : memref<4x2x250xi32, #tpu.memory_space<vmem>> -> memref<1x1x250xi32, #tpu.memory_space<vmem>>
      %dma_start3A_431 = tpu.memref_squeeze %dma_start3A_430 : memref<1x1x250xi32, #tpu.memory_space<vmem>> -> memref<250xi32, #tpu.memory_space<vmem>>
      %dma_start3A_432 = arith.constant 0 : i32
      %dma_start3A_433 = arith.constant 0 : i32
      %dma_start3A_434 = tpu.memref_slice %arg4[%arg0, %dma_start3A_432, %dma_start3A_433] : memref<2x100096x16xf32, #tpu.memory_space<hbm>> -> memref<1x100096x16xf32, #tpu.memory_space<hbm>>
      %dma_start3A_435 = tpu.memref_squeeze %dma_start3A_434 : memref<1x100096x16xf32, #tpu.memory_space<hbm>> -> memref<100096x16xf32, #tpu.memory_space<hbm>>
      %dma_start3A_436 = arith.constant 0 : i32
      %dma_start3A_437 = arith.constant 0 : i32
      %dma_start3A_438 = tpu.memref_slice %dma_start3A_435[%dma_start3A_436, %dma_start3A_437] : memref<100096x16xf32, #tpu.memory_space<hbm>> -> memref<100096x16xf32, #tpu.memory_space<hbm>>
      tpu.enqueue_indirect_dma source(%dma_start3A_438 : memref<100096x16xf32, #tpu.memory_space<hbm>>) target(%dma_start3A_428 : memref<250x16xf32, #tpu.memory_space<vmem>>) offsets(%dma_start3A_431 : memref<250xi32, #tpu.memory_space<vmem>>) semaphore(%arg11 : memref<!tpu.dma_semaphore, #tpu.memory_space<semaphore_mem>>)
      %lt3A = arith.constant 199 : i32
      %lt3A_439 = arith.cmpi slt, %scan3A_147, %lt3A : i32
      %convert_element_type3A_440 = arith.extui %lt3A_439 : i1 to i32
      %cond3A_441 = arith.constant 0 : i32
      %cond3A_442 = arith.cmpi ne, %convert_element_type3A_440, %cond3A_441 : i32
      scf.if %cond3A_442 {
        %add3A_525 = arith.constant 2 : i32
        %add3A_526 = arith.addi %add3A_380, %add3A_525 : i32
        %add3A_527 = arith.addi %mul3A_4, %add3A_526 : i32
        %dma_start3A_528 = arith.constant 0 : i32
        %dma_start3A_529 = arith.constant 0 : i32
        %dma_start3A_530 = arith.constant 0 : i32
        %dma_start3A_531 = tpu.memref_slice %arg7[%dma_start3A_528, %dma_start3A_529, %dma_start3A_530] : memref<4x2x250xi32, #tpu.memory_space<vmem>> -> memref<1x1x250xi32, #tpu.memory_space<vmem>>
        %dma_start3A_532 = tpu.memref_squeeze %dma_start3A_531 : memref<1x1x250xi32, #tpu.memory_space<vmem>> -> memref<250xi32, #tpu.memory_space<vmem>>
        %dma_start3A_533 = arith.constant 0 : i32
        %dma_start3A_534 = tpu.memref_slice %arg2[%add3A_527, %dma_start3A_533] : memref<12800x250xi32, #tpu.memory_space<hbm>> -> memref<1x250xi32, #tpu.memory_space<hbm>>
        %dma_start3A_535 = tpu.memref_squeeze %dma_start3A_534 : memref<1x250xi32, #tpu.memory_space<hbm>> -> memref<250xi32, #tpu.memory_space<hbm>>
        %dma_start3A_536 = arith.constant 0 : i32
        %dma_start3A_537 = tpu.memref_slice %arg7[%dma_start3A_528, %dma_start3A_529, %dma_start3A_536] : memref<4x2x250xi32, #tpu.memory_space<vmem>> -> memref<1x1x250xi32, #tpu.memory_space<vmem>>
        %dma_start3A_538 = tpu.memref_squeeze %dma_start3A_537 : memref<1x1x250xi32, #tpu.memory_space<vmem>> -> memref<250xi32, #tpu.memory_space<vmem>>
        %dma_start3A_539 = arith.constant 0 : i32
        %dma_start3A_540 = tpu.memref_slice %arg2[%add3A_527, %dma_start3A_539] : memref<12800x250xi32, #tpu.memory_space<hbm>> -> memref<1x250xi32, #tpu.memory_space<hbm>>
        %dma_start3A_541 = tpu.memref_squeeze %dma_start3A_540 : memref<1x250xi32, #tpu.memory_space<hbm>> -> memref<250xi32, #tpu.memory_space<hbm>>
        tpu.enqueue_dma source(%dma_start3A_541 : memref<250xi32, #tpu.memory_space<hbm>>) target(%dma_start3A_538 : memref<250xi32, #tpu.memory_space<vmem>>) target_semaphore(%arg10 : memref<!tpu.dma_semaphore, #tpu.memory_space<semaphore_mem>>)
        %add3A_542 = arith.addi %mul3A_4, %add3A_526 : i32
        %dma_start3A_543 = arith.constant 0 : i32
        %dma_start3A_544 = arith.constant 1 : i32
        %dma_start3A_545 = arith.constant 0 : i32
        %dma_start3A_546 = tpu.memref_slice %arg7[%dma_start3A_543, %dma_start3A_544, %dma_start3A_545] : memref<4x2x250xi32, #tpu.memory_space<vmem>> -> memref<1x1x250xi32, #tpu.memory_space<vmem>>
        %dma_start3A_547 = tpu.memref_squeeze %dma_start3A_546 : memref<1x1x250xi32, #tpu.memory_space<vmem>> -> memref<250xi32, #tpu.memory_space<vmem>>
        %dma_start3A_548 = arith.constant 0 : i32
        %dma_start3A_549 = tpu.memref_slice %arg3[%add3A_542, %dma_start3A_548] : memref<12800x250xi32, #tpu.memory_space<hbm>> -> memref<1x250xi32, #tpu.memory_space<hbm>>
        %dma_start3A_550 = tpu.memref_squeeze %dma_start3A_549 : memref<1x250xi32, #tpu.memory_space<hbm>> -> memref<250xi32, #tpu.memory_space<hbm>>
        %dma_start3A_551 = arith.constant 0 : i32
        %dma_start3A_552 = tpu.memref_slice %arg7[%dma_start3A_543, %dma_start3A_544, %dma_start3A_551] : memref<4x2x250xi32, #tpu.memory_space<vmem>> -> memref<1x1x250xi32, #tpu.memory_space<vmem>>
        %dma_start3A_553 = tpu.memref_squeeze %dma_start3A_552 : memref<1x1x250xi32, #tpu.memory_space<vmem>> -> memref<250xi32, #tpu.memory_space<vmem>>
        %dma_start3A_554 = arith.constant 0 : i32
        %dma_start3A_555 = tpu.memref_slice %arg3[%add3A_542, %dma_start3A_554] : memref<12800x250xi32, #tpu.memory_space<hbm>> -> memref<1x250xi32, #tpu.memory_space<hbm>>
        %dma_start3A_556 = tpu.memref_squeeze %dma_start3A_555 : memref<1x250xi32, #tpu.memory_space<hbm>> -> memref<250xi32, #tpu.memory_space<hbm>>
        tpu.enqueue_dma source(%dma_start3A_556 : memref<250xi32, #tpu.memory_space<hbm>>) target(%dma_start3A_553 : memref<250xi32, #tpu.memory_space<vmem>>) target_semaphore(%arg10 : memref<!tpu.dma_semaphore, #tpu.memory_space<semaphore_mem>>)
      } else {
      }
      %dma_wait3A_443 = arith.constant 2 : i32
      %dma_wait3A_444 = arith.constant 0 : i32
      %dma_wait3A_445 = arith.constant 2 : i32
      %dma_wait3A_446 = arith.constant 0 : i32
      %dma_wait3A_447 = arith.constant 0 : i32
      %dma_wait3A_448 = tpu.memref_slice %arg8[%dma_wait3A_445, %dma_wait3A_446, %dma_wait3A_447] : memref<4x250x16xf32, #tpu.memory_space<vmem>> -> memref<1x250x16xf32, #tpu.memory_space<vmem>>
      %dma_wait3A_449 = tpu.memref_squeeze %dma_wait3A_448 : memref<1x250x16xf32, #tpu.memory_space<vmem>> -> memref<250x16xf32, #tpu.memory_space<vmem>>
      %dma_wait3A_450 = arith.constant 0 : i32
      %dma_wait3A_451 = tpu.memref_slice %arg7[%dma_wait3A_443, %dma_wait3A_444, %dma_wait3A_450] : memref<4x2x250xi32, #tpu.memory_space<vmem>> -> memref<1x1x250xi32, #tpu.memory_space<vmem>>
      %dma_wait3A_452 = tpu.memref_squeeze %dma_wait3A_451 : memref<1x1x250xi32, #tpu.memory_space<vmem>> -> memref<250xi32, #tpu.memory_space<vmem>>
      %dma_wait3A_453 = arith.constant 0 : i32
      %dma_wait3A_454 = arith.constant 0 : i32
      %dma_wait3A_455 = tpu.memref_slice %arg4[%arg0, %dma_wait3A_453, %dma_wait3A_454] : memref<2x100096x16xf32, #tpu.memory_space<hbm>> -> memref<1x100096x16xf32, #tpu.memory_space<hbm>>
      %dma_wait3A_456 = tpu.memref_squeeze %dma_wait3A_455 : memref<1x100096x16xf32, #tpu.memory_space<hbm>> -> memref<100096x16xf32, #tpu.memory_space<hbm>>
      %dma_wait3A_457 = arith.constant 0 : i32
      %dma_wait3A_458 = arith.constant 0 : i32
      %dma_wait3A_459 = tpu.memref_slice %dma_wait3A_456[%dma_wait3A_457, %dma_wait3A_458] : memref<100096x16xf32, #tpu.memory_space<hbm>> -> memref<100096x16xf32, #tpu.memory_space<hbm>>
      tpu.wait_indirect_dma semaphore(%arg11 : memref<!tpu.dma_semaphore, #tpu.memory_space<semaphore_mem>>) src(%dma_wait3A_459 : memref<100096x16xf32, #tpu.memory_space<hbm>>) dst(%dma_wait3A_449 : memref<250x16xf32, #tpu.memory_space<vmem>>)
      %dma_start3A_460 = arith.constant 2 : i32
      %dma_start3A_461 = arith.constant 2 : i32
      %dma_start3A_462 = arith.constant 1 : i32
      %dma_start3A_463 = arith.constant 0 : i32
      %dma_start3A_464 = arith.constant 0 : i32
      %dma_start3A_465 = tpu.memref_slice %arg8[%dma_start3A_460, %dma_start3A_463, %dma_start3A_464] : memref<4x250x16xf32, #tpu.memory_space<vmem>> -> memref<1x250x16xf32, #tpu.memory_space<vmem>>
      %dma_start3A_466 = tpu.memref_squeeze %dma_start3A_465 : memref<1x250x16xf32, #tpu.memory_space<vmem>> -> memref<250x16xf32, #tpu.memory_space<vmem>>
      %dma_start3A_467 = arith.constant 0 : i32
      %dma_start3A_468 = tpu.memref_slice %arg7[%dma_start3A_461, %dma_start3A_462, %dma_start3A_467] : memref<4x2x250xi32, #tpu.memory_space<vmem>> -> memref<1x1x250xi32, #tpu.memory_space<vmem>>
      %dma_start3A_469 = tpu.memref_squeeze %dma_start3A_468 : memref<1x1x250xi32, #tpu.memory_space<vmem>> -> memref<250xi32, #tpu.memory_space<vmem>>
      %dma_start3A_470 = arith.constant 0 : i32
      %dma_start3A_471 = arith.constant 0 : i32
      %dma_start3A_472 = tpu.memref_slice %arg9[%dma_start3A_470, %dma_start3A_471] : memref<100096x16xf32, #tpu.memory_space<vmem_shared>> -> memref<100096x16xf32, #tpu.memory_space<vmem_shared>>
      tpu.enqueue_indirect_dma source(%dma_start3A_466 : memref<250x16xf32, #tpu.memory_space<vmem>>) target(%dma_start3A_472 : memref<100096x16xf32, #tpu.memory_space<vmem_shared>>) offsets(%dma_start3A_469 : memref<250xi32, #tpu.memory_space<vmem>>) semaphore(%arg12 : memref<!tpu.dma_semaphore, #tpu.memory_space<semaphore_mem>>) {add = true}
      %mul3A_473 = arith.constant 4 : i32
      %mul3A_474 = arith.muli %scan3A_147, %mul3A_473 : i32
      %add3A_475 = arith.constant 3 : i32
      %add3A_476 = arith.addi %mul3A_474, %add3A_475 : i32
      %dma_wait3A_477 = arith.constant 1 : i32
      %dma_wait3A_478 = arith.constant 1 : i32
      %dma_wait3A_479 = arith.constant 1 : i32
      %dma_wait3A_480 = arith.constant 0 : i32
      %dma_wait3A_481 = arith.constant 0 : i32
      %dma_wait3A_482 = tpu.memref_slice %arg8[%dma_wait3A_477, %dma_wait3A_480, %dma_wait3A_481] : memref<4x250x16xf32, #tpu.memory_space<vmem>> -> memref<1x250x16xf32, #tpu.memory_space<vmem>>
      %dma_wait3A_483 = tpu.memref_squeeze %dma_wait3A_482 : memref<1x250x16xf32, #tpu.memory_space<vmem>> -> memref<250x16xf32, #tpu.memory_space<vmem>>
      %dma_wait3A_484 = arith.constant 0 : i32
      %dma_wait3A_485 = tpu.memref_slice %arg7[%dma_wait3A_478, %dma_wait3A_479, %dma_wait3A_484] : memref<4x2x250xi32, #tpu.memory_space<vmem>> -> memref<1x1x250xi32, #tpu.memory_space<vmem>>
      %dma_wait3A_486 = tpu.memref_squeeze %dma_wait3A_485 : memref<1x1x250xi32, #tpu.memory_space<vmem>> -> memref<250xi32, #tpu.memory_space<vmem>>
      %dma_wait3A_487 = arith.constant 0 : i32
      %dma_wait3A_488 = arith.constant 0 : i32
      %dma_wait3A_489 = tpu.memref_slice %arg9[%dma_wait3A_487, %dma_wait3A_488] : memref<100096x16xf32, #tpu.memory_space<vmem_shared>> -> memref<100096x16xf32, #tpu.memory_space<vmem_shared>>
      tpu.wait_indirect_dma semaphore(%arg12 : memref<!tpu.dma_semaphore, #tpu.memory_space<semaphore_mem>>) src(%dma_wait3A_483 : memref<250x16xf32, #tpu.memory_space<vmem>>) dst(%dma_wait3A_489 : memref<100096x16xf32, #tpu.memory_space<vmem_shared>>)
      %lt3A_490 = arith.constant 199 : i32
      %lt3A_491 = arith.cmpi slt, %scan3A_147, %lt3A_490 : i32
      %convert_element_type3A_492 = arith.extui %lt3A_491 : i1 to i32
      %cond3A_493 = arith.constant 0 : i32
      %cond3A_494 = arith.cmpi ne, %convert_element_type3A_492, %cond3A_493 : i32
      scf.if %cond3A_494 {
        %dma_wait3A_525 = arith.constant 0 : i32
        %dma_wait3A_526 = arith.constant 0 : i32
        %dma_wait3A_527 = arith.constant 0 : i32
        %dma_wait3A_528 = tpu.memref_slice %arg7[%dma_wait3A_525, %dma_wait3A_526, %dma_wait3A_527] : memref<4x2x250xi32, #tpu.memory_space<vmem>> -> memref<1x1x250xi32, #tpu.memory_space<vmem>>
        %dma_wait3A_529 = tpu.memref_squeeze %dma_wait3A_528 : memref<1x1x250xi32, #tpu.memory_space<vmem>> -> memref<250xi32, #tpu.memory_space<vmem>>
        %dma_wait3A_530 = arith.constant 0 : i32
        %dma_wait3A_531 = tpu.memref_slice %arg2[%mul3A_4, %dma_wait3A_530] : memref<12800x250xi32, #tpu.memory_space<hbm>> -> memref<1x250xi32, #tpu.memory_space<hbm>>
        %dma_wait3A_532 = tpu.memref_squeeze %dma_wait3A_531 : memref<1x250xi32, #tpu.memory_space<hbm>> -> memref<250xi32, #tpu.memory_space<hbm>>
        %dma_wait3A_533 = arith.constant 0 : i32
        %dma_wait3A_534 = tpu.memref_slice %arg7[%dma_wait3A_525, %dma_wait3A_526, %dma_wait3A_533] : memref<4x2x250xi32, #tpu.memory_space<vmem>> -> memref<1x1x250xi32, #tpu.memory_space<vmem>>
        %dma_wait3A_535 = tpu.memref_squeeze %dma_wait3A_534 : memref<1x1x250xi32, #tpu.memory_space<vmem>> -> memref<250xi32, #tpu.memory_space<vmem>>
        %dma_wait3A_536 = arith.constant 0 : i32
        %dma_wait3A_537 = tpu.memref_slice %arg2[%mul3A_4, %dma_wait3A_536] : memref<12800x250xi32, #tpu.memory_space<hbm>> -> memref<1x250xi32, #tpu.memory_space<hbm>>
        %dma_wait3A_538 = tpu.memref_squeeze %dma_wait3A_537 : memref<1x250xi32, #tpu.memory_space<hbm>> -> memref<250xi32, #tpu.memory_space<hbm>>
        tpu.wait_dma2 semaphore(%arg10 : memref<!tpu.dma_semaphore, #tpu.memory_space<semaphore_mem>>) src(%dma_wait3A_538 : memref<250xi32, #tpu.memory_space<hbm>>) dst(%dma_wait3A_535 : memref<250xi32, #tpu.memory_space<vmem>>)
        %dma_wait3A_539 = arith.constant 0 : i32
        %dma_wait3A_540 = arith.constant 1 : i32
        %dma_wait3A_541 = arith.constant 0 : i32
        %dma_wait3A_542 = tpu.memref_slice %arg7[%dma_wait3A_539, %dma_wait3A_540, %dma_wait3A_541] : memref<4x2x250xi32, #tpu.memory_space<vmem>> -> memref<1x1x250xi32, #tpu.memory_space<vmem>>
        %dma_wait3A_543 = tpu.memref_squeeze %dma_wait3A_542 : memref<1x1x250xi32, #tpu.memory_space<vmem>> -> memref<250xi32, #tpu.memory_space<vmem>>
        %dma_wait3A_544 = arith.constant 0 : i32
        %dma_wait3A_545 = tpu.memref_slice %arg3[%mul3A_4, %dma_wait3A_544] : memref<12800x250xi32, #tpu.memory_space<hbm>> -> memref<1x250xi32, #tpu.memory_space<hbm>>
        %dma_wait3A_546 = tpu.memref_squeeze %dma_wait3A_545 : memref<1x250xi32, #tpu.memory_space<hbm>> -> memref<250xi32, #tpu.memory_space<hbm>>
        %dma_wait3A_547 = arith.constant 0 : i32
        %dma_wait3A_548 = tpu.memref_slice %arg7[%dma_wait3A_539, %dma_wait3A_540, %dma_wait3A_547] : memref<4x2x250xi32, #tpu.memory_space<vmem>> -> memref<1x1x250xi32, #tpu.memory_space<vmem>>
        %dma_wait3A_549 = tpu.memref_squeeze %dma_wait3A_548 : memref<1x1x250xi32, #tpu.memory_space<vmem>> -> memref<250xi32, #tpu.memory_space<vmem>>
        %dma_wait3A_550 = arith.constant 0 : i32
        %dma_wait3A_551 = tpu.memref_slice %arg3[%mul3A_4, %dma_wait3A_550] : memref<12800x250xi32, #tpu.memory_space<hbm>> -> memref<1x250xi32, #tpu.memory_space<hbm>>
        %dma_wait3A_552 = tpu.memref_squeeze %dma_wait3A_551 : memref<1x250xi32, #tpu.memory_space<hbm>> -> memref<250xi32, #tpu.memory_space<hbm>>
        tpu.wait_dma2 semaphore(%arg10 : memref<!tpu.dma_semaphore, #tpu.memory_space<semaphore_mem>>) src(%dma_wait3A_552 : memref<250xi32, #tpu.memory_space<hbm>>) dst(%dma_wait3A_549 : memref<250xi32, #tpu.memory_space<vmem>>)
        %dma_start3A_553 = arith.constant 0 : i32
        %dma_start3A_554 = arith.constant 0 : i32
        %dma_start3A_555 = arith.constant 0 : i32
        %dma_start3A_556 = arith.constant 0 : i32
        %dma_start3A_557 = arith.constant 0 : i32
        %dma_start3A_558 = tpu.memref_slice %arg8[%dma_start3A_555, %dma_start3A_556, %dma_start3A_557] : memref<4x250x16xf32, #tpu.memory_space<vmem>> -> memref<1x250x16xf32, #tpu.memory_space<vmem>>
        %dma_start3A_559 = tpu.memref_squeeze %dma_start3A_558 : memref<1x250x16xf32, #tpu.memory_space<vmem>> -> memref<250x16xf32, #tpu.memory_space<vmem>>
        %dma_start3A_560 = arith.constant 0 : i32
        %dma_start3A_561 = tpu.memref_slice %arg7[%dma_start3A_553, %dma_start3A_554, %dma_start3A_560] : memref<4x2x250xi32, #tpu.memory_space<vmem>> -> memref<1x1x250xi32, #tpu.memory_space<vmem>>
        %dma_start3A_562 = tpu.memref_squeeze %dma_start3A_561 : memref<1x1x250xi32, #tpu.memory_space<vmem>> -> memref<250xi32, #tpu.memory_space<vmem>>
        %dma_start3A_563 = arith.constant 0 : i32
        %dma_start3A_564 = arith.constant 0 : i32
        %dma_start3A_565 = tpu.memref_slice %arg4[%arg0, %dma_start3A_563, %dma_start3A_564] : memref<2x100096x16xf32, #tpu.memory_space<hbm>> -> memref<1x100096x16xf32, #tpu.memory_space<hbm>>
        %dma_start3A_566 = tpu.memref_squeeze %dma_start3A_565 : memref<1x100096x16xf32, #tpu.memory_space<hbm>> -> memref<100096x16xf32, #tpu.memory_space<hbm>>
        %dma_start3A_567 = arith.constant 0 : i32
        %dma_start3A_568 = arith.constant 0 : i32
        %dma_start3A_569 = tpu.memref_slice %dma_start3A_566[%dma_start3A_567, %dma_start3A_568] : memref<100096x16xf32, #tpu.memory_space<hbm>> -> memref<100096x16xf32, #tpu.memory_space<hbm>>
        tpu.enqueue_indirect_dma source(%dma_start3A_569 : memref<100096x16xf32, #tpu.memory_space<hbm>>) target(%dma_start3A_559 : memref<250x16xf32, #tpu.memory_space<vmem>>) offsets(%dma_start3A_562 : memref<250xi32, #tpu.memory_space<vmem>>) semaphore(%arg11 : memref<!tpu.dma_semaphore, #tpu.memory_space<semaphore_mem>>)
        %add3A_570 = arith.constant 2 : i32
        %add3A_571 = arith.addi %add3A_476, %add3A_570 : i32
        %add3A_572 = arith.addi %mul3A_4, %add3A_571 : i32
        %dma_start3A_573 = arith.constant 1 : i32
        %dma_start3A_574 = arith.constant 0 : i32
        %dma_start3A_575 = arith.constant 0 : i32
        %dma_start3A_576 = tpu.memref_slice %arg7[%dma_start3A_573, %dma_start3A_574, %dma_start3A_575] : memref<4x2x250xi32, #tpu.memory_space<vmem>> -> memref<1x1x250xi32, #tpu.memory_space<vmem>>
        %dma_start3A_577 = tpu.memref_squeeze %dma_start3A_576 : memref<1x1x250xi32, #tpu.memory_space<vmem>> -> memref<250xi32, #tpu.memory_space<vmem>>
        %dma_start3A_578 = arith.constant 0 : i32
        %dma_start3A_579 = tpu.memref_slice %arg2[%add3A_572, %dma_start3A_578] : memref<12800x250xi32, #tpu.memory_space<hbm>> -> memref<1x250xi32, #tpu.memory_space<hbm>>
        %dma_start3A_580 = tpu.memref_squeeze %dma_start3A_579 : memref<1x250xi32, #tpu.memory_space<hbm>> -> memref<250xi32, #tpu.memory_space<hbm>>
        %dma_start3A_581 = arith.constant 0 : i32
        %dma_start3A_582 = tpu.memref_slice %arg7[%dma_start3A_573, %dma_start3A_574, %dma_start3A_581] : memref<4x2x250xi32, #tpu.memory_space<vmem>> -> memref<1x1x250xi32, #tpu.memory_space<vmem>>
        %dma_start3A_583 = tpu.memref_squeeze %dma_start3A_582 : memref<1x1x250xi32, #tpu.memory_space<vmem>> -> memref<250xi32, #tpu.memory_space<vmem>>
        %dma_start3A_584 = arith.constant 0 : i32
        %dma_start3A_585 = tpu.memref_slice %arg2[%add3A_572, %dma_start3A_584] : memref<12800x250xi32, #tpu.memory_space<hbm>> -> memref<1x250xi32, #tpu.memory_space<hbm>>
        %dma_start3A_586 = tpu.memref_squeeze %dma_start3A_585 : memref<1x250xi32, #tpu.memory_space<hbm>> -> memref<250xi32, #tpu.memory_space<hbm>>
        tpu.enqueue_dma source(%dma_start3A_586 : memref<250xi32, #tpu.memory_space<hbm>>) target(%dma_start3A_583 : memref<250xi32, #tpu.memory_space<vmem>>) target_semaphore(%arg10 : memref<!tpu.dma_semaphore, #tpu.memory_space<semaphore_mem>>)
        %add3A_587 = arith.addi %mul3A_4, %add3A_571 : i32
        %dma_start3A_588 = arith.constant 1 : i32
        %dma_start3A_589 = arith.constant 1 : i32
        %dma_start3A_590 = arith.constant 0 : i32
        %dma_start3A_591 = tpu.memref_slice %arg7[%dma_start3A_588, %dma_start3A_589, %dma_start3A_590] : memref<4x2x250xi32, #tpu.memory_space<vmem>> -> memref<1x1x250xi32, #tpu.memory_space<vmem>>
        %dma_start3A_592 = tpu.memref_squeeze %dma_start3A_591 : memref<1x1x250xi32, #tpu.memory_space<vmem>> -> memref<250xi32, #tpu.memory_space<vmem>>
        %dma_start3A_593 = arith.constant 0 : i32
        %dma_start3A_594 = tpu.memref_slice %arg3[%add3A_587, %dma_start3A_593] : memref<12800x250xi32, #tpu.memory_space<hbm>> -> memref<1x250xi32, #tpu.memory_space<hbm>>
        %dma_start3A_595 = tpu.memref_squeeze %dma_start3A_594 : memref<1x250xi32, #tpu.memory_space<hbm>> -> memref<250xi32, #tpu.memory_space<hbm>>
        %dma_start3A_596 = arith.constant 0 : i32
        %dma_start3A_597 = tpu.memref_slice %arg7[%dma_start3A_588, %dma_start3A_589, %dma_start3A_596] : memref<4x2x250xi32, #tpu.memory_space<vmem>> -> memref<1x1x250xi32, #tpu.memory_space<vmem>>
        %dma_start3A_598 = tpu.memref_squeeze %dma_start3A_597 : memref<1x1x250xi32, #tpu.memory_space<vmem>> -> memref<250xi32, #tpu.memory_space<vmem>>
        %dma_start3A_599 = arith.constant 0 : i32
        %dma_start3A_600 = tpu.memref_slice %arg3[%add3A_587, %dma_start3A_599] : memref<12800x250xi32, #tpu.memory_space<hbm>> -> memref<1x250xi32, #tpu.memory_space<hbm>>
        %dma_start3A_601 = tpu.memref_squeeze %dma_start3A_600 : memref<1x250xi32, #tpu.memory_space<hbm>> -> memref<250xi32, #tpu.memory_space<hbm>>
        tpu.enqueue_dma source(%dma_start3A_601 : memref<250xi32, #tpu.memory_space<hbm>>) target(%dma_start3A_598 : memref<250xi32, #tpu.memory_space<vmem>>) target_semaphore(%arg10 : memref<!tpu.dma_semaphore, #tpu.memory_space<semaphore_mem>>)
      } else {
      }
      %dma_wait3A_495 = arith.constant 3 : i32
      %dma_wait3A_496 = arith.constant 0 : i32
      %dma_wait3A_497 = arith.constant 3 : i32
      %dma_wait3A_498 = arith.constant 0 : i32
      %dma_wait3A_499 = arith.constant 0 : i32
      %dma_wait3A_500 = tpu.memref_slice %arg8[%dma_wait3A_497, %dma_wait3A_498, %dma_wait3A_499] : memref<4x250x16xf32, #tpu.memory_space<vmem>> -> memref<1x250x16xf32, #tpu.memory_space<vmem>>
      %dma_wait3A_501 = tpu.memref_squeeze %dma_wait3A_500 : memref<1x250x16xf32, #tpu.memory_space<vmem>> -> memref<250x16xf32, #tpu.memory_space<vmem>>
      %dma_wait3A_502 = arith.constant 0 : i32
      %dma_wait3A_503 = tpu.memref_slice %arg7[%dma_wait3A_495, %dma_wait3A_496, %dma_wait3A_502] : memref<4x2x250xi32, #tpu.memory_space<vmem>> -> memref<1x1x250xi32, #tpu.memory_space<vmem>>
      %dma_wait3A_504 = tpu.memref_squeeze %dma_wait3A_503 : memref<1x1x250xi32, #tpu.memory_space<vmem>> -> memref<250xi32, #tpu.memory_space<vmem>>
      %dma_wait3A_505 = arith.constant 0 : i32
      %dma_wait3A_506 = arith.constant 0 : i32
      %dma_wait3A_507 = tpu.memref_slice %arg4[%arg0, %dma_wait3A_505, %dma_wait3A_506] : memref<2x100096x16xf32, #tpu.memory_space<hbm>> -> memref<1x100096x16xf32, #tpu.memory_space<hbm>>
      %dma_wait3A_508 = tpu.memref_squeeze %dma_wait3A_507 : memref<1x100096x16xf32, #tpu.memory_space<hbm>> -> memref<100096x16xf32, #tpu.memory_space<hbm>>
      %dma_wait3A_509 = arith.constant 0 : i32
      %dma_wait3A_510 = arith.constant 0 : i32
      %dma_wait3A_511 = tpu.memref_slice %dma_wait3A_508[%dma_wait3A_509, %dma_wait3A_510] : memref<100096x16xf32, #tpu.memory_space<hbm>> -> memref<100096x16xf32, #tpu.memory_space<hbm>>
      tpu.wait_indirect_dma semaphore(%arg11 : memref<!tpu.dma_semaphore, #tpu.memory_space<semaphore_mem>>) src(%dma_wait3A_511 : memref<100096x16xf32, #tpu.memory_space<hbm>>) dst(%dma_wait3A_501 : memref<250x16xf32, #tpu.memory_space<vmem>>)
      %dma_start3A_512 = arith.constant 3 : i32
      %dma_start3A_513 = arith.constant 3 : i32
      %dma_start3A_514 = arith.constant 1 : i32
      %dma_start3A_515 = arith.constant 0 : i32
      %dma_start3A_516 = arith.constant 0 : i32
      %dma_start3A_517 = tpu.memref_slice %arg8[%dma_start3A_512, %dma_start3A_515, %dma_start3A_516] : memref<4x250x16xf32, #tpu.memory_space<vmem>> -> memref<1x250x16xf32, #tpu.memory_space<vmem>>
      %dma_start3A_518 = tpu.memref_squeeze %dma_start3A_517 : memref<1x250x16xf32, #tpu.memory_space<vmem>> -> memref<250x16xf32, #tpu.memory_space<vmem>>
      %dma_start3A_519 = arith.constant 0 : i32
      %dma_start3A_520 = tpu.memref_slice %arg7[%dma_start3A_513, %dma_start3A_514, %dma_start3A_519] : memref<4x2x250xi32, #tpu.memory_space<vmem>> -> memref<1x1x250xi32, #tpu.memory_space<vmem>>
      %dma_start3A_521 = tpu.memref_squeeze %dma_start3A_520 : memref<1x1x250xi32, #tpu.memory_space<vmem>> -> memref<250xi32, #tpu.memory_space<vmem>>
      %dma_start3A_522 = arith.constant 0 : i32
      %dma_start3A_523 = arith.constant 0 : i32
      %dma_start3A_524 = tpu.memref_slice %arg9[%dma_start3A_522, %dma_start3A_523] : memref<100096x16xf32, #tpu.memory_space<vmem_shared>> -> memref<100096x16xf32, #tpu.memory_space<vmem_shared>>
      tpu.enqueue_indirect_dma source(%dma_start3A_518 : memref<250x16xf32, #tpu.memory_space<vmem>>) target(%dma_start3A_524 : memref<100096x16xf32, #tpu.memory_space<vmem_shared>>) offsets(%dma_start3A_521 : memref<250xi32, #tpu.memory_space<vmem>>) semaphore(%arg12 : memref<!tpu.dma_semaphore, #tpu.memory_space<semaphore_mem>>) {add = true}
    }
    %scan3A_115 = arith.constant 200 : i32
    %dma_wait3A_116 = arith.constant 2 : i32
    %dma_wait3A_117 = arith.constant 2 : i32
    %dma_wait3A_118 = arith.constant 1 : i32
    %dma_wait3A_119 = arith.constant 0 : i32
    %dma_wait3A_120 = arith.constant 0 : i32
    %dma_wait3A_121 = tpu.memref_slice %arg8[%dma_wait3A_116, %dma_wait3A_119, %dma_wait3A_120] : memref<4x250x16xf32, #tpu.memory_space<vmem>> -> memref<1x250x16xf32, #tpu.memory_space<vmem>>
    %dma_wait3A_122 = tpu.memref_squeeze %dma_wait3A_121 : memref<1x250x16xf32, #tpu.memory_space<vmem>> -> memref<250x16xf32, #tpu.memory_space<vmem>>
    %dma_wait3A_123 = arith.constant 0 : i32
    %dma_wait3A_124 = tpu.memref_slice %arg7[%dma_wait3A_117, %dma_wait3A_118, %dma_wait3A_123] : memref<4x2x250xi32, #tpu.memory_space<vmem>> -> memref<1x1x250xi32, #tpu.memory_space<vmem>>
    %dma_wait3A_125 = tpu.memref_squeeze %dma_wait3A_124 : memref<1x1x250xi32, #tpu.memory_space<vmem>> -> memref<250xi32, #tpu.memory_space<vmem>>
    %dma_wait3A_126 = arith.constant 0 : i32
    %dma_wait3A_127 = arith.constant 0 : i32
    %dma_wait3A_128 = tpu.memref_slice %arg9[%dma_wait3A_126, %dma_wait3A_127] : memref<100096x16xf32, #tpu.memory_space<vmem_shared>> -> memref<100096x16xf32, #tpu.memory_space<vmem_shared>>
    tpu.wait_indirect_dma semaphore(%arg12 : memref<!tpu.dma_semaphore, #tpu.memory_space<semaphore_mem>>) src(%dma_wait3A_122 : memref<250x16xf32, #tpu.memory_space<vmem>>) dst(%dma_wait3A_128 : memref<100096x16xf32, #tpu.memory_space<vmem_shared>>)
    %dma_wait3A_129 = arith.constant 3 : i32
    %dma_wait3A_130 = arith.constant 3 : i32
    %dma_wait3A_131 = arith.constant 1 : i32
    %dma_wait3A_132 = arith.constant 0 : i32
    %dma_wait3A_133 = arith.constant 0 : i32
    %dma_wait3A_134 = tpu.memref_slice %arg8[%dma_wait3A_129, %dma_wait3A_132, %dma_wait3A_133] : memref<4x250x16xf32, #tpu.memory_space<vmem>> -> memref<1x250x16xf32, #tpu.memory_space<vmem>>
    %dma_wait3A_135 = tpu.memref_squeeze %dma_wait3A_134 : memref<1x250x16xf32, #tpu.memory_space<vmem>> -> memref<250x16xf32, #tpu.memory_space<vmem>>
    %dma_wait3A_136 = arith.constant 0 : i32
    %dma_wait3A_137 = tpu.memref_slice %arg7[%dma_wait3A_130, %dma_wait3A_131, %dma_wait3A_136] : memref<4x2x250xi32, #tpu.memory_space<vmem>> -> memref<1x1x250xi32, #tpu.memory_space<vmem>>
    %dma_wait3A_138 = tpu.memref_squeeze %dma_wait3A_137 : memref<1x1x250xi32, #tpu.memory_space<vmem>> -> memref<250xi32, #tpu.memory_space<vmem>>
    %dma_wait3A_139 = arith.constant 0 : i32
    %dma_wait3A_140 = arith.constant 0 : i32
    %dma_wait3A_141 = tpu.memref_slice %arg9[%dma_wait3A_139, %dma_wait3A_140] : memref<100096x16xf32, #tpu.memory_space<vmem_shared>> -> memref<100096x16xf32, #tpu.memory_space<vmem_shared>>
    tpu.wait_indirect_dma semaphore(%arg12 : memref<!tpu.dma_semaphore, #tpu.memory_space<semaphore_mem>>) src(%dma_wait3A_135 : memref<250x16xf32, #tpu.memory_space<vmem>>) dst(%dma_wait3A_141 : memref<100096x16xf32, #tpu.memory_space<vmem_shared>>)
    %barrier3A_142 = arith.constant 0 : index
    tpu.barrier barrier_id(%barrier3A_142)
    %mul3A_143 = arith.constant 6256 : i32
    %mul3A_144 = arith.muli %arg1, %mul3A_143 : i32
    %mul3A_145 = arith.constant 6256 : i32
    %mul3A_146 = arith.muli %arg1, %mul3A_145 : i32
    "tpu.region"() ({
      %run_scoped3A = tpu.sem_alloc : memref<!tpu.dma_semaphore, #tpu.memory_space<semaphore_mem>>
      %dma_start3A_147 = arith.constant 0 : i32
      %dma_start3A_148 = arith.constant 0 : i32
      %dma_start3A_149 = tpu.memref_slice %arg6[%arg0, %dma_start3A_147, %dma_start3A_148] : memref<2x100096x16xf32, #tpu.memory_space<hbm>> -> memref<1x100096x16xf32, #tpu.memory_space<hbm>>
      %dma_start3A_150 = tpu.memref_squeeze %dma_start3A_149 : memref<1x100096x16xf32, #tpu.memory_space<hbm>> -> memref<100096x16xf32, #tpu.memory_space<hbm>>
      %dma_start3A_151 = arith.constant 0 : i32
      %dma_start3A_152 = tpu.memref_slice %dma_start3A_150[%mul3A_146, %dma_start3A_151] : memref<100096x16xf32, #tpu.memory_space<hbm>> -> memref<6256x16xf32, #tpu.memory_space<hbm>>
      %dma_start3A_153 = arith.constant 0 : i32
      %dma_start3A_154 = tpu.memref_slice %arg9[%mul3A_144, %dma_start3A_153] : memref<100096x16xf32, #tpu.memory_space<vmem_shared>> -> memref<6256x16xf32, #tpu.memory_space<vmem_shared>>
      tpu.enqueue_dma source(%dma_start3A_154 : memref<6256x16xf32, #tpu.memory_space<vmem_shared>>) target(%dma_start3A_152 : memref<6256x16xf32, #tpu.memory_space<hbm>>) target_semaphore(%run_scoped3A : memref<!tpu.dma_semaphore, #tpu.memory_space<semaphore_mem>>)
      %dma_wait3A_155 = arith.constant 0 : i32
      %dma_wait3A_156 = arith.constant 0 : i32
      %dma_wait3A_157 = tpu.memref_slice %arg6[%arg0, %dma_wait3A_155, %dma_wait3A_156] : memref<2x100096x16xf32, #tpu.memory_space<hbm>> -> memref<1x100096x16xf32, #tpu.memory_space<hbm>>
      %dma_wait3A_158 = tpu.memref_squeeze %dma_wait3A_157 : memref<1x100096x16xf32, #tpu.memory_space<hbm>> -> memref<100096x16xf32, #tpu.memory_space<hbm>>
      %dma_wait3A_159 = arith.constant 0 : i32
      %dma_wait3A_160 = tpu.memref_slice %dma_wait3A_158[%mul3A_146, %dma_wait3A_159] : memref<100096x16xf32, #tpu.memory_space<hbm>> -> memref<6256x16xf32, #tpu.memory_space<hbm>>
      %dma_wait3A_161 = arith.constant 0 : i32
      %dma_wait3A_162 = tpu.memref_slice %arg9[%mul3A_144, %dma_wait3A_161] : memref<100096x16xf32, #tpu.memory_space<vmem_shared>> -> memref<6256x16xf32, #tpu.memory_space<vmem_shared>>
      tpu.wait_dma2 semaphore(%run_scoped3A : memref<!tpu.dma_semaphore, #tpu.memory_space<semaphore_mem>>) src(%dma_wait3A_162 : memref<6256x16xf32, #tpu.memory_space<vmem_shared>>) dst(%dma_wait3A_160 : memref<6256x16xf32, #tpu.memory_space<hbm>>)
      tpu.yield
    }) : () -> ()
    return
  }
}

#map = affine_map<(d0, d1) -> (0, 0)>
#map1 = affine_map<(d0, d1) -> (0, 0, 0)>
module attributes {stable_mosaic.version = 14 : i64} {
  func.func @edge_kernel(%arg0: i32, %arg1: i32, %arg2: memref<12800x250xi32, #tpu.memory_space<hbm>>, %arg3: memref<12800x250xi32, #tpu.memory_space<hbm>>, %arg4: memref<1x250x8xf32, #tpu.memory_space<hbm>>, %arg5: memref<100096x8xf32, #tpu.memory_space<hbm>>, %arg6: memref<2x100096x8xf32, #tpu.memory_space<hbm>>, %arg7: memref<4x2x250xi32, #tpu.memory_space<vmem>>, %arg8: memref<4x250x8xf32, #tpu.memory_space<vmem>>, %arg9: memref<100096x8xf32, #tpu.memory_space<vmem_shared>>, %arg10: memref<!tpu.dma_semaphore, #tpu.memory_space<semaphore_mem>>, %arg11: memref<!tpu.dma_semaphore, #tpu.memory_space<semaphore_mem>>, %arg12: memref<!tpu.dma_semaphore, #tpu.memory_space<semaphore_mem>>) attributes {dimension_semantics = [#tpu.dimension_semantics<core_parallel>, #tpu.dimension_semantics<subcore_parallel>], iteration_bounds = array<i64: 2, 16>, scalar_prefetch = 0 : i64, scratch_operands = 6 : i64, tpu.core_type = #tpu.core_type<sc_vector_subcore>, window_params = [{transform_indices = #map}, {transform_indices = #map}, {transform_indices = #map1}, {transform_indices = #map}, {transform_indices = #map1}]} {
    %mul3A = arith.constant 6256 : i32
    %mul3A_0 = arith.muli %arg1, %mul3A : i32
    %mul3A_1 = arith.constant 6256 : i32
    %mul3A_2 = arith.muli %arg1, %mul3A_1 : i32
    "tpu.region"() ({
      %run_scoped3A_134 = tpu.sem_alloc : memref<!tpu.dma_semaphore, #tpu.memory_space<semaphore_mem>>
      %dma_start3A_135 = arith.constant 0 : i32
      %dma_start3A_136 = tpu.memref_slice %arg9[%mul3A_2, %dma_start3A_135] : memref<100096x8xf32, #tpu.memory_space<vmem_shared>> -> memref<6256x8xf32, #tpu.memory_space<vmem_shared>>
      %dma_start3A_137 = arith.constant 0 : i32
      %dma_start3A_138 = tpu.memref_slice %arg5[%mul3A_0, %dma_start3A_137] : memref<100096x8xf32, #tpu.memory_space<hbm>> -> memref<6256x8xf32, #tpu.memory_space<hbm>>
      tpu.enqueue_dma source(%dma_start3A_138 : memref<6256x8xf32, #tpu.memory_space<hbm>>) target(%dma_start3A_136 : memref<6256x8xf32, #tpu.memory_space<vmem_shared>>) target_semaphore(%run_scoped3A_134 : memref<!tpu.dma_semaphore, #tpu.memory_space<semaphore_mem>>)
      %dma_wait3A_139 = arith.constant 0 : i32
      %dma_wait3A_140 = tpu.memref_slice %arg9[%mul3A_2, %dma_wait3A_139] : memref<100096x8xf32, #tpu.memory_space<vmem_shared>> -> memref<6256x8xf32, #tpu.memory_space<vmem_shared>>
      %dma_wait3A_141 = arith.constant 0 : i32
      %dma_wait3A_142 = tpu.memref_slice %arg5[%mul3A_0, %dma_wait3A_141] : memref<100096x8xf32, #tpu.memory_space<hbm>> -> memref<6256x8xf32, #tpu.memory_space<hbm>>
      tpu.wait_dma2 semaphore(%run_scoped3A_134 : memref<!tpu.dma_semaphore, #tpu.memory_space<semaphore_mem>>) src(%dma_wait3A_142 : memref<6256x8xf32, #tpu.memory_space<hbm>>) dst(%dma_wait3A_140 : memref<6256x8xf32, #tpu.memory_space<vmem_shared>>)
      tpu.yield
    }) : () -> ()
    %run_scoped3A = arith.constant 0 : i32
    %run_scoped3A_3 = arith.constant 0 : i32
    "tpu.region"() ({
      %run_scoped3A_134 = tpu.sem_alloc : memref<!tpu.dma_semaphore, #tpu.memory_space<semaphore_mem>>
      %dma_start3A_135 = arith.constant 0 : i32
      %dma_start3A_136 = arith.constant 0 : i32
      %dma_start3A_137 = tpu.memref_slice %arg8[%run_scoped3A_3, %dma_start3A_135, %dma_start3A_136] : memref<4x250x8xf32, #tpu.memory_space<vmem>> -> memref<1x250x8xf32, #tpu.memory_space<vmem>>
      %dma_start3A_138 = tpu.memref_squeeze %dma_start3A_137 : memref<1x250x8xf32, #tpu.memory_space<vmem>> -> memref<250x8xf32, #tpu.memory_space<vmem>>
      %dma_start3A_139 = arith.constant 0 : i32
      %dma_start3A_140 = arith.constant 0 : i32
      %dma_start3A_141 = tpu.memref_slice %arg4[%run_scoped3A, %dma_start3A_139, %dma_start3A_140] : memref<1x250x8xf32, #tpu.memory_space<hbm>> -> memref<1x250x8xf32, #tpu.memory_space<hbm>>
      %dma_start3A_142 = tpu.memref_squeeze %dma_start3A_141 : memref<1x250x8xf32, #tpu.memory_space<hbm>> -> memref<250x8xf32, #tpu.memory_space<hbm>>
      %dma_start3A_143 = arith.constant 0 : i32
      %dma_start3A_144 = arith.constant 0 : i32
      %dma_start3A_145 = tpu.memref_slice %arg8[%run_scoped3A_3, %dma_start3A_143, %dma_start3A_144] : memref<4x250x8xf32, #tpu.memory_space<vmem>> -> memref<1x250x8xf32, #tpu.memory_space<vmem>>
      %dma_start3A_146 = tpu.memref_squeeze %dma_start3A_145 : memref<1x250x8xf32, #tpu.memory_space<vmem>> -> memref<250x8xf32, #tpu.memory_space<vmem>>
      %dma_start3A_147 = arith.constant 0 : i32
      %dma_start3A_148 = arith.constant 0 : i32
      %dma_start3A_149 = tpu.memref_slice %arg4[%run_scoped3A, %dma_start3A_147, %dma_start3A_148] : memref<1x250x8xf32, #tpu.memory_space<hbm>> -> memref<1x250x8xf32, #tpu.memory_space<hbm>>
      %dma_start3A_150 = tpu.memref_squeeze %dma_start3A_149 : memref<1x250x8xf32, #tpu.memory_space<hbm>> -> memref<250x8xf32, #tpu.memory_space<hbm>>
      tpu.enqueue_dma source(%dma_start3A_150 : memref<250x8xf32, #tpu.memory_space<hbm>>) target(%dma_start3A_146 : memref<250x8xf32, #tpu.memory_space<vmem>>) target_semaphore(%run_scoped3A_134 : memref<!tpu.dma_semaphore, #tpu.memory_space<semaphore_mem>>)
      %dma_wait3A_151 = arith.constant 0 : i32
      %dma_wait3A_152 = arith.constant 0 : i32
      %dma_wait3A_153 = tpu.memref_slice %arg8[%run_scoped3A_3, %dma_wait3A_151, %dma_wait3A_152] : memref<4x250x8xf32, #tpu.memory_space<vmem>> -> memref<1x250x8xf32, #tpu.memory_space<vmem>>
      %dma_wait3A_154 = tpu.memref_squeeze %dma_wait3A_153 : memref<1x250x8xf32, #tpu.memory_space<vmem>> -> memref<250x8xf32, #tpu.memory_space<vmem>>
      %dma_wait3A_155 = arith.constant 0 : i32
      %dma_wait3A_156 = arith.constant 0 : i32
      %dma_wait3A_157 = tpu.memref_slice %arg4[%run_scoped3A, %dma_wait3A_155, %dma_wait3A_156] : memref<1x250x8xf32, #tpu.memory_space<hbm>> -> memref<1x250x8xf32, #tpu.memory_space<hbm>>
      %dma_wait3A_158 = tpu.memref_squeeze %dma_wait3A_157 : memref<1x250x8xf32, #tpu.memory_space<hbm>> -> memref<250x8xf32, #tpu.memory_space<hbm>>
      %dma_wait3A_159 = arith.constant 0 : i32
      %dma_wait3A_160 = arith.constant 0 : i32
      %dma_wait3A_161 = tpu.memref_slice %arg8[%run_scoped3A_3, %dma_wait3A_159, %dma_wait3A_160] : memref<4x250x8xf32, #tpu.memory_space<vmem>> -> memref<1x250x8xf32, #tpu.memory_space<vmem>>
      %dma_wait3A_162 = tpu.memref_squeeze %dma_wait3A_161 : memref<1x250x8xf32, #tpu.memory_space<vmem>> -> memref<250x8xf32, #tpu.memory_space<vmem>>
      %dma_wait3A_163 = arith.constant 0 : i32
      %dma_wait3A_164 = arith.constant 0 : i32
      %dma_wait3A_165 = tpu.memref_slice %arg4[%run_scoped3A, %dma_wait3A_163, %dma_wait3A_164] : memref<1x250x8xf32, #tpu.memory_space<hbm>> -> memref<1x250x8xf32, #tpu.memory_space<hbm>>
      %dma_wait3A_166 = tpu.memref_squeeze %dma_wait3A_165 : memref<1x250x8xf32, #tpu.memory_space<hbm>> -> memref<250x8xf32, #tpu.memory_space<hbm>>
      tpu.wait_dma2 semaphore(%run_scoped3A_134 : memref<!tpu.dma_semaphore, #tpu.memory_space<semaphore_mem>>) src(%dma_wait3A_166 : memref<250x8xf32, #tpu.memory_space<hbm>>) dst(%dma_wait3A_162 : memref<250x8xf32, #tpu.memory_space<vmem>>)
      tpu.yield
    }) : () -> ()
    %barrier3A = arith.constant 0 : index
    tpu.barrier barrier_id(%barrier3A)
    %mul3A_4 = arith.constant 16 : i32
    %mul3A_5 = arith.muli %arg0, %mul3A_4 : i32
    %add3A = arith.addi %mul3A_5, %arg1 : i32
    %mul3A_6 = arith.constant 400 : i32
    %mul3A_7 = arith.muli %add3A, %mul3A_6 : i32
    %add3A_8 = arith.constant 0 : i32
    %add3A_9 = arith.addi %mul3A_7, %add3A_8 : i32
    %dma_start3A = arith.constant 0 : i32
    %dma_start3A_10 = arith.constant 0 : i32
    %dma_start3A_11 = arith.constant 0 : i32
    %dma_start3A_12 = tpu.memref_slice %arg7[%dma_start3A, %dma_start3A_10, %dma_start3A_11] : memref<4x2x250xi32, #tpu.memory_space<vmem>> -> memref<1x1x250xi32, #tpu.memory_space<vmem>>
    %dma_start3A_13 = tpu.memref_squeeze %dma_start3A_12 : memref<1x1x250xi32, #tpu.memory_space<vmem>> -> memref<250xi32, #tpu.memory_space<vmem>>
    %dma_start3A_14 = arith.constant 0 : i32
    %dma_start3A_15 = tpu.memref_slice %arg2[%add3A_9, %dma_start3A_14] : memref<12800x250xi32, #tpu.memory_space<hbm>> -> memref<1x250xi32, #tpu.memory_space<hbm>>
    %dma_start3A_16 = tpu.memref_squeeze %dma_start3A_15 : memref<1x250xi32, #tpu.memory_space<hbm>> -> memref<250xi32, #tpu.memory_space<hbm>>
    %dma_start3A_17 = arith.constant 0 : i32
    %dma_start3A_18 = tpu.memref_slice %arg7[%dma_start3A, %dma_start3A_10, %dma_start3A_17] : memref<4x2x250xi32, #tpu.memory_space<vmem>> -> memref<1x1x250xi32, #tpu.memory_space<vmem>>
    %dma_start3A_19 = tpu.memref_squeeze %dma_start3A_18 : memref<1x1x250xi32, #tpu.memory_space<vmem>> -> memref<250xi32, #tpu.memory_space<vmem>>
    %dma_start3A_20 = arith.constant 0 : i32
    %dma_start3A_21 = tpu.memref_slice %arg2[%add3A_9, %dma_start3A_20] : memref<12800x250xi32, #tpu.memory_space<hbm>> -> memref<1x250xi32, #tpu.memory_space<hbm>>
    %dma_start3A_22 = tpu.memref_squeeze %dma_start3A_21 : memref<1x250xi32, #tpu.memory_space<hbm>> -> memref<250xi32, #tpu.memory_space<hbm>>
    tpu.enqueue_dma source(%dma_start3A_22 : memref<250xi32, #tpu.memory_space<hbm>>) target(%dma_start3A_19 : memref<250xi32, #tpu.memory_space<vmem>>) target_semaphore(%arg10 : memref<!tpu.dma_semaphore, #tpu.memory_space<semaphore_mem>>)
    %add3A_23 = arith.constant 0 : i32
    %add3A_24 = arith.addi %mul3A_7, %add3A_23 : i32
    %dma_start3A_25 = arith.constant 0 : i32
    %dma_start3A_26 = arith.constant 1 : i32
    %dma_start3A_27 = arith.constant 0 : i32
    %dma_start3A_28 = tpu.memref_slice %arg7[%dma_start3A_25, %dma_start3A_26, %dma_start3A_27] : memref<4x2x250xi32, #tpu.memory_space<vmem>> -> memref<1x1x250xi32, #tpu.memory_space<vmem>>
    %dma_start3A_29 = tpu.memref_squeeze %dma_start3A_28 : memref<1x1x250xi32, #tpu.memory_space<vmem>> -> memref<250xi32, #tpu.memory_space<vmem>>
    %dma_start3A_30 = arith.constant 0 : i32
    %dma_start3A_31 = tpu.memref_slice %arg3[%add3A_24, %dma_start3A_30] : memref<12800x250xi32, #tpu.memory_space<hbm>> -> memref<1x250xi32, #tpu.memory_space<hbm>>
    %dma_start3A_32 = tpu.memref_squeeze %dma_start3A_31 : memref<1x250xi32, #tpu.memory_space<hbm>> -> memref<250xi32, #tpu.memory_space<hbm>>
    %dma_start3A_33 = arith.constant 0 : i32
    %dma_start3A_34 = tpu.memref_slice %arg7[%dma_start3A_25, %dma_start3A_26, %dma_start3A_33] : memref<4x2x250xi32, #tpu.memory_space<vmem>> -> memref<1x1x250xi32, #tpu.memory_space<vmem>>
    %dma_start3A_35 = tpu.memref_squeeze %dma_start3A_34 : memref<1x1x250xi32, #tpu.memory_space<vmem>> -> memref<250xi32, #tpu.memory_space<vmem>>
    %dma_start3A_36 = arith.constant 0 : i32
    %dma_start3A_37 = tpu.memref_slice %arg3[%add3A_24, %dma_start3A_36] : memref<12800x250xi32, #tpu.memory_space<hbm>> -> memref<1x250xi32, #tpu.memory_space<hbm>>
    %dma_start3A_38 = tpu.memref_squeeze %dma_start3A_37 : memref<1x250xi32, #tpu.memory_space<hbm>> -> memref<250xi32, #tpu.memory_space<hbm>>
    tpu.enqueue_dma source(%dma_start3A_38 : memref<250xi32, #tpu.memory_space<hbm>>) target(%dma_start3A_35 : memref<250xi32, #tpu.memory_space<vmem>>) target_semaphore(%arg10 : memref<!tpu.dma_semaphore, #tpu.memory_space<semaphore_mem>>)
    %add3A_39 = arith.constant 1 : i32
    %add3A_40 = arith.addi %mul3A_7, %add3A_39 : i32
    %dma_start3A_41 = arith.constant 1 : i32
    %dma_start3A_42 = arith.constant 0 : i32
    %dma_start3A_43 = arith.constant 0 : i32
    %dma_start3A_44 = tpu.memref_slice %arg7[%dma_start3A_41, %dma_start3A_42, %dma_start3A_43] : memref<4x2x250xi32, #tpu.memory_space<vmem>> -> memref<1x1x250xi32, #tpu.memory_space<vmem>>
    %dma_start3A_45 = tpu.memref_squeeze %dma_start3A_44 : memref<1x1x250xi32, #tpu.memory_space<vmem>> -> memref<250xi32, #tpu.memory_space<vmem>>
    %dma_start3A_46 = arith.constant 0 : i32
    %dma_start3A_47 = tpu.memref_slice %arg2[%add3A_40, %dma_start3A_46] : memref<12800x250xi32, #tpu.memory_space<hbm>> -> memref<1x250xi32, #tpu.memory_space<hbm>>
    %dma_start3A_48 = tpu.memref_squeeze %dma_start3A_47 : memref<1x250xi32, #tpu.memory_space<hbm>> -> memref<250xi32, #tpu.memory_space<hbm>>
    %dma_start3A_49 = arith.constant 0 : i32
    %dma_start3A_50 = tpu.memref_slice %arg7[%dma_start3A_41, %dma_start3A_42, %dma_start3A_49] : memref<4x2x250xi32, #tpu.memory_space<vmem>> -> memref<1x1x250xi32, #tpu.memory_space<vmem>>
    %dma_start3A_51 = tpu.memref_squeeze %dma_start3A_50 : memref<1x1x250xi32, #tpu.memory_space<vmem>> -> memref<250xi32, #tpu.memory_space<vmem>>
    %dma_start3A_52 = arith.constant 0 : i32
    %dma_start3A_53 = tpu.memref_slice %arg2[%add3A_40, %dma_start3A_52] : memref<12800x250xi32, #tpu.memory_space<hbm>> -> memref<1x250xi32, #tpu.memory_space<hbm>>
    %dma_start3A_54 = tpu.memref_squeeze %dma_start3A_53 : memref<1x250xi32, #tpu.memory_space<hbm>> -> memref<250xi32, #tpu.memory_space<hbm>>
    tpu.enqueue_dma source(%dma_start3A_54 : memref<250xi32, #tpu.memory_space<hbm>>) target(%dma_start3A_51 : memref<250xi32, #tpu.memory_space<vmem>>) target_semaphore(%arg10 : memref<!tpu.dma_semaphore, #tpu.memory_space<semaphore_mem>>)
    %add3A_55 = arith.constant 1 : i32
    %add3A_56 = arith.addi %mul3A_7, %add3A_55 : i32
    %dma_start3A_57 = arith.constant 1 : i32
    %dma_start3A_58 = arith.constant 1 : i32
    %dma_start3A_59 = arith.constant 0 : i32
    %dma_start3A_60 = tpu.memref_slice %arg7[%dma_start3A_57, %dma_start3A_58, %dma_start3A_59] : memref<4x2x250xi32, #tpu.memory_space<vmem>> -> memref<1x1x250xi32, #tpu.memory_space<vmem>>
    %dma_start3A_61 = tpu.memref_squeeze %dma_start3A_60 : memref<1x1x250xi32, #tpu.memory_space<vmem>> -> memref<250xi32, #tpu.memory_space<vmem>>
    %dma_start3A_62 = arith.constant 0 : i32
    %dma_start3A_63 = tpu.memref_slice %arg3[%add3A_56, %dma_start3A_62] : memref<12800x250xi32, #tpu.memory_space<hbm>> -> memref<1x250xi32, #tpu.memory_space<hbm>>
    %dma_start3A_64 = tpu.memref_squeeze %dma_start3A_63 : memref<1x250xi32, #tpu.memory_space<hbm>> -> memref<250xi32, #tpu.memory_space<hbm>>
    %dma_start3A_65 = arith.constant 0 : i32
    %dma_start3A_66 = tpu.memref_slice %arg7[%dma_start3A_57, %dma_start3A_58, %dma_start3A_65] : memref<4x2x250xi32, #tpu.memory_space<vmem>> -> memref<1x1x250xi32, #tpu.memory_space<vmem>>
    %dma_start3A_67 = tpu.memref_squeeze %dma_start3A_66 : memref<1x1x250xi32, #tpu.memory_space<vmem>> -> memref<250xi32, #tpu.memory_space<vmem>>
    %dma_start3A_68 = arith.constant 0 : i32
    %dma_start3A_69 = tpu.memref_slice %arg3[%add3A_56, %dma_start3A_68] : memref<12800x250xi32, #tpu.memory_space<hbm>> -> memref<1x250xi32, #tpu.memory_space<hbm>>
    %dma_start3A_70 = tpu.memref_squeeze %dma_start3A_69 : memref<1x250xi32, #tpu.memory_space<hbm>> -> memref<250xi32, #tpu.memory_space<hbm>>
    tpu.enqueue_dma source(%dma_start3A_70 : memref<250xi32, #tpu.memory_space<hbm>>) target(%dma_start3A_67 : memref<250xi32, #tpu.memory_space<vmem>>) target_semaphore(%arg10 : memref<!tpu.dma_semaphore, #tpu.memory_space<semaphore_mem>>)
    %dma_wait3A = arith.constant 0 : i32
    %dma_wait3A_71 = arith.constant 0 : i32
    %dma_wait3A_72 = arith.constant 0 : i32
    %dma_wait3A_73 = tpu.memref_slice %arg7[%dma_wait3A, %dma_wait3A_71, %dma_wait3A_72] : memref<4x2x250xi32, #tpu.memory_space<vmem>> -> memref<1x1x250xi32, #tpu.memory_space<vmem>>
    %dma_wait3A_74 = tpu.memref_squeeze %dma_wait3A_73 : memref<1x1x250xi32, #tpu.memory_space<vmem>> -> memref<250xi32, #tpu.memory_space<vmem>>
    %dma_wait3A_75 = arith.constant 0 : i32
    %dma_wait3A_76 = tpu.memref_slice %arg2[%mul3A_7, %dma_wait3A_75] : memref<12800x250xi32, #tpu.memory_space<hbm>> -> memref<1x250xi32, #tpu.memory_space<hbm>>
    %dma_wait3A_77 = tpu.memref_squeeze %dma_wait3A_76 : memref<1x250xi32, #tpu.memory_space<hbm>> -> memref<250xi32, #tpu.memory_space<hbm>>
    %dma_wait3A_78 = arith.constant 0 : i32
    %dma_wait3A_79 = tpu.memref_slice %arg7[%dma_wait3A, %dma_wait3A_71, %dma_wait3A_78] : memref<4x2x250xi32, #tpu.memory_space<vmem>> -> memref<1x1x250xi32, #tpu.memory_space<vmem>>
    %dma_wait3A_80 = tpu.memref_squeeze %dma_wait3A_79 : memref<1x1x250xi32, #tpu.memory_space<vmem>> -> memref<250xi32, #tpu.memory_space<vmem>>
    %dma_wait3A_81 = arith.constant 0 : i32
    %dma_wait3A_82 = tpu.memref_slice %arg2[%mul3A_7, %dma_wait3A_81] : memref<12800x250xi32, #tpu.memory_space<hbm>> -> memref<1x250xi32, #tpu.memory_space<hbm>>
    %dma_wait3A_83 = tpu.memref_squeeze %dma_wait3A_82 : memref<1x250xi32, #tpu.memory_space<hbm>> -> memref<250xi32, #tpu.memory_space<hbm>>
    tpu.wait_dma2 semaphore(%arg10 : memref<!tpu.dma_semaphore, #tpu.memory_space<semaphore_mem>>) src(%dma_wait3A_83 : memref<250xi32, #tpu.memory_space<hbm>>) dst(%dma_wait3A_80 : memref<250xi32, #tpu.memory_space<vmem>>)
    %dma_wait3A_84 = arith.constant 0 : i32
    %dma_wait3A_85 = arith.constant 1 : i32
    %dma_wait3A_86 = arith.constant 0 : i32
    %dma_wait3A_87 = tpu.memref_slice %arg7[%dma_wait3A_84, %dma_wait3A_85, %dma_wait3A_86] : memref<4x2x250xi32, #tpu.memory_space<vmem>> -> memref<1x1x250xi32, #tpu.memory_space<vmem>>
    %dma_wait3A_88 = tpu.memref_squeeze %dma_wait3A_87 : memref<1x1x250xi32, #tpu.memory_space<vmem>> -> memref<250xi32, #tpu.memory_space<vmem>>
    %dma_wait3A_89 = arith.constant 0 : i32
    %dma_wait3A_90 = tpu.memref_slice %arg3[%mul3A_7, %dma_wait3A_89] : memref<12800x250xi32, #tpu.memory_space<hbm>> -> memref<1x250xi32, #tpu.memory_space<hbm>>
    %dma_wait3A_91 = tpu.memref_squeeze %dma_wait3A_90 : memref<1x250xi32, #tpu.memory_space<hbm>> -> memref<250xi32, #tpu.memory_space<hbm>>
    %dma_wait3A_92 = arith.constant 0 : i32
    %dma_wait3A_93 = tpu.memref_slice %arg7[%dma_wait3A_84, %dma_wait3A_85, %dma_wait3A_92] : memref<4x2x250xi32, #tpu.memory_space<vmem>> -> memref<1x1x250xi32, #tpu.memory_space<vmem>>
    %dma_wait3A_94 = tpu.memref_squeeze %dma_wait3A_93 : memref<1x1x250xi32, #tpu.memory_space<vmem>> -> memref<250xi32, #tpu.memory_space<vmem>>
    %dma_wait3A_95 = arith.constant 0 : i32
    %dma_wait3A_96 = tpu.memref_slice %arg3[%mul3A_7, %dma_wait3A_95] : memref<12800x250xi32, #tpu.memory_space<hbm>> -> memref<1x250xi32, #tpu.memory_space<hbm>>
    %dma_wait3A_97 = tpu.memref_squeeze %dma_wait3A_96 : memref<1x250xi32, #tpu.memory_space<hbm>> -> memref<250xi32, #tpu.memory_space<hbm>>
    tpu.wait_dma2 semaphore(%arg10 : memref<!tpu.dma_semaphore, #tpu.memory_space<semaphore_mem>>) src(%dma_wait3A_97 : memref<250xi32, #tpu.memory_space<hbm>>) dst(%dma_wait3A_94 : memref<250xi32, #tpu.memory_space<vmem>>)
    %scan3A = arith.constant 0 : i32
    %scan3A_98 = arith.constant 0 : i32
    %scan3A_99 = arith.constant 100 : i32
    %scan3A_100 = arith.addi %scan3A_98, %scan3A_99 : i32
    %scan3A_101 = arith.constant 1 : i32
    scf.for %scan3A_134 = %scan3A_98 to %scan3A_100 step %scan3A_101  : i32 {
      %mul3A_135 = arith.constant 4 : i32
      %mul3A_136 = arith.muli %scan3A_134, %mul3A_135 : i32
      %add3A_137 = arith.constant 0 : i32
      %add3A_138 = arith.addi %mul3A_136, %add3A_137 : i32
      %ge3A = arith.constant 1 : i32
      %ge3A_139 = arith.cmpi sge, %scan3A_134, %ge3A : i32
      %convert_element_type3A = arith.extui %ge3A_139 : i1 to i32
      %cond3A = arith.constant 0 : i32
      %cond3A_140 = arith.cmpi ne, %convert_element_type3A, %cond3A : i32
      scf.if %cond3A_140 {
        %dma_wait3A_393 = arith.constant 0 : i32
        %dma_wait3A_394 = arith.constant 2 : i32
        %dma_wait3A_395 = arith.constant 1 : i32
        %dma_wait3A_396 = arith.constant 0 : i32
        %dma_wait3A_397 = arith.constant 0 : i32
        %dma_wait3A_398 = tpu.memref_slice %arg8[%dma_wait3A_393, %dma_wait3A_396, %dma_wait3A_397] : memref<4x250x8xf32, #tpu.memory_space<vmem>> -> memref<1x250x8xf32, #tpu.memory_space<vmem>>
        %dma_wait3A_399 = tpu.memref_squeeze %dma_wait3A_398 : memref<1x250x8xf32, #tpu.memory_space<vmem>> -> memref<250x8xf32, #tpu.memory_space<vmem>>
        %dma_wait3A_400 = arith.constant 0 : i32
        %dma_wait3A_401 = tpu.memref_slice %arg7[%dma_wait3A_394, %dma_wait3A_395, %dma_wait3A_400] : memref<4x2x250xi32, #tpu.memory_space<vmem>> -> memref<1x1x250xi32, #tpu.memory_space<vmem>>
        %dma_wait3A_402 = tpu.memref_squeeze %dma_wait3A_401 : memref<1x1x250xi32, #tpu.memory_space<vmem>> -> memref<250xi32, #tpu.memory_space<vmem>>
        %dma_wait3A_403 = arith.constant 0 : i32
        %dma_wait3A_404 = arith.constant 0 : i32
        %dma_wait3A_405 = tpu.memref_slice %arg9[%dma_wait3A_403, %dma_wait3A_404] : memref<100096x8xf32, #tpu.memory_space<vmem_shared>> -> memref<100096x8xf32, #tpu.memory_space<vmem_shared>>
        tpu.wait_indirect_dma semaphore(%arg12 : memref<!tpu.dma_semaphore, #tpu.memory_space<semaphore_mem>>) src(%dma_wait3A_399 : memref<250x8xf32, #tpu.memory_space<vmem>>) dst(%dma_wait3A_405 : memref<100096x8xf32, #tpu.memory_space<vmem_shared>>)
      } else {
      }
      %dma_wait3A_141 = arith.constant 1 : i32
      %dma_wait3A_142 = arith.constant 0 : i32
      %dma_wait3A_143 = arith.constant 0 : i32
      %dma_wait3A_144 = tpu.memref_slice %arg7[%dma_wait3A_141, %dma_wait3A_142, %dma_wait3A_143] : memref<4x2x250xi32, #tpu.memory_space<vmem>> -> memref<1x1x250xi32, #tpu.memory_space<vmem>>
      %dma_wait3A_145 = tpu.memref_squeeze %dma_wait3A_144 : memref<1x1x250xi32, #tpu.memory_space<vmem>> -> memref<250xi32, #tpu.memory_space<vmem>>
      %dma_wait3A_146 = arith.constant 0 : i32
      %dma_wait3A_147 = tpu.memref_slice %arg2[%mul3A_7, %dma_wait3A_146] : memref<12800x250xi32, #tpu.memory_space<hbm>> -> memref<1x250xi32, #tpu.memory_space<hbm>>
      %dma_wait3A_148 = tpu.memref_squeeze %dma_wait3A_147 : memref<1x250xi32, #tpu.memory_space<hbm>> -> memref<250xi32, #tpu.memory_space<hbm>>
      %dma_wait3A_149 = arith.constant 0 : i32
      %dma_wait3A_150 = tpu.memref_slice %arg7[%dma_wait3A_141, %dma_wait3A_142, %dma_wait3A_149] : memref<4x2x250xi32, #tpu.memory_space<vmem>> -> memref<1x1x250xi32, #tpu.memory_space<vmem>>
      %dma_wait3A_151 = tpu.memref_squeeze %dma_wait3A_150 : memref<1x1x250xi32, #tpu.memory_space<vmem>> -> memref<250xi32, #tpu.memory_space<vmem>>
      %dma_wait3A_152 = arith.constant 0 : i32
      %dma_wait3A_153 = tpu.memref_slice %arg2[%mul3A_7, %dma_wait3A_152] : memref<12800x250xi32, #tpu.memory_space<hbm>> -> memref<1x250xi32, #tpu.memory_space<hbm>>
      %dma_wait3A_154 = tpu.memref_squeeze %dma_wait3A_153 : memref<1x250xi32, #tpu.memory_space<hbm>> -> memref<250xi32, #tpu.memory_space<hbm>>
      tpu.wait_dma2 semaphore(%arg10 : memref<!tpu.dma_semaphore, #tpu.memory_space<semaphore_mem>>) src(%dma_wait3A_154 : memref<250xi32, #tpu.memory_space<hbm>>) dst(%dma_wait3A_151 : memref<250xi32, #tpu.memory_space<vmem>>)
      %dma_wait3A_155 = arith.constant 1 : i32
      %dma_wait3A_156 = arith.constant 1 : i32
      %dma_wait3A_157 = arith.constant 0 : i32
      %dma_wait3A_158 = tpu.memref_slice %arg7[%dma_wait3A_155, %dma_wait3A_156, %dma_wait3A_157] : memref<4x2x250xi32, #tpu.memory_space<vmem>> -> memref<1x1x250xi32, #tpu.memory_space<vmem>>
      %dma_wait3A_159 = tpu.memref_squeeze %dma_wait3A_158 : memref<1x1x250xi32, #tpu.memory_space<vmem>> -> memref<250xi32, #tpu.memory_space<vmem>>
      %dma_wait3A_160 = arith.constant 0 : i32
      %dma_wait3A_161 = tpu.memref_slice %arg3[%mul3A_7, %dma_wait3A_160] : memref<12800x250xi32, #tpu.memory_space<hbm>> -> memref<1x250xi32, #tpu.memory_space<hbm>>
      %dma_wait3A_162 = tpu.memref_squeeze %dma_wait3A_161 : memref<1x250xi32, #tpu.memory_space<hbm>> -> memref<250xi32, #tpu.memory_space<hbm>>
      %dma_wait3A_163 = arith.constant 0 : i32
      %dma_wait3A_164 = tpu.memref_slice %arg7[%dma_wait3A_155, %dma_wait3A_156, %dma_wait3A_163] : memref<4x2x250xi32, #tpu.memory_space<vmem>> -> memref<1x1x250xi32, #tpu.memory_space<vmem>>
      %dma_wait3A_165 = tpu.memref_squeeze %dma_wait3A_164 : memref<1x1x250xi32, #tpu.memory_space<vmem>> -> memref<250xi32, #tpu.memory_space<vmem>>
      %dma_wait3A_166 = arith.constant 0 : i32
      %dma_wait3A_167 = tpu.memref_slice %arg3[%mul3A_7, %dma_wait3A_166] : memref<12800x250xi32, #tpu.memory_space<hbm>> -> memref<1x250xi32, #tpu.memory_space<hbm>>
      %dma_wait3A_168 = tpu.memref_squeeze %dma_wait3A_167 : memref<1x250xi32, #tpu.memory_space<hbm>> -> memref<250xi32, #tpu.memory_space<hbm>>
      tpu.wait_dma2 semaphore(%arg10 : memref<!tpu.dma_semaphore, #tpu.memory_space<semaphore_mem>>) src(%dma_wait3A_168 : memref<250xi32, #tpu.memory_space<hbm>>) dst(%dma_wait3A_165 : memref<250xi32, #tpu.memory_space<vmem>>)
      %add3A_169 = arith.constant 2 : i32
      %add3A_170 = arith.addi %add3A_138, %add3A_169 : i32
      %add3A_171 = arith.addi %mul3A_7, %add3A_170 : i32
      %dma_start3A_172 = arith.constant 2 : i32
      %dma_start3A_173 = arith.constant 0 : i32
      %dma_start3A_174 = arith.constant 0 : i32
      %dma_start3A_175 = tpu.memref_slice %arg7[%dma_start3A_172, %dma_start3A_173, %dma_start3A_174] : memref<4x2x250xi32, #tpu.memory_space<vmem>> -> memref<1x1x250xi32, #tpu.memory_space<vmem>>
      %dma_start3A_176 = tpu.memref_squeeze %dma_start3A_175 : memref<1x1x250xi32, #tpu.memory_space<vmem>> -> memref<250xi32, #tpu.memory_space<vmem>>
      %dma_start3A_177 = arith.constant 0 : i32
      %dma_start3A_178 = tpu.memref_slice %arg2[%add3A_171, %dma_start3A_177] : memref<12800x250xi32, #tpu.memory_space<hbm>> -> memref<1x250xi32, #tpu.memory_space<hbm>>
      %dma_start3A_179 = tpu.memref_squeeze %dma_start3A_178 : memref<1x250xi32, #tpu.memory_space<hbm>> -> memref<250xi32, #tpu.memory_space<hbm>>
      %dma_start3A_180 = arith.constant 0 : i32
      %dma_start3A_181 = tpu.memref_slice %arg7[%dma_start3A_172, %dma_start3A_173, %dma_start3A_180] : memref<4x2x250xi32, #tpu.memory_space<vmem>> -> memref<1x1x250xi32, #tpu.memory_space<vmem>>
      %dma_start3A_182 = tpu.memref_squeeze %dma_start3A_181 : memref<1x1x250xi32, #tpu.memory_space<vmem>> -> memref<250xi32, #tpu.memory_space<vmem>>
      %dma_start3A_183 = arith.constant 0 : i32
      %dma_start3A_184 = tpu.memref_slice %arg2[%add3A_171, %dma_start3A_183] : memref<12800x250xi32, #tpu.memory_space<hbm>> -> memref<1x250xi32, #tpu.memory_space<hbm>>
      %dma_start3A_185 = tpu.memref_squeeze %dma_start3A_184 : memref<1x250xi32, #tpu.memory_space<hbm>> -> memref<250xi32, #tpu.memory_space<hbm>>
      tpu.enqueue_dma source(%dma_start3A_185 : memref<250xi32, #tpu.memory_space<hbm>>) target(%dma_start3A_182 : memref<250xi32, #tpu.memory_space<vmem>>) target_semaphore(%arg10 : memref<!tpu.dma_semaphore, #tpu.memory_space<semaphore_mem>>)
      %add3A_186 = arith.addi %mul3A_7, %add3A_170 : i32
      %dma_start3A_187 = arith.constant 2 : i32
      %dma_start3A_188 = arith.constant 1 : i32
      %dma_start3A_189 = arith.constant 0 : i32
      %dma_start3A_190 = tpu.memref_slice %arg7[%dma_start3A_187, %dma_start3A_188, %dma_start3A_189] : memref<4x2x250xi32, #tpu.memory_space<vmem>> -> memref<1x1x250xi32, #tpu.memory_space<vmem>>
      %dma_start3A_191 = tpu.memref_squeeze %dma_start3A_190 : memref<1x1x250xi32, #tpu.memory_space<vmem>> -> memref<250xi32, #tpu.memory_space<vmem>>
      %dma_start3A_192 = arith.constant 0 : i32
      %dma_start3A_193 = tpu.memref_slice %arg3[%add3A_186, %dma_start3A_192] : memref<12800x250xi32, #tpu.memory_space<hbm>> -> memref<1x250xi32, #tpu.memory_space<hbm>>
      %dma_start3A_194 = tpu.memref_squeeze %dma_start3A_193 : memref<1x250xi32, #tpu.memory_space<hbm>> -> memref<250xi32, #tpu.memory_space<hbm>>
      %dma_start3A_195 = arith.constant 0 : i32
      %dma_start3A_196 = tpu.memref_slice %arg7[%dma_start3A_187, %dma_start3A_188, %dma_start3A_195] : memref<4x2x250xi32, #tpu.memory_space<vmem>> -> memref<1x1x250xi32, #tpu.memory_space<vmem>>
      %dma_start3A_197 = tpu.memref_squeeze %dma_start3A_196 : memref<1x1x250xi32, #tpu.memory_space<vmem>> -> memref<250xi32, #tpu.memory_space<vmem>>
      %dma_start3A_198 = arith.constant 0 : i32
      %dma_start3A_199 = tpu.memref_slice %arg3[%add3A_186, %dma_start3A_198] : memref<12800x250xi32, #tpu.memory_space<hbm>> -> memref<1x250xi32, #tpu.memory_space<hbm>>
      %dma_start3A_200 = tpu.memref_squeeze %dma_start3A_199 : memref<1x250xi32, #tpu.memory_space<hbm>> -> memref<250xi32, #tpu.memory_space<hbm>>
      tpu.enqueue_dma source(%dma_start3A_200 : memref<250xi32, #tpu.memory_space<hbm>>) target(%dma_start3A_197 : memref<250xi32, #tpu.memory_space<vmem>>) target_semaphore(%arg10 : memref<!tpu.dma_semaphore, #tpu.memory_space<semaphore_mem>>)
      %dma_start3A_201 = arith.constant 0 : i32
      %dma_start3A_202 = arith.constant 0 : i32
      %dma_start3A_203 = arith.constant 1 : i32
      %dma_start3A_204 = arith.constant 0 : i32
      %dma_start3A_205 = arith.constant 0 : i32
      %dma_start3A_206 = tpu.memref_slice %arg8[%dma_start3A_201, %dma_start3A_204, %dma_start3A_205] : memref<4x250x8xf32, #tpu.memory_space<vmem>> -> memref<1x250x8xf32, #tpu.memory_space<vmem>>
      %dma_start3A_207 = tpu.memref_squeeze %dma_start3A_206 : memref<1x250x8xf32, #tpu.memory_space<vmem>> -> memref<250x8xf32, #tpu.memory_space<vmem>>
      %dma_start3A_208 = arith.constant 0 : i32
      %dma_start3A_209 = tpu.memref_slice %arg7[%dma_start3A_202, %dma_start3A_203, %dma_start3A_208] : memref<4x2x250xi32, #tpu.memory_space<vmem>> -> memref<1x1x250xi32, #tpu.memory_space<vmem>>
      %dma_start3A_210 = tpu.memref_squeeze %dma_start3A_209 : memref<1x1x250xi32, #tpu.memory_space<vmem>> -> memref<250xi32, #tpu.memory_space<vmem>>
      %dma_start3A_211 = arith.constant 0 : i32
      %dma_start3A_212 = arith.constant 0 : i32
      %dma_start3A_213 = tpu.memref_slice %arg9[%dma_start3A_211, %dma_start3A_212] : memref<100096x8xf32, #tpu.memory_space<vmem_shared>> -> memref<100096x8xf32, #tpu.memory_space<vmem_shared>>
      tpu.enqueue_indirect_dma source(%dma_start3A_207 : memref<250x8xf32, #tpu.memory_space<vmem>>) target(%dma_start3A_213 : memref<100096x8xf32, #tpu.memory_space<vmem_shared>>) offsets(%dma_start3A_210 : memref<250xi32, #tpu.memory_space<vmem>>) semaphore(%arg12 : memref<!tpu.dma_semaphore, #tpu.memory_space<semaphore_mem>>) {add = true}
      %mul3A_214 = arith.constant 4 : i32
      %mul3A_215 = arith.muli %scan3A_134, %mul3A_214 : i32
      %add3A_216 = arith.constant 1 : i32
      %add3A_217 = arith.addi %mul3A_215, %add3A_216 : i32
      %ge3A_218 = arith.constant 1 : i32
      %ge3A_219 = arith.cmpi sge, %scan3A_134, %ge3A_218 : i32
      %convert_element_type3A_220 = arith.extui %ge3A_219 : i1 to i32
      %cond3A_221 = arith.constant 0 : i32
      %cond3A_222 = arith.cmpi ne, %convert_element_type3A_220, %cond3A_221 : i32
      scf.if %cond3A_222 {
        %dma_wait3A_393 = arith.constant 0 : i32
        %dma_wait3A_394 = arith.constant 3 : i32
        %dma_wait3A_395 = arith.constant 1 : i32
        %dma_wait3A_396 = arith.constant 0 : i32
        %dma_wait3A_397 = arith.constant 0 : i32
        %dma_wait3A_398 = tpu.memref_slice %arg8[%dma_wait3A_393, %dma_wait3A_396, %dma_wait3A_397] : memref<4x250x8xf32, #tpu.memory_space<vmem>> -> memref<1x250x8xf32, #tpu.memory_space<vmem>>
        %dma_wait3A_399 = tpu.memref_squeeze %dma_wait3A_398 : memref<1x250x8xf32, #tpu.memory_space<vmem>> -> memref<250x8xf32, #tpu.memory_space<vmem>>
        %dma_wait3A_400 = arith.constant 0 : i32
        %dma_wait3A_401 = tpu.memref_slice %arg7[%dma_wait3A_394, %dma_wait3A_395, %dma_wait3A_400] : memref<4x2x250xi32, #tpu.memory_space<vmem>> -> memref<1x1x250xi32, #tpu.memory_space<vmem>>
        %dma_wait3A_402 = tpu.memref_squeeze %dma_wait3A_401 : memref<1x1x250xi32, #tpu.memory_space<vmem>> -> memref<250xi32, #tpu.memory_space<vmem>>
        %dma_wait3A_403 = arith.constant 0 : i32
        %dma_wait3A_404 = arith.constant 0 : i32
        %dma_wait3A_405 = tpu.memref_slice %arg9[%dma_wait3A_403, %dma_wait3A_404] : memref<100096x8xf32, #tpu.memory_space<vmem_shared>> -> memref<100096x8xf32, #tpu.memory_space<vmem_shared>>
        tpu.wait_indirect_dma semaphore(%arg12 : memref<!tpu.dma_semaphore, #tpu.memory_space<semaphore_mem>>) src(%dma_wait3A_399 : memref<250x8xf32, #tpu.memory_space<vmem>>) dst(%dma_wait3A_405 : memref<100096x8xf32, #tpu.memory_space<vmem_shared>>)
      } else {
      }
      %dma_wait3A_223 = arith.constant 2 : i32
      %dma_wait3A_224 = arith.constant 0 : i32
      %dma_wait3A_225 = arith.constant 0 : i32
      %dma_wait3A_226 = tpu.memref_slice %arg7[%dma_wait3A_223, %dma_wait3A_224, %dma_wait3A_225] : memref<4x2x250xi32, #tpu.memory_space<vmem>> -> memref<1x1x250xi32, #tpu.memory_space<vmem>>
      %dma_wait3A_227 = tpu.memref_squeeze %dma_wait3A_226 : memref<1x1x250xi32, #tpu.memory_space<vmem>> -> memref<250xi32, #tpu.memory_space<vmem>>
      %dma_wait3A_228 = arith.constant 0 : i32
      %dma_wait3A_229 = tpu.memref_slice %arg2[%mul3A_7, %dma_wait3A_228] : memref<12800x250xi32, #tpu.memory_space<hbm>> -> memref<1x250xi32, #tpu.memory_space<hbm>>
      %dma_wait3A_230 = tpu.memref_squeeze %dma_wait3A_229 : memref<1x250xi32, #tpu.memory_space<hbm>> -> memref<250xi32, #tpu.memory_space<hbm>>
      %dma_wait3A_231 = arith.constant 0 : i32
      %dma_wait3A_232 = tpu.memref_slice %arg7[%dma_wait3A_223, %dma_wait3A_224, %dma_wait3A_231] : memref<4x2x250xi32, #tpu.memory_space<vmem>> -> memref<1x1x250xi32, #tpu.memory_space<vmem>>
      %dma_wait3A_233 = tpu.memref_squeeze %dma_wait3A_232 : memref<1x1x250xi32, #tpu.memory_space<vmem>> -> memref<250xi32, #tpu.memory_space<vmem>>
      %dma_wait3A_234 = arith.constant 0 : i32
      %dma_wait3A_235 = tpu.memref_slice %arg2[%mul3A_7, %dma_wait3A_234] : memref<12800x250xi32, #tpu.memory_space<hbm>> -> memref<1x250xi32, #tpu.memory_space<hbm>>
      %dma_wait3A_236 = tpu.memref_squeeze %dma_wait3A_235 : memref<1x250xi32, #tpu.memory_space<hbm>> -> memref<250xi32, #tpu.memory_space<hbm>>
      tpu.wait_dma2 semaphore(%arg10 : memref<!tpu.dma_semaphore, #tpu.memory_space<semaphore_mem>>) src(%dma_wait3A_236 : memref<250xi32, #tpu.memory_space<hbm>>) dst(%dma_wait3A_233 : memref<250xi32, #tpu.memory_space<vmem>>)
      %dma_wait3A_237 = arith.constant 2 : i32
      %dma_wait3A_238 = arith.constant 1 : i32
      %dma_wait3A_239 = arith.constant 0 : i32
      %dma_wait3A_240 = tpu.memref_slice %arg7[%dma_wait3A_237, %dma_wait3A_238, %dma_wait3A_239] : memref<4x2x250xi32, #tpu.memory_space<vmem>> -> memref<1x1x250xi32, #tpu.memory_space<vmem>>
      %dma_wait3A_241 = tpu.memref_squeeze %dma_wait3A_240 : memref<1x1x250xi32, #tpu.memory_space<vmem>> -> memref<250xi32, #tpu.memory_space<vmem>>
      %dma_wait3A_242 = arith.constant 0 : i32
      %dma_wait3A_243 = tpu.memref_slice %arg3[%mul3A_7, %dma_wait3A_242] : memref<12800x250xi32, #tpu.memory_space<hbm>> -> memref<1x250xi32, #tpu.memory_space<hbm>>
      %dma_wait3A_244 = tpu.memref_squeeze %dma_wait3A_243 : memref<1x250xi32, #tpu.memory_space<hbm>> -> memref<250xi32, #tpu.memory_space<hbm>>
      %dma_wait3A_245 = arith.constant 0 : i32
      %dma_wait3A_246 = tpu.memref_slice %arg7[%dma_wait3A_237, %dma_wait3A_238, %dma_wait3A_245] : memref<4x2x250xi32, #tpu.memory_space<vmem>> -> memref<1x1x250xi32, #tpu.memory_space<vmem>>
      %dma_wait3A_247 = tpu.memref_squeeze %dma_wait3A_246 : memref<1x1x250xi32, #tpu.memory_space<vmem>> -> memref<250xi32, #tpu.memory_space<vmem>>
      %dma_wait3A_248 = arith.constant 0 : i32
      %dma_wait3A_249 = tpu.memref_slice %arg3[%mul3A_7, %dma_wait3A_248] : memref<12800x250xi32, #tpu.memory_space<hbm>> -> memref<1x250xi32, #tpu.memory_space<hbm>>
      %dma_wait3A_250 = tpu.memref_squeeze %dma_wait3A_249 : memref<1x250xi32, #tpu.memory_space<hbm>> -> memref<250xi32, #tpu.memory_space<hbm>>
      tpu.wait_dma2 semaphore(%arg10 : memref<!tpu.dma_semaphore, #tpu.memory_space<semaphore_mem>>) src(%dma_wait3A_250 : memref<250xi32, #tpu.memory_space<hbm>>) dst(%dma_wait3A_247 : memref<250xi32, #tpu.memory_space<vmem>>)
      %add3A_251 = arith.constant 2 : i32
      %add3A_252 = arith.addi %add3A_217, %add3A_251 : i32
      %add3A_253 = arith.addi %mul3A_7, %add3A_252 : i32
      %dma_start3A_254 = arith.constant 3 : i32
      %dma_start3A_255 = arith.constant 0 : i32
      %dma_start3A_256 = arith.constant 0 : i32
      %dma_start3A_257 = tpu.memref_slice %arg7[%dma_start3A_254, %dma_start3A_255, %dma_start3A_256] : memref<4x2x250xi32, #tpu.memory_space<vmem>> -> memref<1x1x250xi32, #tpu.memory_space<vmem>>
      %dma_start3A_258 = tpu.memref_squeeze %dma_start3A_257 : memref<1x1x250xi32, #tpu.memory_space<vmem>> -> memref<250xi32, #tpu.memory_space<vmem>>
      %dma_start3A_259 = arith.constant 0 : i32
      %dma_start3A_260 = tpu.memref_slice %arg2[%add3A_253, %dma_start3A_259] : memref<12800x250xi32, #tpu.memory_space<hbm>> -> memref<1x250xi32, #tpu.memory_space<hbm>>
      %dma_start3A_261 = tpu.memref_squeeze %dma_start3A_260 : memref<1x250xi32, #tpu.memory_space<hbm>> -> memref<250xi32, #tpu.memory_space<hbm>>
      %dma_start3A_262 = arith.constant 0 : i32
      %dma_start3A_263 = tpu.memref_slice %arg7[%dma_start3A_254, %dma_start3A_255, %dma_start3A_262] : memref<4x2x250xi32, #tpu.memory_space<vmem>> -> memref<1x1x250xi32, #tpu.memory_space<vmem>>
      %dma_start3A_264 = tpu.memref_squeeze %dma_start3A_263 : memref<1x1x250xi32, #tpu.memory_space<vmem>> -> memref<250xi32, #tpu.memory_space<vmem>>
      %dma_start3A_265 = arith.constant 0 : i32
      %dma_start3A_266 = tpu.memref_slice %arg2[%add3A_253, %dma_start3A_265] : memref<12800x250xi32, #tpu.memory_space<hbm>> -> memref<1x250xi32, #tpu.memory_space<hbm>>
      %dma_start3A_267 = tpu.memref_squeeze %dma_start3A_266 : memref<1x250xi32, #tpu.memory_space<hbm>> -> memref<250xi32, #tpu.memory_space<hbm>>
      tpu.enqueue_dma source(%dma_start3A_267 : memref<250xi32, #tpu.memory_space<hbm>>) target(%dma_start3A_264 : memref<250xi32, #tpu.memory_space<vmem>>) target_semaphore(%arg10 : memref<!tpu.dma_semaphore, #tpu.memory_space<semaphore_mem>>)
      %add3A_268 = arith.addi %mul3A_7, %add3A_252 : i32
      %dma_start3A_269 = arith.constant 3 : i32
      %dma_start3A_270 = arith.constant 1 : i32
      %dma_start3A_271 = arith.constant 0 : i32
      %dma_start3A_272 = tpu.memref_slice %arg7[%dma_start3A_269, %dma_start3A_270, %dma_start3A_271] : memref<4x2x250xi32, #tpu.memory_space<vmem>> -> memref<1x1x250xi32, #tpu.memory_space<vmem>>
      %dma_start3A_273 = tpu.memref_squeeze %dma_start3A_272 : memref<1x1x250xi32, #tpu.memory_space<vmem>> -> memref<250xi32, #tpu.memory_space<vmem>>
      %dma_start3A_274 = arith.constant 0 : i32
      %dma_start3A_275 = tpu.memref_slice %arg3[%add3A_268, %dma_start3A_274] : memref<12800x250xi32, #tpu.memory_space<hbm>> -> memref<1x250xi32, #tpu.memory_space<hbm>>
      %dma_start3A_276 = tpu.memref_squeeze %dma_start3A_275 : memref<1x250xi32, #tpu.memory_space<hbm>> -> memref<250xi32, #tpu.memory_space<hbm>>
      %dma_start3A_277 = arith.constant 0 : i32
      %dma_start3A_278 = tpu.memref_slice %arg7[%dma_start3A_269, %dma_start3A_270, %dma_start3A_277] : memref<4x2x250xi32, #tpu.memory_space<vmem>> -> memref<1x1x250xi32, #tpu.memory_space<vmem>>
      %dma_start3A_279 = tpu.memref_squeeze %dma_start3A_278 : memref<1x1x250xi32, #tpu.memory_space<vmem>> -> memref<250xi32, #tpu.memory_space<vmem>>
      %dma_start3A_280 = arith.constant 0 : i32
      %dma_start3A_281 = tpu.memref_slice %arg3[%add3A_268, %dma_start3A_280] : memref<12800x250xi32, #tpu.memory_space<hbm>> -> memref<1x250xi32, #tpu.memory_space<hbm>>
      %dma_start3A_282 = tpu.memref_squeeze %dma_start3A_281 : memref<1x250xi32, #tpu.memory_space<hbm>> -> memref<250xi32, #tpu.memory_space<hbm>>
      tpu.enqueue_dma source(%dma_start3A_282 : memref<250xi32, #tpu.memory_space<hbm>>) target(%dma_start3A_279 : memref<250xi32, #tpu.memory_space<vmem>>) target_semaphore(%arg10 : memref<!tpu.dma_semaphore, #tpu.memory_space<semaphore_mem>>)
      %dma_start3A_283 = arith.constant 0 : i32
      %dma_start3A_284 = arith.constant 1 : i32
      %dma_start3A_285 = arith.constant 1 : i32
      %dma_start3A_286 = arith.constant 0 : i32
      %dma_start3A_287 = arith.constant 0 : i32
      %dma_start3A_288 = tpu.memref_slice %arg8[%dma_start3A_283, %dma_start3A_286, %dma_start3A_287] : memref<4x250x8xf32, #tpu.memory_space<vmem>> -> memref<1x250x8xf32, #tpu.memory_space<vmem>>
      %dma_start3A_289 = tpu.memref_squeeze %dma_start3A_288 : memref<1x250x8xf32, #tpu.memory_space<vmem>> -> memref<250x8xf32, #tpu.memory_space<vmem>>
      %dma_start3A_290 = arith.constant 0 : i32
      %dma_start3A_291 = tpu.memref_slice %arg7[%dma_start3A_284, %dma_start3A_285, %dma_start3A_290] : memref<4x2x250xi32, #tpu.memory_space<vmem>> -> memref<1x1x250xi32, #tpu.memory_space<vmem>>
      %dma_start3A_292 = tpu.memref_squeeze %dma_start3A_291 : memref<1x1x250xi32, #tpu.memory_space<vmem>> -> memref<250xi32, #tpu.memory_space<vmem>>
      %dma_start3A_293 = arith.constant 0 : i32
      %dma_start3A_294 = arith.constant 0 : i32
      %dma_start3A_295 = tpu.memref_slice %arg9[%dma_start3A_293, %dma_start3A_294] : memref<100096x8xf32, #tpu.memory_space<vmem_shared>> -> memref<100096x8xf32, #tpu.memory_space<vmem_shared>>
      tpu.enqueue_indirect_dma source(%dma_start3A_289 : memref<250x8xf32, #tpu.memory_space<vmem>>) target(%dma_start3A_295 : memref<100096x8xf32, #tpu.memory_space<vmem_shared>>) offsets(%dma_start3A_292 : memref<250xi32, #tpu.memory_space<vmem>>) semaphore(%arg12 : memref<!tpu.dma_semaphore, #tpu.memory_space<semaphore_mem>>) {add = true}
      %mul3A_296 = arith.constant 4 : i32
      %mul3A_297 = arith.muli %scan3A_134, %mul3A_296 : i32
      %add3A_298 = arith.constant 2 : i32
      %add3A_299 = arith.addi %mul3A_297, %add3A_298 : i32
      %dma_wait3A_300 = arith.constant 0 : i32
      %dma_wait3A_301 = arith.constant 0 : i32
      %dma_wait3A_302 = arith.constant 1 : i32
      %dma_wait3A_303 = arith.constant 0 : i32
      %dma_wait3A_304 = arith.constant 0 : i32
      %dma_wait3A_305 = tpu.memref_slice %arg8[%dma_wait3A_300, %dma_wait3A_303, %dma_wait3A_304] : memref<4x250x8xf32, #tpu.memory_space<vmem>> -> memref<1x250x8xf32, #tpu.memory_space<vmem>>
      %dma_wait3A_306 = tpu.memref_squeeze %dma_wait3A_305 : memref<1x250x8xf32, #tpu.memory_space<vmem>> -> memref<250x8xf32, #tpu.memory_space<vmem>>
      %dma_wait3A_307 = arith.constant 0 : i32
      %dma_wait3A_308 = tpu.memref_slice %arg7[%dma_wait3A_301, %dma_wait3A_302, %dma_wait3A_307] : memref<4x2x250xi32, #tpu.memory_space<vmem>> -> memref<1x1x250xi32, #tpu.memory_space<vmem>>
      %dma_wait3A_309 = tpu.memref_squeeze %dma_wait3A_308 : memref<1x1x250xi32, #tpu.memory_space<vmem>> -> memref<250xi32, #tpu.memory_space<vmem>>
      %dma_wait3A_310 = arith.constant 0 : i32
      %dma_wait3A_311 = arith.constant 0 : i32
      %dma_wait3A_312 = tpu.memref_slice %arg9[%dma_wait3A_310, %dma_wait3A_311] : memref<100096x8xf32, #tpu.memory_space<vmem_shared>> -> memref<100096x8xf32, #tpu.memory_space<vmem_shared>>
      tpu.wait_indirect_dma semaphore(%arg12 : memref<!tpu.dma_semaphore, #tpu.memory_space<semaphore_mem>>) src(%dma_wait3A_306 : memref<250x8xf32, #tpu.memory_space<vmem>>) dst(%dma_wait3A_312 : memref<100096x8xf32, #tpu.memory_space<vmem_shared>>)
      %dma_wait3A_313 = arith.constant 3 : i32
      %dma_wait3A_314 = arith.constant 0 : i32
      %dma_wait3A_315 = arith.constant 0 : i32
      %dma_wait3A_316 = tpu.memref_slice %arg7[%dma_wait3A_313, %dma_wait3A_314, %dma_wait3A_315] : memref<4x2x250xi32, #tpu.memory_space<vmem>> -> memref<1x1x250xi32, #tpu.memory_space<vmem>>
      %dma_wait3A_317 = tpu.memref_squeeze %dma_wait3A_316 : memref<1x1x250xi32, #tpu.memory_space<vmem>> -> memref<250xi32, #tpu.memory_space<vmem>>
      %dma_wait3A_318 = arith.constant 0 : i32
      %dma_wait3A_319 = tpu.memref_slice %arg2[%mul3A_7, %dma_wait3A_318] : memref<12800x250xi32, #tpu.memory_space<hbm>> -> memref<1x250xi32, #tpu.memory_space<hbm>>
      %dma_wait3A_320 = tpu.memref_squeeze %dma_wait3A_319 : memref<1x250xi32, #tpu.memory_space<hbm>> -> memref<250xi32, #tpu.memory_space<hbm>>
      %dma_wait3A_321 = arith.constant 0 : i32
      %dma_wait3A_322 = tpu.memref_slice %arg7[%dma_wait3A_313, %dma_wait3A_314, %dma_wait3A_321] : memref<4x2x250xi32, #tpu.memory_space<vmem>> -> memref<1x1x250xi32, #tpu.memory_space<vmem>>
      %dma_wait3A_323 = tpu.memref_squeeze %dma_wait3A_322 : memref<1x1x250xi32, #tpu.memory_space<vmem>> -> memref<250xi32, #tpu.memory_space<vmem>>
      %dma_wait3A_324 = arith.constant 0 : i32
      %dma_wait3A_325 = tpu.memref_slice %arg2[%mul3A_7, %dma_wait3A_324] : memref<12800x250xi32, #tpu.memory_space<hbm>> -> memref<1x250xi32, #tpu.memory_space<hbm>>
      %dma_wait3A_326 = tpu.memref_squeeze %dma_wait3A_325 : memref<1x250xi32, #tpu.memory_space<hbm>> -> memref<250xi32, #tpu.memory_space<hbm>>
      tpu.wait_dma2 semaphore(%arg10 : memref<!tpu.dma_semaphore, #tpu.memory_space<semaphore_mem>>) src(%dma_wait3A_326 : memref<250xi32, #tpu.memory_space<hbm>>) dst(%dma_wait3A_323 : memref<250xi32, #tpu.memory_space<vmem>>)
      %dma_wait3A_327 = arith.constant 3 : i32
      %dma_wait3A_328 = arith.constant 1 : i32
      %dma_wait3A_329 = arith.constant 0 : i32
      %dma_wait3A_330 = tpu.memref_slice %arg7[%dma_wait3A_327, %dma_wait3A_328, %dma_wait3A_329] : memref<4x2x250xi32, #tpu.memory_space<vmem>> -> memref<1x1x250xi32, #tpu.memory_space<vmem>>
      %dma_wait3A_331 = tpu.memref_squeeze %dma_wait3A_330 : memref<1x1x250xi32, #tpu.memory_space<vmem>> -> memref<250xi32, #tpu.memory_space<vmem>>
      %dma_wait3A_332 = arith.constant 0 : i32
      %dma_wait3A_333 = tpu.memref_slice %arg3[%mul3A_7, %dma_wait3A_332] : memref<12800x250xi32, #tpu.memory_space<hbm>> -> memref<1x250xi32, #tpu.memory_space<hbm>>
      %dma_wait3A_334 = tpu.memref_squeeze %dma_wait3A_333 : memref<1x250xi32, #tpu.memory_space<hbm>> -> memref<250xi32, #tpu.memory_space<hbm>>
      %dma_wait3A_335 = arith.constant 0 : i32
      %dma_wait3A_336 = tpu.memref_slice %arg7[%dma_wait3A_327, %dma_wait3A_328, %dma_wait3A_335] : memref<4x2x250xi32, #tpu.memory_space<vmem>> -> memref<1x1x250xi32, #tpu.memory_space<vmem>>
      %dma_wait3A_337 = tpu.memref_squeeze %dma_wait3A_336 : memref<1x1x250xi32, #tpu.memory_space<vmem>> -> memref<250xi32, #tpu.memory_space<vmem>>
      %dma_wait3A_338 = arith.constant 0 : i32
      %dma_wait3A_339 = tpu.memref_slice %arg3[%mul3A_7, %dma_wait3A_338] : memref<12800x250xi32, #tpu.memory_space<hbm>> -> memref<1x250xi32, #tpu.memory_space<hbm>>
      %dma_wait3A_340 = tpu.memref_squeeze %dma_wait3A_339 : memref<1x250xi32, #tpu.memory_space<hbm>> -> memref<250xi32, #tpu.memory_space<hbm>>
      tpu.wait_dma2 semaphore(%arg10 : memref<!tpu.dma_semaphore, #tpu.memory_space<semaphore_mem>>) src(%dma_wait3A_340 : memref<250xi32, #tpu.memory_space<hbm>>) dst(%dma_wait3A_337 : memref<250xi32, #tpu.memory_space<vmem>>)
      %lt3A = arith.constant 99 : i32
      %lt3A_341 = arith.cmpi slt, %scan3A_134, %lt3A : i32
      %convert_element_type3A_342 = arith.extui %lt3A_341 : i1 to i32
      %cond3A_343 = arith.constant 0 : i32
      %cond3A_344 = arith.cmpi ne, %convert_element_type3A_342, %cond3A_343 : i32
      scf.if %cond3A_344 {
        %add3A_393 = arith.constant 2 : i32
        %add3A_394 = arith.addi %add3A_299, %add3A_393 : i32
        %add3A_395 = arith.addi %mul3A_7, %add3A_394 : i32
        %dma_start3A_396 = arith.constant 0 : i32
        %dma_start3A_397 = arith.constant 0 : i32
        %dma_start3A_398 = arith.constant 0 : i32
        %dma_start3A_399 = tpu.memref_slice %arg7[%dma_start3A_396, %dma_start3A_397, %dma_start3A_398] : memref<4x2x250xi32, #tpu.memory_space<vmem>> -> memref<1x1x250xi32, #tpu.memory_space<vmem>>
        %dma_start3A_400 = tpu.memref_squeeze %dma_start3A_399 : memref<1x1x250xi32, #tpu.memory_space<vmem>> -> memref<250xi32, #tpu.memory_space<vmem>>
        %dma_start3A_401 = arith.constant 0 : i32
        %dma_start3A_402 = tpu.memref_slice %arg2[%add3A_395, %dma_start3A_401] : memref<12800x250xi32, #tpu.memory_space<hbm>> -> memref<1x250xi32, #tpu.memory_space<hbm>>
        %dma_start3A_403 = tpu.memref_squeeze %dma_start3A_402 : memref<1x250xi32, #tpu.memory_space<hbm>> -> memref<250xi32, #tpu.memory_space<hbm>>
        %dma_start3A_404 = arith.constant 0 : i32
        %dma_start3A_405 = tpu.memref_slice %arg7[%dma_start3A_396, %dma_start3A_397, %dma_start3A_404] : memref<4x2x250xi32, #tpu.memory_space<vmem>> -> memref<1x1x250xi32, #tpu.memory_space<vmem>>
        %dma_start3A_406 = tpu.memref_squeeze %dma_start3A_405 : memref<1x1x250xi32, #tpu.memory_space<vmem>> -> memref<250xi32, #tpu.memory_space<vmem>>
        %dma_start3A_407 = arith.constant 0 : i32
        %dma_start3A_408 = tpu.memref_slice %arg2[%add3A_395, %dma_start3A_407] : memref<12800x250xi32, #tpu.memory_space<hbm>> -> memref<1x250xi32, #tpu.memory_space<hbm>>
        %dma_start3A_409 = tpu.memref_squeeze %dma_start3A_408 : memref<1x250xi32, #tpu.memory_space<hbm>> -> memref<250xi32, #tpu.memory_space<hbm>>
        tpu.enqueue_dma source(%dma_start3A_409 : memref<250xi32, #tpu.memory_space<hbm>>) target(%dma_start3A_406 : memref<250xi32, #tpu.memory_space<vmem>>) target_semaphore(%arg10 : memref<!tpu.dma_semaphore, #tpu.memory_space<semaphore_mem>>)
        %add3A_410 = arith.addi %mul3A_7, %add3A_394 : i32
        %dma_start3A_411 = arith.constant 0 : i32
        %dma_start3A_412 = arith.constant 1 : i32
        %dma_start3A_413 = arith.constant 0 : i32
        %dma_start3A_414 = tpu.memref_slice %arg7[%dma_start3A_411, %dma_start3A_412, %dma_start3A_413] : memref<4x2x250xi32, #tpu.memory_space<vmem>> -> memref<1x1x250xi32, #tpu.memory_space<vmem>>
        %dma_start3A_415 = tpu.memref_squeeze %dma_start3A_414 : memref<1x1x250xi32, #tpu.memory_space<vmem>> -> memref<250xi32, #tpu.memory_space<vmem>>
        %dma_start3A_416 = arith.constant 0 : i32
        %dma_start3A_417 = tpu.memref_slice %arg3[%add3A_410, %dma_start3A_416] : memref<12800x250xi32, #tpu.memory_space<hbm>> -> memref<1x250xi32, #tpu.memory_space<hbm>>
        %dma_start3A_418 = tpu.memref_squeeze %dma_start3A_417 : memref<1x250xi32, #tpu.memory_space<hbm>> -> memref<250xi32, #tpu.memory_space<hbm>>
        %dma_start3A_419 = arith.constant 0 : i32
        %dma_start3A_420 = tpu.memref_slice %arg7[%dma_start3A_411, %dma_start3A_412, %dma_start3A_419] : memref<4x2x250xi32, #tpu.memory_space<vmem>> -> memref<1x1x250xi32, #tpu.memory_space<vmem>>
        %dma_start3A_421 = tpu.memref_squeeze %dma_start3A_420 : memref<1x1x250xi32, #tpu.memory_space<vmem>> -> memref<250xi32, #tpu.memory_space<vmem>>
        %dma_start3A_422 = arith.constant 0 : i32
        %dma_start3A_423 = tpu.memref_slice %arg3[%add3A_410, %dma_start3A_422] : memref<12800x250xi32, #tpu.memory_space<hbm>> -> memref<1x250xi32, #tpu.memory_space<hbm>>
        %dma_start3A_424 = tpu.memref_squeeze %dma_start3A_423 : memref<1x250xi32, #tpu.memory_space<hbm>> -> memref<250xi32, #tpu.memory_space<hbm>>
        tpu.enqueue_dma source(%dma_start3A_424 : memref<250xi32, #tpu.memory_space<hbm>>) target(%dma_start3A_421 : memref<250xi32, #tpu.memory_space<vmem>>) target_semaphore(%arg10 : memref<!tpu.dma_semaphore, #tpu.memory_space<semaphore_mem>>)
      } else {
      }
      %dma_start3A_345 = arith.constant 0 : i32
      %dma_start3A_346 = arith.constant 2 : i32
      %dma_start3A_347 = arith.constant 1 : i32
      %dma_start3A_348 = arith.constant 0 : i32
      %dma_start3A_349 = arith.constant 0 : i32
      %dma_start3A_350 = tpu.memref_slice %arg8[%dma_start3A_345, %dma_start3A_348, %dma_start3A_349] : memref<4x250x8xf32, #tpu.memory_space<vmem>> -> memref<1x250x8xf32, #tpu.memory_space<vmem>>
      %dma_start3A_351 = tpu.memref_squeeze %dma_start3A_350 : memref<1x250x8xf32, #tpu.memory_space<vmem>> -> memref<250x8xf32, #tpu.memory_space<vmem>>
      %dma_start3A_352 = arith.constant 0 : i32
      %dma_start3A_353 = tpu.memref_slice %arg7[%dma_start3A_346, %dma_start3A_347, %dma_start3A_352] : memref<4x2x250xi32, #tpu.memory_space<vmem>> -> memref<1x1x250xi32, #tpu.memory_space<vmem>>
      %dma_start3A_354 = tpu.memref_squeeze %dma_start3A_353 : memref<1x1x250xi32, #tpu.memory_space<vmem>> -> memref<250xi32, #tpu.memory_space<vmem>>
      %dma_start3A_355 = arith.constant 0 : i32
      %dma_start3A_356 = arith.constant 0 : i32
      %dma_start3A_357 = tpu.memref_slice %arg9[%dma_start3A_355, %dma_start3A_356] : memref<100096x8xf32, #tpu.memory_space<vmem_shared>> -> memref<100096x8xf32, #tpu.memory_space<vmem_shared>>
      tpu.enqueue_indirect_dma source(%dma_start3A_351 : memref<250x8xf32, #tpu.memory_space<vmem>>) target(%dma_start3A_357 : memref<100096x8xf32, #tpu.memory_space<vmem_shared>>) offsets(%dma_start3A_354 : memref<250xi32, #tpu.memory_space<vmem>>) semaphore(%arg12 : memref<!tpu.dma_semaphore, #tpu.memory_space<semaphore_mem>>) {add = true}
      %mul3A_358 = arith.constant 4 : i32
      %mul3A_359 = arith.muli %scan3A_134, %mul3A_358 : i32
      %add3A_360 = arith.constant 3 : i32
      %add3A_361 = arith.addi %mul3A_359, %add3A_360 : i32
      %dma_wait3A_362 = arith.constant 0 : i32
      %dma_wait3A_363 = arith.constant 1 : i32
      %dma_wait3A_364 = arith.constant 1 : i32
      %dma_wait3A_365 = arith.constant 0 : i32
      %dma_wait3A_366 = arith.constant 0 : i32
      %dma_wait3A_367 = tpu.memref_slice %arg8[%dma_wait3A_362, %dma_wait3A_365, %dma_wait3A_366] : memref<4x250x8xf32, #tpu.memory_space<vmem>> -> memref<1x250x8xf32, #tpu.memory_space<vmem>>
      %dma_wait3A_368 = tpu.memref_squeeze %dma_wait3A_367 : memref<1x250x8xf32, #tpu.memory_space<vmem>> -> memref<250x8xf32, #tpu.memory_space<vmem>>
      %dma_wait3A_369 = arith.constant 0 : i32
      %dma_wait3A_370 = tpu.memref_slice %arg7[%dma_wait3A_363, %dma_wait3A_364, %dma_wait3A_369] : memref<4x2x250xi32, #tpu.memory_space<vmem>> -> memref<1x1x250xi32, #tpu.memory_space<vmem>>
      %dma_wait3A_371 = tpu.memref_squeeze %dma_wait3A_370 : memref<1x1x250xi32, #tpu.memory_space<vmem>> -> memref<250xi32, #tpu.memory_space<vmem>>
      %dma_wait3A_372 = arith.constant 0 : i32
      %dma_wait3A_373 = arith.constant 0 : i32
      %dma_wait3A_374 = tpu.memref_slice %arg9[%dma_wait3A_372, %dma_wait3A_373] : memref<100096x8xf32, #tpu.memory_space<vmem_shared>> -> memref<100096x8xf32, #tpu.memory_space<vmem_shared>>
      tpu.wait_indirect_dma semaphore(%arg12 : memref<!tpu.dma_semaphore, #tpu.memory_space<semaphore_mem>>) src(%dma_wait3A_368 : memref<250x8xf32, #tpu.memory_space<vmem>>) dst(%dma_wait3A_374 : memref<100096x8xf32, #tpu.memory_space<vmem_shared>>)
      %lt3A_375 = arith.constant 99 : i32
      %lt3A_376 = arith.cmpi slt, %scan3A_134, %lt3A_375 : i32
      %convert_element_type3A_377 = arith.extui %lt3A_376 : i1 to i32
      %cond3A_378 = arith.constant 0 : i32
      %cond3A_379 = arith.cmpi ne, %convert_element_type3A_377, %cond3A_378 : i32
      scf.if %cond3A_379 {
        %dma_wait3A_393 = arith.constant 0 : i32
        %dma_wait3A_394 = arith.constant 0 : i32
        %dma_wait3A_395 = arith.constant 0 : i32
        %dma_wait3A_396 = tpu.memref_slice %arg7[%dma_wait3A_393, %dma_wait3A_394, %dma_wait3A_395] : memref<4x2x250xi32, #tpu.memory_space<vmem>> -> memref<1x1x250xi32, #tpu.memory_space<vmem>>
        %dma_wait3A_397 = tpu.memref_squeeze %dma_wait3A_396 : memref<1x1x250xi32, #tpu.memory_space<vmem>> -> memref<250xi32, #tpu.memory_space<vmem>>
        %dma_wait3A_398 = arith.constant 0 : i32
        %dma_wait3A_399 = tpu.memref_slice %arg2[%mul3A_7, %dma_wait3A_398] : memref<12800x250xi32, #tpu.memory_space<hbm>> -> memref<1x250xi32, #tpu.memory_space<hbm>>
        %dma_wait3A_400 = tpu.memref_squeeze %dma_wait3A_399 : memref<1x250xi32, #tpu.memory_space<hbm>> -> memref<250xi32, #tpu.memory_space<hbm>>
        %dma_wait3A_401 = arith.constant 0 : i32
        %dma_wait3A_402 = tpu.memref_slice %arg7[%dma_wait3A_393, %dma_wait3A_394, %dma_wait3A_401] : memref<4x2x250xi32, #tpu.memory_space<vmem>> -> memref<1x1x250xi32, #tpu.memory_space<vmem>>
        %dma_wait3A_403 = tpu.memref_squeeze %dma_wait3A_402 : memref<1x1x250xi32, #tpu.memory_space<vmem>> -> memref<250xi32, #tpu.memory_space<vmem>>
        %dma_wait3A_404 = arith.constant 0 : i32
        %dma_wait3A_405 = tpu.memref_slice %arg2[%mul3A_7, %dma_wait3A_404] : memref<12800x250xi32, #tpu.memory_space<hbm>> -> memref<1x250xi32, #tpu.memory_space<hbm>>
        %dma_wait3A_406 = tpu.memref_squeeze %dma_wait3A_405 : memref<1x250xi32, #tpu.memory_space<hbm>> -> memref<250xi32, #tpu.memory_space<hbm>>
        tpu.wait_dma2 semaphore(%arg10 : memref<!tpu.dma_semaphore, #tpu.memory_space<semaphore_mem>>) src(%dma_wait3A_406 : memref<250xi32, #tpu.memory_space<hbm>>) dst(%dma_wait3A_403 : memref<250xi32, #tpu.memory_space<vmem>>)
        %dma_wait3A_407 = arith.constant 0 : i32
        %dma_wait3A_408 = arith.constant 1 : i32
        %dma_wait3A_409 = arith.constant 0 : i32
        %dma_wait3A_410 = tpu.memref_slice %arg7[%dma_wait3A_407, %dma_wait3A_408, %dma_wait3A_409] : memref<4x2x250xi32, #tpu.memory_space<vmem>> -> memref<1x1x250xi32, #tpu.memory_space<vmem>>
        %dma_wait3A_411 = tpu.memref_squeeze %dma_wait3A_410 : memref<1x1x250xi32, #tpu.memory_space<vmem>> -> memref<250xi32, #tpu.memory_space<vmem>>
        %dma_wait3A_412 = arith.constant 0 : i32
        %dma_wait3A_413 = tpu.memref_slice %arg3[%mul3A_7, %dma_wait3A_412] : memref<12800x250xi32, #tpu.memory_space<hbm>> -> memref<1x250xi32, #tpu.memory_space<hbm>>
        %dma_wait3A_414 = tpu.memref_squeeze %dma_wait3A_413 : memref<1x250xi32, #tpu.memory_space<hbm>> -> memref<250xi32, #tpu.memory_space<hbm>>
        %dma_wait3A_415 = arith.constant 0 : i32
        %dma_wait3A_416 = tpu.memref_slice %arg7[%dma_wait3A_407, %dma_wait3A_408, %dma_wait3A_415] : memref<4x2x250xi32, #tpu.memory_space<vmem>> -> memref<1x1x250xi32, #tpu.memory_space<vmem>>
        %dma_wait3A_417 = tpu.memref_squeeze %dma_wait3A_416 : memref<1x1x250xi32, #tpu.memory_space<vmem>> -> memref<250xi32, #tpu.memory_space<vmem>>
        %dma_wait3A_418 = arith.constant 0 : i32
        %dma_wait3A_419 = tpu.memref_slice %arg3[%mul3A_7, %dma_wait3A_418] : memref<12800x250xi32, #tpu.memory_space<hbm>> -> memref<1x250xi32, #tpu.memory_space<hbm>>
        %dma_wait3A_420 = tpu.memref_squeeze %dma_wait3A_419 : memref<1x250xi32, #tpu.memory_space<hbm>> -> memref<250xi32, #tpu.memory_space<hbm>>
        tpu.wait_dma2 semaphore(%arg10 : memref<!tpu.dma_semaphore, #tpu.memory_space<semaphore_mem>>) src(%dma_wait3A_420 : memref<250xi32, #tpu.memory_space<hbm>>) dst(%dma_wait3A_417 : memref<250xi32, #tpu.memory_space<vmem>>)
        %add3A_421 = arith.constant 2 : i32
        %add3A_422 = arith.addi %add3A_361, %add3A_421 : i32
        %add3A_423 = arith.addi %mul3A_7, %add3A_422 : i32
        %dma_start3A_424 = arith.constant 1 : i32
        %dma_start3A_425 = arith.constant 0 : i32
        %dma_start3A_426 = arith.constant 0 : i32
        %dma_start3A_427 = tpu.memref_slice %arg7[%dma_start3A_424, %dma_start3A_425, %dma_start3A_426] : memref<4x2x250xi32, #tpu.memory_space<vmem>> -> memref<1x1x250xi32, #tpu.memory_space<vmem>>
        %dma_start3A_428 = tpu.memref_squeeze %dma_start3A_427 : memref<1x1x250xi32, #tpu.memory_space<vmem>> -> memref<250xi32, #tpu.memory_space<vmem>>
        %dma_start3A_429 = arith.constant 0 : i32
        %dma_start3A_430 = tpu.memref_slice %arg2[%add3A_423, %dma_start3A_429] : memref<12800x250xi32, #tpu.memory_space<hbm>> -> memref<1x250xi32, #tpu.memory_space<hbm>>
        %dma_start3A_431 = tpu.memref_squeeze %dma_start3A_430 : memref<1x250xi32, #tpu.memory_space<hbm>> -> memref<250xi32, #tpu.memory_space<hbm>>
        %dma_start3A_432 = arith.constant 0 : i32
        %dma_start3A_433 = tpu.memref_slice %arg7[%dma_start3A_424, %dma_start3A_425, %dma_start3A_432] : memref<4x2x250xi32, #tpu.memory_space<vmem>> -> memref<1x1x250xi32, #tpu.memory_space<vmem>>
        %dma_start3A_434 = tpu.memref_squeeze %dma_start3A_433 : memref<1x1x250xi32, #tpu.memory_space<vmem>> -> memref<250xi32, #tpu.memory_space<vmem>>
        %dma_start3A_435 = arith.constant 0 : i32
        %dma_start3A_436 = tpu.memref_slice %arg2[%add3A_423, %dma_start3A_435] : memref<12800x250xi32, #tpu.memory_space<hbm>> -> memref<1x250xi32, #tpu.memory_space<hbm>>
        %dma_start3A_437 = tpu.memref_squeeze %dma_start3A_436 : memref<1x250xi32, #tpu.memory_space<hbm>> -> memref<250xi32, #tpu.memory_space<hbm>>
        tpu.enqueue_dma source(%dma_start3A_437 : memref<250xi32, #tpu.memory_space<hbm>>) target(%dma_start3A_434 : memref<250xi32, #tpu.memory_space<vmem>>) target_semaphore(%arg10 : memref<!tpu.dma_semaphore, #tpu.memory_space<semaphore_mem>>)
        %add3A_438 = arith.addi %mul3A_7, %add3A_422 : i32
        %dma_start3A_439 = arith.constant 1 : i32
        %dma_start3A_440 = arith.constant 1 : i32
        %dma_start3A_441 = arith.constant 0 : i32
        %dma_start3A_442 = tpu.memref_slice %arg7[%dma_start3A_439, %dma_start3A_440, %dma_start3A_441] : memref<4x2x250xi32, #tpu.memory_space<vmem>> -> memref<1x1x250xi32, #tpu.memory_space<vmem>>
        %dma_start3A_443 = tpu.memref_squeeze %dma_start3A_442 : memref<1x1x250xi32, #tpu.memory_space<vmem>> -> memref<250xi32, #tpu.memory_space<vmem>>
        %dma_start3A_444 = arith.constant 0 : i32
        %dma_start3A_445 = tpu.memref_slice %arg3[%add3A_438, %dma_start3A_444] : memref<12800x250xi32, #tpu.memory_space<hbm>> -> memref<1x250xi32, #tpu.memory_space<hbm>>
        %dma_start3A_446 = tpu.memref_squeeze %dma_start3A_445 : memref<1x250xi32, #tpu.memory_space<hbm>> -> memref<250xi32, #tpu.memory_space<hbm>>
        %dma_start3A_447 = arith.constant 0 : i32
        %dma_start3A_448 = tpu.memref_slice %arg7[%dma_start3A_439, %dma_start3A_440, %dma_start3A_447] : memref<4x2x250xi32, #tpu.memory_space<vmem>> -> memref<1x1x250xi32, #tpu.memory_space<vmem>>
        %dma_start3A_449 = tpu.memref_squeeze %dma_start3A_448 : memref<1x1x250xi32, #tpu.memory_space<vmem>> -> memref<250xi32, #tpu.memory_space<vmem>>
        %dma_start3A_450 = arith.constant 0 : i32
        %dma_start3A_451 = tpu.memref_slice %arg3[%add3A_438, %dma_start3A_450] : memref<12800x250xi32, #tpu.memory_space<hbm>> -> memref<1x250xi32, #tpu.memory_space<hbm>>
        %dma_start3A_452 = tpu.memref_squeeze %dma_start3A_451 : memref<1x250xi32, #tpu.memory_space<hbm>> -> memref<250xi32, #tpu.memory_space<hbm>>
        tpu.enqueue_dma source(%dma_start3A_452 : memref<250xi32, #tpu.memory_space<hbm>>) target(%dma_start3A_449 : memref<250xi32, #tpu.memory_space<vmem>>) target_semaphore(%arg10 : memref<!tpu.dma_semaphore, #tpu.memory_space<semaphore_mem>>)
      } else {
      }
      %dma_start3A_380 = arith.constant 0 : i32
      %dma_start3A_381 = arith.constant 3 : i32
      %dma_start3A_382 = arith.constant 1 : i32
      %dma_start3A_383 = arith.constant 0 : i32
      %dma_start3A_384 = arith.constant 0 : i32
      %dma_start3A_385 = tpu.memref_slice %arg8[%dma_start3A_380, %dma_start3A_383, %dma_start3A_384] : memref<4x250x8xf32, #tpu.memory_space<vmem>> -> memref<1x250x8xf32, #tpu.memory_space<vmem>>
      %dma_start3A_386 = tpu.memref_squeeze %dma_start3A_385 : memref<1x250x8xf32, #tpu.memory_space<vmem>> -> memref<250x8xf32, #tpu.memory_space<vmem>>
      %dma_start3A_387 = arith.constant 0 : i32
      %dma_start3A_388 = tpu.memref_slice %arg7[%dma_start3A_381, %dma_start3A_382, %dma_start3A_387] : memref<4x2x250xi32, #tpu.memory_space<vmem>> -> memref<1x1x250xi32, #tpu.memory_space<vmem>>
      %dma_start3A_389 = tpu.memref_squeeze %dma_start3A_388 : memref<1x1x250xi32, #tpu.memory_space<vmem>> -> memref<250xi32, #tpu.memory_space<vmem>>
      %dma_start3A_390 = arith.constant 0 : i32
      %dma_start3A_391 = arith.constant 0 : i32
      %dma_start3A_392 = tpu.memref_slice %arg9[%dma_start3A_390, %dma_start3A_391] : memref<100096x8xf32, #tpu.memory_space<vmem_shared>> -> memref<100096x8xf32, #tpu.memory_space<vmem_shared>>
      tpu.enqueue_indirect_dma source(%dma_start3A_386 : memref<250x8xf32, #tpu.memory_space<vmem>>) target(%dma_start3A_392 : memref<100096x8xf32, #tpu.memory_space<vmem_shared>>) offsets(%dma_start3A_389 : memref<250xi32, #tpu.memory_space<vmem>>) semaphore(%arg12 : memref<!tpu.dma_semaphore, #tpu.memory_space<semaphore_mem>>) {add = true}
    }
    %scan3A_102 = arith.constant 100 : i32
    %dma_wait3A_103 = arith.constant 0 : i32
    %dma_wait3A_104 = arith.constant 2 : i32
    %dma_wait3A_105 = arith.constant 1 : i32
    %dma_wait3A_106 = arith.constant 0 : i32
    %dma_wait3A_107 = arith.constant 0 : i32
    %dma_wait3A_108 = tpu.memref_slice %arg8[%dma_wait3A_103, %dma_wait3A_106, %dma_wait3A_107] : memref<4x250x8xf32, #tpu.memory_space<vmem>> -> memref<1x250x8xf32, #tpu.memory_space<vmem>>
    %dma_wait3A_109 = tpu.memref_squeeze %dma_wait3A_108 : memref<1x250x8xf32, #tpu.memory_space<vmem>> -> memref<250x8xf32, #tpu.memory_space<vmem>>
    %dma_wait3A_110 = arith.constant 0 : i32
    %dma_wait3A_111 = tpu.memref_slice %arg7[%dma_wait3A_104, %dma_wait3A_105, %dma_wait3A_110] : memref<4x2x250xi32, #tpu.memory_space<vmem>> -> memref<1x1x250xi32, #tpu.memory_space<vmem>>
    %dma_wait3A_112 = tpu.memref_squeeze %dma_wait3A_111 : memref<1x1x250xi32, #tpu.memory_space<vmem>> -> memref<250xi32, #tpu.memory_space<vmem>>
    %dma_wait3A_113 = arith.constant 0 : i32
    %dma_wait3A_114 = arith.constant 0 : i32
    %dma_wait3A_115 = tpu.memref_slice %arg9[%dma_wait3A_113, %dma_wait3A_114] : memref<100096x8xf32, #tpu.memory_space<vmem_shared>> -> memref<100096x8xf32, #tpu.memory_space<vmem_shared>>
    tpu.wait_indirect_dma semaphore(%arg12 : memref<!tpu.dma_semaphore, #tpu.memory_space<semaphore_mem>>) src(%dma_wait3A_109 : memref<250x8xf32, #tpu.memory_space<vmem>>) dst(%dma_wait3A_115 : memref<100096x8xf32, #tpu.memory_space<vmem_shared>>)
    %dma_wait3A_116 = arith.constant 0 : i32
    %dma_wait3A_117 = arith.constant 3 : i32
    %dma_wait3A_118 = arith.constant 1 : i32
    %dma_wait3A_119 = arith.constant 0 : i32
    %dma_wait3A_120 = arith.constant 0 : i32
    %dma_wait3A_121 = tpu.memref_slice %arg8[%dma_wait3A_116, %dma_wait3A_119, %dma_wait3A_120] : memref<4x250x8xf32, #tpu.memory_space<vmem>> -> memref<1x250x8xf32, #tpu.memory_space<vmem>>
    %dma_wait3A_122 = tpu.memref_squeeze %dma_wait3A_121 : memref<1x250x8xf32, #tpu.memory_space<vmem>> -> memref<250x8xf32, #tpu.memory_space<vmem>>
    %dma_wait3A_123 = arith.constant 0 : i32
    %dma_wait3A_124 = tpu.memref_slice %arg7[%dma_wait3A_117, %dma_wait3A_118, %dma_wait3A_123] : memref<4x2x250xi32, #tpu.memory_space<vmem>> -> memref<1x1x250xi32, #tpu.memory_space<vmem>>
    %dma_wait3A_125 = tpu.memref_squeeze %dma_wait3A_124 : memref<1x1x250xi32, #tpu.memory_space<vmem>> -> memref<250xi32, #tpu.memory_space<vmem>>
    %dma_wait3A_126 = arith.constant 0 : i32
    %dma_wait3A_127 = arith.constant 0 : i32
    %dma_wait3A_128 = tpu.memref_slice %arg9[%dma_wait3A_126, %dma_wait3A_127] : memref<100096x8xf32, #tpu.memory_space<vmem_shared>> -> memref<100096x8xf32, #tpu.memory_space<vmem_shared>>
    tpu.wait_indirect_dma semaphore(%arg12 : memref<!tpu.dma_semaphore, #tpu.memory_space<semaphore_mem>>) src(%dma_wait3A_122 : memref<250x8xf32, #tpu.memory_space<vmem>>) dst(%dma_wait3A_128 : memref<100096x8xf32, #tpu.memory_space<vmem_shared>>)
    %barrier3A_129 = arith.constant 0 : index
    tpu.barrier barrier_id(%barrier3A_129)
    %mul3A_130 = arith.constant 6256 : i32
    %mul3A_131 = arith.muli %arg1, %mul3A_130 : i32
    %mul3A_132 = arith.constant 6256 : i32
    %mul3A_133 = arith.muli %arg1, %mul3A_132 : i32
    "tpu.region"() ({
      %run_scoped3A_134 = tpu.sem_alloc : memref<!tpu.dma_semaphore, #tpu.memory_space<semaphore_mem>>
      %dma_start3A_135 = arith.constant 0 : i32
      %dma_start3A_136 = arith.constant 0 : i32
      %dma_start3A_137 = tpu.memref_slice %arg6[%arg0, %dma_start3A_135, %dma_start3A_136] : memref<2x100096x8xf32, #tpu.memory_space<hbm>> -> memref<1x100096x8xf32, #tpu.memory_space<hbm>>
      %dma_start3A_138 = tpu.memref_squeeze %dma_start3A_137 : memref<1x100096x8xf32, #tpu.memory_space<hbm>> -> memref<100096x8xf32, #tpu.memory_space<hbm>>
      %dma_start3A_139 = arith.constant 0 : i32
      %dma_start3A_140 = tpu.memref_slice %dma_start3A_138[%mul3A_133, %dma_start3A_139] : memref<100096x8xf32, #tpu.memory_space<hbm>> -> memref<6256x8xf32, #tpu.memory_space<hbm>>
      %dma_start3A_141 = arith.constant 0 : i32
      %dma_start3A_142 = tpu.memref_slice %arg9[%mul3A_131, %dma_start3A_141] : memref<100096x8xf32, #tpu.memory_space<vmem_shared>> -> memref<6256x8xf32, #tpu.memory_space<vmem_shared>>
      tpu.enqueue_dma source(%dma_start3A_142 : memref<6256x8xf32, #tpu.memory_space<vmem_shared>>) target(%dma_start3A_140 : memref<6256x8xf32, #tpu.memory_space<hbm>>) target_semaphore(%run_scoped3A_134 : memref<!tpu.dma_semaphore, #tpu.memory_space<semaphore_mem>>)
      %dma_wait3A_143 = arith.constant 0 : i32
      %dma_wait3A_144 = arith.constant 0 : i32
      %dma_wait3A_145 = tpu.memref_slice %arg6[%arg0, %dma_wait3A_143, %dma_wait3A_144] : memref<2x100096x8xf32, #tpu.memory_space<hbm>> -> memref<1x100096x8xf32, #tpu.memory_space<hbm>>
      %dma_wait3A_146 = tpu.memref_squeeze %dma_wait3A_145 : memref<1x100096x8xf32, #tpu.memory_space<hbm>> -> memref<100096x8xf32, #tpu.memory_space<hbm>>
      %dma_wait3A_147 = arith.constant 0 : i32
      %dma_wait3A_148 = tpu.memref_slice %dma_wait3A_146[%mul3A_133, %dma_wait3A_147] : memref<100096x8xf32, #tpu.memory_space<hbm>> -> memref<6256x8xf32, #tpu.memory_space<hbm>>
      %dma_wait3A_149 = arith.constant 0 : i32
      %dma_wait3A_150 = tpu.memref_slice %arg9[%mul3A_131, %dma_wait3A_149] : memref<100096x8xf32, #tpu.memory_space<vmem_shared>> -> memref<6256x8xf32, #tpu.memory_space<vmem_shared>>
      tpu.wait_dma2 semaphore(%run_scoped3A_134 : memref<!tpu.dma_semaphore, #tpu.memory_space<semaphore_mem>>) src(%dma_wait3A_150 : memref<6256x8xf32, #tpu.memory_space<vmem_shared>>) dst(%dma_wait3A_148 : memref<6256x8xf32, #tpu.memory_space<hbm>>)
      tpu.yield
    }) : () -> ()
    return
  }
}

module attributes {stable_mosaic.version = 14 : i64} {
  func.func @_tc1_body(%arg0: i32, %arg1: memref<3128x6xf32, #tpu.memory_space<vmem>>, %arg2: memref<6x32xf32, #tpu.memory_space<vmem>>, %arg3: memref<2x3128x8xf32, #tpu.memory_space<vmem>>, %arg4: memref<2x3128x16xf32, #tpu.memory_space<vmem>>, %arg5: memref<3128x1xf32, #tpu.memory_space<vmem>>) attributes {dimension_semantics = [#tpu.dimension_semantics<arbitrary>], iteration_bounds = array<i64: 32>, scalar_prefetch = 0 : i64, scratch_operands = 0 : i64, tpu.core_type = #tpu.core_type<tc>, window_params = [{transform_indices = @transform_0, window_bounds = array<i64: 3128, 6>}, {pipeline_mode = #tpu.pipeline_mode<synchronous>, transform_indices = @transform_1, window_bounds = array<i64: 6, 32>}, {transform_indices = @transform_2, window_bounds = array<i64: 2, 3128, 8>}, {transform_indices = @transform_3, window_bounds = array<i64: 2, 3128, 16>}, {transform_indices = @transform_4, window_bounds = array<i64: 3128, 1>}]} {
    %get3A = arith.constant 0 : index
    %get3A_0 = arith.constant 0 : index
    %get3A_1 = arith.constant 0 : index
    %get3A_2 = vector.load %arg3[%get3A, %get3A_0, %get3A_1] : memref<2x3128x8xf32, #tpu.memory_space<vmem>>, vector<1x3128x1xf32>
    %get3A_3 = vector.shape_cast %get3A_2 : vector<1x3128x1xf32> to vector<3128x1xf32>
    %get3A_4 = arith.constant 1 : index
    %get3A_5 = arith.constant 0 : index
    %get3A_6 = arith.constant 0 : index
    %get3A_7 = vector.load %arg3[%get3A_4, %get3A_5, %get3A_6] : memref<2x3128x8xf32, #tpu.memory_space<vmem>>, vector<1x3128x1xf32>
    %get3A_8 = vector.shape_cast %get3A_7 : vector<1x3128x1xf32> to vector<3128x1xf32>
    %add3A = arith.addf %get3A_3, %get3A_8 : vector<3128x1xf32>
    %add3A_9 = arith.constant 1.000000e+00 : f32
    %add3A_10 = vector.broadcast %add3A_9 : f32 to vector<3128x1xf32>
    %add3A_11 = arith.addf %add3A, %add3A_10 : vector<3128x1xf32>
    %max3A = arith.constant 9.99999996E-13 : f32
    %max3A_12 = vector.broadcast %max3A : f32 to vector<3128x1xf32>
    %max3A_13 = arith.maximumf %add3A_11, %max3A_12 : vector<3128x1xf32>
    %rsqrt3A = math.rsqrt %max3A_13 : vector<3128x1xf32>
    %get3A_14 = arith.constant 0 : index
    %get3A_15 = arith.constant 0 : index
    %get3A_16 = vector.load %arg1[%get3A_14, %get3A_15] : memref<3128x6xf32, #tpu.memory_space<vmem>>, vector<3128x6xf32>
    %get3A_17 = arith.constant 0 : index
    %get3A_18 = arith.constant 0 : index
    %get3A_19 = vector.load %arg2[%get3A_17, %get3A_18] : memref<6x32xf32, #tpu.memory_space<vmem>>, vector<6x32xf32>
    %dot_general3A = arith.constant dense<0.000000e+00> : vector<3128x32xf32>
    %dot_general3A_20 = tpu.matmul %get3A_16, %get3A_19, %dot_general3A {dimension_numbers = #tpu.dot_dimension_numbers<[1], [0], [0], [1], [0, 0, 1, 1], [], []>, transpose_lhs_hint = false} : vector<3128x6xf32>, vector<6x32xf32>, vector<3128x32xf32> -> vector<3128x32xf32>
    %mul3A = vector.broadcast %rsqrt3A : vector<3128x1xf32> to vector<3128x32xf32>
    %mul3A_21 = arith.mulf %dot_general3A_20, %mul3A : vector<3128x32xf32>
    %slice3A = vector.extract_strided_slice %mul3A_21 {offsets = [0, 0], sizes = [3128, 16], strides = [1, 1]} : vector<3128x32xf32> to vector<3128x16xf32>
    %swap3A = arith.constant 0 : index
    %swap3A_22 = arith.constant 0 : index
    %swap3A_23 = arith.constant 0 : index
    %swap3A_24 = vector.load %arg4[%swap3A, %swap3A_22, %swap3A_23] : memref<2x3128x16xf32, #tpu.memory_space<vmem>>, vector<1x3128x16xf32>
    %swap3A_25 = vector.shape_cast %swap3A_24 : vector<1x3128x16xf32> to vector<3128x16xf32>
    %swap3A_26 = vector.shape_cast %slice3A : vector<3128x16xf32> to vector<1x3128x16xf32>
    tpu.vector_store %arg4[%swap3A, %swap3A_22, %swap3A_23], %swap3A_26 {strides = array<i32>} : memref<2x3128x16xf32, #tpu.memory_space<vmem>>, vector<1x3128x16xf32>,
    %slice3A_27 = vector.extract_strided_slice %mul3A_21 {offsets = [0, 16], sizes = [3128, 16], strides = [1, 1]} : vector<3128x32xf32> to vector<3128x16xf32>
    %swap3A_28 = arith.constant 1 : index
    %swap3A_29 = arith.constant 0 : index
    %swap3A_30 = arith.constant 0 : index
    %swap3A_31 = vector.load %arg4[%swap3A_28, %swap3A_29, %swap3A_30] : memref<2x3128x16xf32, #tpu.memory_space<vmem>>, vector<1x3128x16xf32>
    %swap3A_32 = vector.shape_cast %swap3A_31 : vector<1x3128x16xf32> to vector<3128x16xf32>
    %swap3A_33 = vector.shape_cast %slice3A_27 : vector<3128x16xf32> to vector<1x3128x16xf32>
    tpu.vector_store %arg4[%swap3A_28, %swap3A_29, %swap3A_30], %swap3A_33 {strides = array<i32>} : memref<2x3128x16xf32, #tpu.memory_space<vmem>>, vector<1x3128x16xf32>,
    %swap3A_34 = arith.constant 0 : index
    %swap3A_35 = arith.constant 0 : index
    %swap3A_36 = vector.load %arg5[%swap3A_34, %swap3A_35] : memref<3128x1xf32, #tpu.memory_space<vmem>>, vector<3128x1xf32>
    tpu.vector_store %arg5[%swap3A_34, %swap3A_35], %rsqrt3A {strides = array<i32>} : memref<3128x1xf32, #tpu.memory_space<vmem>>, vector<3128x1xf32>,
    return
  }
  func.func @transform_0(%arg0: i32) -> (i32, i32) {
    %c0_i32 = arith.constant 0 : i32
    %c0_i32_0 = arith.constant 0 : i32
    return %arg0, %c0_i32 : i32, i32
  }
  func.func @transform_1(%arg0: i32) -> (i32, i32) {
    %c0_i32 = arith.constant 0 : i32
    %c0_i32_0 = arith.constant 0 : i32
    %c0_i32_1 = arith.constant 0 : i32
    return %c0_i32, %c0_i32_0 : i32, i32
  }
  func.func @transform_2(%arg0: i32) -> (i32, i32, i32) {
    %c0_i32 = arith.constant 0 : i32
    %c0_i32_0 = arith.constant 0 : i32
    %c0_i32_1 = arith.constant 0 : i32
    return %c0_i32, %arg0, %c0_i32_0 : i32, i32, i32
  }
  func.func @transform_3(%arg0: i32) -> (i32, i32, i32) {
    %c0_i32 = arith.constant 0 : i32
    %c0_i32_0 = arith.constant 0 : i32
    %c0_i32_1 = arith.constant 0 : i32
    return %c0_i32, %arg0, %c0_i32_0 : i32, i32, i32
  }
  func.func @transform_4(%arg0: i32) -> (i32, i32) {
    %c0_i32 = arith.constant 0 : i32
    %c0_i32_0 = arith.constant 0 : i32
    return %arg0, %c0_i32 : i32, i32
  }
}

module attributes {stable_mosaic.version = 14 : i64} {
  func.func @_tc2_body(%arg0: i32, %arg1: memref<2x3128x16xf32, #tpu.memory_space<vmem>>, %arg2: memref<2x3128x16xf32, #tpu.memory_space<vmem>>, %arg3: memref<3128x1xf32, #tpu.memory_space<vmem>>, %arg4: memref<1x16xf32, #tpu.memory_space<vmem>>, %arg5: memref<1x16xf32, #tpu.memory_space<vmem>>, %arg6: memref<16x16xf32, #tpu.memory_space<vmem>>, %arg7: memref<16x16xf32, #tpu.memory_space<vmem>>, %arg8: memref<3128x16xf32, #tpu.memory_space<vmem>>) attributes {dimension_semantics = [#tpu.dimension_semantics<arbitrary>], iteration_bounds = array<i64: 32>, scalar_prefetch = 0 : i64, scratch_operands = 0 : i64, tpu.core_type = #tpu.core_type<tc>, window_params = [{transform_indices = @transform_0, window_bounds = array<i64: 2, 3128, 16>}, {transform_indices = @transform_1, window_bounds = array<i64: 2, 3128, 16>}, {transform_indices = @transform_2, window_bounds = array<i64: 3128, 1>}, {pipeline_mode = #tpu.pipeline_mode<synchronous>, transform_indices = @transform_3, window_bounds = array<i64: 1, 16>}, {pipeline_mode = #tpu.pipeline_mode<synchronous>, transform_indices = @transform_4, window_bounds = array<i64: 1, 16>}, {pipeline_mode = #tpu.pipeline_mode<synchronous>, transform_indices = @transform_5, window_bounds = array<i64: 16, 16>}, {pipeline_mode = #tpu.pipeline_mode<synchronous>, transform_indices = @transform_6, window_bounds = array<i64: 16, 16>}, {transform_indices = @transform_7, window_bounds = array<i64: 3128, 16>}]} {
    %get3A = arith.constant 0 : index
    %get3A_0 = arith.constant 0 : index
    %get3A_1 = vector.load %arg3[%get3A, %get3A_0] : memref<3128x1xf32, #tpu.memory_space<vmem>>, vector<3128x1xf32>
    %get3A_2 = arith.constant 0 : index
    %get3A_3 = arith.constant 0 : index
    %get3A_4 = arith.constant 0 : index
    %get3A_5 = vector.load %arg1[%get3A_2, %get3A_3, %get3A_4] : memref<2x3128x16xf32, #tpu.memory_space<vmem>>, vector<1x3128x16xf32>
    %get3A_6 = vector.shape_cast %get3A_5 : vector<1x3128x16xf32> to vector<3128x16xf32>
    %get3A_7 = arith.constant 0 : index
    %get3A_8 = arith.constant 0 : index
    %get3A_9 = arith.constant 0 : index
    %get3A_10 = vector.load %arg2[%get3A_7, %get3A_8, %get3A_9] : memref<2x3128x16xf32, #tpu.memory_space<vmem>>, vector<1x3128x16xf32>
    %get3A_11 = vector.shape_cast %get3A_10 : vector<1x3128x16xf32> to vector<3128x16xf32>
    %add3A = arith.addf %get3A_6, %get3A_11 : vector<3128x16xf32>
    %mul3A = vector.broadcast %get3A_1 : vector<3128x1xf32> to vector<3128x16xf32>
    %mul3A_12 = arith.mulf %mul3A, %add3A : vector<3128x16xf32>
    %get3A_13 = arith.constant 0 : index
    %get3A_14 = arith.constant 0 : index
    %get3A_15 = vector.load %arg4[%get3A_13, %get3A_14] : memref<1x16xf32, #tpu.memory_space<vmem>>, vector<1x16xf32>
    %add3A_16 = vector.broadcast %get3A_15 : vector<1x16xf32> to vector<3128x16xf32>
    %add3A_17 = arith.addf %mul3A_12, %add3A_16 : vector<3128x16xf32>
    %max3A = arith.constant 0.000000e+00 : f32
    %max3A_18 = vector.broadcast %max3A : f32 to vector<3128x16xf32>
    %max3A_19 = arith.maximumf %add3A_17, %max3A_18 : vector<3128x16xf32>
    %get3A_20 = arith.constant 1 : index
    %get3A_21 = arith.constant 0 : index
    %get3A_22 = arith.constant 0 : index
    %get3A_23 = vector.load %arg1[%get3A_20, %get3A_21, %get3A_22] : memref<2x3128x16xf32, #tpu.memory_space<vmem>>, vector<1x3128x16xf32>
    %get3A_24 = vector.shape_cast %get3A_23 : vector<1x3128x16xf32> to vector<3128x16xf32>
    %get3A_25 = arith.constant 1 : index
    %get3A_26 = arith.constant 0 : index
    %get3A_27 = arith.constant 0 : index
    %get3A_28 = vector.load %arg2[%get3A_25, %get3A_26, %get3A_27] : memref<2x3128x16xf32, #tpu.memory_space<vmem>>, vector<1x3128x16xf32>
    %get3A_29 = vector.shape_cast %get3A_28 : vector<1x3128x16xf32> to vector<3128x16xf32>
    %add3A_30 = arith.addf %get3A_24, %get3A_29 : vector<3128x16xf32>
    %mul3A_31 = vector.broadcast %get3A_1 : vector<3128x1xf32> to vector<3128x16xf32>
    %mul3A_32 = arith.mulf %mul3A_31, %add3A_30 : vector<3128x16xf32>
    %get3A_33 = arith.constant 0 : index
    %get3A_34 = arith.constant 0 : index
    %get3A_35 = vector.load %arg5[%get3A_33, %get3A_34] : memref<1x16xf32, #tpu.memory_space<vmem>>, vector<1x16xf32>
    %add3A_36 = vector.broadcast %get3A_35 : vector<1x16xf32> to vector<3128x16xf32>
    %add3A_37 = arith.addf %mul3A_32, %add3A_36 : vector<3128x16xf32>
    %max3A_38 = arith.constant 0.000000e+00 : f32
    %max3A_39 = vector.broadcast %max3A_38 : f32 to vector<3128x16xf32>
    %max3A_40 = arith.maximumf %add3A_37, %max3A_39 : vector<3128x16xf32>
    %get3A_41 = arith.constant 0 : index
    %get3A_42 = arith.constant 0 : index
    %get3A_43 = vector.load %arg6[%get3A_41, %get3A_42] : memref<16x16xf32, #tpu.memory_space<vmem>>, vector<16x16xf32>
    %dot_general3A = arith.constant dense<0.000000e+00> : vector<3128x16xf32>
    %dot_general3A_44 = tpu.matmul %max3A_19, %get3A_43, %dot_general3A {dimension_numbers = #tpu.dot_dimension_numbers<[1], [0], [0], [1], [0, 0, 1, 1], [], []>, transpose_lhs_hint = false} : vector<3128x16xf32>, vector<16x16xf32>, vector<3128x16xf32> -> vector<3128x16xf32>
    %get3A_45 = arith.constant 0 : index
    %get3A_46 = arith.constant 0 : index
    %get3A_47 = vector.load %arg7[%get3A_45, %get3A_46] : memref<16x16xf32, #tpu.memory_space<vmem>>, vector<16x16xf32>
    %dot_general3A_48 = arith.constant dense<0.000000e+00> : vector<3128x16xf32>
    %dot_general3A_49 = tpu.matmul %max3A_40, %get3A_47, %dot_general3A_48 {dimension_numbers = #tpu.dot_dimension_numbers<[1], [0], [0], [1], [0, 0, 1, 1], [], []>, transpose_lhs_hint = false} : vector<3128x16xf32>, vector<16x16xf32>, vector<3128x16xf32> -> vector<3128x16xf32>
    %add3A_50 = arith.addf %dot_general3A_44, %dot_general3A_49 : vector<3128x16xf32>
    %mul3A_51 = vector.broadcast %get3A_1 : vector<3128x1xf32> to vector<3128x16xf32>
    %mul3A_52 = arith.mulf %add3A_50, %mul3A_51 : vector<3128x16xf32>
    %swap3A = arith.constant 0 : index
    %swap3A_53 = arith.constant 0 : index
    %swap3A_54 = vector.load %arg8[%swap3A, %swap3A_53] : memref<3128x16xf32, #tpu.memory_space<vmem>>, vector<3128x16xf32>
    tpu.vector_store %arg8[%swap3A, %swap3A_53], %mul3A_52 {strides = array<i32>} : memref<3128x16xf32, #tpu.memory_space<vmem>>, vector<3128x16xf32>,
    return
  }
  func.func @transform_0(%arg0: i32) -> (i32, i32, i32) {
    %c0_i32 = arith.constant 0 : i32
    %c0_i32_0 = arith.constant 0 : i32
    %c0_i32_1 = arith.constant 0 : i32
    return %c0_i32, %arg0, %c0_i32_0 : i32, i32, i32
  }
  func.func @transform_1(%arg0: i32) -> (i32, i32, i32) {
    %c0_i32 = arith.constant 0 : i32
    %c0_i32_0 = arith.constant 0 : i32
    %c0_i32_1 = arith.constant 0 : i32
    return %c0_i32, %arg0, %c0_i32_0 : i32, i32, i32
  }
  func.func @transform_2(%arg0: i32) -> (i32, i32) {
    %c0_i32 = arith.constant 0 : i32
    %c0_i32_0 = arith.constant 0 : i32
    return %arg0, %c0_i32 : i32, i32
  }
  func.func @transform_3(%arg0: i32) -> (i32, i32) {
    %c0_i32 = arith.constant 0 : i32
    %c0_i32_0 = arith.constant 0 : i32
    %c0_i32_1 = arith.constant 0 : i32
    return %c0_i32, %c0_i32_0 : i32, i32
  }
  func.func @transform_4(%arg0: i32) -> (i32, i32) {
    %c0_i32 = arith.constant 0 : i32
    %c0_i32_0 = arith.constant 0 : i32
    %c0_i32_1 = arith.constant 0 : i32
    return %c0_i32, %c0_i32_0 : i32, i32
  }
  func.func @transform_5(%arg0: i32) -> (i32, i32) {
    %c0_i32 = arith.constant 0 : i32
    %c0_i32_0 = arith.constant 0 : i32
    %c0_i32_1 = arith.constant 0 : i32
    return %c0_i32, %c0_i32_0 : i32, i32
  }
  func.func @transform_6(%arg0: i32) -> (i32, i32) {
    %c0_i32 = arith.constant 0 : i32
    %c0_i32_0 = arith.constant 0 : i32
    %c0_i32_1 = arith.constant 0 : i32
    return %c0_i32, %c0_i32_0 : i32, i32
  }
  func.func @transform_7(%arg0: i32) -> (i32, i32) {
    %c0_i32 = arith.constant 0 : i32
    %c0_i32_0 = arith.constant 0 : i32
    return %arg0, %c0_i32 : i32, i32
  }
}

module attributes {stable_mosaic.version = 14 : i64} {
  func.func @_tc3_body(%arg0: i32, %arg1: memref<2x4000x16xf32, #tpu.memory_space<vmem>>, %arg2: memref<4000x16xf32, #tpu.memory_space<vmem>>, %arg3: memref<4000x1xf32, #tpu.memory_space<vmem>>, %arg4: memref<1x16xf32, #tpu.memory_space<vmem>>, %arg5: memref<4000x16xf32, #tpu.memory_space<vmem>>) attributes {dimension_semantics = [#tpu.dimension_semantics<arbitrary>], iteration_bounds = array<i64: 25>, scalar_prefetch = 0 : i64, scratch_operands = 0 : i64, tpu.core_type = #tpu.core_type<tc>, window_params = [{transform_indices = @transform_0, window_bounds = array<i64: 2, 4000, 16>}, {transform_indices = @transform_1, window_bounds = array<i64: 4000, 16>}, {transform_indices = @transform_2, window_bounds = array<i64: 4000, 1>}, {pipeline_mode = #tpu.pipeline_mode<synchronous>, transform_indices = @transform_3, window_bounds = array<i64: 1, 16>}, {transform_indices = @transform_4, window_bounds = array<i64: 4000, 16>}]} {
    %get3A = arith.constant 0 : index
    %get3A_0 = arith.constant 0 : index
    %get3A_1 = vector.load %arg3[%get3A, %get3A_0] : memref<4000x1xf32, #tpu.memory_space<vmem>>, vector<4000x1xf32>
    %get3A_2 = arith.constant 0 : index
    %get3A_3 = arith.constant 0 : index
    %get3A_4 = arith.constant 0 : index
    %get3A_5 = vector.load %arg1[%get3A_2, %get3A_3, %get3A_4] : memref<2x4000x16xf32, #tpu.memory_space<vmem>>, vector<1x4000x16xf32>
    %get3A_6 = vector.shape_cast %get3A_5 : vector<1x4000x16xf32> to vector<4000x16xf32>
    %get3A_7 = arith.constant 1 : index
    %get3A_8 = arith.constant 0 : index
    %get3A_9 = arith.constant 0 : index
    %get3A_10 = vector.load %arg1[%get3A_7, %get3A_8, %get3A_9] : memref<2x4000x16xf32, #tpu.memory_space<vmem>>, vector<1x4000x16xf32>
    %get3A_11 = vector.shape_cast %get3A_10 : vector<1x4000x16xf32> to vector<4000x16xf32>
    %add3A = arith.addf %get3A_6, %get3A_11 : vector<4000x16xf32>
    %get3A_12 = arith.constant 0 : index
    %get3A_13 = arith.constant 0 : index
    %get3A_14 = vector.load %arg2[%get3A_12, %get3A_13] : memref<4000x16xf32, #tpu.memory_space<vmem>>, vector<4000x16xf32>
    %add3A_15 = arith.addf %add3A, %get3A_14 : vector<4000x16xf32>
    %mul3A = vector.broadcast %get3A_1 : vector<4000x1xf32> to vector<4000x16xf32>
    %mul3A_16 = arith.mulf %mul3A, %add3A_15 : vector<4000x16xf32>
    %get3A_17 = arith.constant 0 : index
    %get3A_18 = arith.constant 0 : index
    %get3A_19 = vector.load %arg4[%get3A_17, %get3A_18] : memref<1x16xf32, #tpu.memory_space<vmem>>, vector<1x16xf32>
    %add3A_20 = vector.broadcast %get3A_19 : vector<1x16xf32> to vector<4000x16xf32>
    %add3A_21 = arith.addf %mul3A_16, %add3A_20 : vector<4000x16xf32>
    %swap3A = arith.constant 0 : index
    %swap3A_22 = arith.constant 0 : index
    %swap3A_23 = vector.load %arg5[%swap3A, %swap3A_22] : memref<4000x16xf32, #tpu.memory_space<vmem>>, vector<4000x16xf32>
    tpu.vector_store %arg5[%swap3A, %swap3A_22], %add3A_21 {strides = array<i32>} : memref<4000x16xf32, #tpu.memory_space<vmem>>, vector<4000x16xf32>,
    return
  }
  func.func @transform_0(%arg0: i32) -> (i32, i32, i32) {
    %c0_i32 = arith.constant 0 : i32
    %c0_i32_0 = arith.constant 0 : i32
    %c0_i32_1 = arith.constant 0 : i32
    return %c0_i32, %arg0, %c0_i32_0 : i32, i32, i32
  }
  func.func @transform_1(%arg0: i32) -> (i32, i32) {
    %c0_i32 = arith.constant 0 : i32
    %c0_i32_0 = arith.constant 0 : i32
    return %arg0, %c0_i32 : i32, i32
  }
  func.func @transform_2(%arg0: i32) -> (i32, i32) {
    %c0_i32 = arith.constant 0 : i32
    %c0_i32_0 = arith.constant 0 : i32
    return %arg0, %c0_i32 : i32, i32
  }
  func.func @transform_3(%arg0: i32) -> (i32, i32) {
    %c0_i32 = arith.constant 0 : i32
    %c0_i32_0 = arith.constant 0 : i32
    %c0_i32_1 = arith.constant 0 : i32
    return %c0_i32, %c0_i32_0 : i32, i32
  }
  func.func @transform_4(%arg0: i32) -> (i32, i32) {
    %c0_i32 = arith.constant 0 : i32
    %c0_i32_0 = arith.constant 0 : i32
    return %arg0, %c0_i32 : i32, i32
  }
}

</mosaic_0001>

<sc_bundles>
// kernel: kernel.11.cloned.1.call-start
scs
__scs_entry_jumppad:
0x0: {  	(pc) =	sbr.rel $0x88, $3  }
0x1: {  	(tag) =	ssettag $0x0;
	lr =	simm.s32 $0x1  }
0x2: {  	[smem:$0x3F9B] =	sst lr;
	_ =	strace $0xD0000000  }
0x3: {  	_ = 	snop  }
0x4: {  	_ = 	snop  }
0x5: {  	_ = 	snop  }
0x6: {  	_ = 	snop  }
0x7: {  	_ = 	snop  }
__scs_overlays_trampoline_lowered:
0x8: {  	[smem:$0x3FAA] =	sst s0  }
0x9: {  	[smem:$0x3FAB] =	sst s1  }
0xa: {  	[smem:$0x3FAC] =	sst s2  }
0xb: {  	[smem:$0x3FAD] =	sst s3  }
0xc: {  	[smem:$0x3FAE] =	sst s4  }
0xd: {  	[smem:$0x3FAF] =	sst s5  }
0xe: {  	[smem:$0x3FB0] =	sst s6  }
0xf: {  	[smem:$0x3FB1] =	sst s7  }
0x10: {  	[smem:$0x3FB2] =	sst s8  }
0x11: {  	[smem:$0x3FB3] =	sst s9;
	s0 =	simm.s32 @!p0 $0x0  }
0x12: {  	s1 =	sld [smem:$0x3F99];
	s0 =	simm.s32 @p0 $0x1  }
0x13: {  	[smem:$0x3FB4] =	sst s0;
	s0 =	simm.s32 @!p1 $0x0  }
0x14: {  	s2 =	sld [smem:$0x3F98];
	s0 =	simm.s32 @p1 $0x1  }
0x15: {  	[smem:$0x3FB5] =	sst s0;
	s0 =	simm.s32 @!p2 $0x0  }
0x16: {  	s3 =	sld [smem:$0x3FDB];
	s0 =	simm.s32 @p2 $0x1  }
0x17: {  	s4 =	simm.s32 $0x1BF5;
	[smem:$0x3FB7] =	sst s0  }
0x18: {  	s0 =	sld [smem:$0x3F9A];
	_ =	swait.ge [sflag:s4], $0x0  }
0x19: {  	s7 =	sld [smem:$0x3F9B]  }
0x1a: {  	s8 =	sadd.s32 $0xFFFFE003, lr  }
0x1b: {  	s9 =	sadd.s32 $0xFFFFFEF7, lr;
	s5 =	simm.s32 $0xFFFFFFFF;
	p2 =	slt.u32 s8, $0xFFFFF086  }
0x1c: {  	p1 =	slt.u32 s9, $0xF7A;
	s5 =	simm.s32 @!p2 $0x0  }
0x1d: {  	s5 =	simm.s32 @p1 $0x1;
	p0 =	seq.s32 s7, s2  }
0x1e: {  	s7 =	smul.u32 @!p0 $0xF7A, s2;
	p2 =	seq.s32 @!p0 s5, $0x0  }
0x1f: {  	s9 =	smul.u32 $0xF7A, s1;
	s8 =	simm.s32 @!p0 $0x1BF5;
	p2 =	por !p2, p0  }
0x20: {  	[sflag:s8] =	ssyncset.s32 @!p0 $0xFFFFF086;
	s6 =	sadd.s32 @!p0 s3, s7;
	s7 =	simm.s32 @!p0 $0x108  }
0x21: {  	s3 =	sadd.s32 s3, s9;
	s6 =	sadd.s32 @!p0 $0x88, s6;
	s7 =	simm.s32 @p2 $0x1082  }
0x22: {  	[simem:s7], [sflag:s8] =	dma.local @!p0 [hbm:s6], $0xF7A  }
0x23: {  	s9 =	sor.u32 $0xD0000000, s2;
	s6 =	simm.s32 $0x108;
	_ =	swait.ge @!p0 [sflag:s8], $0x0  }
0x24: {  	s3 =	sadd.s32 $0x88, s3;
	s6 =	simm.s32 @!p1 $0x1082;
	[sflag:s4] =	ssyncset.s32 $0xFFFFF086  }
0x25: {  	[simem:s6], [sflag:s4] =	dma.local [hbm:s3], $0xF7A  }
0x26: {  	[smem:$0x3F9B] =	sst s1;
	(tag) =	ssettag s2;
	_ =	strace s9  }
0x27: {  	s1 =	sld [smem:$0x3FAB]  }
0x28: {  	s2 =	sld [smem:$0x3FAC]  }
0x29: {  	s4 =	sld [smem:$0x3FAE]  }
0x2a: {  	p0 =	seq.s32 s5, $0x0;
	s5 =	sld [smem:$0x3FAF]  }
0x2b: {  	s6 =	sld [smem:$0x3FB0]  }
0x2c: {  	s7 =	sld [smem:$0x3FB1]  }
0x2d: {  	s3 =	simm.s32 $0x108;
	s8 =	sld [smem:$0x3FB2]  }
0x2e: {  	s3 =	simm.s32 @!p0 $0x1082;
	s9 =	sld [smem:$0x3FB3]  }
0x2f: {  	lr =	sadd.s32 s0, s3;
	s0 =	sld [smem:$0x3FAA]  }
0x30: {  	s3 =	sld [smem:$0x3FAD]  }
0x31: {  	[smem:$0x3FB6] =	sst s10  }
0x32: {  	s10 =	sld [smem:$0x3FB4];
	_ =	sdelay $0x3  }
0x33: {  	p0 =	seq.s32 s10, $0x1;
	s10 =	sld [smem:$0x3FB6];
	_ =	sdelay $0x3  }
0x34: {  	[smem:$0x3FB6] =	sst s10  }
0x35: {  	s10 =	sld [smem:$0x3FB5];
	_ =	sdelay $0x3  }
0x36: {  	p1 =	seq.s32 s10, $0x1;
	s10 =	sld [smem:$0x3FB6];
	_ =	sdelay $0x3  }
0x37: {  	[smem:$0x3FB6] =	sst s10  }
0x38: {  	s10 =	sld [smem:$0x3FB7]  }
0x39: {  	_ = 	snop;
	(pc) =	sbr.ind lr, $3  }
0x3a: {  	_ = 	snop  }
0x3b: {  	_ = 	snop  }
0x3c: {  	p2 =	seq.s32 s10, $0x1;
	s10 =	sld [smem:$0x3FB6]  }
0x3d: {  	_ =	shalt  }
0x3e: {  	_ =	shalt  }
0x3f: {  	_ =	shalt  }
0x40: {  	_ =	shalt  }
0x41: {  	_ =	shalt  }
0x42: {  	_ =	shalt  }
0x43: {  	_ =	shalt  }
0x44: {  	_ =	shalt  }
0x45: {  	_ =	shalt  }
0x46: {  	_ =	shalt  }
0x47: {  	_ =	shalt  }
0x48: {  	_ =	shalt  }
0x49: {  	_ =	shalt  }
0x4a: {  	_ =	shalt  }
0x4b: {  	_ =	shalt  }
0x4c: {  	_ =	shalt  }
0x4d: {  	_ =	shalt  }
0x4e: {  	_ =	shalt  }
0x4f: {  	_ =	shalt  }
0x50: {  	_ =	shalt  }
0x51: {  	_ =	shalt  }
0x52: {  	_ =	shalt  }
0x53: {  	_ =	shalt  }
0x54: {  	_ =	shalt  }
0x55: {  	_ =	shalt  }
0x56: {  	_ =	shalt  }
0x57: {  	_ =	shalt  }
0x58: {  	_ =	shalt  }
0x59: {  	_ =	shalt  }
0x5a: {  	_ =	shalt  }
0x5b: {  	_ =	shalt  }
0x5c: {  	_ =	shalt  }
0x5d: {  	_ =	shalt  }
0x5e: {  	_ =	shalt  }
0x5f: {  	_ =	shalt  }
0x60: {  	_ =	shalt  }
0x61: {  	_ =	shalt  }
0x62: {  	_ =	shalt  }
0x63: {  	_ =	shalt  }
0x64: {  	_ =	shalt  }
0x65: {  	_ =	shalt  }
0x66: {  	_ =	shalt  }
0x67: {  	_ =	shalt  }
0x68: {  	_ =	shalt  }
0x69: {  	_ =	shalt  }
0x6a: {  	_ =	shalt  }
0x6b: {  	_ =	shalt  }
0x6c: {  	_ =	shalt  }
0x6d: {  	_ =	shalt  }
0x6e: {  	_ =	shalt  }
0x6f: {  	_ =	shalt  }
0x70: {  	_ =	shalt  }
0x71: {  	_ =	shalt  }
0x72: {  	_ =	shalt  }
0x73: {  	_ =	shalt  }
0x74: {  	_ =	shalt  }
0x75: {  	_ =	shalt  }
0x76: {  	_ =	shalt  }
0x77: {  	_ =	shalt  }
0x78: {  	_ =	shalt  }
0x79: {  	_ =	shalt  }
0x7a: {  	_ =	shalt  }
0x7b: {  	_ =	shalt  }
0x7c: {  	_ =	shalt  }
0x7d: {  	_ =	shalt  }
0x7e: {  	_ =	shalt  }
0x7f: {  	_ =	shalt  }
0x80: {  	_ =	shalt  }
0x81: {  	_ =	shalt  }
0x82: {  	_ =	shalt  }
0x83: {  	_ =	shalt  }
0x84: {  	_ =	shalt  }
0x85: {  	_ =	shalt  }
0x86: {  	_ =	shalt  }
0x87: {  	_ =	shalt  }
.Lfunc_end0:
.L_simem_size_0:
called_computation.1_lowered:
.L_overlay_start_0:
0x88: {  	s2 =	sld [smem:$0x3FD9]  }
0x89: {  	s3 =	sld [smem:$0x3FFE];
	_ =	sdelay $0x1  }
0x8a: {  	s1 =	srdreg.scid  }
0x8b: {  	s0 =	sand.u32 $0x1, s1  }
0x8c: {  	s17 =	sshll.u32 s0, $0xA;
	s2 =	sadd.s32 s3, s2  }
0x8d: {  	s2 =	sadd.s32 s2, s17  }
0x8e: {  	[smem:$0x3FC2] =	sst s2  }
0x8f: {  	_ = 	snop  }
0x90: {  	s2 =	sld [smem:$0x3FD0];
	(tm) =	ssettm $0x1  }
0x91: {  	s18 =	sld [smem:$0x3FFB];
	_ =	sdelay $0x3  }
0x92: {  	_ =	strace s18  }
0x93: {  	s3 =	sld [smem:$0x3FFC];
	_ =	sdelay $0x3  }
0x94: {  	_ =	strace s3  }
0x95: {  	s3 =	sld [smem:$0x3FFD];
	_ =	sdelay $0x3  }
0x96: {  	_ =	strace s3  }
0x97: {  	_ =	strace $0x8FFFFFFF  }
0x98: {  	s19 =	sld [smem:$0x3FDB];
	_ =	sdelay $0x1  }
0x99: {  	s4 =	simm.s32 $_scs_section_size  }
0x9a: {  	s5 =	simm.s32 $_size__tile_overlayer_lowered;
	s6 =	simm.s32 $_tile_overlayer_lowered  }
0x9b: {  	s22 =	simm.s32 $0x1BFF;
	s21 =	sshll.u32 s6, $0x1;
	s3 =	sadd.s32 s4, s19  }
0x9c: {  	s7 =	simm.s32 $0x0;
	s20 =	sshll.u32 s5, $0x1;
	s5 =	sadd.s32 s21, s3  }
0x9d: {  	[timem:s7], [sflag:s22] =	dma.local [hbm:s5], s20  }
0x9e: {  	_ =	swait.ge [sflag:s22], s20  }
0x9f: {  	s4 =	ssub.s32 $0x0, s20;
	[sflag:s22] =	ssyncset.done $0x0  }
0xa0: {  	[sflag:s22] =	ssyncadd.s32 s4;
	_ =	sdelay $0x1  }
0xa1: {  	s23 =	simm.s32 $0x1B8B  }
0xa2: {  	_ =	swait.ge [sflag:s23], $0x1  }
0xa3: {  	[sflag:s23] =	ssyncset.done $0x0  }
0xa4: {  	s25 =	simm.s32 $0x1B8E;
	s24 =	sld [smem:$0x3FFE];
	[sflag:s23] =	ssyncadd.s32 $0xFFFFFFFF  }
0xa5: {  	s26 =	simm.s32 $execute0_lowered;
	[smem:$0x3FD2] =	sst s25  }
0xa6: {  	s5 =	sshll.u32 s26, $0x1;
	_ =	strace $0x80000049;
	[dreg:$0x1] =	wrdreg $0xFFFFFFFF  }
0xa7: {  	s28 =	simm.s32 $_size_execute0_lowered;
	s3 =	sadd.s32 s3, s5;
	[dreg:$0x0] =	wrdreg $0x0  }
0xa8: {  	s5 =	sshll.u32 s28, $0x1;
	[dreg:$0x2] =	wrdreg s3  }
0xa9: {  	[dreg:$0x3] =	wrdreg s5  }
0xaa: {  	[dreg:$0x4] =	wrdreg $0xC0  }
0xab: {  	_ =	task [dreg:s7], $0x5FFFF  }
0xac: {  	[dreg:$0x1] =	wrdreg $0xFFFFFFFF  }
0xad: {  	[dreg:$0x0] =	wrdreg $0x60  }
0xae: {  	[dreg:$0x2] =	wrdreg s24  }
0xaf: {  	[dreg:$0x3] =	wrdreg s2  }
0xb0: {  	[dreg:$0x4] =	wrdreg $0x46800  }
0xb1: {  	[dreg:$0x5] =	wrdreg $0x9  }
0xb2: {  	_ =	task.clear_ibuf [dreg:s7], $0x6FFFF;
	_ =	strace $0x90000049  }
0xb3: {  	s29 =	simm.s32 $0x9;
	_ =	strace $0x8000004B  }
0xb4: {  	_ =	swait.ge [sflag:s29], $0x1  }
0xb5: {  	[sflag:s29] =	ssyncadd.s32 $0xFFFFFFFF  }
0xb6: {  	_ =	strace $0x9000004B  }
0xb7: {  	_ =	sfence  }
0xb8: {  	s30 =	sld [smem:$0x0];
	_ =	sdelay $0x2  }
0xb9: {  	s31 =	sshll.u32 s1, $0xD;
	s1 =	sshrl.u32 s1, $0x2  }
0xba: {  	s3 =	sand.u32 $0x4000, s31;
	s1 =	sadd.s32 s1, s30  }
0xbb: {  	s0 =	sor.u32 s3, s0;
	s1 =	sshll.u32 s1, $0x11  }
0xbc: {  	s0 =	sor.u32 s1, s0  }
0xbd: {  	s0 =	sadd.s32 $0x8F2B, s0  }
0xbe: {  	[sflag:s0] =	ssyncadd.remote.s32 $0x1  }
0xbf: {  	_ =	sfence.sel $0xFFFF  }
0xc0: {  	[dreg:$0x0] =	wrdreg $0xFFFFFFFF;
	(pc) =	sbr.abs _section_cstart, $3  }
0xc1: {  	[dreg:$0x1] =	wrdreg $0xFFFFFFFF  }
0xc2: {  	_ =	task.clear_ibuf [dreg:s7], $0x2FFFF;
	_ =	strace $0x9FFFFFFF  }
0xc3: {  	(tm) =	ssettm $0x7FFFFFFF  }
tec
execute0_lowered:
.L_overlay_start_1:
0x0: {  	(tag) =	ssettag $0x1  }
0x1: {  	s0 =	rddreg [dreg:$0x0]  }
0x2: {  	s4 =	rddreg [dreg:$0x1]  }
0x3: {  	s1 =	rddreg [dreg:$0x2];
	s2 =	simm.s32 $0x0  }
0x4: {  	s3 =	srdreg.scid;
	s23 =	stileid.u32;
	s14 =	simm.s32 $0x100  }
0x5: {  	s15 =	simm.s32 $0x200;
	s16 =	simm.s32 $0x300;
	s17 =	simm.s32 $0x1  }
0x6: {  	s18 =	simm.s32 $0xFA;
	s19 =	simm.s32 $0x800;
	s21 =	simm.s32 $0x500  }
0x7: {  	s20 =	simm.s32 $0x17A0;
	s22 =	simm.s32 $0x2;
	s28 =	simm.s32 $0x36E0  }
0x8: {  	s29 =	simm.s32 $0x0;
	[smem:$0x7FF] =	sst s2;
	s5 =	sand.u32 $0x1, s3  }
0x9: {  	s8 =	sadd.s32 $0xC7000, s0;
	s7 =	smul.u32 $0x18700, s23;
	s9 =	sadd.s32 $0x63000, s0  }
0xa: {  	s10 =	smul.u32 $0x6400, s23;
	s25 =	sshll.u32 s23, $0x6;
	s23 =	simm.s32 $0x2740  }
0xb: {  	_ =	strace $0x8000004A;
	s6 =	smul.u32 $0x30E00, s5;
	s5 =	ssub.s32 $0x2, s5  }
0xc: {  	s3 =	sor.u32 $0x1C04, s25;
	[dreg:$0x4] =	wrdreg s21;
	s21 =	simm.s32 $0x400  }
0xd: {  	[dreg:$0x5] =	wrdreg s23;
	s23 =	simm.s32 $0x600;
	s25 =	simm.s32 $0x700  }
0xe: {  	s24 =	sshrl.u32 s5, $0x1;
	s12 =	sadd.s32 s7, s1;
	s13 =	sor.u32 $0x20, s10  }
0xf: {  	[dreg:$0xa] =	wrdreg s3;
	s0 =	sadd.s32 s6, s0;
	s11 =	ssub.s32 s5, s24  }
0x10: {  	s24 =	sshrl.u32 s7, $0x3;
	s6 =	sadd.s32 s8, s10;
	s26 =	sadd.s32 s8, s13  }
0x11: {  	s7 =	sadd.s32 s9, s10;
	s30 =	sadd.s32 s9, s13;
	[dreg:$0x7] =	wrdreg s26  }
0x12: {  	s4 =	sadd.s32 s4, s24;
	[dreg:$0x8] =	wrdreg s30;
	s10 =	sadd.s32 $0x12B000, s0  }
0x13: {  	s0 =	sadd.s32 $0x18CC00, s0;
	s31 =	smax.u32 s11, $0x1;
	[dreg:$0x6] =	wrdreg s4  }
0x14: {  	s13 =	simm.s32 $0x4;
	[dreg:$0x9] =	wrdreg s31;
	s0 =	sadd.s32 s24, s0  }
0x15: {  	s26 =	simm.s32 $0x3;
	s4 =	sshrl.u32 s12, $0x3;
	[dreg:$0xb] =	wrdreg s0  }
.LBB2_1:
0x16: {  	s0 =	rddreg [dreg:$0x6]  }
0x17: {  	[spmem:s4], [sflag:s3] =	dma.local [hbm:s0], $0x30E0  }
0x18: {  	_ =	swait.ge [sflag:s13], $0x30E0  }
0x19: {  	[sflag:s13] =	ssyncset.done $0x0  }
0x1a: {  	[sflag:s13] =	ssyncadd.s32 $0xFFFFCF20  }
0x1b: {  	[bflag:$0x0] =	sbarrier.arrive $0xFFFF  }
0x1c: {  	[tilespmem:s2], [sflag:$0x1] =	stream.linear.gather [hbm4b:s6+s2], $0x100, $0x38;
	[tilespmem:$0x1CD80] =	vst v63  }
0x1d: {  	_ = 	snop  }
0x1e: {  	[tilespmem:s14], [sflag:$0x1] =	stream.linear.gather [hbm4b:s7+s2], $0x100, $0x38;
	[tilespmem:$0x1CD80] =	vst v63  }
0x1f: {  	s3 =	rddreg [dreg:$0x7]  }
0x20: {  	[tilespmem:s15], [sflag:$0x1] =	stream.linear.gather [hbm4b:s3+s2], $0x100, $0x38;
	[tilespmem:$0x1CD80] =	vst v63  }
0x21: {  	s12 =	smov.u32 s4;
	s4 =	rddreg [dreg:$0x8]  }
0x22: {  	[tilespmem:s16], [sflag:$0x1] =	stream.linear.gather [hbm4b:s4+s2], $0x100, $0x38;
	[tilespmem:$0x1CD80] =	vst v63  }
0x23: {  	_ =	swait.ge [sflag:s17], $0x100  }
0x24: {  	[sflag:s17] =	ssyncset.done $0x0  }
0x25: {  	[sflag:s17] =	ssyncadd.s32 $0xFFFFFF00  }
0x26: {  	p0 =	por $0x1, $0x1;
	_ =	swait.ge [sflag:s17], $0x100  }
0x27: {  	p0 =	por p0, p0;
	[sflag:s17] =	ssyncset.done $0x0  }
0x28: {  	s0 =	simm.s32 @!p0 $0x3;
	[sflag:s17] =	ssyncadd.s32 $0xFFFFFF00  }
0x29: {  	[tilespmem:s19], [sflag:$0x2] =	stream.indirect.gather [hbm4b:s10+s18], $0x10, s2, s18, $0xb8;
	[tilespmem:$0x1CD80] =	vst v63  }
0x2a: {  	_ =	swait.ge @!p0 [sflag:s0], $0xFA0  }
0x2b: {  	[sflag:s0] =	ssyncset.done @!p0 $0x0  }
0x2c: {  	[sflag:s0] =	ssyncadd.s32 @!p0 $0xFFFFF060  }
0x2d: {  	_ =	swait.ge [sflag:s17], $0x100  }
0x2e: {  	[sflag:s17] =	ssyncset.done $0x0  }
0x2f: {  	[sflag:s17] =	ssyncadd.s32 $0xFFFFFF00  }
0x30: {  	_ =	swait.ge [sflag:s17], $0x100  }
0x31: {  	[sflag:s17] =	ssyncset.done $0x0  }
0x32: {  	s30 =	sadd.s32 $0x0, s6;
	[sflag:s17] =	ssyncadd.s32 $0xFFFFFF00  }
0x33: {  	[tilespmem:s20], [sflag:$0x2] =	stream.indirect.gather [hbm4b:s10+s18], $0x10, s15, s18, $0xb8;
	[tilespmem:$0x1CD80] =	vst v63  }
0x34: {  	s5 =	sadd.s32 $0x0, s7;
	s31 =	sadd.s32 $0x40, s30  }
0x35: {  	[tilespmem:s21], [sflag:$0x1] =	stream.linear.gather [hbm4b:s31+s2], $0x100, $0x38;
	[tilespmem:$0x1CD80] =	vst v63  }
0x36: {  	s8 =	rddreg [dreg:$0x4];
	s31 =	sadd.s32 $0x40, s5  }
0x37: {  	[tilespmem:s8], [sflag:$0x1] =	stream.linear.gather [hbm4b:s31+s2], $0x100, $0x38;
	[tilespmem:$0x1CD80] =	vst v63  }
0x38: {  	_ =	swait.ge [sflag:s22], $0xFA0  }
0x39: {  	[sflag:s22] =	ssyncset.done $0x0  }
0x3a: {  	[sflag:s22] =	ssyncadd.s32 $0xFFFFF060  }
0x3b: {  	[spmem:s1] =	stream.indirect.scatter.add.f32 [tilespmem:s19], [sflag:$0x3], $0x10, s14, s18, $0xb8;
	[tilespmem:$0x1CD80] =	vst v63  }
0x3c: {  	_ =	swait.ge @!p0 [sflag:s0], $0xFA0  }
0x3d: {  	[sflag:s0] =	ssyncset.done @!p0 $0x0  }
0x3e: {  	[sflag:s0] =	ssyncadd.s32 @!p0 $0xFFFFF060  }
0x3f: {  	_ =	swait.ge [sflag:s17], $0x100  }
0x40: {  	[sflag:s17] =	ssyncset.done $0x0  }
0x41: {  	[sflag:s17] =	ssyncadd.s32 $0xFFFFFF00  }
0x42: {  	_ =	swait.ge [sflag:s17], $0x100  }
0x43: {  	[sflag:s17] =	ssyncset.done $0x0  }
0x44: {  	s9 =	rddreg [dreg:$0x5];
	[sflag:s17] =	ssyncadd.s32 $0xFFFFFF00  }
0x45: {  	[tilespmem:s9], [sflag:$0x2] =	stream.indirect.gather [hbm4b:s10+s18], $0x10, s21, s18, $0xb8;
	[tilespmem:$0x1CD80] =	vst v63  }
0x46: {  	s11 =	sadd.s32 $0x60, s30  }
0x47: {  	[tilespmem:s23], [sflag:$0x1] =	stream.linear.gather [hbm4b:s11+s2], $0x100, $0x38;
	[tilespmem:$0x1CD80] =	vst v63  }
0x48: {  	s24 =	sadd.s32 $0x60, s5  }
0x49: {  	[tilespmem:s25], [sflag:$0x1] =	stream.linear.gather [hbm4b:s24+s2], $0x100, $0x38;
	[tilespmem:$0x1CD80] =	vst v63  }
0x4a: {  	_ =	swait.ge [sflag:s22], $0xFA0  }
0x4b: {  	[sflag:s22] =	ssyncset.done $0x0  }
0x4c: {  	[sflag:s22] =	ssyncadd.s32 $0xFFFFF060  }
0x4d: {  	[spmem:s1] =	stream.indirect.scatter.add.f32 [tilespmem:s20], [sflag:$0x3], $0x10, s16, s18, $0xb8;
	[tilespmem:$0x1CD80] =	vst v63  }
0x4e: {  	_ =	swait.ge [sflag:s26], $0xFA0  }
0x4f: {  	[sflag:s26] =	ssyncset.done $0x0  }
0x50: {  	[sflag:s26] =	ssyncadd.s32 $0xFFFFF060  }
0x51: {  	_ =	swait.ge [sflag:s17], $0x100  }
0x52: {  	[sflag:s17] =	ssyncset.done $0x0  }
0x53: {  	[sflag:s17] =	ssyncadd.s32 $0xFFFFFF00  }
0x54: {  	_ =	swait.ge [sflag:s17], $0x100  }
0x55: {  	p0 =	por $0x0, $0x0;
	[sflag:s17] =	ssyncset.done $0x0  }
0x56: {  	s0 =	simm.s32 @p0 $0x2;
	[sflag:s17] =	ssyncadd.s32 $0xFFFFFF00  }
0x57: {  	[tilespmem:s28], [sflag:$0x2] =	stream.indirect.gather [hbm4b:s10+s18], $0x10, s23, s18, $0xb8;
	[tilespmem:$0x1CD80] =	vst v63  }
0x58: {  	_ =	swait.ge @p0 [sflag:s0], $0xFA0  }
0x59: {  	s3 =	simm.s32 @p0 $0x2740;
	s4 =	simm.s32 @p0 $0xFA;
	[sflag:s0] =	ssyncset.done @p0 $0x0  }
0x5a: {  	s30 =	simm.s32 @p0 $0x500;
	[sflag:s0] =	ssyncadd.s32 @p0 $0xFFFFF060;
	s0 =	simm.s32 @p0 $0x3  }
0x5b: {  	[spmem:s1] =	stream.indirect.scatter.add.f32 @p0 [tilespmem:s3], [sflag:$0x3], $0x10, s30, s4, $0xb8;
	[tilespmem:$0x1CD80] =	vst v63  }
0x5c: {  	_ =	swait.ge @p0 [sflag:s0], $0xFA0  }
0x5d: {  	s31 =	simm.s32 @!p0 $0x0;
	s3 =	sadd.s32 @!p0 $0x0, s6;
	[sflag:s0] =	ssyncset.done @p0 $0x0  }
0x5e: {  	s4 =	sadd.s32 @!p0 $0x0, s7;
	s30 =	sadd.s32 @!p0 $0x80, s3;
	[sflag:s0] =	ssyncadd.s32 @p0 $0xFFFFF060  }
0x5f: {  	[tilespmem:s31], [sflag:$0x1] =	stream.linear.gather @!p0 [hbm4b:s30+s31], $0x100, $0x38;
	[tilespmem:$0x1CD80] =	vst v63  }
0x60: {  	s8 =	simm.s32 @!p0 $0x2;
	s0 =	sadd.s32 @!p0 $0x80, s4;
	s30 =	simm.s32 @!p0 $0x100  }
0x61: {  	[tilespmem:s30], [sflag:$0x1] =	stream.linear.gather @!p0 [hbm4b:s0+s31], $0x100, $0x38;
	[tilespmem:$0x1CD80] =	vst v63  }
0x62: {  	_ =	swait.ge @!p0 [sflag:s8], $0xFA0  }
0x63: {  	s0 =	simm.s32 @!p0 $0x2740;
	[sflag:s8] =	ssyncset.done @!p0 $0x0  }
0x64: {  	s30 =	simm.s32 @!p0 $0xFA;
	[sflag:s8] =	ssyncadd.s32 @!p0 $0xFFFFF060;
	s8 =	simm.s32 @!p0 $0x500  }
0x65: {  	[spmem:s1] =	stream.indirect.scatter.add.f32 @!p0 [tilespmem:s0], [sflag:$0x3], $0x10, s8, s30, $0xb8;
	[tilespmem:$0x1CD80] =	vst v63  }
0x66: {  	s0 =	simm.s32 @!p0 $0x3  }
0x67: {  	_ =	swait.ge @!p0 [sflag:s0], $0xFA0  }
0x68: {  	[sflag:s0] =	ssyncset.done @!p0 $0x0  }
0x69: {  	[sflag:s0] =	ssyncadd.s32 @!p0 $0xFFFFF060;
	s0 =	simm.s32 @!p0 $0x1  }
0x6a: {  	_ =	swait.ge @!p0 [sflag:s0], $0x100  }
0x6b: {  	[sflag:s0] =	ssyncset.done @!p0 $0x0  }
0x6c: {  	[sflag:s0] =	ssyncadd.s32 @!p0 $0xFFFFFF00  }
0x6d: {  	_ =	swait.ge @!p0 [sflag:s0], $0x100  }
0x6e: {  	[sflag:s0] =	ssyncset.done @!p0 $0x0  }
0x6f: {  	[sflag:s0] =	ssyncadd.s32 @!p0 $0xFFFFFF00;
	s0 =	simm.s32 @!p0 $0x800  }
0x70: {  	[tilespmem:s0], [sflag:$0x2] =	stream.indirect.gather @!p0 [hbm4b:s10+s30], $0x10, s31, s30, $0xb8;
	[tilespmem:$0x1CD80] =	vst v63  }
0x71: {  	s0 =	sadd.s32 @!p0 $0xA0, s3;
	s3 =	simm.s32 @!p0 $0x200  }
0x72: {  	[tilespmem:s3], [sflag:$0x1] =	stream.linear.gather @!p0 [hbm4b:s0+s31], $0x100, $0x38;
	[tilespmem:$0x1CD80] =	vst v63  }
0x73: {  	s0 =	sadd.s32 @!p0 $0xA0, s4;
	s3 =	simm.s32 @!p0 $0x300  }
0x74: {  	[tilespmem:s3], [sflag:$0x1] =	stream.linear.gather @!p0 [hbm4b:s0+s31], $0x100, $0x38;
	[tilespmem:$0x1CD80] =	vst v63  }
0x75: {  	p6 =	por $0x0, $0x0;
	s30 =	simm.s32 $0x80;
	_ =	swait.ge [sflag:s22], $0xFA0  }
0x76: {  	s31 =	simm.s32 $0x100;
	p0 =	por p6, p6;
	[sflag:s22] =	ssyncset.done $0x0  }
.LBB2_2:
0x77: {  	s3 =	simm.s32 @!p0 $0x3;
	[sflag:s22] =	ssyncadd.s32 $0xFFFFF060  }
0x78: {  	[spmem:s1] =	stream.indirect.scatter.add.f32 [tilespmem:s28], [sflag:$0x3], $0x10, s25, s18, $0xb8;
	[tilespmem:$0x1CD80] =	vst v63  }
0x79: {  	_ =	swait.ge @!p0 [sflag:s3], $0xFA0  }
0x7a: {  	[sflag:s3] =	ssyncset.done @!p0 $0x0  }
0x7b: {  	[sflag:s3] =	ssyncadd.s32 @!p0 $0xFFFFF060  }
0x7c: {  	_ =	swait.ge [sflag:s17], $0x100  }
0x7d: {  	[sflag:s17] =	ssyncset.done $0x0  }
0x7e: {  	[sflag:s17] =	ssyncadd.s32 $0xFFFFFF00  }
0x7f: {  	_ =	swait.ge [sflag:s17], $0x100  }
0x80: {  	[sflag:s17] =	ssyncset.done $0x0  }
0x81: {  	s4 =	sadd.s32 s30, s6;
	[sflag:s17] =	ssyncadd.s32 $0xFFFFFF00  }
0x82: {  	[tilespmem:s20], [sflag:$0x2] =	stream.indirect.gather [hbm4b:s10+s18], $0x10, s15, s18, $0xb8;
	[tilespmem:$0x1CD80] =	vst v63  }
0x83: {  	s9 =	sadd.s32 s30, s7;
	s8 =	sadd.s32 $0x40, s4  }
0x84: {  	[tilespmem:s21], [sflag:$0x1] =	stream.linear.gather [hbm4b:s8+s2], $0x100, $0x38;
	[tilespmem:$0x1CD80] =	vst v63  }
0x85: {  	s5 =	sadd.s32 $0x40, s9;
	s11 =	rddreg [dreg:$0x4]  }
0x86: {  	[tilespmem:s11], [sflag:$0x1] =	stream.linear.gather [hbm4b:s5+s2], $0x100, $0x38;
	[tilespmem:$0x1CD80] =	vst v63  }
0x87: {  	_ =	swait.ge [sflag:s22], $0xFA0  }
0x88: {  	[sflag:s22] =	ssyncset.done $0x0  }
0x89: {  	[sflag:s22] =	ssyncadd.s32 $0xFFFFF060  }
0x8a: {  	[spmem:s1] =	stream.indirect.scatter.add.f32 [tilespmem:s19], [sflag:$0x3], $0x10, s14, s18, $0xb8;
	[tilespmem:$0x1CD80] =	vst v63  }
0x8b: {  	_ =	swait.ge @!p0 [sflag:s3], $0xFA0  }
0x8c: {  	[sflag:s3] =	ssyncset.done @!p0 $0x0  }
0x8d: {  	[sflag:s3] =	ssyncadd.s32 @!p0 $0xFFFFF060  }
0x8e: {  	_ =	swait.ge [sflag:s17], $0x100  }
0x8f: {  	[sflag:s17] =	ssyncset.done $0x0  }
0x90: {  	[sflag:s17] =	ssyncadd.s32 $0xFFFFFF00  }
0x91: {  	_ =	swait.ge [sflag:s17], $0x100  }
0x92: {  	[sflag:s17] =	ssyncset.done $0x0  }
0x93: {  	s8 =	rddreg [dreg:$0x5];
	[sflag:s17] =	ssyncadd.s32 $0xFFFFFF00  }
0x94: {  	[tilespmem:s8], [sflag:$0x2] =	stream.indirect.gather [hbm4b:s10+s18], $0x10, s21, s18, $0xb8;
	[tilespmem:$0x1CD80] =	vst v63  }
0x95: {  	s11 =	sadd.s32 $0x60, s4  }
0x96: {  	[tilespmem:s23], [sflag:$0x1] =	stream.linear.gather [hbm4b:s11+s2], $0x100, $0x38;
	[tilespmem:$0x1CD80] =	vst v63  }
0x97: {  	s24 =	sadd.s32 $0x60, s9  }
0x98: {  	[tilespmem:s25], [sflag:$0x1] =	stream.linear.gather [hbm4b:s24+s2], $0x100, $0x38;
	[tilespmem:$0x1CD80] =	vst v63  }
0x99: {  	_ =	swait.ge [sflag:s22], $0xFA0  }
0x9a: {  	[sflag:s22] =	ssyncset.done $0x0  }
0x9b: {  	[sflag:s22] =	ssyncadd.s32 $0xFFFFF060  }
0x9c: {  	[spmem:s1] =	stream.indirect.scatter.add.f32 [tilespmem:s20], [sflag:$0x3], $0x10, s16, s18, $0xb8;
	[tilespmem:$0x1CD80] =	vst v63  }
0x9d: {  	_ =	swait.ge [sflag:s26], $0xFA0  }
0x9e: {  	[sflag:s26] =	ssyncset.done $0x0  }
0x9f: {  	[sflag:s26] =	ssyncadd.s32 $0xFFFFF060  }
0xa0: {  	_ =	swait.ge [sflag:s17], $0x100  }
0xa1: {  	[sflag:s17] =	ssyncset.done $0x0  }
0xa2: {  	[sflag:s17] =	ssyncadd.s32 $0xFFFFFF00  }
0xa3: {  	p2 =	seq.s32 s31, $0x0;
	_ =	swait.ge [sflag:s17], $0x100  }
0xa4: {  	p0 =	por p2, p2;
	p2 =	seq.s32 s30, $0x6380;
	[sflag:s17] =	ssyncset.done $0x0  }
0xa5: {  	s3 =	simm.s32 @p2 $0x2;
	[sflag:s17] =	ssyncadd.s32 $0xFFFFFF00  }
0xa6: {  	[tilespmem:s28], [sflag:$0x2] =	stream.indirect.gather [hbm4b:s10+s18], $0x10, s23, s18, $0xb8;
	[tilespmem:$0x1CD80] =	vst v63  }
0xa7: {  	s4 =	sadd.s32 @!p2 s30, s6;
	s9 =	simm.s32 @p2 $0x2740;
	_ =	swait.ge @p2 [sflag:s3], $0xFA0  }
0xa8: {  	s8 =	sadd.s32 @!p2 s30, s7;
	s30 =	simm.s32 @p2 $0xFA;
	[sflag:s3] =	ssyncset.done @p2 $0x0  }
0xa9: {  	s24 =	simm.s32 @p2 $0x500;
	[sflag:s3] =	ssyncadd.s32 @p2 $0xFFFFF060;
	s3 =	simm.s32 @p2 $0x3  }
0xaa: {  	[spmem:s1] =	stream.indirect.scatter.add.f32 @p2 [tilespmem:s9], [sflag:$0x3], $0x10, s24, s30, $0xb8;
	[tilespmem:$0x1CD80] =	vst v63  }
0xab: {  	_ =	swait.ge @p2 [sflag:s3], $0xFA0  }
0xac: {  	s0 =	smov.u32 s31;
	s5 =	sadd.s32 @!p2 $0x80, s8;
	[sflag:s3] =	ssyncset.done @p2 $0x0  }
0xad: {  	s11 =	sadd.s32 @!p2 $0x80, s4;
	s9 =	simm.s32 @!p2 $0x0;
	[sflag:s3] =	ssyncadd.s32 @p2 $0xFFFFF060  }
0xae: {  	[tilespmem:s9], [sflag:$0x1] =	stream.linear.gather @!p2 [hbm4b:s11+s9], $0x100, $0x38;
	[tilespmem:$0x1CD80] =	vst v63  }
0xaf: {  	s30 =	smov.u32 s0;
	s0 =	simm.s32 @!p2 $0x100;
	s3 =	simm.s32 @!p2 $0x2  }
0xb0: {  	[tilespmem:s0], [sflag:$0x1] =	stream.linear.gather @!p2 [hbm4b:s5+s9], $0x100, $0x38;
	[tilespmem:$0x1CD80] =	vst v63  }
0xb1: {  	_ =	swait.ge @!p2 [sflag:s3], $0xFA0  }
0xb2: {  	s11 =	simm.s32 @!p2 $0x500;
	s0 =	simm.s32 @!p2 $0x2740;
	[sflag:s3] =	ssyncset.done @!p2 $0x0  }
0xb3: {  	s5 =	simm.s32 @!p2 $0xFA;
	[sflag:s3] =	ssyncadd.s32 @!p2 $0xFFFFF060;
	s3 =	simm.s32 @!p2 $0x3  }
0xb4: {  	[spmem:s1] =	stream.indirect.scatter.add.f32 @!p2 [tilespmem:s0], [sflag:$0x3], $0x10, s11, s5, $0xb8;
	[tilespmem:$0x1CD80] =	vst v63  }
0xb5: {  	_ =	swait.ge @!p2 [sflag:s3], $0xFA0  }
0xb6: {  	[sflag:s3] =	ssyncset.done @!p2 $0x0  }
0xb7: {  	s0 =	simm.s32 @!p2 $0x1;
	[sflag:s3] =	ssyncadd.s32 @!p2 $0xFFFFF060  }
0xb8: {  	_ =	swait.ge @!p2 [sflag:s0], $0x100  }
0xb9: {  	[sflag:s0] =	ssyncset.done @!p2 $0x0  }
0xba: {  	[sflag:s0] =	ssyncadd.s32 @!p2 $0xFFFFFF00  }
0xbb: {  	_ =	swait.ge @!p2 [sflag:s0], $0x100  }
0xbc: {  	[sflag:s0] =	ssyncset.done @!p2 $0x0  }
0xbd: {  	s31 =	sadd.s32 $0x80, s31;
	s3 =	simm.s32 @!p2 $0x800;
	[sflag:s0] =	ssyncadd.s32 @!p2 $0xFFFFFF00  }
0xbe: {  	[tilespmem:s3], [sflag:$0x2] =	stream.indirect.gather @!p2 [hbm4b:s10+s5], $0x10, s9, s5, $0xb8;
	[tilespmem:$0x1CD80] =	vst v63  }
0xbf: {  	p1 =	sne.s32 s31, $0x6400;
	s4 =	sadd.s32 @!p2 $0xA0, s4;
	s0 =	simm.s32 @!p2 $0x200  }
0xc0: {  	[tilespmem:s0], [sflag:$0x1] =	stream.linear.gather @!p2 [hbm4b:s4+s9], $0x100, $0x38;
	[tilespmem:$0x1CD80] =	vst v63  }
.Ltmp0:
0xc1: {  	_ = 	snop;
	(pc) =	sbr.rel @p1 .LBB2_2-.Ltmp0, $4  }
0xc2: {  	s8 =	sadd.s32 @!p2 $0xA0, s8;
	s3 =	simm.s32 @!p2 $0x300  }
0xc3: {  	[tilespmem:s3], [sflag:$0x1] =	stream.linear.gather @!p2 [hbm4b:s8+s9], $0x100, $0x38;
	[tilespmem:$0x1CD80] =	vst v63  }
0xc4: {  	_ =	swait.ge [sflag:s22], $0xFA0  }
0xc5: {  	[sflag:s22] =	ssyncset.done $0x0  }
0xc6: {  	s0 =	simm.s32 @!p0 $0x3;
	[sflag:s22] =	ssyncadd.s32 $0xFFFFF060  }
0xc7: {  	[spmem:s1] =	stream.indirect.scatter.add.f32 [tilespmem:s28], [sflag:$0x3], $0x10, s25, s18, $0xb8;
	[tilespmem:$0x1CD80] =	vst v63  }
0xc8: {  	_ =	swait.ge @!p0 [sflag:s0], $0xFA0  }
0xc9: {  	[sflag:s0] =	ssyncset.done @!p0 $0x0  }
0xca: {  	[sflag:s0] =	ssyncadd.s32 @!p0 $0xFFFFF060  }
0xcb: {  	_ =	swait.ge [sflag:s17], $0x100  }
0xcc: {  	[sflag:s17] =	ssyncset.done $0x0  }
0xcd: {  	[sflag:s17] =	ssyncadd.s32 $0xFFFFFF00  }
0xce: {  	_ =	swait.ge [sflag:s17], $0x100  }
0xcf: {  	[sflag:s17] =	ssyncset.done $0x0  }
0xd0: {  	s3 =	sadd.s32 s30, s6;
	[sflag:s17] =	ssyncadd.s32 $0xFFFFFF00  }
0xd1: {  	[tilespmem:s20], [sflag:$0x2] =	stream.indirect.gather [hbm4b:s10+s18], $0x10, s15, s18, $0xb8;
	[tilespmem:$0x1CD80] =	vst v63  }
0xd2: {  	s5 =	sadd.s32 s30, s7;
	s4 =	sadd.s32 $0x40, s3  }
0xd3: {  	[tilespmem:s21], [sflag:$0x1] =	stream.linear.gather [hbm4b:s4+s2], $0x100, $0x38;
	[tilespmem:$0x1CD80] =	vst v63  }
0xd4: {  	s31 =	sadd.s32 $0x40, s5;
	s8 =	rddreg [dreg:$0x4]  }
0xd5: {  	[tilespmem:s8], [sflag:$0x1] =	stream.linear.gather [hbm4b:s31+s2], $0x100, $0x38;
	[tilespmem:$0x1CD80] =	vst v63  }
0xd6: {  	_ =	swait.ge [sflag:s22], $0xFA0  }
0xd7: {  	[sflag:s22] =	ssyncset.done $0x0  }
0xd8: {  	[sflag:s22] =	ssyncadd.s32 $0xFFFFF060  }
0xd9: {  	[spmem:s1] =	stream.indirect.scatter.add.f32 [tilespmem:s19], [sflag:$0x3], $0x10, s14, s18, $0xb8;
	[tilespmem:$0x1CD80] =	vst v63  }
0xda: {  	_ =	swait.ge @!p0 [sflag:s0], $0xFA0  }
0xdb: {  	[sflag:s0] =	ssyncset.done @!p0 $0x0  }
0xdc: {  	[sflag:s0] =	ssyncadd.s32 @!p0 $0xFFFFF060  }
0xdd: {  	_ =	swait.ge [sflag:s17], $0x100  }
0xde: {  	[sflag:s17] =	ssyncset.done $0x0  }
0xdf: {  	[sflag:s17] =	ssyncadd.s32 $0xFFFFFF00  }
0xe0: {  	_ =	swait.ge [sflag:s17], $0x100  }
0xe1: {  	[sflag:s17] =	ssyncset.done $0x0  }
0xe2: {  	s9 =	rddreg [dreg:$0x5];
	[sflag:s17] =	ssyncadd.s32 $0xFFFFFF00  }
0xe3: {  	[tilespmem:s9], [sflag:$0x2] =	stream.indirect.gather [hbm4b:s10+s18], $0x10, s21, s18, $0xb8;
	[tilespmem:$0x1CD80] =	vst v63  }
0xe4: {  	s11 =	sadd.s32 $0x60, s3  }
0xe5: {  	[tilespmem:s23], [sflag:$0x1] =	stream.linear.gather [hbm4b:s11+s2], $0x100, $0x38;
	[tilespmem:$0x1CD80] =	vst v63  }
0xe6: {  	s24 =	sadd.s32 $0x60, s5  }
0xe7: {  	[tilespmem:s25], [sflag:$0x1] =	stream.linear.gather [hbm4b:s24+s2], $0x100, $0x38;
	[tilespmem:$0x1CD80] =	vst v63  }
0xe8: {  	_ =	swait.ge [sflag:s22], $0xFA0  }
0xe9: {  	[sflag:s22] =	ssyncset.done $0x0  }
0xea: {  	[sflag:s22] =	ssyncadd.s32 $0xFFFFF060  }
0xeb: {  	[spmem:s1] =	stream.indirect.scatter.add.f32 [tilespmem:s20], [sflag:$0x3], $0x10, s16, s18, $0xb8;
	[tilespmem:$0x1CD80] =	vst v63  }
0xec: {  	_ =	swait.ge [sflag:s26], $0xFA0  }
0xed: {  	[sflag:s26] =	ssyncset.done $0x0  }
0xee: {  	[sflag:s26] =	ssyncadd.s32 $0xFFFFF060  }
0xef: {  	_ =	swait.ge [sflag:s17], $0x100  }
0xf0: {  	[sflag:s17] =	ssyncset.done $0x0  }
0xf1: {  	[sflag:s17] =	ssyncadd.s32 $0xFFFFFF00  }
0xf2: {  	_ =	swait.ge [sflag:s17], $0x100  }
0xf3: {  	p0 =	seq.s32 s30, $0x6380;
	[sflag:s17] =	ssyncset.done $0x0  }
0xf4: {  	s0 =	simm.s32 @p0 $0x2;
	[sflag:s17] =	ssyncadd.s32 $0xFFFFFF00  }
0xf5: {  	[tilespmem:s28], [sflag:$0x2] =	stream.indirect.gather [hbm4b:s10+s18], $0x10, s23, s18, $0xb8;
	[tilespmem:$0x1CD80] =	vst v63  }
0xf6: {  	_ =	swait.ge @p0 [sflag:s0], $0xFA0  }
0xf7: {  	s3 =	simm.s32 @p0 $0x2740;
	s4 =	simm.s32 @p0 $0xFA;
	[sflag:s0] =	ssyncset.done @p0 $0x0  }
0xf8: {  	s5 =	simm.s32 @p0 $0x500;
	[sflag:s0] =	ssyncadd.s32 @p0 $0xFFFFF060;
	s0 =	simm.s32 @p0 $0x3  }
0xf9: {  	[spmem:s1] =	stream.indirect.scatter.add.f32 @p0 [tilespmem:s3], [sflag:$0x3], $0x10, s5, s4, $0xb8;
	[tilespmem:$0x1CD80] =	vst v63  }
0xfa: {  	_ =	swait.ge @p0 [sflag:s0], $0xFA0  }
0xfb: {  	s8 =	simm.s32 @!p0 $0x0;
	s3 =	sadd.s32 @!p0 s30, s6;
	[sflag:s0] =	ssyncset.done @p0 $0x0  }
0xfc: {  	s4 =	sadd.s32 @!p0 s30, s7;
	s5 =	sadd.s32 @!p0 $0x80, s3;
	[sflag:s0] =	ssyncadd.s32 @p0 $0xFFFFF060  }
0xfd: {  	[tilespmem:s8], [sflag:$0x1] =	stream.linear.gather @!p0 [hbm4b:s5+s8], $0x100, $0x38;
	[tilespmem:$0x1CD80] =	vst v63  }
0xfe: {  	s9 =	simm.s32 @!p0 $0x2;
	s0 =	sadd.s32 @!p0 $0x80, s4;
	s5 =	simm.s32 @!p0 $0x100  }
0xff: {  	[tilespmem:s5], [sflag:$0x1] =	stream.linear.gather @!p0 [hbm4b:s0+s8], $0x100, $0x38;
	[tilespmem:$0x1CD80] =	vst v63  }
0x100: {  	_ =	swait.ge @!p0 [sflag:s9], $0xFA0  }
0x101: {  	s0 =	simm.s32 @!p0 $0x2740;
	[sflag:s9] =	ssyncset.done @!p0 $0x0  }
0x102: {  	s5 =	simm.s32 @!p0 $0xFA;
	[sflag:s9] =	ssyncadd.s32 @!p0 $0xFFFFF060;
	s9 =	simm.s32 @!p0 $0x500  }
0x103: {  	[spmem:s1] =	stream.indirect.scatter.add.f32 @!p0 [tilespmem:s0], [sflag:$0x3], $0x10, s9, s5, $0xb8;
	[tilespmem:$0x1CD80] =	vst v63  }
0x104: {  	s0 =	simm.s32 @!p0 $0x3  }
0x105: {  	_ =	swait.ge @!p0 [sflag:s0], $0xFA0  }
0x106: {  	[sflag:s0] =	ssyncset.done @!p0 $0x0  }
0x107: {  	[sflag:s0] =	ssyncadd.s32 @!p0 $0xFFFFF060;
	s0 =	simm.s32 @!p0 $0x1  }
0x108: {  	_ =	swait.ge @!p0 [sflag:s0], $0x100  }
0x109: {  	[sflag:s0] =	ssyncset.done @!p0 $0x0  }
0x10a: {  	[sflag:s0] =	ssyncadd.s32 @!p0 $0xFFFFFF00  }
0x10b: {  	_ =	swait.ge @!p0 [sflag:s0], $0x100  }
0x10c: {  	[sflag:s0] =	ssyncset.done @!p0 $0x0  }
0x10d: {  	[sflag:s0] =	ssyncadd.s32 @!p0 $0xFFFFFF00;
	s0 =	simm.s32 @!p0 $0x800  }
0x10e: {  	[tilespmem:s0], [sflag:$0x2] =	stream.indirect.gather @!p0 [hbm4b:s10+s5], $0x10, s8, s5, $0xb8;
	[tilespmem:$0x1CD80] =	vst v63  }
0x10f: {  	s0 =	sadd.s32 @!p0 $0xA0, s3;
	s3 =	simm.s32 @!p0 $0x200  }
0x110: {  	[tilespmem:s3], [sflag:$0x1] =	stream.linear.gather @!p0 [hbm4b:s0+s8], $0x100, $0x38;
	[tilespmem:$0x1CD80] =	vst v63  }
0x111: {  	s0 =	sadd.s32 @!p0 $0xA0, s4;
	s3 =	simm.s32 @!p0 $0x300  }
0x112: {  	[tilespmem:s3], [sflag:$0x1] =	stream.linear.gather @!p0 [hbm4b:s0+s8], $0x100, $0x38;
	[tilespmem:$0x1CD80] =	vst v63  }
0x113: {  	_ =	swait.ge [sflag:s22], $0xFA0  }
0x114: {  	[sflag:s22] =	ssyncset.done $0x0  }
0x115: {  	[sflag:s22] =	ssyncadd.s32 $0xFFFFF060  }
0x116: {  	[spmem:s1] =	stream.indirect.scatter.add.f32 [tilespmem:s28], [sflag:$0x3], $0x10, s25, s18, $0xb8;
	[tilespmem:$0x1CD80] =	vst v63  }
0x117: {  	_ =	swait.ge [sflag:s26], $0xFA0  }
0x118: {  	[sflag:s26] =	ssyncset.done $0x0  }
0x119: {  	[sflag:s26] =	ssyncadd.s32 $0xFFFFF060  }
0x11a: {  	_ =	swait.ge [sflag:s26], $0xFA0  }
0x11b: {  	[sflag:s26] =	ssyncset.done $0x0  }
0x11c: {  	[sflag:s26] =	ssyncadd.s32 $0xFFFFF060  }
0x11d: {  	[bflag:$0x0] =	sbarrier.arrive $0xFFFF  }
0x11e: {  	s3 =	rddreg [dreg:$0xa]  }
0x11f: {  	s30 =	rddreg [dreg:$0xb]  }
0x120: {  	[hbm:s30], [sflag:s3] =	dma.local [spmem:s12], $0x30E0  }
0x121: {  	_ =	swait.ge [sflag:s13], $0x30E0  }
0x122: {  	s29 =	sadd.s32 $0x1, s29;
	s31 =	rddreg [dreg:$0x9]  }
0x123: {  	p0 =	sne.s32 s29, s31  }
.Ltmp1:
0x124: {  	_ = 	snop;
	(pc) =	sbr.rel @p0 .LBB2_1-.Ltmp1, $3  }
0x125: {  	_ =	sdelay $0x1  }
0x126: {  	[sflag:s13] =	ssyncset.done $0x0  }
0x127: {  	s4 =	smov.u32 s12;
	[sflag:s13] =	ssyncadd.s32 $0xFFFFCF20  }
0x128: {  	_ =	sfence.sel $0x180000  }
0x129: {  	[bflag:$0x0] =	sbarrier.arrive $0xFFFF  }
0x12a: {  	_ =	strace $0x9000004A  }
0x12b: {  	s0 =	stileid.u32;
	[bflag:$0x2] =	sbarrier.arrive $0xFFFF  }
0x12c: {  	p0 =	sne.s32 s0, $0x0;
	s0 =	rddreg [dreg:$0x3]  }
0x12d: {  	s0 =	sadd.s32 @!p0 $0x100000, s0  }
0x12e: {  	[sflag:s0] =	ssyncadd.tile.s32 @!p0 $0x1;
	_ =	shalt  }
.Lfunc_end2:
_tile_overlayer_lowered:
.L_overlay_start_2:
0x12f: {  	(tag) =	ssettag $0x2  }
0x130: {  	s0 =	rddreg [dreg:$0x0];
	s2 =	stileid.u32  }
0x131: {  	s1 =	rddreg [dreg:$0x1];
	p0 =	sne.s32 s2, $0x0  }
0x132: {  	s3 =	rddreg [dreg:$0x2];
	[bflag:$0x3] =	sbarrier.arrive $0xFFFF;
	s2 =	simm.s32 @!p0 $0x1C04  }
0x133: {  	[timem:s3], [sflag:s2] =	dma.local @!p0 [hbm:s0], s1  }
0x134: {  	s0 =	simm.s32 @!p0 $0x4  }
0x135: {  	_ =	swait.ge @!p0 [sflag:s0], s1  }
0x136: {  	s1 =	ssub.s32 @!p0 $0x0, s1;
	[sflag:s0] =	ssyncset.done @!p0 $0x0  }
0x137: {  	[sflag:s0] =	ssyncadd.s32 @!p0 s1  }
0x138: {  	[bflag:$0x3] =	sbarrier.arrive $0xFFFF  }
0x139: {  	_ =	shalt  }

// kernel: kernel.14.cloned.1.call-start
scs
__scs_entry_jumppad:
0x0: {  	(pc) =	sbr.rel $0x88, $3  }
0x1: {  	(tag) =	ssettag $0x0;
	lr =	simm.s32 $0x1  }
0x2: {  	[smem:$0x3F9B] =	sst lr;
	_ =	strace $0xD0000000  }
0x3: {  	_ = 	snop  }
0x4: {  	_ = 	snop  }
0x5: {  	_ = 	snop  }
0x6: {  	_ = 	snop  }
0x7: {  	_ = 	snop  }
__scs_overlays_trampoline_lowered:
0x8: {  	[smem:$0x3FAA] =	sst s0  }
0x9: {  	[smem:$0x3FAB] =	sst s1  }
0xa: {  	[smem:$0x3FAC] =	sst s2  }
0xb: {  	[smem:$0x3FAD] =	sst s3  }
0xc: {  	[smem:$0x3FAE] =	sst s4  }
0xd: {  	[smem:$0x3FAF] =	sst s5  }
0xe: {  	[smem:$0x3FB0] =	sst s6  }
0xf: {  	[smem:$0x3FB1] =	sst s7  }
0x10: {  	[smem:$0x3FB2] =	sst s8  }
0x11: {  	[smem:$0x3FB3] =	sst s9;
	s0 =	simm.s32 @!p0 $0x0  }
0x12: {  	s1 =	sld [smem:$0x3F99];
	s0 =	simm.s32 @p0 $0x1  }
0x13: {  	[smem:$0x3FB4] =	sst s0;
	s0 =	simm.s32 @!p1 $0x0  }
0x14: {  	s2 =	sld [smem:$0x3F98];
	s0 =	simm.s32 @p1 $0x1  }
0x15: {  	[smem:$0x3FB5] =	sst s0;
	s0 =	simm.s32 @!p2 $0x0  }
0x16: {  	s3 =	sld [smem:$0x3FDB];
	s0 =	simm.s32 @p2 $0x1  }
0x17: {  	s4 =	simm.s32 $0x1BF5;
	[smem:$0x3FB7] =	sst s0  }
0x18: {  	s0 =	sld [smem:$0x3F9A];
	_ =	swait.ge [sflag:s4], $0x0  }
0x19: {  	s7 =	sld [smem:$0x3F9B]  }
0x1a: {  	s8 =	sadd.s32 $0xFFFFE003, lr  }
0x1b: {  	s9 =	sadd.s32 $0xFFFFFEF7, lr;
	s5 =	simm.s32 $0xFFFFFFFF;
	p2 =	slt.u32 s8, $0xFFFFF086  }
0x1c: {  	p1 =	slt.u32 s9, $0xF7A;
	s5 =	simm.s32 @!p2 $0x0  }
0x1d: {  	s5 =	simm.s32 @p1 $0x1;
	p0 =	seq.s32 s7, s2  }
0x1e: {  	s7 =	smul.u32 @!p0 $0xF7A, s2;
	p2 =	seq.s32 @!p0 s5, $0x0  }
0x1f: {  	s9 =	smul.u32 $0xF7A, s1;
	s8 =	simm.s32 @!p0 $0x1BF5;
	p2 =	por !p2, p0  }
0x20: {  	[sflag:s8] =	ssyncset.s32 @!p0 $0xFFFFF086;
	s6 =	sadd.s32 @!p0 s3, s7;
	s7 =	simm.s32 @!p0 $0x108  }
0x21: {  	s3 =	sadd.s32 s3, s9;
	s6 =	sadd.s32 @!p0 $0x88, s6;
	s7 =	simm.s32 @p2 $0x1082  }
0x22: {  	[simem:s7], [sflag:s8] =	dma.local @!p0 [hbm:s6], $0xF7A  }
0x23: {  	s9 =	sor.u32 $0xD0000000, s2;
	s6 =	simm.s32 $0x108;
	_ =	swait.ge @!p0 [sflag:s8], $0x0  }
0x24: {  	s3 =	sadd.s32 $0x88, s3;
	s6 =	simm.s32 @!p1 $0x1082;
	[sflag:s4] =	ssyncset.s32 $0xFFFFF086  }
0x25: {  	[simem:s6], [sflag:s4] =	dma.local [hbm:s3], $0xF7A  }
0x26: {  	[smem:$0x3F9B] =	sst s1;
	(tag) =	ssettag s2;
	_ =	strace s9  }
0x27: {  	s1 =	sld [smem:$0x3FAB]  }
0x28: {  	s2 =	sld [smem:$0x3FAC]  }
0x29: {  	s4 =	sld [smem:$0x3FAE]  }
0x2a: {  	p0 =	seq.s32 s5, $0x0;
	s5 =	sld [smem:$0x3FAF]  }
0x2b: {  	s6 =	sld [smem:$0x3FB0]  }
0x2c: {  	s7 =	sld [smem:$0x3FB1]  }
0x2d: {  	s3 =	simm.s32 $0x108;
	s8 =	sld [smem:$0x3FB2]  }
0x2e: {  	s3 =	simm.s32 @!p0 $0x1082;
	s9 =	sld [smem:$0x3FB3]  }
0x2f: {  	lr =	sadd.s32 s0, s3;
	s0 =	sld [smem:$0x3FAA]  }
0x30: {  	s3 =	sld [smem:$0x3FAD]  }
0x31: {  	[smem:$0x3FB6] =	sst s10  }
0x32: {  	s10 =	sld [smem:$0x3FB4];
	_ =	sdelay $0x3  }
0x33: {  	p0 =	seq.s32 s10, $0x1;
	s10 =	sld [smem:$0x3FB6];
	_ =	sdelay $0x3  }
0x34: {  	[smem:$0x3FB6] =	sst s10  }
0x35: {  	s10 =	sld [smem:$0x3FB5];
	_ =	sdelay $0x3  }
0x36: {  	p1 =	seq.s32 s10, $0x1;
	s10 =	sld [smem:$0x3FB6];
	_ =	sdelay $0x3  }
0x37: {  	[smem:$0x3FB6] =	sst s10  }
0x38: {  	s10 =	sld [smem:$0x3FB7]  }
0x39: {  	_ = 	snop;
	(pc) =	sbr.ind lr, $3  }
0x3a: {  	_ = 	snop  }
0x3b: {  	_ = 	snop  }
0x3c: {  	p2 =	seq.s32 s10, $0x1;
	s10 =	sld [smem:$0x3FB6]  }
0x3d: {  	_ =	shalt  }
0x3e: {  	_ =	shalt  }
0x3f: {  	_ =	shalt  }
0x40: {  	_ =	shalt  }
0x41: {  	_ =	shalt  }
0x42: {  	_ =	shalt  }
0x43: {  	_ =	shalt  }
0x44: {  	_ =	shalt  }
0x45: {  	_ =	shalt  }
0x46: {  	_ =	shalt  }
0x47: {  	_ =	shalt  }
0x48: {  	_ =	shalt  }
0x49: {  	_ =	shalt  }
0x4a: {  	_ =	shalt  }
0x4b: {  	_ =	shalt  }
0x4c: {  	_ =	shalt  }
0x4d: {  	_ =	shalt  }
0x4e: {  	_ =	shalt  }
0x4f: {  	_ =	shalt  }
0x50: {  	_ =	shalt  }
0x51: {  	_ =	shalt  }
0x52: {  	_ =	shalt  }
0x53: {  	_ =	shalt  }
0x54: {  	_ =	shalt  }
0x55: {  	_ =	shalt  }
0x56: {  	_ =	shalt  }
0x57: {  	_ =	shalt  }
0x58: {  	_ =	shalt  }
0x59: {  	_ =	shalt  }
0x5a: {  	_ =	shalt  }
0x5b: {  	_ =	shalt  }
0x5c: {  	_ =	shalt  }
0x5d: {  	_ =	shalt  }
0x5e: {  	_ =	shalt  }
0x5f: {  	_ =	shalt  }
0x60: {  	_ =	shalt  }
0x61: {  	_ =	shalt  }
0x62: {  	_ =	shalt  }
0x63: {  	_ =	shalt  }
0x64: {  	_ =	shalt  }
0x65: {  	_ =	shalt  }
0x66: {  	_ =	shalt  }
0x67: {  	_ =	shalt  }
0x68: {  	_ =	shalt  }
0x69: {  	_ =	shalt  }
0x6a: {  	_ =	shalt  }
0x6b: {  	_ =	shalt  }
0x6c: {  	_ =	shalt  }
0x6d: {  	_ =	shalt  }
0x6e: {  	_ =	shalt  }
0x6f: {  	_ =	shalt  }
0x70: {  	_ =	shalt  }
0x71: {  	_ =	shalt  }
0x72: {  	_ =	shalt  }
0x73: {  	_ =	shalt  }
0x74: {  	_ =	shalt  }
0x75: {  	_ =	shalt  }
0x76: {  	_ =	shalt  }
0x77: {  	_ =	shalt  }
0x78: {  	_ =	shalt  }
0x79: {  	_ =	shalt  }
0x7a: {  	_ =	shalt  }
0x7b: {  	_ =	shalt  }
0x7c: {  	_ =	shalt  }
0x7d: {  	_ =	shalt  }
0x7e: {  	_ =	shalt  }
0x7f: {  	_ =	shalt  }
0x80: {  	_ =	shalt  }
0x81: {  	_ =	shalt  }
0x82: {  	_ =	shalt  }
0x83: {  	_ =	shalt  }
0x84: {  	_ =	shalt  }
0x85: {  	_ =	shalt  }
0x86: {  	_ =	shalt  }
0x87: {  	_ =	shalt  }
.Lfunc_end0:
.L_simem_size_0:
called_computation.2_lowered:
.L_overlay_start_0:
0x88: {  	s2 =	sld [smem:$0x3FD9]  }
0x89: {  	s3 =	sld [smem:$0x3FFE];
	_ =	sdelay $0x1  }
0x8a: {  	s1 =	srdreg.scid  }
0x8b: {  	s0 =	sand.u32 $0x1, s1  }
0x8c: {  	s17 =	sshll.u32 s0, $0xA;
	s2 =	sadd.s32 s3, s2  }
0x8d: {  	s2 =	sadd.s32 s2, s17  }
0x8e: {  	[smem:$0x3FC2] =	sst s2  }
0x8f: {  	_ = 	snop  }
0x90: {  	s2 =	sld [smem:$0x3FD0];
	(tm) =	ssettm $0x1  }
0x91: {  	s18 =	sld [smem:$0x3FFB];
	_ =	sdelay $0x3  }
0x92: {  	_ =	strace s18  }
0x93: {  	s3 =	sld [smem:$0x3FFC];
	_ =	sdelay $0x3  }
0x94: {  	_ =	strace s3  }
0x95: {  	s3 =	sld [smem:$0x3FFD];
	_ =	sdelay $0x3  }
0x96: {  	_ =	strace s3  }
0x97: {  	_ =	strace $0x8FFFFFFF  }
0x98: {  	s19 =	sld [smem:$0x3FDB];
	_ =	sdelay $0x1  }
0x99: {  	s4 =	simm.s32 $_scs_section_size  }
0x9a: {  	s5 =	simm.s32 $_size__tile_overlayer_lowered;
	s6 =	simm.s32 $_tile_overlayer_lowered  }
0x9b: {  	s22 =	simm.s32 $0x1BFF;
	s21 =	sshll.u32 s6, $0x1;
	s3 =	sadd.s32 s4, s19  }
0x9c: {  	s7 =	simm.s32 $0x0;
	s20 =	sshll.u32 s5, $0x1;
	s5 =	sadd.s32 s21, s3  }
0x9d: {  	[timem:s7], [sflag:s22] =	dma.local [hbm:s5], s20  }
0x9e: {  	_ =	swait.ge [sflag:s22], s20  }
0x9f: {  	s4 =	ssub.s32 $0x0, s20;
	[sflag:s22] =	ssyncset.done $0x0  }
0xa0: {  	[sflag:s22] =	ssyncadd.s32 s4;
	_ =	sdelay $0x1  }
0xa1: {  	s23 =	simm.s32 $0x1B8B  }
0xa2: {  	_ =	swait.ge [sflag:s23], $0x1  }
0xa3: {  	[sflag:s23] =	ssyncset.done $0x0  }
0xa4: {  	s25 =	simm.s32 $0x1B8E;
	s24 =	sld [smem:$0x3FFE];
	[sflag:s23] =	ssyncadd.s32 $0xFFFFFFFF  }
0xa5: {  	s26 =	simm.s32 $execute0_lowered;
	[smem:$0x3FD2] =	sst s25  }
0xa6: {  	s5 =	sshll.u32 s26, $0x1;
	_ =	strace $0x8000004C;
	[dreg:$0x1] =	wrdreg $0xFFFFFFFF  }
0xa7: {  	s28 =	simm.s32 $_size_execute0_lowered;
	s3 =	sadd.s32 s3, s5;
	[dreg:$0x0] =	wrdreg $0x0  }
0xa8: {  	s5 =	sshll.u32 s28, $0x1;
	[dreg:$0x2] =	wrdreg s3  }
0xa9: {  	[dreg:$0x3] =	wrdreg s5  }
0xaa: {  	[dreg:$0x4] =	wrdreg $0xC0  }
0xab: {  	_ =	task [dreg:s7], $0x5FFFF  }
0xac: {  	[dreg:$0x1] =	wrdreg $0xFFFFFFFF  }
0xad: {  	[dreg:$0x0] =	wrdreg $0x60  }
0xae: {  	[dreg:$0x2] =	wrdreg s24  }
0xaf: {  	[dreg:$0x3] =	wrdreg s2  }
0xb0: {  	[dreg:$0x4] =	wrdreg $0x46800  }
0xb1: {  	[dreg:$0x5] =	wrdreg $0x9  }
0xb2: {  	_ =	task.clear_ibuf [dreg:s7], $0x6FFFF;
	_ =	strace $0x9000004C  }
0xb3: {  	s29 =	simm.s32 $0x9;
	_ =	strace $0x8000004E  }
0xb4: {  	_ =	swait.ge [sflag:s29], $0x1  }
0xb5: {  	[sflag:s29] =	ssyncadd.s32 $0xFFFFFFFF  }
0xb6: {  	_ =	strace $0x9000004E  }
0xb7: {  	_ =	sfence  }
0xb8: {  	s30 =	sld [smem:$0x0];
	_ =	sdelay $0x2  }
0xb9: {  	s31 =	sshll.u32 s1, $0xD;
	s1 =	sshrl.u32 s1, $0x2  }
0xba: {  	s3 =	sand.u32 $0x4000, s31;
	s1 =	sadd.s32 s1, s30  }
0xbb: {  	s0 =	sor.u32 s3, s0;
	s1 =	sshll.u32 s1, $0x11  }
0xbc: {  	s0 =	sor.u32 s1, s0  }
0xbd: {  	s0 =	sadd.s32 $0x8F2B, s0  }
0xbe: {  	[sflag:s0] =	ssyncadd.remote.s32 $0x1  }
0xbf: {  	_ =	sfence.sel $0xFFFF  }
0xc0: {  	[dreg:$0x0] =	wrdreg $0xFFFFFFFF;
	(pc) =	sbr.abs _section_cstart, $3  }
0xc1: {  	[dreg:$0x1] =	wrdreg $0xFFFFFFFF  }
0xc2: {  	_ =	task.clear_ibuf [dreg:s7], $0x2FFFF;
	_ =	strace $0x9FFFFFFF  }
0xc3: {  	(tm) =	ssettm $0x7FFFFFFF  }
tec
execute0_lowered:
.L_overlay_start_1:
0x0: {  	(tag) =	ssettag $0x1  }
0x1: {  	s0 =	rddreg [dreg:$0x0]  }
0x2: {  	s3 =	rddreg [dreg:$0x1]  }
0x3: {  	s1 =	rddreg [dreg:$0x2]  }
0x4: {  	s2 =	simm.s32 $0x0;
	s4 =	srdreg.scid;
	s13 =	stileid.u32  }
0x5: {  	s28 =	simm.s32 $0x700;
	s29 =	simm.s32 $0x3;
	s30 =	simm.s32 $0x36E0  }
0x6: {  	s31 =	simm.s32 $0x0;
	[smem:$0x7FF] =	sst s2;
	s9 =	smul.u32 $0x18700, s13  }
0x7: {  	s5 =	sadd.s32 $0xC7000, s0;
	s6 =	sand.u32 $0x1, s4;
	s26 =	smul.u32 $0x190, s13  }
0x8: {  	s8 =	sadd.s32 $0x63000, s0;
	_ =	strace $0x8000004D;
	s7 =	smul.u32 $0x30E00, s6  }
0x9: {  	s4 =	sshll.u32 s6, $0x4;
	s11 =	ssub.s32 $0x2, s6;
	s6 =	smul.u32 $0x1900, s6  }
0xa: {  	s10 =	sor.u32 s13, s4;
	s4 =	sadd.s32 $0x1400, s0;
	s25 =	sshrl.u32 s11, $0x1  }
0xb: {  	s24 =	sshrl.u32 s9, $0x3;
	s9 =	sadd.s32 s9, s1;
	s13 =	sshll.u32 s13, $0x6  }
0xc: {  	s10 =	smul.u32 $0x3200, s10;
	s0 =	sadd.s32 s7, s0;
	s12 =	ssub.s32 s11, s25  }
0xd: {  	[dreg:$0xa] =	wrdreg s9;
	s3 =	sadd.s32 s3, s24;
	s7 =	sor.u32 $0x1C04, s13  }
0xe: {  	s15 =	sadd.s32 s26, s6;
	s25 =	simm.s32 $0x500;
	s26 =	simm.s32 $0x2740  }
0xf: {  	[dreg:$0xb] =	wrdreg s3;
	s3 =	sshll.u32 s15, $0x5;
	s0 =	sadd.s32 $0x683800, s0  }
0x10: {  	s20 =	smax.u32 s12, $0x1;
	s15 =	simm.s32 $0x4;
	[dreg:$0x8] =	wrdreg s25  }
0x11: {  	[dreg:$0x9] =	wrdreg s26;
	s25 =	simm.s32 $0x2;
	s26 =	simm.s32 $0x600  }
0x12: {  	[dreg:$0xc] =	wrdreg s7;
	s14 =	sadd.s32 s5, s10;
	s16 =	sadd.s32 s8, s10  }
0x13: {  	s17 =	sor.u32 $0x20, s10;
	s19 =	sor.u32 $0x80, s3;
	[dreg:$0x11] =	wrdreg s20  }
0x14: {  	s22 =	sor.u32 $0x40, s3;
	s13 =	sadd.s32 s3, s5;
	[dreg:$0xd] =	wrdreg s14  }
0x15: {  	s20 =	simm.s32 $0xFA;
	s0 =	sadd.s32 s24, s0;
	[dreg:$0xe] =	wrdreg s16  }
0x16: {  	s18 =	sadd.s32 s5, s17;
	s6 =	sadd.s32 s8, s17;
	[dreg:$0x12] =	wrdreg s0  }
0x17: {  	s21 =	sadd.s32 s19, s5;
	s5 =	sadd.s32 s22, s5;
	[dreg:$0xf] =	wrdreg s18  }
0x18: {  	s14 =	sadd.s32 s3, s8;
	s23 =	sadd.s32 s22, s8;
	[dreg:$0x10] =	wrdreg s6  }
0x19: {  	s16 =	simm.s32 $0x100;
	s17 =	simm.s32 $0x200;
	[dreg:$0x4] =	wrdreg s21  }
0x1a: {  	s22 =	simm.s32 $0x17A0;
	s6 =	sadd.s32 s19, s8;
	[dreg:$0x6] =	wrdreg s5  }
0x1b: {  	[dreg:$0x7] =	wrdreg s23;
	s18 =	simm.s32 $0x300;
	s19 =	simm.s32 $0x1  }
0x1c: {  	s21 =	simm.s32 $0x800;
	s23 =	simm.s32 $0x400;
	[dreg:$0x5] =	wrdreg s6  }
.LBB2_1:
0x1d: {  	s0 =	rddreg [dreg:$0xa]  }
0x1e: {  	s3 =	rddreg [dreg:$0xb];
	s0 =	sshrl.u32 s0, $0x3  }
0x1f: {  	[spmem:s0], [sflag:s7] =	dma.local [hbm:s3], $0x30E0  }
0x20: {  	_ =	swait.ge [sflag:s15], $0x30E0  }
0x21: {  	[sflag:s15] =	ssyncset.done $0x0  }
0x22: {  	[sflag:s15] =	ssyncadd.s32 $0xFFFFCF20  }
0x23: {  	[bflag:$0x0] =	sbarrier.arrive $0xFFFF  }
0x24: {  	s12 =	rddreg [dreg:$0xd]  }
0x25: {  	[tilespmem:s2], [sflag:$0x1] =	stream.linear.gather [hbm4b:s12+s2], $0x100, $0x38;
	[tilespmem:$0x1CD80] =	vst v63  }
0x26: {  	s24 =	rddreg [dreg:$0xe]  }
0x27: {  	[tilespmem:s16], [sflag:$0x1] =	stream.linear.gather [hbm4b:s24+s2], $0x100, $0x38;
	[tilespmem:$0x1CD80] =	vst v63  }
0x28: {  	s5 =	rddreg [dreg:$0xf]  }
0x29: {  	[tilespmem:s17], [sflag:$0x1] =	stream.linear.gather [hbm4b:s5+s2], $0x100, $0x38;
	[tilespmem:$0x1CD80] =	vst v63  }
0x2a: {  	s6 =	rddreg [dreg:$0x10]  }
0x2b: {  	[tilespmem:s18], [sflag:$0x1] =	stream.linear.gather [hbm4b:s6+s2], $0x100, $0x38;
	[tilespmem:$0x1CD80] =	vst v63  }
0x2c: {  	_ =	swait.ge [sflag:s19], $0x100  }
0x2d: {  	[sflag:s19] =	ssyncset.done $0x0  }
0x2e: {  	[sflag:s19] =	ssyncadd.s32 $0xFFFFFF00  }
0x2f: {  	p0 =	por $0x1, $0x1;
	_ =	swait.ge [sflag:s19], $0x100  }
0x30: {  	p0 =	por p0, p0;
	[sflag:s19] =	ssyncset.done $0x0  }
0x31: {  	s3 =	simm.s32 @!p0 $0x3;
	[sflag:s19] =	ssyncadd.s32 $0xFFFFFF00  }
0x32: {  	[tilespmem:s21], [sflag:$0x2] =	stream.indirect.gather [hbm4b:s4+s20], $0x10, s2, s20, $0xb8;
	[tilespmem:$0x1CD80] =	vst v63  }
0x33: {  	_ =	swait.ge @!p0 [sflag:s3], $0xFA0  }
0x34: {  	[sflag:s3] =	ssyncset.done @!p0 $0x0  }
0x35: {  	[sflag:s3] =	ssyncadd.s32 @!p0 $0xFFFFF060  }
0x36: {  	_ =	swait.ge [sflag:s19], $0x100  }
0x37: {  	[sflag:s19] =	ssyncset.done $0x0  }
0x38: {  	[sflag:s19] =	ssyncadd.s32 $0xFFFFFF00  }
0x39: {  	_ =	swait.ge [sflag:s19], $0x100  }
0x3a: {  	[sflag:s19] =	ssyncset.done $0x0  }
0x3b: {  	s5 =	rddreg [dreg:$0x6];
	[sflag:s19] =	ssyncadd.s32 $0xFFFFFF00  }
0x3c: {  	[tilespmem:s22], [sflag:$0x2] =	stream.indirect.gather [hbm4b:s4+s20], $0x10, s17, s20, $0xb8;
	[tilespmem:$0x1CD80] =	vst v63  }
0x3d: {  	s6 =	rddreg [dreg:$0x7];
	s5 =	sadd.s32 $0x0, s5  }
0x3e: {  	[tilespmem:s23], [sflag:$0x1] =	stream.linear.gather [hbm4b:s5+s2], $0x100, $0x38;
	[tilespmem:$0x1CD80] =	vst v63  }
0x3f: {  	s8 =	rddreg [dreg:$0x8];
	s7 =	sadd.s32 $0x0, s6  }
0x40: {  	[tilespmem:s8], [sflag:$0x1] =	stream.linear.gather [hbm4b:s7+s2], $0x100, $0x38;
	[tilespmem:$0x1CD80] =	vst v63  }
0x41: {  	_ =	swait.ge [sflag:s25], $0xFA0  }
0x42: {  	[sflag:s25] =	ssyncset.done $0x0  }
0x43: {  	[sflag:s25] =	ssyncadd.s32 $0xFFFFF060  }
0x44: {  	[spmem:s1] =	stream.indirect.scatter.add.f32 [tilespmem:s21], [sflag:$0x3], $0x10, s16, s20, $0xb8;
	[tilespmem:$0x1CD80] =	vst v63  }
0x45: {  	_ =	swait.ge @!p0 [sflag:s3], $0xFA0  }
0x46: {  	[sflag:s3] =	ssyncset.done @!p0 $0x0  }
0x47: {  	[sflag:s3] =	ssyncadd.s32 @!p0 $0xFFFFF060  }
0x48: {  	_ =	swait.ge [sflag:s19], $0x100  }
0x49: {  	[sflag:s19] =	ssyncset.done $0x0  }
0x4a: {  	[sflag:s19] =	ssyncadd.s32 $0xFFFFFF00  }
0x4b: {  	_ =	swait.ge [sflag:s19], $0x100  }
0x4c: {  	[sflag:s19] =	ssyncset.done $0x0  }
0x4d: {  	s10 =	sadd.s32 $0x0, s13;
	s9 =	rddreg [dreg:$0x9];
	[sflag:s19] =	ssyncadd.s32 $0xFFFFFF00  }
0x4e: {  	[tilespmem:s9], [sflag:$0x2] =	stream.indirect.gather [hbm4b:s4+s20], $0x10, s23, s20, $0xb8;
	[tilespmem:$0x1CD80] =	vst v63  }
0x4f: {  	s11 =	sadd.s32 $0x60, s10;
	s12 =	sadd.s32 $0x0, s14  }
0x50: {  	[tilespmem:s26], [sflag:$0x1] =	stream.linear.gather [hbm4b:s11+s2], $0x100, $0x38;
	[tilespmem:$0x1CD80] =	vst v63  }
0x51: {  	s24 =	sadd.s32 $0x60, s12  }
0x52: {  	[tilespmem:s28], [sflag:$0x1] =	stream.linear.gather [hbm4b:s24+s2], $0x100, $0x38;
	[tilespmem:$0x1CD80] =	vst v63  }
0x53: {  	_ =	swait.ge [sflag:s25], $0xFA0  }
0x54: {  	[sflag:s25] =	ssyncset.done $0x0  }
0x55: {  	[sflag:s25] =	ssyncadd.s32 $0xFFFFF060  }
0x56: {  	[spmem:s1] =	stream.indirect.scatter.add.f32 [tilespmem:s22], [sflag:$0x3], $0x10, s18, s20, $0xb8;
	[tilespmem:$0x1CD80] =	vst v63  }
0x57: {  	_ =	swait.ge [sflag:s29], $0xFA0  }
0x58: {  	[sflag:s29] =	ssyncset.done $0x0  }
0x59: {  	[sflag:s29] =	ssyncadd.s32 $0xFFFFF060  }
0x5a: {  	_ =	swait.ge [sflag:s19], $0x100  }
0x5b: {  	[sflag:s19] =	ssyncset.done $0x0  }
0x5c: {  	[sflag:s19] =	ssyncadd.s32 $0xFFFFFF00  }
0x5d: {  	_ =	swait.ge [sflag:s19], $0x100  }
0x5e: {  	p0 =	por $0x0, $0x0;
	[sflag:s19] =	ssyncset.done $0x0  }
0x5f: {  	s3 =	simm.s32 @p0 $0x2;
	[sflag:s19] =	ssyncadd.s32 $0xFFFFFF00  }
0x60: {  	[tilespmem:s30], [sflag:$0x2] =	stream.indirect.gather [hbm4b:s4+s20], $0x10, s26, s20, $0xb8;
	[tilespmem:$0x1CD80] =	vst v63  }
0x61: {  	_ =	swait.ge @p0 [sflag:s3], $0xFA0  }
0x62: {  	s5 =	simm.s32 @p0 $0x2740;
	s6 =	simm.s32 @p0 $0xFA;
	[sflag:s3] =	ssyncset.done @p0 $0x0  }
0x63: {  	s8 =	simm.s32 @p0 $0x500;
	[sflag:s3] =	ssyncadd.s32 @p0 $0xFFFFF060;
	s3 =	simm.s32 @p0 $0x3  }
0x64: {  	[spmem:s1] =	stream.indirect.scatter.add.f32 @p0 [tilespmem:s5], [sflag:$0x3], $0x10, s8, s6, $0xb8;
	[tilespmem:$0x1CD80] =	vst v63  }
0x65: {  	_ =	swait.ge @p0 [sflag:s3], $0xFA0  }
0x66: {  	s5 =	rddreg [dreg:$0x4]  }
0x67: {  	[sflag:s3] =	ssyncset.done @p0 $0x0;
	s6 =	rddreg [dreg:$0x5]  }
0x68: {  	[sflag:s3] =	ssyncadd.s32 @p0 $0xFFFFF060;
	s3 =	sadd.s32 @!p0 $0x0, s5;
	s5 =	simm.s32 @!p0 $0x0  }
0x69: {  	[tilespmem:s5], [sflag:$0x1] =	stream.linear.gather @!p0 [hbm4b:s3+s5], $0x100, $0x38;
	[tilespmem:$0x1CD80] =	vst v63  }
0x6a: {  	s8 =	simm.s32 @!p0 $0x2;
	s6 =	sadd.s32 @!p0 $0x0, s6;
	s3 =	simm.s32 @!p0 $0x100  }
0x6b: {  	[tilespmem:s3], [sflag:$0x1] =	stream.linear.gather @!p0 [hbm4b:s6+s5], $0x100, $0x38;
	[tilespmem:$0x1CD80] =	vst v63  }
0x6c: {  	_ =	swait.ge @!p0 [sflag:s8], $0xFA0  }
0x6d: {  	s3 =	simm.s32 @!p0 $0x2740;
	[sflag:s8] =	ssyncset.done @!p0 $0x0  }
0x6e: {  	s6 =	simm.s32 @!p0 $0xFA;
	[sflag:s8] =	ssyncadd.s32 @!p0 $0xFFFFF060;
	s8 =	simm.s32 @!p0 $0x500  }
0x6f: {  	[spmem:s1] =	stream.indirect.scatter.add.f32 @!p0 [tilespmem:s3], [sflag:$0x3], $0x10, s8, s6, $0xb8;
	[tilespmem:$0x1CD80] =	vst v63  }
0x70: {  	s3 =	simm.s32 @!p0 $0x3  }
0x71: {  	_ =	swait.ge @!p0 [sflag:s3], $0xFA0  }
0x72: {  	[sflag:s3] =	ssyncset.done @!p0 $0x0  }
0x73: {  	[sflag:s3] =	ssyncadd.s32 @!p0 $0xFFFFF060;
	s3 =	simm.s32 @!p0 $0x1  }
0x74: {  	_ =	swait.ge @!p0 [sflag:s3], $0x100  }
0x75: {  	[sflag:s3] =	ssyncset.done @!p0 $0x0  }
0x76: {  	[sflag:s3] =	ssyncadd.s32 @!p0 $0xFFFFFF00  }
0x77: {  	_ =	swait.ge @!p0 [sflag:s3], $0x100  }
0x78: {  	[sflag:s3] =	ssyncset.done @!p0 $0x0  }
0x79: {  	[sflag:s3] =	ssyncadd.s32 @!p0 $0xFFFFFF00;
	s3 =	simm.s32 @!p0 $0x800  }
0x7a: {  	[tilespmem:s3], [sflag:$0x2] =	stream.indirect.gather @!p0 [hbm4b:s4+s6], $0x10, s5, s6, $0xb8;
	[tilespmem:$0x1CD80] =	vst v63  }
0x7b: {  	s3 =	sadd.s32 @!p0 $0x0, s13  }
0x7c: {  	s6 =	simm.s32 @!p0 $0x200;
	s3 =	sadd.s32 @!p0 $0xA0, s3  }
0x7d: {  	[tilespmem:s6], [sflag:$0x1] =	stream.linear.gather @!p0 [hbm4b:s3+s5], $0x100, $0x38;
	[tilespmem:$0x1CD80] =	vst v63  }
0x7e: {  	s3 =	sadd.s32 @!p0 $0x0, s14  }
0x7f: {  	p1 =	por $0x0, $0x0;
	s6 =	simm.s32 @!p0 $0x300;
	s3 =	sadd.s32 @!p0 $0xA0, s3  }
0x80: {  	[tilespmem:s6], [sflag:$0x1] =	stream.linear.gather @!p0 [hbm4b:s3+s5], $0x100, $0x38;
	[tilespmem:$0x1CD80] =	vst v63  }
0x81: {  	s3 =	simm.s32 $0x80;
	p0 =	por p1, p1;
	_ =	swait.ge [sflag:s25], $0xFA0  }
0x82: {  	s5 =	simm.s32 $0x100;
	s8 =	simm.s32 @!p0 $0x3;
	[sflag:s25] =	ssyncset.done $0x0  }
.LBB2_2:
0x83: {  	[sflag:s25] =	ssyncadd.s32 $0xFFFFF060  }
0x84: {  	[spmem:s1] =	stream.indirect.scatter.add.f32 [tilespmem:s30], [sflag:$0x3], $0x10, s28, s20, $0xb8;
	[tilespmem:$0x1CD80] =	vst v63  }
0x85: {  	_ =	swait.ge @!p0 [sflag:s8], $0xFA0  }
0x86: {  	[sflag:s8] =	ssyncset.done @!p0 $0x0  }
0x87: {  	[sflag:s8] =	ssyncadd.s32 @!p0 $0xFFFFF060  }
0x88: {  	_ =	swait.ge [sflag:s19], $0x100  }
0x89: {  	[sflag:s19] =	ssyncset.done $0x0  }
0x8a: {  	[sflag:s19] =	ssyncadd.s32 $0xFFFFFF00  }
0x8b: {  	_ =	swait.ge [sflag:s19], $0x100  }
0x8c: {  	[sflag:s19] =	ssyncset.done $0x0  }
0x8d: {  	s9 =	rddreg [dreg:$0x6];
	[sflag:s19] =	ssyncadd.s32 $0xFFFFFF00  }
0x8e: {  	[tilespmem:s22], [sflag:$0x2] =	stream.indirect.gather [hbm4b:s4+s20], $0x10, s17, s20, $0xb8;
	[tilespmem:$0x1CD80] =	vst v63  }
0x8f: {  	s10 =	rddreg [dreg:$0x7];
	s9 =	sadd.s32 s3, s9  }
0x90: {  	[tilespmem:s23], [sflag:$0x1] =	stream.linear.gather [hbm4b:s9+s2], $0x100, $0x38;
	[tilespmem:$0x1CD80] =	vst v63  }
0x91: {  	s11 =	rddreg [dreg:$0x8];
	s7 =	sadd.s32 s3, s10  }
0x92: {  	[tilespmem:s11], [sflag:$0x1] =	stream.linear.gather [hbm4b:s7+s2], $0x100, $0x38;
	[tilespmem:$0x1CD80] =	vst v63  }
0x93: {  	_ =	swait.ge [sflag:s25], $0xFA0  }
0x94: {  	[sflag:s25] =	ssyncset.done $0x0  }
0x95: {  	[sflag:s25] =	ssyncadd.s32 $0xFFFFF060  }
0x96: {  	[spmem:s1] =	stream.indirect.scatter.add.f32 [tilespmem:s21], [sflag:$0x3], $0x10, s16, s20, $0xb8;
	[tilespmem:$0x1CD80] =	vst v63  }
0x97: {  	_ =	swait.ge @!p0 [sflag:s8], $0xFA0  }
0x98: {  	[sflag:s8] =	ssyncset.done @!p0 $0x0  }
0x99: {  	[sflag:s8] =	ssyncadd.s32 @!p0 $0xFFFFF060  }
0x9a: {  	_ =	swait.ge [sflag:s19], $0x100  }
0x9b: {  	[sflag:s19] =	ssyncset.done $0x0  }
0x9c: {  	[sflag:s19] =	ssyncadd.s32 $0xFFFFFF00  }
0x9d: {  	_ =	swait.ge [sflag:s19], $0x100  }
0x9e: {  	[sflag:s19] =	ssyncset.done $0x0  }
0x9f: {  	s10 =	sadd.s32 s3, s13;
	s9 =	rddreg [dreg:$0x9];
	[sflag:s19] =	ssyncadd.s32 $0xFFFFFF00  }
0xa0: {  	[tilespmem:s9], [sflag:$0x2] =	stream.indirect.gather [hbm4b:s4+s20], $0x10, s23, s20, $0xb8;
	[tilespmem:$0x1CD80] =	vst v63  }
0xa1: {  	s12 =	sadd.s32 s3, s14;
	s11 =	sadd.s32 $0x60, s10  }
0xa2: {  	[tilespmem:s26], [sflag:$0x1] =	stream.linear.gather [hbm4b:s11+s2], $0x100, $0x38;
	[tilespmem:$0x1CD80] =	vst v63  }
0xa3: {  	s24 =	sadd.s32 $0x60, s12  }
0xa4: {  	[tilespmem:s28], [sflag:$0x1] =	stream.linear.gather [hbm4b:s24+s2], $0x100, $0x38;
	[tilespmem:$0x1CD80] =	vst v63  }
0xa5: {  	_ =	swait.ge [sflag:s25], $0xFA0  }
0xa6: {  	[sflag:s25] =	ssyncset.done $0x0  }
0xa7: {  	[sflag:s25] =	ssyncadd.s32 $0xFFFFF060  }
0xa8: {  	[spmem:s1] =	stream.indirect.scatter.add.f32 [tilespmem:s22], [sflag:$0x3], $0x10, s18, s20, $0xb8;
	[tilespmem:$0x1CD80] =	vst v63  }
0xa9: {  	_ =	swait.ge [sflag:s29], $0xFA0  }
0xaa: {  	[sflag:s29] =	ssyncset.done $0x0  }
0xab: {  	[sflag:s29] =	ssyncadd.s32 $0xFFFFF060  }
0xac: {  	_ =	swait.ge [sflag:s19], $0x100  }
0xad: {  	[sflag:s19] =	ssyncset.done $0x0  }
0xae: {  	[sflag:s19] =	ssyncadd.s32 $0xFFFFFF00  }
0xaf: {  	p2 =	seq.s32 s5, $0x0;
	_ =	swait.ge [sflag:s19], $0x100  }
0xb0: {  	p0 =	por p2, p2;
	p2 =	seq.s32 s3, $0x3180;
	[sflag:s19] =	ssyncset.done $0x0  }
0xb1: {  	s9 =	simm.s32 @p2 $0x2;
	[sflag:s19] =	ssyncadd.s32 $0xFFFFFF00  }
0xb2: {  	[tilespmem:s30], [sflag:$0x2] =	stream.indirect.gather [hbm4b:s4+s20], $0x10, s26, s20, $0xb8;
	[tilespmem:$0x1CD80] =	vst v63  }
0xb3: {  	_ =	swait.ge @p2 [sflag:s9], $0xFA0  }
0xb4: {  	s12 =	simm.s32 @p2 $0xFA;
	s7 =	simm.s32 @p2 $0x3;
	[sflag:s9] =	ssyncset.done @p2 $0x0  }
0xb5: {  	s11 =	simm.s32 @p2 $0x2740;
	s24 =	simm.s32 @p2 $0x500;
	[sflag:s9] =	ssyncadd.s32 @p2 $0xFFFFF060  }
0xb6: {  	[spmem:s1] =	stream.indirect.scatter.add.f32 @p2 [tilespmem:s11], [sflag:$0x3], $0x10, s24, s12, $0xb8;
	[tilespmem:$0x1CD80] =	vst v63  }
0xb7: {  	s10 =	sadd.s32 @!p2 s3, s14;
	_ =	swait.ge @p2 [sflag:s7], $0xFA0  }
0xb8: {  	s9 =	sadd.s32 @!p2 $0xA0, s10;
	s10 =	rddreg [dreg:$0x4]  }
0xb9: {  	s6 =	smov.u32 s5;
	[sflag:s7] =	ssyncset.done @p2 $0x0;
	s11 =	rddreg [dreg:$0x5]  }
0xba: {  	[sflag:s7] =	ssyncadd.s32 @p2 $0xFFFFF060;
	s7 =	sadd.s32 @!p2 s3, s10;
	s10 =	simm.s32 @!p2 $0x0  }
0xbb: {  	[tilespmem:s10], [sflag:$0x1] =	stream.linear.gather @!p2 [hbm4b:s7+s10], $0x100, $0x38;
	[tilespmem:$0x1CD80] =	vst v63  }
0xbc: {  	s12 =	simm.s32 @!p2 $0x100;
	s7 =	sadd.s32 @!p2 s3, s11;
	s11 =	simm.s32 @!p2 $0x2  }
0xbd: {  	[tilespmem:s12], [sflag:$0x1] =	stream.linear.gather @!p2 [hbm4b:s7+s10], $0x100, $0x38;
	[tilespmem:$0x1CD80] =	vst v63  }
0xbe: {  	s8 =	sadd.s32 @!p2 s3, s13;
	s3 =	smov.u32 s6;
	_ =	swait.ge @!p2 [sflag:s11], $0xFA0  }
0xbf: {  	s6 =	simm.s32 @!p2 $0x2740;
	s7 =	simm.s32 @!p2 $0xFA;
	[sflag:s11] =	ssyncset.done @!p2 $0x0  }
0xc0: {  	s12 =	simm.s32 @!p2 $0x500;
	[sflag:s11] =	ssyncadd.s32 @!p2 $0xFFFFF060;
	s11 =	simm.s32 @!p2 $0x3  }
0xc1: {  	[spmem:s1] =	stream.indirect.scatter.add.f32 @!p2 [tilespmem:s6], [sflag:$0x3], $0x10, s12, s7, $0xb8;
	[tilespmem:$0x1CD80] =	vst v63  }
0xc2: {  	_ =	swait.ge @!p2 [sflag:s11], $0xFA0  }
0xc3: {  	[sflag:s11] =	ssyncset.done @!p2 $0x0  }
0xc4: {  	s6 =	simm.s32 @!p2 $0x1;
	[sflag:s11] =	ssyncadd.s32 @!p2 $0xFFFFF060  }
0xc5: {  	_ =	swait.ge @!p2 [sflag:s6], $0x100  }
0xc6: {  	[sflag:s6] =	ssyncset.done @!p2 $0x0  }
0xc7: {  	[sflag:s6] =	ssyncadd.s32 @!p2 $0xFFFFFF00  }
0xc8: {  	_ =	swait.ge @!p2 [sflag:s6], $0x100  }
0xc9: {  	[sflag:s6] =	ssyncset.done @!p2 $0x0  }
0xca: {  	s5 =	sadd.s32 $0x80, s5;
	s11 =	simm.s32 @!p2 $0x800;
	[sflag:s6] =	ssyncadd.s32 @!p2 $0xFFFFFF00  }
0xcb: {  	[tilespmem:s11], [sflag:$0x2] =	stream.indirect.gather @!p2 [hbm4b:s4+s7], $0x10, s10, s7, $0xb8;
	[tilespmem:$0x1CD80] =	vst v63  }
0xcc: {  	p1 =	sne.s32 s5, $0x3200;
	s8 =	sadd.s32 @!p2 $0xA0, s8;
	s6 =	simm.s32 @!p2 $0x200  }
0xcd: {  	[tilespmem:s6], [sflag:$0x1] =	stream.linear.gather @!p2 [hbm4b:s8+s10], $0x100, $0x38;
	[tilespmem:$0x1CD80] =	vst v63  }
.Ltmp0:
0xce: {  	_ = 	snop;
	(pc) =	sbr.rel @p1 .LBB2_2-.Ltmp0, $4  }
0xcf: {  	s7 =	simm.s32 @!p2 $0x300  }
0xd0: {  	[tilespmem:s7], [sflag:$0x1] =	stream.linear.gather @!p2 [hbm4b:s9+s10], $0x100, $0x38;
	[tilespmem:$0x1CD80] =	vst v63  }
0xd1: {  	_ =	swait.ge [sflag:s25], $0xFA0  }
0xd2: {  	s8 =	simm.s32 @!p0 $0x3;
	[sflag:s25] =	ssyncset.done $0x0  }
0xd3: {  	[sflag:s25] =	ssyncadd.s32 $0xFFFFF060  }
0xd4: {  	[spmem:s1] =	stream.indirect.scatter.add.f32 [tilespmem:s30], [sflag:$0x3], $0x10, s28, s20, $0xb8;
	[tilespmem:$0x1CD80] =	vst v63  }
0xd5: {  	_ =	swait.ge @!p0 [sflag:s8], $0xFA0  }
0xd6: {  	[sflag:s8] =	ssyncset.done @!p0 $0x0  }
0xd7: {  	[sflag:s8] =	ssyncadd.s32 @!p0 $0xFFFFF060  }
0xd8: {  	_ =	swait.ge [sflag:s19], $0x100  }
0xd9: {  	[sflag:s19] =	ssyncset.done $0x0  }
0xda: {  	[sflag:s19] =	ssyncadd.s32 $0xFFFFFF00  }
0xdb: {  	_ =	swait.ge [sflag:s19], $0x100  }
0xdc: {  	[sflag:s19] =	ssyncset.done $0x0  }
0xdd: {  	s5 =	rddreg [dreg:$0x6];
	[sflag:s19] =	ssyncadd.s32 $0xFFFFFF00  }
0xde: {  	[tilespmem:s22], [sflag:$0x2] =	stream.indirect.gather [hbm4b:s4+s20], $0x10, s17, s20, $0xb8;
	[tilespmem:$0x1CD80] =	vst v63  }
0xdf: {  	s6 =	rddreg [dreg:$0x7];
	s5 =	sadd.s32 s3, s5  }
0xe0: {  	[tilespmem:s23], [sflag:$0x1] =	stream.linear.gather [hbm4b:s5+s2], $0x100, $0x38;
	[tilespmem:$0x1CD80] =	vst v63  }
0xe1: {  	s7 =	rddreg [dreg:$0x8];
	s6 =	sadd.s32 s3, s6  }
0xe2: {  	[tilespmem:s7], [sflag:$0x1] =	stream.linear.gather [hbm4b:s6+s2], $0x100, $0x38;
	[tilespmem:$0x1CD80] =	vst v63  }
0xe3: {  	_ =	swait.ge [sflag:s25], $0xFA0  }
0xe4: {  	[sflag:s25] =	ssyncset.done $0x0  }
0xe5: {  	[sflag:s25] =	ssyncadd.s32 $0xFFFFF060  }
0xe6: {  	[spmem:s1] =	stream.indirect.scatter.add.f32 [tilespmem:s21], [sflag:$0x3], $0x10, s16, s20, $0xb8;
	[tilespmem:$0x1CD80] =	vst v63  }
0xe7: {  	_ =	swait.ge @!p0 [sflag:s8], $0xFA0  }
0xe8: {  	[sflag:s8] =	ssyncset.done @!p0 $0x0  }
0xe9: {  	[sflag:s8] =	ssyncadd.s32 @!p0 $0xFFFFF060  }
0xea: {  	_ =	swait.ge [sflag:s19], $0x100  }
0xeb: {  	[sflag:s19] =	ssyncset.done $0x0  }
0xec: {  	[sflag:s19] =	ssyncadd.s32 $0xFFFFFF00  }
0xed: {  	_ =	swait.ge [sflag:s19], $0x100  }
0xee: {  	[sflag:s19] =	ssyncset.done $0x0  }
0xef: {  	s8 =	sadd.s32 s3, s13;
	s7 =	rddreg [dreg:$0x9];
	[sflag:s19] =	ssyncadd.s32 $0xFFFFFF00  }
0xf0: {  	[tilespmem:s7], [sflag:$0x2] =	stream.indirect.gather [hbm4b:s4+s20], $0x10, s23, s20, $0xb8;
	[tilespmem:$0x1CD80] =	vst v63  }
0xf1: {  	s10 =	sadd.s32 s3, s14;
	s9 =	sadd.s32 $0x60, s8  }
0xf2: {  	[tilespmem:s26], [sflag:$0x1] =	stream.linear.gather [hbm4b:s9+s2], $0x100, $0x38;
	[tilespmem:$0x1CD80] =	vst v63  }
0xf3: {  	s11 =	sadd.s32 $0x60, s10  }
0xf4: {  	[tilespmem:s28], [sflag:$0x1] =	stream.linear.gather [hbm4b:s11+s2], $0x100, $0x38;
	[tilespmem:$0x1CD80] =	vst v63  }
0xf5: {  	_ =	swait.ge [sflag:s25], $0xFA0  }
0xf6: {  	[sflag:s25] =	ssyncset.done $0x0  }
0xf7: {  	[sflag:s25] =	ssyncadd.s32 $0xFFFFF060  }
0xf8: {  	[spmem:s1] =	stream.indirect.scatter.add.f32 [tilespmem:s22], [sflag:$0x3], $0x10, s18, s20, $0xb8;
	[tilespmem:$0x1CD80] =	vst v63  }
0xf9: {  	_ =	swait.ge [sflag:s29], $0xFA0  }
0xfa: {  	[sflag:s29] =	ssyncset.done $0x0  }
0xfb: {  	[sflag:s29] =	ssyncadd.s32 $0xFFFFF060  }
0xfc: {  	_ =	swait.ge [sflag:s19], $0x100  }
0xfd: {  	[sflag:s19] =	ssyncset.done $0x0  }
0xfe: {  	[sflag:s19] =	ssyncadd.s32 $0xFFFFFF00  }
0xff: {  	_ =	swait.ge [sflag:s19], $0x100  }
0x100: {  	p0 =	seq.s32 s3, $0x3180;
	[sflag:s19] =	ssyncset.done $0x0  }
0x101: {  	s5 =	simm.s32 @p0 $0x2;
	[sflag:s19] =	ssyncadd.s32 $0xFFFFFF00  }
0x102: {  	[tilespmem:s30], [sflag:$0x2] =	stream.indirect.gather [hbm4b:s4+s20], $0x10, s26, s20, $0xb8;
	[tilespmem:$0x1CD80] =	vst v63  }
0x103: {  	_ =	swait.ge @p0 [sflag:s5], $0xFA0  }
0x104: {  	s6 =	simm.s32 @p0 $0x2740;
	s8 =	simm.s32 @p0 $0x500;
	[sflag:s5] =	ssyncset.done @p0 $0x0  }
0x105: {  	s7 =	simm.s32 @p0 $0xFA;
	[sflag:s5] =	ssyncadd.s32 @p0 $0xFFFFF060;
	s5 =	simm.s32 @p0 $0x3  }
0x106: {  	[spmem:s1] =	stream.indirect.scatter.add.f32 @p0 [tilespmem:s6], [sflag:$0x3], $0x10, s8, s7, $0xb8;
	[tilespmem:$0x1CD80] =	vst v63  }
0x107: {  	_ =	swait.ge @p0 [sflag:s5], $0xFA0  }
0x108: {  	s6 =	rddreg [dreg:$0x4]  }
0x109: {  	[sflag:s5] =	ssyncset.done @p0 $0x0;
	s7 =	rddreg [dreg:$0x5]  }
0x10a: {  	[sflag:s5] =	ssyncadd.s32 @p0 $0xFFFFF060;
	s5 =	sadd.s32 @!p0 s3, s6;
	s6 =	simm.s32 @!p0 $0x0  }
0x10b: {  	[tilespmem:s6], [sflag:$0x1] =	stream.linear.gather @!p0 [hbm4b:s5+s6], $0x100, $0x38;
	[tilespmem:$0x1CD80] =	vst v63  }
0x10c: {  	s8 =	simm.s32 @!p0 $0x2;
	s7 =	sadd.s32 @!p0 s3, s7;
	s5 =	simm.s32 @!p0 $0x100  }
0x10d: {  	[tilespmem:s5], [sflag:$0x1] =	stream.linear.gather @!p0 [hbm4b:s7+s6], $0x100, $0x38;
	[tilespmem:$0x1CD80] =	vst v63  }
0x10e: {  	_ =	swait.ge @!p0 [sflag:s8], $0xFA0  }
0x10f: {  	s5 =	simm.s32 @!p0 $0x2740;
	[sflag:s8] =	ssyncset.done @!p0 $0x0  }
0x110: {  	s7 =	simm.s32 @!p0 $0xFA;
	[sflag:s8] =	ssyncadd.s32 @!p0 $0xFFFFF060;
	s8 =	simm.s32 @!p0 $0x500  }
0x111: {  	[spmem:s1] =	stream.indirect.scatter.add.f32 @!p0 [tilespmem:s5], [sflag:$0x3], $0x10, s8, s7, $0xb8;
	[tilespmem:$0x1CD80] =	vst v63  }
0x112: {  	s5 =	simm.s32 @!p0 $0x3  }
0x113: {  	_ =	swait.ge @!p0 [sflag:s5], $0xFA0  }
0x114: {  	[sflag:s5] =	ssyncset.done @!p0 $0x0  }
0x115: {  	[sflag:s5] =	ssyncadd.s32 @!p0 $0xFFFFF060;
	s5 =	simm.s32 @!p0 $0x1  }
0x116: {  	_ =	swait.ge @!p0 [sflag:s5], $0x100  }
0x117: {  	[sflag:s5] =	ssyncset.done @!p0 $0x0  }
0x118: {  	[sflag:s5] =	ssyncadd.s32 @!p0 $0xFFFFFF00  }
0x119: {  	_ =	swait.ge @!p0 [sflag:s5], $0x100  }
0x11a: {  	[sflag:s5] =	ssyncset.done @!p0 $0x0  }
0x11b: {  	[sflag:s5] =	ssyncadd.s32 @!p0 $0xFFFFFF00;
	s5 =	simm.s32 @!p0 $0x800  }
0x11c: {  	[tilespmem:s5], [sflag:$0x2] =	stream.indirect.gather @!p0 [hbm4b:s4+s7], $0x10, s6, s7, $0xb8;
	[tilespmem:$0x1CD80] =	vst v63  }
0x11d: {  	s5 =	sadd.s32 @!p0 s3, s13  }
0x11e: {  	s7 =	simm.s32 @!p0 $0x200;
	s3 =	sadd.s32 @!p0 s3, s14;
	s5 =	sadd.s32 @!p0 $0xA0, s5  }
0x11f: {  	[tilespmem:s7], [sflag:$0x1] =	stream.linear.gather @!p0 [hbm4b:s5+s6], $0x100, $0x38;
	[tilespmem:$0x1CD80] =	vst v63  }
0x120: {  	s3 =	sadd.s32 @!p0 $0xA0, s3;
	s5 =	simm.s32 @!p0 $0x300  }
0x121: {  	[tilespmem:s5], [sflag:$0x1] =	stream.linear.gather @!p0 [hbm4b:s3+s6], $0x100, $0x38;
	[tilespmem:$0x1CD80] =	vst v63  }
0x122: {  	_ =	swait.ge [sflag:s25], $0xFA0  }
0x123: {  	[sflag:s25] =	ssyncset.done $0x0  }
0x124: {  	[sflag:s25] =	ssyncadd.s32 $0xFFFFF060  }
0x125: {  	[spmem:s1] =	stream.indirect.scatter.add.f32 [tilespmem:s30], [sflag:$0x3], $0x10, s28, s20, $0xb8;
	[tilespmem:$0x1CD80] =	vst v63  }
0x126: {  	_ =	swait.ge [sflag:s29], $0xFA0  }
0x127: {  	[sflag:s29] =	ssyncset.done $0x0  }
0x128: {  	[sflag:s29] =	ssyncadd.s32 $0xFFFFF060  }
0x129: {  	_ =	swait.ge [sflag:s29], $0xFA0  }
0x12a: {  	[sflag:s29] =	ssyncset.done $0x0  }
0x12b: {  	[sflag:s29] =	ssyncadd.s32 $0xFFFFF060  }
0x12c: {  	[bflag:$0x0] =	sbarrier.arrive $0xFFFF  }
0x12d: {  	s7 =	rddreg [dreg:$0xc]  }
0x12e: {  	s12 =	rddreg [dreg:$0x12]  }
0x12f: {  	[hbm:s12], [sflag:s7] =	dma.local [spmem:s0], $0x30E0  }
0x130: {  	_ =	swait.ge [sflag:s15], $0x30E0  }
0x131: {  	s31 =	sadd.s32 $0x1, s31;
	s24 =	rddreg [dreg:$0x11]  }
0x132: {  	p0 =	sne.s32 s31, s24  }
.Ltmp1:
0x133: {  	_ = 	snop;
	(pc) =	sbr.rel @p0 .LBB2_1-.Ltmp1, $3  }
0x134: {  	_ =	sdelay $0x1  }
0x135: {  	[sflag:s15] =	ssyncset.done $0x0  }
0x136: {  	[sflag:s15] =	ssyncadd.s32 $0xFFFFCF20  }
0x137: {  	_ =	sfence.sel $0x180000  }
0x138: {  	[bflag:$0x0] =	sbarrier.arrive $0xFFFF  }
0x139: {  	_ =	strace $0x9000004D  }
0x13a: {  	s0 =	stileid.u32;
	[bflag:$0x2] =	sbarrier.arrive $0xFFFF  }
0x13b: {  	p0 =	sne.s32 s0, $0x0;
	s0 =	rddreg [dreg:$0x3]  }
0x13c: {  	s0 =	sadd.s32 @!p0 $0x100000, s0  }
0x13d: {  	[sflag:s0] =	ssyncadd.tile.s32 @!p0 $0x1;
	_ =	shalt  }
.Lfunc_end2:
_tile_overlayer_lowered:
.L_overlay_start_2:
0x13e: {  	(tag) =	ssettag $0x2  }
0x13f: {  	s0 =	rddreg [dreg:$0x0];
	s2 =	stileid.u32  }
0x140: {  	s1 =	rddreg [dreg:$0x1];
	p0 =	sne.s32 s2, $0x0  }
0x141: {  	s3 =	rddreg [dreg:$0x2];
	[bflag:$0x3] =	sbarrier.arrive $0xFFFF;
	s2 =	simm.s32 @!p0 $0x1C04  }
0x142: {  	[timem:s3], [sflag:s2] =	dma.local @!p0 [hbm:s0], s1  }
0x143: {  	s0 =	simm.s32 @!p0 $0x4  }
0x144: {  	_ =	swait.ge @!p0 [sflag:s0], s1  }
0x145: {  	s1 =	ssub.s32 @!p0 $0x0, s1;
	[sflag:s0] =	ssyncset.done @!p0 $0x0  }
0x146: {  	[sflag:s0] =	ssyncadd.s32 @!p0 s1  }
0x147: {  	[bflag:$0x3] =	sbarrier.arrive $0xFFFF  }
0x148: {  	_ =	shalt  }

// kernel: kernel.8.cloned.1.call-start
scs
__scs_entry_jumppad:
0x0: {  	(pc) =	sbr.rel $0x88, $3  }
0x1: {  	(tag) =	ssettag $0x0;
	lr =	simm.s32 $0x1  }
0x2: {  	[smem:$0x3F9B] =	sst lr;
	_ =	strace $0xD0000000  }
0x3: {  	_ = 	snop  }
0x4: {  	_ = 	snop  }
0x5: {  	_ = 	snop  }
0x6: {  	_ = 	snop  }
0x7: {  	_ = 	snop  }
__scs_overlays_trampoline_lowered:
0x8: {  	[smem:$0x3FAA] =	sst s0  }
0x9: {  	[smem:$0x3FAB] =	sst s1  }
0xa: {  	[smem:$0x3FAC] =	sst s2  }
0xb: {  	[smem:$0x3FAD] =	sst s3  }
0xc: {  	[smem:$0x3FAE] =	sst s4  }
0xd: {  	[smem:$0x3FAF] =	sst s5  }
0xe: {  	[smem:$0x3FB0] =	sst s6  }
0xf: {  	[smem:$0x3FB1] =	sst s7  }
0x10: {  	[smem:$0x3FB2] =	sst s8  }
0x11: {  	[smem:$0x3FB3] =	sst s9;
	s0 =	simm.s32 @!p0 $0x0  }
0x12: {  	s1 =	sld [smem:$0x3F99];
	s0 =	simm.s32 @p0 $0x1  }
0x13: {  	[smem:$0x3FB4] =	sst s0;
	s0 =	simm.s32 @!p1 $0x0  }
0x14: {  	s2 =	sld [smem:$0x3F98];
	s0 =	simm.s32 @p1 $0x1  }
0x15: {  	[smem:$0x3FB5] =	sst s0;
	s0 =	simm.s32 @!p2 $0x0  }
0x16: {  	s3 =	sld [smem:$0x3FDB];
	s0 =	simm.s32 @p2 $0x1  }
0x17: {  	s4 =	simm.s32 $0x1BF5;
	[smem:$0x3FB7] =	sst s0  }
0x18: {  	s0 =	sld [smem:$0x3F9A];
	_ =	swait.ge [sflag:s4], $0x0  }
0x19: {  	s7 =	sld [smem:$0x3F9B]  }
0x1a: {  	s8 =	sadd.s32 $0xFFFFE003, lr  }
0x1b: {  	s9 =	sadd.s32 $0xFFFFFEF7, lr;
	s5 =	simm.s32 $0xFFFFFFFF;
	p2 =	slt.u32 s8, $0xFFFFF086  }
0x1c: {  	p1 =	slt.u32 s9, $0xF7A;
	s5 =	simm.s32 @!p2 $0x0  }
0x1d: {  	s5 =	simm.s32 @p1 $0x1;
	p0 =	seq.s32 s7, s2  }
0x1e: {  	s7 =	smul.u32 @!p0 $0xF7A, s2;
	p2 =	seq.s32 @!p0 s5, $0x0  }
0x1f: {  	s9 =	smul.u32 $0xF7A, s1;
	s8 =	simm.s32 @!p0 $0x1BF5;
	p2 =	por !p2, p0  }
0x20: {  	[sflag:s8] =	ssyncset.s32 @!p0 $0xFFFFF086;
	s6 =	sadd.s32 @!p0 s3, s7;
	s7 =	simm.s32 @!p0 $0x108  }
0x21: {  	s3 =	sadd.s32 s3, s9;
	s6 =	sadd.s32 @!p0 $0x88, s6;
	s7 =	simm.s32 @p2 $0x1082  }
0x22: {  	[simem:s7], [sflag:s8] =	dma.local @!p0 [hbm:s6], $0xF7A  }
0x23: {  	s9 =	sor.u32 $0xD0000000, s2;
	s6 =	simm.s32 $0x108;
	_ =	swait.ge @!p0 [sflag:s8], $0x0  }
0x24: {  	s3 =	sadd.s32 $0x88, s3;
	s6 =	simm.s32 @!p1 $0x1082;
	[sflag:s4] =	ssyncset.s32 $0xFFFFF086  }
0x25: {  	[simem:s6], [sflag:s4] =	dma.local [hbm:s3], $0xF7A  }
0x26: {  	[smem:$0x3F9B] =	sst s1;
	(tag) =	ssettag s2;
	_ =	strace s9  }
0x27: {  	s1 =	sld [smem:$0x3FAB]  }
0x28: {  	s2 =	sld [smem:$0x3FAC]  }
0x29: {  	s4 =	sld [smem:$0x3FAE]  }
0x2a: {  	p0 =	seq.s32 s5, $0x0;
	s5 =	sld [smem:$0x3FAF]  }
0x2b: {  	s6 =	sld [smem:$0x3FB0]  }
0x2c: {  	s7 =	sld [smem:$0x3FB1]  }
0x2d: {  	s3 =	simm.s32 $0x108;
	s8 =	sld [smem:$0x3FB2]  }
0x2e: {  	s3 =	simm.s32 @!p0 $0x1082;
	s9 =	sld [smem:$0x3FB3]  }
0x2f: {  	lr =	sadd.s32 s0, s3;
	s0 =	sld [smem:$0x3FAA]  }
0x30: {  	s3 =	sld [smem:$0x3FAD]  }
0x31: {  	[smem:$0x3FB6] =	sst s10  }
0x32: {  	s10 =	sld [smem:$0x3FB4];
	_ =	sdelay $0x3  }
0x33: {  	p0 =	seq.s32 s10, $0x1;
	s10 =	sld [smem:$0x3FB6];
	_ =	sdelay $0x3  }
0x34: {  	[smem:$0x3FB6] =	sst s10  }
0x35: {  	s10 =	sld [smem:$0x3FB5];
	_ =	sdelay $0x3  }
0x36: {  	p1 =	seq.s32 s10, $0x1;
	s10 =	sld [smem:$0x3FB6];
	_ =	sdelay $0x3  }
0x37: {  	[smem:$0x3FB6] =	sst s10  }
0x38: {  	s10 =	sld [smem:$0x3FB7]  }
0x39: {  	_ = 	snop;
	(pc) =	sbr.ind lr, $3  }
0x3a: {  	_ = 	snop  }
0x3b: {  	_ = 	snop  }
0x3c: {  	p2 =	seq.s32 s10, $0x1;
	s10 =	sld [smem:$0x3FB6]  }
0x3d: {  	_ =	shalt  }
0x3e: {  	_ =	shalt  }
0x3f: {  	_ =	shalt  }
0x40: {  	_ =	shalt  }
0x41: {  	_ =	shalt  }
0x42: {  	_ =	shalt  }
0x43: {  	_ =	shalt  }
0x44: {  	_ =	shalt  }
0x45: {  	_ =	shalt  }
0x46: {  	_ =	shalt  }
0x47: {  	_ =	shalt  }
0x48: {  	_ =	shalt  }
0x49: {  	_ =	shalt  }
0x4a: {  	_ =	shalt  }
0x4b: {  	_ =	shalt  }
0x4c: {  	_ =	shalt  }
0x4d: {  	_ =	shalt  }
0x4e: {  	_ =	shalt  }
0x4f: {  	_ =	shalt  }
0x50: {  	_ =	shalt  }
0x51: {  	_ =	shalt  }
0x52: {  	_ =	shalt  }
0x53: {  	_ =	shalt  }
0x54: {  	_ =	shalt  }
0x55: {  	_ =	shalt  }
0x56: {  	_ =	shalt  }
0x57: {  	_ =	shalt  }
0x58: {  	_ =	shalt  }
0x59: {  	_ =	shalt  }
0x5a: {  	_ =	shalt  }
0x5b: {  	_ =	shalt  }
0x5c: {  	_ =	shalt  }
0x5d: {  	_ =	shalt  }
0x5e: {  	_ =	shalt  }
0x5f: {  	_ =	shalt  }
0x60: {  	_ =	shalt  }
0x61: {  	_ =	shalt  }
0x62: {  	_ =	shalt  }
0x63: {  	_ =	shalt  }
0x64: {  	_ =	shalt  }
0x65: {  	_ =	shalt  }
0x66: {  	_ =	shalt  }
0x67: {  	_ =	shalt  }
0x68: {  	_ =	shalt  }
0x69: {  	_ =	shalt  }
0x6a: {  	_ =	shalt  }
0x6b: {  	_ =	shalt  }
0x6c: {  	_ =	shalt  }
0x6d: {  	_ =	shalt  }
0x6e: {  	_ =	shalt  }
0x6f: {  	_ =	shalt  }
0x70: {  	_ =	shalt  }
0x71: {  	_ =	shalt  }
0x72: {  	_ =	shalt  }
0x73: {  	_ =	shalt  }
0x74: {  	_ =	shalt  }
0x75: {  	_ =	shalt  }
0x76: {  	_ =	shalt  }
0x77: {  	_ =	shalt  }
0x78: {  	_ =	shalt  }
0x79: {  	_ =	shalt  }
0x7a: {  	_ =	shalt  }
0x7b: {  	_ =	shalt  }
0x7c: {  	_ =	shalt  }
0x7d: {  	_ =	shalt  }
0x7e: {  	_ =	shalt  }
0x7f: {  	_ =	shalt  }
0x80: {  	_ =	shalt  }
0x81: {  	_ =	shalt  }
0x82: {  	_ =	shalt  }
0x83: {  	_ =	shalt  }
0x84: {  	_ =	shalt  }
0x85: {  	_ =	shalt  }
0x86: {  	_ =	shalt  }
0x87: {  	_ =	shalt  }
.Lfunc_end0:
.L_simem_size_0:
called_computation_lowered:
.L_overlay_start_0:
0x88: {  	s2 =	sld [smem:$0x3FD9]  }
0x89: {  	s3 =	sld [smem:$0x3FFE];
	_ =	sdelay $0x1  }
0x8a: {  	s1 =	srdreg.scid  }
0x8b: {  	s0 =	sand.u32 $0x1, s1  }
0x8c: {  	s17 =	sshll.u32 s0, $0xA;
	s2 =	sadd.s32 s3, s2  }
0x8d: {  	s2 =	sadd.s32 s2, s17  }
0x8e: {  	[smem:$0x3FC2] =	sst s2  }
0x8f: {  	_ = 	snop  }
0x90: {  	s2 =	sld [smem:$0x3FD0];
	(tm) =	ssettm $0x1  }
0x91: {  	s18 =	sld [smem:$0x3FFB];
	_ =	sdelay $0x3  }
0x92: {  	_ =	strace s18  }
0x93: {  	s3 =	sld [smem:$0x3FFC];
	_ =	sdelay $0x3  }
0x94: {  	_ =	strace s3  }
0x95: {  	s3 =	sld [smem:$0x3FFD];
	_ =	sdelay $0x3  }
0x96: {  	_ =	strace s3  }
0x97: {  	_ =	strace $0x8FFFFFFF  }
0x98: {  	s19 =	sld [smem:$0x3FDB];
	_ =	sdelay $0x1  }
0x99: {  	s4 =	simm.s32 $_scs_section_size  }
0x9a: {  	s5 =	simm.s32 $_size__tile_overlayer_lowered;
	s6 =	simm.s32 $_tile_overlayer_lowered  }
0x9b: {  	s22 =	simm.s32 $0x1BFF;
	s21 =	sshll.u32 s6, $0x1;
	s3 =	sadd.s32 s4, s19  }
0x9c: {  	s7 =	simm.s32 $0x0;
	s20 =	sshll.u32 s5, $0x1;
	s5 =	sadd.s32 s21, s3  }
0x9d: {  	[timem:s7], [sflag:s22] =	dma.local [hbm:s5], s20  }
0x9e: {  	_ =	swait.ge [sflag:s22], s20  }
0x9f: {  	s4 =	ssub.s32 $0x0, s20;
	[sflag:s22] =	ssyncset.done $0x0  }
0xa0: {  	[sflag:s22] =	ssyncadd.s32 s4;
	_ =	sdelay $0x1  }
0xa1: {  	s23 =	simm.s32 $0x1B8B  }
0xa2: {  	_ =	swait.ge [sflag:s23], $0x1  }
0xa3: {  	[sflag:s23] =	ssyncset.done $0x0  }
0xa4: {  	s25 =	simm.s32 $0x1B8E;
	s24 =	sld [smem:$0x3FFE];
	[sflag:s23] =	ssyncadd.s32 $0xFFFFFFFF  }
0xa5: {  	s26 =	simm.s32 $execute0_lowered;
	[smem:$0x3FD2] =	sst s25  }
0xa6: {  	s5 =	sshll.u32 s26, $0x1;
	_ =	strace $0x80000046;
	[dreg:$0x1] =	wrdreg $0xFFFFFFFF  }
0xa7: {  	s28 =	simm.s32 $_size_execute0_lowered;
	s3 =	sadd.s32 s3, s5;
	[dreg:$0x0] =	wrdreg $0x0  }
0xa8: {  	s5 =	sshll.u32 s28, $0x1;
	[dreg:$0x2] =	wrdreg s3  }
0xa9: {  	[dreg:$0x3] =	wrdreg s5  }
0xaa: {  	[dreg:$0x4] =	wrdreg $0xC0  }
0xab: {  	_ =	task [dreg:s7], $0x5FFFF  }
0xac: {  	[dreg:$0x1] =	wrdreg $0xFFFFFFFF  }
0xad: {  	[dreg:$0x0] =	wrdreg $0x60  }
0xae: {  	[dreg:$0x2] =	wrdreg s24  }
0xaf: {  	[dreg:$0x3] =	wrdreg s2  }
0xb0: {  	[dreg:$0x4] =	wrdreg $0x27400  }
0xb1: {  	[dreg:$0x5] =	wrdreg $0x9  }
0xb2: {  	_ =	task.clear_ibuf [dreg:s7], $0x6FFFF;
	_ =	strace $0x90000046  }
0xb3: {  	s29 =	simm.s32 $0x9;
	_ =	strace $0x80000048  }
0xb4: {  	_ =	swait.ge [sflag:s29], $0x1  }
0xb5: {  	[sflag:s29] =	ssyncadd.s32 $0xFFFFFFFF  }
0xb6: {  	_ =	strace $0x90000048  }
0xb7: {  	_ =	sfence  }
0xb8: {  	s30 =	sld [smem:$0x0];
	_ =	sdelay $0x2  }
0xb9: {  	s31 =	sshll.u32 s1, $0xD;
	s1 =	sshrl.u32 s1, $0x2  }
0xba: {  	s3 =	sand.u32 $0x4000, s31;
	s1 =	sadd.s32 s1, s30  }
0xbb: {  	s0 =	sor.u32 s3, s0;
	s1 =	sshll.u32 s1, $0x11  }
0xbc: {  	s0 =	sor.u32 s1, s0  }
0xbd: {  	s0 =	sadd.s32 $0x8F2B, s0  }
0xbe: {  	[sflag:s0] =	ssyncadd.remote.s32 $0x1  }
0xbf: {  	_ =	sfence.sel $0xFFFF  }
0xc0: {  	[dreg:$0x0] =	wrdreg $0xFFFFFFFF;
	(pc) =	sbr.abs _section_cstart, $3  }
0xc1: {  	[dreg:$0x1] =	wrdreg $0xFFFFFFFF  }
0xc2: {  	_ =	task.clear_ibuf [dreg:s7], $0x2FFFF;
	_ =	strace $0x9FFFFFFF  }
0xc3: {  	(tm) =	ssettm $0x7FFFFFFF  }
tec
execute0_lowered:
.L_overlay_start_1:
0x0: {  	(tag) =	ssettag $0x1  }
0x1: {  	s0 =	rddreg [dreg:$0x0]  }
0x2: {  	s2 =	rddreg [dreg:$0x1]  }
0x3: {  	s1 =	rddreg [dreg:$0x2];
	s3 =	simm.s32 $0x0;
	s13 =	stileid.u32  }
0x4: {  	s4 =	srdreg.scid;
	s28 =	simm.s32 $0x500;
	s29 =	simm.s32 $0xFA  }
0x5: {  	s30 =	simm.s32 $0x600;
	s31 =	simm.s32 $0x700;
	[smem:$0x7FF] =	sst s3  }
0x6: {  	s5 =	sadd.s32 $0xC7000, s0;
	s6 =	smul.u32 $0xC380, s13;
	s4 =	sand.u32 $0x1, s4  }
0x7: {  	s8 =	sadd.s32 $0x63000, s0;
	s7 =	sadd.s32 $0x19C00, s0;
	s19 =	sshll.u32 s13, $0x6  }
0x8: {  	s20 =	smul.u32 $0x190, s13;
	_ =	strace $0x80000047;
	[dreg:$0x4] =	wrdreg s7  }
0x9: {  	s17 =	sshll.u32 s4, $0x4;
	s9 =	ssub.s32 $0x2, s4;
	s18 =	smul.u32 $0x1900, s4  }
0xa: {  	s4 =	smul.u32 $0x18700, s4;
	s24 =	sshrl.u32 s6, $0x3;
	s7 =	sor.u32 s13, s17  }
0xb: {  	s10 =	sshrl.u32 s9, $0x1;
	s6 =	sadd.s32 s6, s1;
	s0 =	sadd.s32 s24, s0  }
0xc: {  	s11 =	smul.u32 $0x3200, s7;
	s12 =	ssub.s32 s9, s10;
	[dreg:$0x5] =	wrdreg s6  }
0xd: {  	s7 =	sor.u32 $0x1C03, s19;
	s6 =	sadd.s32 s20, s18;
	s2 =	sadd.s32 s2, s4  }
0xe: {  	s19 =	simm.s32 $0x3;
	s20 =	simm.s32 $0x800;
	s0 =	sadd.s32 $0x1400, s0  }
0xf: {  	s25 =	sshll.u32 s6, $0x5;
	s12 =	smax.u32 s12, $0x1;
	s24 =	sadd.s32 s24, s2  }
0x10: {  	s2 =	simm.s32 $0x0;
	[dreg:$0x6] =	wrdreg s0;
	s21 =	sadd.s32 s5, s11  }
0x11: {  	s22 =	sadd.s32 s8, s11;
	s23 =	sor.u32 $0x20, s11;
	s13 =	sadd.s32 s25, s5  }
0x12: {  	s14 =	sadd.s32 s25, s8;
	s26 =	sor.u32 $0x80, s25;
	s0 =	sor.u32 $0x40, s25  }
.Ltmp0:
0x13: {  	s25 =	simm.s32 $0x1;
	[dreg:$0x7] =	wrdreg s21;
	(pc) =	sbr.rel .LBB2_1-.Ltmp0, $4  }
0x14: {  	[dreg:$0x8] =	wrdreg s22;
	s10 =	sadd.s32 s5, s23;
	s11 =	sadd.s32 s8, s23  }
0x15: {  	s15 =	sadd.s32 s26, s5;
	s16 =	sadd.s32 s26, s8;
	s17 =	sadd.s32 s0, s5  }
0x16: {  	s18 =	sadd.s32 s0, s8;
	s21 =	simm.s32 $0x100;
	s22 =	simm.s32 $0x200  }
0x17: {  	s23 =	simm.s32 $0x300;
	s26 =	simm.s32 $0x400;
	s0 =	simm.s32 $0x2  }
.LBB2_4:
0x18: {  	[spmem:s1] =	stream.indirect.scatter.add.f32 [tilespmem:s20], [sflag:$0x2], $0x8, s28, s29, $0xb8;
	[tilespmem:$0xEAC0] =	vst v63  }
0x19: {  	_ =	swait.ge [sflag:s0], $0x7D0  }
0x1a: {  	[sflag:s0] =	ssyncset.done $0x0  }
0x1b: {  	[sflag:s0] =	ssyncadd.s32 $0xFFFFF830  }
0x1c: {  	[spmem:s1] =	stream.indirect.scatter.add.f32 [tilespmem:s20], [sflag:$0x2], $0x8, s31, s29, $0xb8;
	[tilespmem:$0xEAC0] =	vst v63  }
0x1d: {  	_ =	swait.ge [sflag:s0], $0x7D0  }
0x1e: {  	[sflag:s0] =	ssyncset.done $0x0  }
0x1f: {  	[sflag:s0] =	ssyncadd.s32 $0xFFFFF830  }
0x20: {  	_ =	swait.ge [sflag:s0], $0x7D0  }
0x21: {  	s2 =	sadd.s32 $0x1, s2;
	[sflag:s0] =	ssyncset.done $0x0  }
0x22: {  	p0 =	sne.s32 s2, s12;
	[sflag:s0] =	ssyncadd.s32 $0xFFFFF830  }
.Ltmp1:
0x23: {  	[bflag:$0x0] =	sbarrier.arrive $0xFFFF;
	(pc) =	sbr.rel @!p0 .LBB2_5-.Ltmp1, $4  }
0x24: {  	[hbm:s24], [sflag:s7] =	dma.local [spmem:s4], $0x1870  }
0x25: {  	_ =	swait.ge [sflag:s19], $0x1870  }
0x26: {  	[sflag:s19] =	ssyncset.done $0x0  }
0x27: {  	[sflag:s19] =	ssyncadd.s32 $0xFFFFE790  }
.LBB2_1:
0x28: {  	s4 =	rddreg [dreg:$0x5]  }
0x29: {  	s5 =	rddreg [dreg:$0x6];
	s4 =	sshrl.u32 s4, $0x3  }
0x2a: {  	[spmem:s4], [sflag:s7] =	dma.local [hbm:s5], $0x1870  }
0x2b: {  	_ =	swait.ge [sflag:s19], $0x1870  }
0x2c: {  	[sflag:s19] =	ssyncset.done $0x0  }
0x2d: {  	s6 =	rddreg [dreg:$0x4];
	[sflag:s19] =	ssyncadd.s32 $0xFFFFE790  }
0x2e: {  	[tilespmem:s20], [sflag:$0x3] =	stream.linear.gather [hbm4b:s6+s3], $0x7D0, $0x38;
	[tilespmem:$0xEAC0] =	vst v63  }
0x2f: {  	_ =	swait.ge [sflag:s19], $0x7D0  }
0x30: {  	[sflag:s19] =	ssyncset.done $0x0  }
0x31: {  	[sflag:s19] =	ssyncadd.s32 $0xFFFFF830  }
0x32: {  	[bflag:$0x0] =	sbarrier.arrive $0xFFFF  }
0x33: {  	s8 =	rddreg [dreg:$0x7]  }
0x34: {  	[tilespmem:s3], [sflag:$0x1] =	stream.linear.gather [hbm4b:s8+s3], $0x100, $0x38;
	[tilespmem:$0xEAC0] =	vst v63  }
0x35: {  	s9 =	rddreg [dreg:$0x8]  }
0x36: {  	[tilespmem:s21], [sflag:$0x1] =	stream.linear.gather [hbm4b:s9+s3], $0x100, $0x38;
	[tilespmem:$0xEAC0] =	vst v63  }
0x37: {  	_ = 	snop  }
0x38: {  	[tilespmem:s22], [sflag:$0x1] =	stream.linear.gather [hbm4b:s10+s3], $0x100, $0x38;
	[tilespmem:$0xEAC0] =	vst v63  }
0x39: {  	_ = 	snop  }
0x3a: {  	[tilespmem:s23], [sflag:$0x1] =	stream.linear.gather [hbm4b:s11+s3], $0x100, $0x38;
	[tilespmem:$0xEAC0] =	vst v63  }
0x3b: {  	_ =	swait.ge [sflag:s25], $0x100  }
0x3c: {  	[sflag:s25] =	ssyncset.done $0x0  }
0x3d: {  	[sflag:s25] =	ssyncadd.s32 $0xFFFFFF00  }
0x3e: {  	_ =	swait.ge [sflag:s25], $0x100  }
0x3f: {  	[sflag:s25] =	ssyncset.done $0x0  }
0x40: {  	s5 =	simm.s32 $0x0;
	[sflag:s25] =	ssyncadd.s32 $0xFFFFFF00  }
.LBB2_2:
0x41: {  	p0 =	seq.s32 s5, $0x0  }
0x42: {  	s6 =	simm.s32 @!p0 $0x2  }
0x43: {  	_ =	swait.ge @!p0 [sflag:s6], $0x7D0  }
0x44: {  	[sflag:s6] =	ssyncset.done @!p0 $0x0  }
0x45: {  	[sflag:s6] =	ssyncadd.s32 @!p0 $0xFFFFF830  }
0x46: {  	_ =	swait.ge [sflag:s25], $0x100  }
0x47: {  	[sflag:s25] =	ssyncset.done $0x0  }
0x48: {  	[sflag:s25] =	ssyncadd.s32 $0xFFFFFF00  }
0x49: {  	_ =	swait.ge [sflag:s25], $0x100  }
0x4a: {  	[sflag:s25] =	ssyncset.done $0x0  }
0x4b: {  	s8 =	sadd.s32 s5, s17;
	[sflag:s25] =	ssyncadd.s32 $0xFFFFFF00  }
0x4c: {  	[tilespmem:s26], [sflag:$0x1] =	stream.linear.gather [hbm4b:s8+s3], $0x100, $0x38;
	[tilespmem:$0xEAC0] =	vst v63  }
0x4d: {  	s9 =	sadd.s32 s5, s18  }
0x4e: {  	[tilespmem:s28], [sflag:$0x1] =	stream.linear.gather [hbm4b:s9+s3], $0x100, $0x38;
	[tilespmem:$0xEAC0] =	vst v63  }
0x4f: {  	_ = 	snop  }
0x50: {  	[spmem:s1] =	stream.indirect.scatter.add.f32 [tilespmem:s20], [sflag:$0x2], $0x8, s21, s29, $0xb8;
	[tilespmem:$0xEAC0] =	vst v63  }
0x51: {  	_ =	swait.ge @!p0 [sflag:s6], $0x7D0  }
0x52: {  	[sflag:s6] =	ssyncset.done @!p0 $0x0  }
0x53: {  	[sflag:s6] =	ssyncadd.s32 @!p0 $0xFFFFF830  }
0x54: {  	_ =	swait.ge [sflag:s25], $0x100  }
0x55: {  	[sflag:s25] =	ssyncset.done $0x0  }
0x56: {  	[sflag:s25] =	ssyncadd.s32 $0xFFFFFF00  }
0x57: {  	_ =	swait.ge [sflag:s25], $0x100  }
0x58: {  	s6 =	sadd.s32 s5, s13;
	[sflag:s25] =	ssyncset.done $0x0  }
0x59: {  	s8 =	sadd.s32 s5, s14;
	s9 =	sadd.s32 $0x60, s6;
	[sflag:s25] =	ssyncadd.s32 $0xFFFFFF00  }
0x5a: {  	[tilespmem:s30], [sflag:$0x1] =	stream.linear.gather [hbm4b:s9+s3], $0x100, $0x38;
	[tilespmem:$0xEAC0] =	vst v63  }
0x5b: {  	s9 =	sadd.s32 $0x60, s8  }
0x5c: {  	[tilespmem:s31], [sflag:$0x1] =	stream.linear.gather [hbm4b:s9+s3], $0x100, $0x38;
	[tilespmem:$0xEAC0] =	vst v63  }
0x5d: {  	_ = 	snop  }
0x5e: {  	[spmem:s1] =	stream.indirect.scatter.add.f32 [tilespmem:s20], [sflag:$0x2], $0x8, s23, s29, $0xb8;
	[tilespmem:$0xEAC0] =	vst v63  }
0x5f: {  	_ =	swait.ge [sflag:s0], $0x7D0  }
0x60: {  	[sflag:s0] =	ssyncset.done $0x0  }
0x61: {  	[sflag:s0] =	ssyncadd.s32 $0xFFFFF830  }
0x62: {  	p0 =	seq.s32 s5, $0x3180;
	_ =	swait.ge [sflag:s25], $0x100  }
.Ltmp2:
0x63: {  	[sflag:s25] =	ssyncset.done $0x0;
	(pc) =	sbr.rel @p0 .LBB2_4-.Ltmp2, $4  }
0x64: {  	[sflag:s25] =	ssyncadd.s32 $0xFFFFFF00  }
0x65: {  	_ =	swait.ge [sflag:s25], $0x100  }
0x66: {  	[sflag:s25] =	ssyncset.done $0x0  }
0x67: {  	[sflag:s25] =	ssyncadd.s32 $0xFFFFFF00  }
0x68: {  	s9 =	sadd.s32 s5, s15  }
0x69: {  	[tilespmem:s3], [sflag:$0x1] =	stream.linear.gather [hbm4b:s9+s3], $0x100, $0x38;
	[tilespmem:$0xEAC0] =	vst v63  }
0x6a: {  	s9 =	sadd.s32 s5, s16  }
0x6b: {  	[tilespmem:s21], [sflag:$0x1] =	stream.linear.gather [hbm4b:s9+s3], $0x100, $0x38;
	[tilespmem:$0xEAC0] =	vst v63  }
0x6c: {  	_ = 	snop  }
0x6d: {  	[spmem:s1] =	stream.indirect.scatter.add.f32 [tilespmem:s20], [sflag:$0x2], $0x8, s28, s29, $0xb8;
	[tilespmem:$0xEAC0] =	vst v63  }
0x6e: {  	_ =	swait.ge [sflag:s0], $0x7D0  }
0x6f: {  	[sflag:s0] =	ssyncset.done $0x0  }
0x70: {  	[sflag:s0] =	ssyncadd.s32 $0xFFFFF830  }
0x71: {  	_ =	swait.ge [sflag:s25], $0x100  }
0x72: {  	[sflag:s25] =	ssyncset.done $0x0  }
0x73: {  	[sflag:s25] =	ssyncadd.s32 $0xFFFFFF00  }
0x74: {  	_ =	swait.ge [sflag:s25], $0x100  }
0x75: {  	[sflag:s25] =	ssyncset.done $0x0  }
0x76: {  	s6 =	sadd.s32 $0xA0, s6;
	[sflag:s25] =	ssyncadd.s32 $0xFFFFFF00  }
0x77: {  	[tilespmem:s22], [sflag:$0x1] =	stream.linear.gather [hbm4b:s6+s3], $0x100, $0x38;
	[tilespmem:$0xEAC0] =	vst v63  }
.Ltmp3:
0x78: {  	_ = 	snop;
	(pc) =	sbr.rel .LBB2_2-.Ltmp3, $4  }
0x79: {  	s9 =	sadd.s32 $0xA0, s8  }
0x7a: {  	[tilespmem:s23], [sflag:$0x1] =	stream.linear.gather [hbm4b:s9+s3], $0x100, $0x38;
	[tilespmem:$0xEAC0] =	vst v63  }
0x7b: {  	s5 =	sadd.s32 $0x80, s5  }
0x7c: {  	[spmem:s1] =	stream.indirect.scatter.add.f32 [tilespmem:s20], [sflag:$0x2], $0x8, s31, s29, $0xb8;
	[tilespmem:$0xEAC0] =	vst v63  }
.LBB2_5:
0x7d: {  	_ =	sfence.sel $0x180000  }
0x7e: {  	[bflag:$0x0] =	sbarrier.arrive $0xFFFF  }
0x7f: {  	_ =	strace $0x90000047  }
0x80: {  	s0 =	stileid.u32;
	[bflag:$0x2] =	sbarrier.arrive $0xFFFF  }
0x81: {  	p0 =	sne.s32 s0, $0x0;
	s0 =	rddreg [dreg:$0x3]  }
0x82: {  	s0 =	sadd.s32 @!p0 $0x100000, s0  }
0x83: {  	[sflag:s0] =	ssyncadd.tile.s32 @!p0 $0x1;
	_ =	shalt  }
.Lfunc_end2:
_tile_overlayer_lowered:
.L_overlay_start_2:
0x84: {  	(tag) =	ssettag $0x2  }
0x85: {  	s0 =	rddreg [dreg:$0x0];
	s2 =	stileid.u32  }
0x86: {  	s1 =	rddreg [dreg:$0x1];
	p0 =	sne.s32 s2, $0x0  }
0x87: {  	s3 =	rddreg [dreg:$0x2];
	[bflag:$0x3] =	sbarrier.arrive $0xFFFF;
	s2 =	simm.s32 @!p0 $0x1C03  }
0x88: {  	[timem:s3], [sflag:s2] =	dma.local @!p0 [hbm:s0], s1  }
0x89: {  	s0 =	simm.s32 @!p0 $0x3  }
0x8a: {  	_ =	swait.ge @!p0 [sflag:s0], s1  }
0x8b: {  	s1 =	ssub.s32 @!p0 $0x0, s1;
	[sflag:s0] =	ssyncset.done @!p0 $0x0  }
0x8c: {  	[sflag:s0] =	ssyncadd.s32 @!p0 s1  }
0x8d: {  	[bflag:$0x3] =	sbarrier.arrive $0xFFFF  }
0x8e: {  	_ =	shalt  }

</sc_bundles>
